<compile_context>
chip_gen: v7x
topology: tpu7x:2x2x1
jax: 0.10.2.dev20260603
libtpu: 0.0.44.dev20260713+nightly
codegen_flags: <defaults>
</compile_context>

<pallas_src>
import functools

import jax
import jax.numpy as jnp
import numpy as np
from jax import lax
from jax.experimental import pallas as pl
from jax.experimental.pallas import tpu as pltpu
from jax.experimental.pallas import tpu_sc as plsc

_B, _N, _DP, _DM, _K = 4, 2048, 32, 64, 16
_M = _B * _N
_TN = 256
_TC = 512
_TW = 128
_EPS = 1e-5


def _ln(x, g, b):
    mu = jnp.mean(x, axis=-1, keepdims=True)
    var = jnp.mean((x - mu) ** 2, axis=-1, keepdims=True)
    return (x - mu) * lax.rsqrt(var + _EPS) * g + b


def _proj_body(xyz_ref, f_ref, W1_ref, b1_ref, g1_ref, beta1_ref,
               Wq_ref, Wk_ref, Wv_ref,
               q_ref, kf_ref, x16_ref, sqt_ref, tab_ref):
    xyz3 = xyz_ref[0]
    f = f_ref[0]
    x = _ln(jnp.dot(f, W1_ref[...], preferred_element_type=jnp.float32)
            + b1_ref[...], g1_ref[...], beta1_ref[...])
    q_ref[0] = jnp.dot(x, Wq_ref[...], preferred_element_type=jnp.float32)
    kf_ref[0] = jnp.dot(x, Wk_ref[...], preferred_element_type=jnp.float32)
    vf = jnp.dot(x, Wv_ref[...], preferred_element_type=jnp.float32)
    sq = jnp.sum(xyz3 * xyz3, axis=-1, keepdims=True)
    x16 = jnp.concatenate(
        [xyz3, sq, jnp.zeros((_N, 12), jnp.float32)], axis=1)
    x16_ref[0] = x16
    sqt_ref[0] = sq.reshape(1, _N)
    tab_ref[0] = jnp.concatenate(
        [vf, x16, jnp.zeros((_N, _TW - _DM - 16), jnp.float32)], axis=1)


def _proj_call(xyz, features, W1, b1r, g1r, beta1r, Wq, Wk, Wv):
    full = lambda b: (b, 0, 0)
    w2d = lambda b: (0, 0)
    return pl.pallas_call(
        _proj_body,
        grid=(_B,),
        in_specs=[
            pl.BlockSpec((1, _N, 3), full),
            pl.BlockSpec((1, _N, _DP), full),
            pl.BlockSpec((_DP, _DM), w2d),
            pl.BlockSpec((1, _DM), w2d),
            pl.BlockSpec((1, _DM), w2d),
            pl.BlockSpec((1, _DM), w2d),
            pl.BlockSpec((_DM, _DM), w2d),
            pl.BlockSpec((_DM, _DM), w2d),
            pl.BlockSpec((_DM, _DM), w2d),
        ],
        out_specs=[
            pl.BlockSpec((1, _N, _DM), full),
            pl.BlockSpec((1, _N, _DM), full),
            pl.BlockSpec((1, _N, 16), full),
            pl.BlockSpec((1, 1, _N), full),
            pl.BlockSpec((1, _N, _TW), full),
        ],
        out_shape=[
            jax.ShapeDtypeStruct((_B, _N, _DM), jnp.float32),
            jax.ShapeDtypeStruct((_B, _N, _DM), jnp.float32),
            jax.ShapeDtypeStruct((_B, _N, 16), jnp.float32),
            jax.ShapeDtypeStruct((_B, 1, _N), jnp.float32),
            jax.ShapeDtypeStruct((_B, _N, _TW), jnp.float32),
        ],
        compiler_params=pltpu.CompilerParams(
            dimension_semantics=("parallel",)),
    )(xyz, features, W1, b1r, g1r, beta1r, Wq, Wk, Wv)


def _topk_body(xt_ref, xa_ref, sqt_ref, kf_ref, q_ref, gidx_ref, qks_ref):
    tile = xt_ref[0]
    xa = xa_ref[0]
    li = lax.broadcasted_iota(jnp.int32, (1, 16), 1)
    m3 = (li < 3).astype(jnp.float32)
    pd = lax.dot_general(tile * m3, xa * m3, (((1,), (1,)), ((), ())),
                         preferred_element_type=jnp.float32)
    dist = (tile[:, 3:4] + sqt_ref[0]) - 2.0 * pd
    qk = lax.dot_general(q_ref[0], kf_ref[0], (((1,), (1,)), ((), ())),
                         preferred_element_type=jnp.float32)

    iota_f = lax.broadcasted_iota(jnp.int32, (_TN, _N), 1).astype(jnp.float32)
    iota_k = lax.broadcasted_iota(jnp.int32, (_TN, _K), 1)
    idx_acc = jnp.zeros((_TN, _K), jnp.float32)
    qk_acc = jnp.zeros((_TN, _K), jnp.float32)
    d = dist
    for t in range(_K):
        m = jnp.min(d, axis=1, keepdims=True)
        cand = jnp.where(d == m, iota_f, jnp.float32(_N))
        idx = jnp.min(cand, axis=1, keepdims=True)
        d = jnp.where(cand == idx, jnp.float32(np.inf), d)
        idx_acc = jnp.where(iota_k == t, idx, idx_acc)
    idx_i = idx_acc.astype(jnp.int32)
    idx_lo = jnp.bitwise_and(idx_i, 127)
    idx_hi = jnp.right_shift(idx_i, 7)
    for c in range(_N // 128):
        g = jnp.take_along_axis(qk[:, c * 128:(c + 1) * 128], idx_lo, axis=1)
        qk_acc = jnp.where(idx_hi == c, g, qk_acc)
    gidx_ref[...] = idx_i
    qks_ref[...] = qk_acc


def _topk_call(x16, sqt, kf, q, b):
    return pl.pallas_call(
        _topk_body,
        grid=(_N // _TN,),
        in_specs=[
            pl.BlockSpec((1, _TN, 16), lambda j: (b, j, 0)),
            pl.BlockSpec((1, _N, 16), lambda j: (b, 0, 0)),
            pl.BlockSpec((1, 1, _N), lambda j: (b, 0, 0)),
            pl.BlockSpec((1, _N, _DM), lambda j: (b, 0, 0)),
            pl.BlockSpec((1, _TN, _DM), lambda j: (b, j, 0)),
        ],
        out_specs=[
            pl.BlockSpec((_TN, _K), lambda j: (j, 0)),
            pl.BlockSpec((_TN, _K), lambda j: (j, 0)),
        ],
        out_shape=[
            jax.ShapeDtypeStruct((_N, _K), jnp.int32),
            jax.ShapeDtypeStruct((_N, _K), jnp.float32),
        ],
        compiler_params=pltpu.CompilerParams(
            dimension_semantics=("parallel",)),
    )(x16, x16, sqt, kf, q)


def _gather_call(tab, gidx):
    info = plsc.get_sparse_core_info()
    nw = info.num_cores * info.num_subcores
    tot = gidx.shape[0]
    per_w = tot // nw
    ch = 128
    n_ch = per_w // ch
    mesh = plsc.VectorSubcoreMesh(core_axis_name="c", subcore_axis_name="s")

    n_half = n_ch // 2

    @functools.partial(
        pl.kernel,
        mesh=mesh,
        out_type=jax.ShapeDtypeStruct((tot, _TW), jnp.float32),
        scratch_types=[
            pltpu.VMEM((ch,), jnp.int32),
            pltpu.VMEM((ch,), jnp.int32),
            pltpu.VMEM((ch, _TW), jnp.float32),
            pltpu.VMEM((ch, _TW), jnp.float32),
            pltpu.SemaphoreType.DMA,
            pltpu.SemaphoreType.DMA,
        ],
    )
    def _sc_gather(tab_hbm, idx_hbm, out_hbm, idx0, idx1, rows0, rows1,
                   sem0, sem1):
        wid = lax.axis_index("s") * info.num_cores + lax.axis_index("c")
        base = wid * per_w

        def issue(c, idx_v, rows_v, sem):
            pltpu.sync_copy(idx_hbm.at[pl.ds(base + c * ch, ch)], idx_v)
            pltpu.async_copy(tab_hbm.at[idx_v], rows_v, sem)

        def drain(c, idx_v, rows_v, sem):
            pltpu.make_async_copy(tab_hbm.at[idx_v], rows_v, sem).wait()
            pltpu.sync_copy(rows_v, out_hbm.at[pl.ds(base + c * ch, ch)])

        issue(0, idx0, rows0, sem0)

        def body(i, carry):
            c0 = 2 * i
            issue(c0 + 1, idx1, rows1, sem1)
            drain(c0, idx0, rows0, sem0)

            @pl.when(i + 1 < n_half)
            def _():
                issue(c0 + 2, idx0, rows0, sem0)

            drain(c0 + 1, idx1, rows1, sem1)
            return carry

        lax.fori_loop(0, n_half, body, 0)

    return _sc_gather(tab, gidx)


def _attn_body(g_ref, q_ref, qks_ref, x16_ref, f_ref,
               Wd1p_ref, bd1_ref, Wd2_ref, bd2_ref,
               W2_ref, b2_ref, g2_ref, beta2_ref,
               res_ref, attn_ref):
    g = g_ref[...]
    vsel = g[:, :, :_DM]
    xs = g[:, :, _DM:_DM + 16]
    xi = x16_ref[0]
    pos = xi[:, None, :] - xs
    posf = pos.reshape(_TC * _K, 16)
    h = jnp.maximum(
        jnp.dot(posf, Wd1p_ref[...], preferred_element_type=jnp.float32)
        + bd1_ref[...], 0.0)
    pe = (jnp.dot(h, Wd2_ref[...], preferred_element_type=jnp.float32)
          + bd2_ref[...]).reshape(_TC, _K, _DM)
    q = q_ref[0]
    s = (qks_ref[...] + jnp.sum(q[:, None, :] * pe, axis=-1)) \
        * jnp.float32(1.0 / np.sqrt(_DM))
    m = jnp.max(s, axis=-1, keepdims=True)
    e = jnp.exp(s - m)
    a = e / jnp.sum(e, axis=-1, keepdims=True)
    attn_ref[...] = a
    outv = jnp.sum(a[:, :, None] * (vsel + pe), axis=1)
    y = jnp.dot(outv, W2_ref[...], preferred_element_type=jnp.float32) \
        + b2_ref[...]
    res_ref[...] = _ln(y, g2_ref[...], beta2_ref[...]) + f_ref[0]


def _attn_call(g3, qf, qks, x16f, ff, Wd1p, bd1r, Wd2, bd2r, W2, b2r, g2r,
               beta2r, b):
    row = lambda i: (i, 0)
    rowb = lambda i: (b, i, 0)
    row3 = lambda i: (i, 0, 0)
    w2d = lambda i: (0, 0)
    return pl.pallas_call(
        _attn_body,
        grid=(_N // _TC,),
        in_specs=[
            pl.BlockSpec((_TC, _K, _TW), row3),
            pl.BlockSpec((1, _TC, _DM), rowb),
            pl.BlockSpec((_TC, _K), row),
            pl.BlockSpec((1, _TC, 16), rowb),
            pl.BlockSpec((1, _TC, _DP), rowb),
            pl.BlockSpec((16, _DM), w2d),
            pl.BlockSpec((1, _DM), w2d),
            pl.BlockSpec((_DM, _DM), w2d),
            pl.BlockSpec((1, _DM), w2d),
            pl.BlockSpec((_DM, _DP), w2d),
            pl.BlockSpec((1, _DP), w2d),
            pl.BlockSpec((1, _DP), w2d),
            pl.BlockSpec((1, _DP), w2d),
        ],
        out_specs=[
            pl.BlockSpec((_TC, _DP), row),
            pl.BlockSpec((_TC, _K), row),
        ],
        out_shape=[
            jax.ShapeDtypeStruct((_N, _DP), jnp.float32),
            jax.ShapeDtypeStruct((_N, _K), jnp.float32),
        ],
        compiler_params=pltpu.CompilerParams(
            dimension_semantics=("parallel",)),
    )(g3, qf, qks, x16f, ff, Wd1p, bd1r, Wd2, bd2r, W2, b2r, g2r, beta2r)


def kernel(xyz, features, W1, b1, g1, beta1, Wd1, bd1, Wd2, bd2,
           Wq, Wk, Wv, W2, b2, g2, beta2):
    b1r = b1.reshape(1, _DM)
    g1r = g1.reshape(1, _DM)
    beta1r = beta1.reshape(1, _DM)
    bd1r = bd1.reshape(1, _DM)
    bd2r = bd2.reshape(1, _DM)
    b2r = b2.reshape(1, _DP)
    g2r = g2.reshape(1, _DP)
    beta2r = beta2.reshape(1, _DP)
    Wd1p = jnp.zeros((16, _DM), jnp.float32).at[:3].set(Wd1)

    q, kf, x16, sqt, tab = _proj_call(xyz, features, W1, b1r, g1r, beta1r,
                                      Wq, Wk, Wv)
    res_l, attn_l = [], []
    for b in range(_B):
        gidx_b, qks_b = _topk_call(x16, sqt, kf, q, b)
        gath_b = _gather_call(tab[b], gidx_b.reshape(_N * _K))
        res_b, attn_b = _attn_call(
            gath_b.reshape(_N, _K, _TW), q, qks_b, x16, features,
            Wd1p, bd1r, Wd2, bd2r, W2, b2r, g2r, beta2r, b)
        res_l.append(res_b)
        attn_l.append(attn_b)
    return (jnp.stack(res_l), jnp.stack(attn_l).reshape(_B, _N, 1, _K))

# --- scband reference (transcript-rebuilt; emitter-appended) ---
"""Pipeline reference for scband-transformer-block-60344290509345 (READ-ONLY COPY).

The authoritative reference and input builder live on the scoring server;
editing this copy changes nothing except your own understanding.
"""

import jax, jax.numpy as jnp
import numpy as np

B, N, D_POINTS, D_MODEL, K = 4, 2048, 32, 64, 16


def layer_norm(x, g, b, eps=1e-5):
    mu = jnp.mean(x, axis=-1, keepdims=True)
    var = jnp.mean((x - mu) ** 2, axis=-1, keepdims=True)
    return (x - mu) / jnp.sqrt(var + eps) * g + b


def index_points(points, idx):
    # points: [B, N, C], idx: [B, S, K] -> [B, S, K, C]
    b = points.shape[0]
    return points[jnp.arange(b)[:, None, None], idx]


def setup_inputs(seed: int = 0) -> dict:
    key = jax.random.key(seed)
    ks = jax.random.split(key, 16)
    s = 0.02
    inp = {}
    inp['xyz'] = jax.random.normal(ks[0], (B, N, 3), dtype=jnp.float32)
    inp['features'] = jax.random.normal(ks[1], (B, N, D_POINTS), dtype=jnp.float32)
    inp['W1'] = jax.random.normal(ks[2], (D_POINTS, D_MODEL), dtype=jnp.float32) * s
    inp['b1'] = jnp.zeros((D_MODEL,), dtype=jnp.float32)
    inp['g1'] = jnp.ones((D_MODEL,), dtype=jnp.float32)
    inp['beta1'] = jnp.zeros((D_MODEL,), dtype=jnp.float32)
    inp['Wd1'] = jax.random.normal(ks[3], (3, D_MODEL), dtype=jnp.float32) * s
    inp['bd1'] = jnp.zeros((D_MODEL,), dtype=jnp.float32)
    inp['Wd2'] = jax.random.normal(ks[4], (D_MODEL, D_MODEL), dtype=jnp.float32) * s
    inp['bd2'] = jnp.zeros((D_MODEL,), dtype=jnp.float32)
    inp['Wq'] = jax.random.normal(ks[5], (D_MODEL, D_MODEL), dtype=jnp.float32) * s
    inp['Wk'] = jax.random.normal(ks[6], (D_MODEL, D_MODEL), dtype=jnp.float32) * s
    inp['Wv'] = jax.random.normal(ks[7], (D_MODEL, D_MODEL), dtype=jnp.float32) * s
    inp['W2'] = jax.random.normal(ks[8], (D_MODEL, D_POINTS), dtype=jnp.float32) * s
    inp['b2'] = jnp.zeros((D_POINTS,), dtype=jnp.float32)
    inp['g2'] = jnp.ones((D_POINTS,), dtype=jnp.float32)
    inp['beta2'] = jnp.zeros((D_POINTS,), dtype=jnp.float32)
    return inp


def reference(xyz, features, W1, b1, g1, beta1, Wd1, bd1, Wd2, bd2, Wq, Wk, Wv, W2, b2, g2, beta2):
    # square_distance: ||src||^2 + ||dst||^2 - 2 src.dst (mathematically identical to broadcast form)
    sq = jnp.sum(xyz ** 2, axis=-1)
    dists = sq[:, :, None] + sq[:, None, :] - 2.0 * jnp.einsum('bnc,bmc->bnm', xyz, xyz)
    knn_idx = jnp.argsort(jax.lax.stop_gradient(dists), axis=-1)[:, :, :K]  # [B, N, K]
    knn_xyz = index_points(xyz, knn_idx)  # [B, N, K, 3]
    pre = features
    x = layer_norm(features @ W1 + b1, g1, beta1)
    q = x @ Wq                                   # [B, N, d_model]
    kmat = index_points(x @ Wk, knn_idx)         # [B, N, K, d_model]
    v = index_points(x @ Wv, knn_idx)            # [B, N, K, d_model]
    pos = xyz[:, :, None, :] - knn_xyz           # [B, N, K, 3]
    pos_enc = jax.nn.relu(pos @ Wd1 + bd1) @ Wd2 + bd2  # [B, N, K, d_model]
    kmat = kmat + pos_enc
    attn = jnp.matmul(q[:, :, None, :], jnp.swapaxes(kmat, -2, -1)) / np.sqrt(D_MODEL)  # [B, N, 1, K]
    attn = jax.nn.softmax(attn, axis=-1)
    res = jnp.einsum('bmln,bmnf->bmlf', attn, v + pos_enc)  # [B, N, 1, d_model]
    res = jnp.squeeze(res, axis=2)
    res = layer_norm(res @ W2 + b2, g2, beta2) + pre
    return (res, attn)

if __name__ == "__main__":
    import jax
    _d = setup_inputs()
    print(jax.jit(kernel)(*tuple(_d.values())))

</pallas_src>

<mosaic_0001>
#map = affine_map<(d0, d1) -> (0, 0)>
#map1 = affine_map<(d0, d1) -> (0)>
module attributes {stable_mosaic.version = 14 : i64} {
  func.func @_sc_gather(%arg0: i32, %arg1: i32, %arg2: memref<2048x128xf32, #tpu.memory_space<hbm>>, %arg3: memref<32768xi32, #tpu.memory_space<hbm>>, %arg4: memref<32768x128xf32, #tpu.memory_space<hbm>>, %arg5: memref<128xi32, #tpu.memory_space<vmem>>, %arg6: memref<128xi32, #tpu.memory_space<vmem>>, %arg7: memref<128x128xf32, #tpu.memory_space<vmem>>, %arg8: memref<128x128xf32, #tpu.memory_space<vmem>>, %arg9: memref<!tpu.dma_semaphore, #tpu.memory_space<semaphore_mem>>, %arg10: memref<!tpu.dma_semaphore, #tpu.memory_space<semaphore_mem>>) attributes {dimension_semantics = [#tpu.dimension_semantics<core_parallel>, #tpu.dimension_semantics<subcore_parallel>], iteration_bounds = array<i64: 2, 16>, scalar_prefetch = 0 : i64, scratch_operands = 6 : i64, tpu.core_type = #tpu.core_type<sc_vector_subcore>, window_params = [{transform_indices = #map}, {transform_indices = #map1}, {transform_indices = #map}]} {
    %mul3A = arith.constant 2 : i32
    %mul3A_0 = arith.muli %arg1, %mul3A : i32
    %add3A = arith.addi %mul3A_0, %arg0 : i32
    %mul3A_1 = arith.constant 1024 : i32
    %mul3A_2 = arith.muli %add3A, %mul3A_1 : i32
    %add3A_3 = arith.constant 0 : i32
    %add3A_4 = arith.addi %mul3A_2, %add3A_3 : i32
    "tpu.region"() ({
      %run_scoped3A = tpu.sem_alloc : memref<!tpu.dma_semaphore, #tpu.memory_space<semaphore_mem>>
      %dma_start3A_12 = tpu.memref_slice %arg3[%add3A_4] : memref<32768xi32, #tpu.memory_space<hbm>> -> memref<128xi32, #tpu.memory_space<hbm>>
      %dma_start3A_13 = tpu.memref_slice %arg3[%add3A_4] : memref<32768xi32, #tpu.memory_space<hbm>> -> memref<128xi32, #tpu.memory_space<hbm>>
      tpu.enqueue_dma source(%dma_start3A_13 : memref<128xi32, #tpu.memory_space<hbm>>) target(%arg5 : memref<128xi32, #tpu.memory_space<vmem>>) target_semaphore(%run_scoped3A : memref<!tpu.dma_semaphore, #tpu.memory_space<semaphore_mem>>)
      %dma_wait3A = tpu.memref_slice %arg3[%add3A_4] : memref<32768xi32, #tpu.memory_space<hbm>> -> memref<128xi32, #tpu.memory_space<hbm>>
      %dma_wait3A_14 = tpu.memref_slice %arg3[%add3A_4] : memref<32768xi32, #tpu.memory_space<hbm>> -> memref<128xi32, #tpu.memory_space<hbm>>
      tpu.wait_dma2 semaphore(%run_scoped3A : memref<!tpu.dma_semaphore, #tpu.memory_space<semaphore_mem>>) src(%dma_wait3A_14 : memref<128xi32, #tpu.memory_space<hbm>>) dst(%arg5 : memref<128xi32, #tpu.memory_space<vmem>>)
      tpu.yield
    }) : () -> ()
    %dma_start3A = arith.constant 0 : i32
    %dma_start3A_5 = arith.constant 0 : i32
    %dma_start3A_6 = tpu.memref_slice %arg2[%dma_start3A, %dma_start3A_5] : memref<2048x128xf32, #tpu.memory_space<hbm>> -> memref<2048x128xf32, #tpu.memory_space<hbm>>
    tpu.enqueue_indirect_dma source(%dma_start3A_6 : memref<2048x128xf32, #tpu.memory_space<hbm>>) target(%arg7 : memref<128x128xf32, #tpu.memory_space<vmem>>) offsets(%arg5 : memref<128xi32, #tpu.memory_space<vmem>>) semaphore(%arg9 : memref<!tpu.dma_semaphore, #tpu.memory_space<semaphore_mem>>)
    %scan3A = arith.constant 0 : i32
    %scan3A_7 = arith.constant 0 : i32
    %scan3A_8 = arith.constant 4 : i32
    %scan3A_9 = arith.addi %scan3A_7, %scan3A_8 : i32
    %scan3A_10 = arith.constant 1 : i32
    scf.for %scan3A_12 = %scan3A_7 to %scan3A_9 step %scan3A_10  : i32 {
      %mul3A_13 = arith.constant 2 : i32
      %mul3A_14 = arith.muli %mul3A_13, %scan3A_12 : i32
      %add3A_15 = arith.constant 1 : i32
      %add3A_16 = arith.addi %mul3A_14, %add3A_15 : i32
      %mul3A_17 = arith.constant 128 : i32
      %mul3A_18 = arith.muli %add3A_16, %mul3A_17 : i32
      %add3A_19 = arith.addi %mul3A_2, %mul3A_18 : i32
      "tpu.region"() ({
        %run_scoped3A = tpu.sem_alloc : memref<!tpu.dma_semaphore, #tpu.memory_space<semaphore_mem>>
        %dma_start3A_40 = tpu.memref_slice %arg3[%add3A_19] : memref<32768xi32, #tpu.memory_space<hbm>> -> memref<128xi32, #tpu.memory_space<hbm>>
        %dma_start3A_41 = tpu.memref_slice %arg3[%add3A_19] : memref<32768xi32, #tpu.memory_space<hbm>> -> memref<128xi32, #tpu.memory_space<hbm>>
        tpu.enqueue_dma source(%dma_start3A_41 : memref<128xi32, #tpu.memory_space<hbm>>) target(%arg6 : memref<128xi32, #tpu.memory_space<vmem>>) target_semaphore(%run_scoped3A : memref<!tpu.dma_semaphore, #tpu.memory_space<semaphore_mem>>)
        %dma_wait3A_42 = tpu.memref_slice %arg3[%add3A_19] : memref<32768xi32, #tpu.memory_space<hbm>> -> memref<128xi32, #tpu.memory_space<hbm>>
        %dma_wait3A_43 = tpu.memref_slice %arg3[%add3A_19] : memref<32768xi32, #tpu.memory_space<hbm>> -> memref<128xi32, #tpu.memory_space<hbm>>
        tpu.wait_dma2 semaphore(%run_scoped3A : memref<!tpu.dma_semaphore, #tpu.memory_space<semaphore_mem>>) src(%dma_wait3A_43 : memref<128xi32, #tpu.memory_space<hbm>>) dst(%arg6 : memref<128xi32, #tpu.memory_space<vmem>>)
        tpu.yield
      }) : () -> ()
      %dma_start3A_20 = arith.constant 0 : i32
      %dma_start3A_21 = arith.constant 0 : i32
      %dma_start3A_22 = tpu.memref_slice %arg2[%dma_start3A_20, %dma_start3A_21] : memref<2048x128xf32, #tpu.memory_space<hbm>> -> memref<2048x128xf32, #tpu.memory_space<hbm>>
      tpu.enqueue_indirect_dma source(%dma_start3A_22 : memref<2048x128xf32, #tpu.memory_space<hbm>>) target(%arg8 : memref<128x128xf32, #tpu.memory_space<vmem>>) offsets(%arg6 : memref<128xi32, #tpu.memory_space<vmem>>) semaphore(%arg10 : memref<!tpu.dma_semaphore, #tpu.memory_space<semaphore_mem>>)
      %dma_wait3A = arith.constant 0 : i32
      %dma_wait3A_23 = arith.constant 0 : i32
      %dma_wait3A_24 = tpu.memref_slice %arg2[%dma_wait3A, %dma_wait3A_23] : memref<2048x128xf32, #tpu.memory_space<hbm>> -> memref<2048x128xf32, #tpu.memory_space<hbm>>
      tpu.wait_indirect_dma semaphore(%arg9 : memref<!tpu.dma_semaphore, #tpu.memory_space<semaphore_mem>>) src(%dma_wait3A_24 : memref<2048x128xf32, #tpu.memory_space<hbm>>) dst(%arg7 : memref<128x128xf32, #tpu.memory_space<vmem>>)
      %mul3A_25 = arith.constant 128 : i32
      %mul3A_26 = arith.muli %mul3A_14, %mul3A_25 : i32
      %add3A_27 = arith.addi %mul3A_2, %mul3A_26 : i32
      "tpu.region"() ({
        %run_scoped3A = tpu.sem_alloc : memref<!tpu.dma_semaphore, #tpu.memory_space<semaphore_mem>>
        %dma_start3A_40 = arith.constant 0 : i32
        %dma_start3A_41 = tpu.memref_slice %arg4[%add3A_27, %dma_start3A_40] : memref<32768x128xf32, #tpu.memory_space<hbm>> -> memref<128x128xf32, #tpu.memory_space<hbm>>
        %dma_start3A_42 = arith.constant 0 : i32
        %dma_start3A_43 = tpu.memref_slice %arg4[%add3A_27, %dma_start3A_42] : memref<32768x128xf32, #tpu.memory_space<hbm>> -> memref<128x128xf32, #tpu.memory_space<hbm>>
        tpu.enqueue_dma source(%arg7 : memref<128x128xf32, #tpu.memory_space<vmem>>) target(%dma_start3A_43 : memref<128x128xf32, #tpu.memory_space<hbm>>) target_semaphore(%run_scoped3A : memref<!tpu.dma_semaphore, #tpu.memory_space<semaphore_mem>>)
        %dma_wait3A_44 = arith.constant 0 : i32
        %dma_wait3A_45 = tpu.memref_slice %arg4[%add3A_27, %dma_wait3A_44] : memref<32768x128xf32, #tpu.memory_space<hbm>> -> memref<128x128xf32, #tpu.memory_space<hbm>>
        %dma_wait3A_46 = arith.constant 0 : i32
        %dma_wait3A_47 = tpu.memref_slice %arg4[%add3A_27, %dma_wait3A_46] : memref<32768x128xf32, #tpu.memory_space<hbm>> -> memref<128x128xf32, #tpu.memory_space<hbm>>
        tpu.wait_dma2 semaphore(%run_scoped3A : memref<!tpu.dma_semaphore, #tpu.memory_space<semaphore_mem>>) src(%arg7 : memref<128x128xf32, #tpu.memory_space<vmem>>) dst(%dma_wait3A_47 : memref<128x128xf32, #tpu.memory_space<hbm>>)
        tpu.yield
      }) : () -> ()
      %add3A_28 = arith.constant 1 : i32
      %add3A_29 = arith.addi %scan3A_12, %add3A_28 : i32
      %lt3A = arith.constant 4 : i32
      %lt3A_30 = arith.cmpi slt, %add3A_29, %lt3A : i32
      %convert_element_type3A = arith.extui %lt3A_30 : i1 to i32
      %cond3A = arith.constant 0 : i32
      %cond3A_31 = arith.cmpi ne, %convert_element_type3A, %cond3A : i32
      scf.if %cond3A_31 {
        %add3A_40 = arith.constant 2 : i32
        %add3A_41 = arith.addi %mul3A_14, %add3A_40 : i32
        %mul3A_42 = arith.constant 128 : i32
        %mul3A_43 = arith.muli %add3A_41, %mul3A_42 : i32
        %add3A_44 = arith.addi %mul3A_2, %mul3A_43 : i32
        "tpu.region"() ({
          %run_scoped3A = tpu.sem_alloc : memref<!tpu.dma_semaphore, #tpu.memory_space<semaphore_mem>>
          %dma_start3A_48 = tpu.memref_slice %arg3[%add3A_44] : memref<32768xi32, #tpu.memory_space<hbm>> -> memref<128xi32, #tpu.memory_space<hbm>>
          %dma_start3A_49 = tpu.memref_slice %arg3[%add3A_44] : memref<32768xi32, #tpu.memory_space<hbm>> -> memref<128xi32, #tpu.memory_space<hbm>>
          tpu.enqueue_dma source(%dma_start3A_49 : memref<128xi32, #tpu.memory_space<hbm>>) target(%arg5 : memref<128xi32, #tpu.memory_space<vmem>>) target_semaphore(%run_scoped3A : memref<!tpu.dma_semaphore, #tpu.memory_space<semaphore_mem>>)
          %dma_wait3A_50 = tpu.memref_slice %arg3[%add3A_44] : memref<32768xi32, #tpu.memory_space<hbm>> -> memref<128xi32, #tpu.memory_space<hbm>>
          %dma_wait3A_51 = tpu.memref_slice %arg3[%add3A_44] : memref<32768xi32, #tpu.memory_space<hbm>> -> memref<128xi32, #tpu.memory_space<hbm>>
          tpu.wait_dma2 semaphore(%run_scoped3A : memref<!tpu.dma_semaphore, #tpu.memory_space<semaphore_mem>>) src(%dma_wait3A_51 : memref<128xi32, #tpu.memory_space<hbm>>) dst(%arg5 : memref<128xi32, #tpu.memory_space<vmem>>)
          tpu.yield
        }) : () -> ()
        %dma_start3A_45 = arith.constant 0 : i32
        %dma_start3A_46 = arith.constant 0 : i32
        %dma_start3A_47 = tpu.memref_slice %arg2[%dma_start3A_45, %dma_start3A_46] : memref<2048x128xf32, #tpu.memory_space<hbm>> -> memref<2048x128xf32, #tpu.memory_space<hbm>>
        tpu.enqueue_indirect_dma source(%dma_start3A_47 : memref<2048x128xf32, #tpu.memory_space<hbm>>) target(%arg7 : memref<128x128xf32, #tpu.memory_space<vmem>>) offsets(%arg5 : memref<128xi32, #tpu.memory_space<vmem>>) semaphore(%arg9 : memref<!tpu.dma_semaphore, #tpu.memory_space<semaphore_mem>>)
      } else {
      }
      %add3A_32 = arith.constant 1 : i32
      %add3A_33 = arith.addi %mul3A_14, %add3A_32 : i32
      %dma_wait3A_34 = arith.constant 0 : i32
      %dma_wait3A_35 = arith.constant 0 : i32
      %dma_wait3A_36 = tpu.memref_slice %arg2[%dma_wait3A_34, %dma_wait3A_35] : memref<2048x128xf32, #tpu.memory_space<hbm>> -> memref<2048x128xf32, #tpu.memory_space<hbm>>
      tpu.wait_indirect_dma semaphore(%arg10 : memref<!tpu.dma_semaphore, #tpu.memory_space<semaphore_mem>>) src(%dma_wait3A_36 : memref<2048x128xf32, #tpu.memory_space<hbm>>) dst(%arg8 : memref<128x128xf32, #tpu.memory_space<vmem>>)
      %mul3A_37 = arith.constant 128 : i32
      %mul3A_38 = arith.muli %add3A_33, %mul3A_37 : i32
      %add3A_39 = arith.addi %mul3A_2, %mul3A_38 : i32
      "tpu.region"() ({
        %run_scoped3A = tpu.sem_alloc : memref<!tpu.dma_semaphore, #tpu.memory_space<semaphore_mem>>
        %dma_start3A_40 = arith.constant 0 : i32
        %dma_start3A_41 = tpu.memref_slice %arg4[%add3A_39, %dma_start3A_40] : memref<32768x128xf32, #tpu.memory_space<hbm>> -> memref<128x128xf32, #tpu.memory_space<hbm>>
        %dma_start3A_42 = arith.constant 0 : i32
        %dma_start3A_43 = tpu.memref_slice %arg4[%add3A_39, %dma_start3A_42] : memref<32768x128xf32, #tpu.memory_space<hbm>> -> memref<128x128xf32, #tpu.memory_space<hbm>>
        tpu.enqueue_dma source(%arg8 : memref<128x128xf32, #tpu.memory_space<vmem>>) target(%dma_start3A_43 : memref<128x128xf32, #tpu.memory_space<hbm>>) target_semaphore(%run_scoped3A : memref<!tpu.dma_semaphore, #tpu.memory_space<semaphore_mem>>)
        %dma_wait3A_44 = arith.constant 0 : i32
        %dma_wait3A_45 = tpu.memref_slice %arg4[%add3A_39, %dma_wait3A_44] : memref<32768x128xf32, #tpu.memory_space<hbm>> -> memref<128x128xf32, #tpu.memory_space<hbm>>
        %dma_wait3A_46 = arith.constant 0 : i32
        %dma_wait3A_47 = tpu.memref_slice %arg4[%add3A_39, %dma_wait3A_46] : memref<32768x128xf32, #tpu.memory_space<hbm>> -> memref<128x128xf32, #tpu.memory_space<hbm>>
        tpu.wait_dma2 semaphore(%run_scoped3A : memref<!tpu.dma_semaphore, #tpu.memory_space<semaphore_mem>>) src(%arg8 : memref<128x128xf32, #tpu.memory_space<vmem>>) dst(%dma_wait3A_47 : memref<128x128xf32, #tpu.memory_space<hbm>>)
        tpu.yield
      }) : () -> ()
    }
    %scan3A_11 = arith.constant 4 : i32
    return
  }
}

#map = affine_map<(d0, d1) -> (0, 0)>
#map1 = affine_map<(d0, d1) -> (0)>
module attributes {stable_mosaic.version = 14 : i64} {
  func.func @_sc_gather(%arg0: i32, %arg1: i32, %arg2: memref<2048x128xf32, #tpu.memory_space<hbm>>, %arg3: memref<32768xi32, #tpu.memory_space<hbm>>, %arg4: memref<32768x128xf32, #tpu.memory_space<hbm>>, %arg5: memref<128xi32, #tpu.memory_space<vmem>>, %arg6: memref<128xi32, #tpu.memory_space<vmem>>, %arg7: memref<128x128xf32, #tpu.memory_space<vmem>>, %arg8: memref<128x128xf32, #tpu.memory_space<vmem>>, %arg9: memref<!tpu.dma_semaphore, #tpu.memory_space<semaphore_mem>>, %arg10: memref<!tpu.dma_semaphore, #tpu.memory_space<semaphore_mem>>) attributes {dimension_semantics = [#tpu.dimension_semantics<core_parallel>, #tpu.dimension_semantics<subcore_parallel>], iteration_bounds = array<i64: 2, 16>, scalar_prefetch = 0 : i64, scratch_operands = 6 : i64, tpu.core_type = #tpu.core_type<sc_vector_subcore>, window_params = [{transform_indices = #map}, {transform_indices = #map1}, {transform_indices = #map}]} {
    %mul3A = arith.constant 2 : i32
    %mul3A_0 = arith.muli %arg1, %mul3A : i32
    %add3A = arith.addi %mul3A_0, %arg0 : i32
    %mul3A_1 = arith.constant 1024 : i32
    %mul3A_2 = arith.muli %add3A, %mul3A_1 : i32
    %add3A_3 = arith.constant 0 : i32
    %add3A_4 = arith.addi %mul3A_2, %add3A_3 : i32
    "tpu.region"() ({
      %run_scoped3A = tpu.sem_alloc : memref<!tpu.dma_semaphore, #tpu.memory_space<semaphore_mem>>
      %dma_start3A_12 = tpu.memref_slice %arg3[%add3A_4] : memref<32768xi32, #tpu.memory_space<hbm>> -> memref<128xi32, #tpu.memory_space<hbm>>
      %dma_start3A_13 = tpu.memref_slice %arg3[%add3A_4] : memref<32768xi32, #tpu.memory_space<hbm>> -> memref<128xi32, #tpu.memory_space<hbm>>
      tpu.enqueue_dma source(%dma_start3A_13 : memref<128xi32, #tpu.memory_space<hbm>>) target(%arg5 : memref<128xi32, #tpu.memory_space<vmem>>) target_semaphore(%run_scoped3A : memref<!tpu.dma_semaphore, #tpu.memory_space<semaphore_mem>>)
      %dma_wait3A = tpu.memref_slice %arg3[%add3A_4] : memref<32768xi32, #tpu.memory_space<hbm>> -> memref<128xi32, #tpu.memory_space<hbm>>
      %dma_wait3A_14 = tpu.memref_slice %arg3[%add3A_4] : memref<32768xi32, #tpu.memory_space<hbm>> -> memref<128xi32, #tpu.memory_space<hbm>>
      tpu.wait_dma2 semaphore(%run_scoped3A : memref<!tpu.dma_semaphore, #tpu.memory_space<semaphore_mem>>) src(%dma_wait3A_14 : memref<128xi32, #tpu.memory_space<hbm>>) dst(%arg5 : memref<128xi32, #tpu.memory_space<vmem>>)
      tpu.yield
    }) : () -> ()
    %dma_start3A = arith.constant 0 : i32
    %dma_start3A_5 = arith.constant 0 : i32
    %dma_start3A_6 = tpu.memref_slice %arg2[%dma_start3A, %dma_start3A_5] : memref<2048x128xf32, #tpu.memory_space<hbm>> -> memref<2048x128xf32, #tpu.memory_space<hbm>>
    tpu.enqueue_indirect_dma source(%dma_start3A_6 : memref<2048x128xf32, #tpu.memory_space<hbm>>) target(%arg7 : memref<128x128xf32, #tpu.memory_space<vmem>>) offsets(%arg5 : memref<128xi32, #tpu.memory_space<vmem>>) semaphore(%arg9 : memref<!tpu.dma_semaphore, #tpu.memory_space<semaphore_mem>>)
    %scan3A = arith.constant 0 : i32
    %scan3A_7 = arith.constant 0 : i32
    %scan3A_8 = arith.constant 4 : i32
    %scan3A_9 = arith.addi %scan3A_7, %scan3A_8 : i32
    %scan3A_10 = arith.constant 1 : i32
    scf.for %scan3A_12 = %scan3A_7 to %scan3A_9 step %scan3A_10  : i32 {
      %mul3A_13 = arith.constant 2 : i32
      %mul3A_14 = arith.muli %mul3A_13, %scan3A_12 : i32
      %add3A_15 = arith.constant 1 : i32
      %add3A_16 = arith.addi %mul3A_14, %add3A_15 : i32
      %mul3A_17 = arith.constant 128 : i32
      %mul3A_18 = arith.muli %add3A_16, %mul3A_17 : i32
      %add3A_19 = arith.addi %mul3A_2, %mul3A_18 : i32
      "tpu.region"() ({
        %run_scoped3A = tpu.sem_alloc : memref<!tpu.dma_semaphore, #tpu.memory_space<semaphore_mem>>
        %dma_start3A_40 = tpu.memref_slice %arg3[%add3A_19] : memref<32768xi32, #tpu.memory_space<hbm>> -> memref<128xi32, #tpu.memory_space<hbm>>
        %dma_start3A_41 = tpu.memref_slice %arg3[%add3A_19] : memref<32768xi32, #tpu.memory_space<hbm>> -> memref<128xi32, #tpu.memory_space<hbm>>
        tpu.enqueue_dma source(%dma_start3A_41 : memref<128xi32, #tpu.memory_space<hbm>>) target(%arg6 : memref<128xi32, #tpu.memory_space<vmem>>) target_semaphore(%run_scoped3A : memref<!tpu.dma_semaphore, #tpu.memory_space<semaphore_mem>>)
        %dma_wait3A_42 = tpu.memref_slice %arg3[%add3A_19] : memref<32768xi32, #tpu.memory_space<hbm>> -> memref<128xi32, #tpu.memory_space<hbm>>
        %dma_wait3A_43 = tpu.memref_slice %arg3[%add3A_19] : memref<32768xi32, #tpu.memory_space<hbm>> -> memref<128xi32, #tpu.memory_space<hbm>>
        tpu.wait_dma2 semaphore(%run_scoped3A : memref<!tpu.dma_semaphore, #tpu.memory_space<semaphore_mem>>) src(%dma_wait3A_43 : memref<128xi32, #tpu.memory_space<hbm>>) dst(%arg6 : memref<128xi32, #tpu.memory_space<vmem>>)
        tpu.yield
      }) : () -> ()
      %dma_start3A_20 = arith.constant 0 : i32
      %dma_start3A_21 = arith.constant 0 : i32
      %dma_start3A_22 = tpu.memref_slice %arg2[%dma_start3A_20, %dma_start3A_21] : memref<2048x128xf32, #tpu.memory_space<hbm>> -> memref<2048x128xf32, #tpu.memory_space<hbm>>
      tpu.enqueue_indirect_dma source(%dma_start3A_22 : memref<2048x128xf32, #tpu.memory_space<hbm>>) target(%arg8 : memref<128x128xf32, #tpu.memory_space<vmem>>) offsets(%arg6 : memref<128xi32, #tpu.memory_space<vmem>>) semaphore(%arg10 : memref<!tpu.dma_semaphore, #tpu.memory_space<semaphore_mem>>)
      %dma_wait3A = arith.constant 0 : i32
      %dma_wait3A_23 = arith.constant 0 : i32
      %dma_wait3A_24 = tpu.memref_slice %arg2[%dma_wait3A, %dma_wait3A_23] : memref<2048x128xf32, #tpu.memory_space<hbm>> -> memref<2048x128xf32, #tpu.memory_space<hbm>>
      tpu.wait_indirect_dma semaphore(%arg9 : memref<!tpu.dma_semaphore, #tpu.memory_space<semaphore_mem>>) src(%dma_wait3A_24 : memref<2048x128xf32, #tpu.memory_space<hbm>>) dst(%arg7 : memref<128x128xf32, #tpu.memory_space<vmem>>)
      %mul3A_25 = arith.constant 128 : i32
      %mul3A_26 = arith.muli %mul3A_14, %mul3A_25 : i32
      %add3A_27 = arith.addi %mul3A_2, %mul3A_26 : i32
      "tpu.region"() ({
        %run_scoped3A = tpu.sem_alloc : memref<!tpu.dma_semaphore, #tpu.memory_space<semaphore_mem>>
        %dma_start3A_40 = arith.constant 0 : i32
        %dma_start3A_41 = tpu.memref_slice %arg4[%add3A_27, %dma_start3A_40] : memref<32768x128xf32, #tpu.memory_space<hbm>> -> memref<128x128xf32, #tpu.memory_space<hbm>>
        %dma_start3A_42 = arith.constant 0 : i32
        %dma_start3A_43 = tpu.memref_slice %arg4[%add3A_27, %dma_start3A_42] : memref<32768x128xf32, #tpu.memory_space<hbm>> -> memref<128x128xf32, #tpu.memory_space<hbm>>
        tpu.enqueue_dma source(%arg7 : memref<128x128xf32, #tpu.memory_space<vmem>>) target(%dma_start3A_43 : memref<128x128xf32, #tpu.memory_space<hbm>>) target_semaphore(%run_scoped3A : memref<!tpu.dma_semaphore, #tpu.memory_space<semaphore_mem>>)
        %dma_wait3A_44 = arith.constant 0 : i32
        %dma_wait3A_45 = tpu.memref_slice %arg4[%add3A_27, %dma_wait3A_44] : memref<32768x128xf32, #tpu.memory_space<hbm>> -> memref<128x128xf32, #tpu.memory_space<hbm>>
        %dma_wait3A_46 = arith.constant 0 : i32
        %dma_wait3A_47 = tpu.memref_slice %arg4[%add3A_27, %dma_wait3A_46] : memref<32768x128xf32, #tpu.memory_space<hbm>> -> memref<128x128xf32, #tpu.memory_space<hbm>>
        tpu.wait_dma2 semaphore(%run_scoped3A : memref<!tpu.dma_semaphore, #tpu.memory_space<semaphore_mem>>) src(%arg7 : memref<128x128xf32, #tpu.memory_space<vmem>>) dst(%dma_wait3A_47 : memref<128x128xf32, #tpu.memory_space<hbm>>)
        tpu.yield
      }) : () -> ()
      %add3A_28 = arith.constant 1 : i32
      %add3A_29 = arith.addi %scan3A_12, %add3A_28 : i32
      %lt3A = arith.constant 4 : i32
      %lt3A_30 = arith.cmpi slt, %add3A_29, %lt3A : i32
      %convert_element_type3A = arith.extui %lt3A_30 : i1 to i32
      %cond3A = arith.constant 0 : i32
      %cond3A_31 = arith.cmpi ne, %convert_element_type3A, %cond3A : i32
      scf.if %cond3A_31 {
        %add3A_40 = arith.constant 2 : i32
        %add3A_41 = arith.addi %mul3A_14, %add3A_40 : i32
        %mul3A_42 = arith.constant 128 : i32
        %mul3A_43 = arith.muli %add3A_41, %mul3A_42 : i32
        %add3A_44 = arith.addi %mul3A_2, %mul3A_43 : i32
        "tpu.region"() ({
          %run_scoped3A = tpu.sem_alloc : memref<!tpu.dma_semaphore, #tpu.memory_space<semaphore_mem>>
          %dma_start3A_48 = tpu.memref_slice %arg3[%add3A_44] : memref<32768xi32, #tpu.memory_space<hbm>> -> memref<128xi32, #tpu.memory_space<hbm>>
          %dma_start3A_49 = tpu.memref_slice %arg3[%add3A_44] : memref<32768xi32, #tpu.memory_space<hbm>> -> memref<128xi32, #tpu.memory_space<hbm>>
          tpu.enqueue_dma source(%dma_start3A_49 : memref<128xi32, #tpu.memory_space<hbm>>) target(%arg5 : memref<128xi32, #tpu.memory_space<vmem>>) target_semaphore(%run_scoped3A : memref<!tpu.dma_semaphore, #tpu.memory_space<semaphore_mem>>)
          %dma_wait3A_50 = tpu.memref_slice %arg3[%add3A_44] : memref<32768xi32, #tpu.memory_space<hbm>> -> memref<128xi32, #tpu.memory_space<hbm>>
          %dma_wait3A_51 = tpu.memref_slice %arg3[%add3A_44] : memref<32768xi32, #tpu.memory_space<hbm>> -> memref<128xi32, #tpu.memory_space<hbm>>
          tpu.wait_dma2 semaphore(%run_scoped3A : memref<!tpu.dma_semaphore, #tpu.memory_space<semaphore_mem>>) src(%dma_wait3A_51 : memref<128xi32, #tpu.memory_space<hbm>>) dst(%arg5 : memref<128xi32, #tpu.memory_space<vmem>>)
          tpu.yield
        }) : () -> ()
        %dma_start3A_45 = arith.constant 0 : i32
        %dma_start3A_46 = arith.constant 0 : i32
        %dma_start3A_47 = tpu.memref_slice %arg2[%dma_start3A_45, %dma_start3A_46] : memref<2048x128xf32, #tpu.memory_space<hbm>> -> memref<2048x128xf32, #tpu.memory_space<hbm>>
        tpu.enqueue_indirect_dma source(%dma_start3A_47 : memref<2048x128xf32, #tpu.memory_space<hbm>>) target(%arg7 : memref<128x128xf32, #tpu.memory_space<vmem>>) offsets(%arg5 : memref<128xi32, #tpu.memory_space<vmem>>) semaphore(%arg9 : memref<!tpu.dma_semaphore, #tpu.memory_space<semaphore_mem>>)
      } else {
      }
      %add3A_32 = arith.constant 1 : i32
      %add3A_33 = arith.addi %mul3A_14, %add3A_32 : i32
      %dma_wait3A_34 = arith.constant 0 : i32
      %dma_wait3A_35 = arith.constant 0 : i32
      %dma_wait3A_36 = tpu.memref_slice %arg2[%dma_wait3A_34, %dma_wait3A_35] : memref<2048x128xf32, #tpu.memory_space<hbm>> -> memref<2048x128xf32, #tpu.memory_space<hbm>>
      tpu.wait_indirect_dma semaphore(%arg10 : memref<!tpu.dma_semaphore, #tpu.memory_space<semaphore_mem>>) src(%dma_wait3A_36 : memref<2048x128xf32, #tpu.memory_space<hbm>>) dst(%arg8 : memref<128x128xf32, #tpu.memory_space<vmem>>)
      %mul3A_37 = arith.constant 128 : i32
      %mul3A_38 = arith.muli %add3A_33, %mul3A_37 : i32
      %add3A_39 = arith.addi %mul3A_2, %mul3A_38 : i32
      "tpu.region"() ({
        %run_scoped3A = tpu.sem_alloc : memref<!tpu.dma_semaphore, #tpu.memory_space<semaphore_mem>>
        %dma_start3A_40 = arith.constant 0 : i32
        %dma_start3A_41 = tpu.memref_slice %arg4[%add3A_39, %dma_start3A_40] : memref<32768x128xf32, #tpu.memory_space<hbm>> -> memref<128x128xf32, #tpu.memory_space<hbm>>
        %dma_start3A_42 = arith.constant 0 : i32
        %dma_start3A_43 = tpu.memref_slice %arg4[%add3A_39, %dma_start3A_42] : memref<32768x128xf32, #tpu.memory_space<hbm>> -> memref<128x128xf32, #tpu.memory_space<hbm>>
        tpu.enqueue_dma source(%arg8 : memref<128x128xf32, #tpu.memory_space<vmem>>) target(%dma_start3A_43 : memref<128x128xf32, #tpu.memory_space<hbm>>) target_semaphore(%run_scoped3A : memref<!tpu.dma_semaphore, #tpu.memory_space<semaphore_mem>>)
        %dma_wait3A_44 = arith.constant 0 : i32
        %dma_wait3A_45 = tpu.memref_slice %arg4[%add3A_39, %dma_wait3A_44] : memref<32768x128xf32, #tpu.memory_space<hbm>> -> memref<128x128xf32, #tpu.memory_space<hbm>>
        %dma_wait3A_46 = arith.constant 0 : i32
        %dma_wait3A_47 = tpu.memref_slice %arg4[%add3A_39, %dma_wait3A_46] : memref<32768x128xf32, #tpu.memory_space<hbm>> -> memref<128x128xf32, #tpu.memory_space<hbm>>
        tpu.wait_dma2 semaphore(%run_scoped3A : memref<!tpu.dma_semaphore, #tpu.memory_space<semaphore_mem>>) src(%arg8 : memref<128x128xf32, #tpu.memory_space<vmem>>) dst(%dma_wait3A_47 : memref<128x128xf32, #tpu.memory_space<hbm>>)
        tpu.yield
      }) : () -> ()
    }
    %scan3A_11 = arith.constant 4 : i32
    return
  }
}

#map = affine_map<(d0, d1) -> (0, 0)>
#map1 = affine_map<(d0, d1) -> (0)>
module attributes {stable_mosaic.version = 14 : i64} {
  func.func @_sc_gather(%arg0: i32, %arg1: i32, %arg2: memref<2048x128xf32, #tpu.memory_space<hbm>>, %arg3: memref<32768xi32, #tpu.memory_space<hbm>>, %arg4: memref<32768x128xf32, #tpu.memory_space<hbm>>, %arg5: memref<128xi32, #tpu.memory_space<vmem>>, %arg6: memref<128xi32, #tpu.memory_space<vmem>>, %arg7: memref<128x128xf32, #tpu.memory_space<vmem>>, %arg8: memref<128x128xf32, #tpu.memory_space<vmem>>, %arg9: memref<!tpu.dma_semaphore, #tpu.memory_space<semaphore_mem>>, %arg10: memref<!tpu.dma_semaphore, #tpu.memory_space<semaphore_mem>>) attributes {dimension_semantics = [#tpu.dimension_semantics<core_parallel>, #tpu.dimension_semantics<subcore_parallel>], iteration_bounds = array<i64: 2, 16>, scalar_prefetch = 0 : i64, scratch_operands = 6 : i64, tpu.core_type = #tpu.core_type<sc_vector_subcore>, window_params = [{transform_indices = #map}, {transform_indices = #map1}, {transform_indices = #map}]} {
    %mul3A = arith.constant 2 : i32
    %mul3A_0 = arith.muli %arg1, %mul3A : i32
    %add3A = arith.addi %mul3A_0, %arg0 : i32
    %mul3A_1 = arith.constant 1024 : i32
    %mul3A_2 = arith.muli %add3A, %mul3A_1 : i32
    %add3A_3 = arith.constant 0 : i32
    %add3A_4 = arith.addi %mul3A_2, %add3A_3 : i32
    "tpu.region"() ({
      %run_scoped3A = tpu.sem_alloc : memref<!tpu.dma_semaphore, #tpu.memory_space<semaphore_mem>>
      %dma_start3A_12 = tpu.memref_slice %arg3[%add3A_4] : memref<32768xi32, #tpu.memory_space<hbm>> -> memref<128xi32, #tpu.memory_space<hbm>>
      %dma_start3A_13 = tpu.memref_slice %arg3[%add3A_4] : memref<32768xi32, #tpu.memory_space<hbm>> -> memref<128xi32, #tpu.memory_space<hbm>>
      tpu.enqueue_dma source(%dma_start3A_13 : memref<128xi32, #tpu.memory_space<hbm>>) target(%arg5 : memref<128xi32, #tpu.memory_space<vmem>>) target_semaphore(%run_scoped3A : memref<!tpu.dma_semaphore, #tpu.memory_space<semaphore_mem>>)
      %dma_wait3A = tpu.memref_slice %arg3[%add3A_4] : memref<32768xi32, #tpu.memory_space<hbm>> -> memref<128xi32, #tpu.memory_space<hbm>>
      %dma_wait3A_14 = tpu.memref_slice %arg3[%add3A_4] : memref<32768xi32, #tpu.memory_space<hbm>> -> memref<128xi32, #tpu.memory_space<hbm>>
      tpu.wait_dma2 semaphore(%run_scoped3A : memref<!tpu.dma_semaphore, #tpu.memory_space<semaphore_mem>>) src(%dma_wait3A_14 : memref<128xi32, #tpu.memory_space<hbm>>) dst(%arg5 : memref<128xi32, #tpu.memory_space<vmem>>)
      tpu.yield
    }) : () -> ()
    %dma_start3A = arith.constant 0 : i32
    %dma_start3A_5 = arith.constant 0 : i32
    %dma_start3A_6 = tpu.memref_slice %arg2[%dma_start3A, %dma_start3A_5] : memref<2048x128xf32, #tpu.memory_space<hbm>> -> memref<2048x128xf32, #tpu.memory_space<hbm>>
    tpu.enqueue_indirect_dma source(%dma_start3A_6 : memref<2048x128xf32, #tpu.memory_space<hbm>>) target(%arg7 : memref<128x128xf32, #tpu.memory_space<vmem>>) offsets(%arg5 : memref<128xi32, #tpu.memory_space<vmem>>) semaphore(%arg9 : memref<!tpu.dma_semaphore, #tpu.memory_space<semaphore_mem>>)
    %scan3A = arith.constant 0 : i32
    %scan3A_7 = arith.constant 0 : i32
    %scan3A_8 = arith.constant 4 : i32
    %scan3A_9 = arith.addi %scan3A_7, %scan3A_8 : i32
    %scan3A_10 = arith.constant 1 : i32
    scf.for %scan3A_12 = %scan3A_7 to %scan3A_9 step %scan3A_10  : i32 {
      %mul3A_13 = arith.constant 2 : i32
      %mul3A_14 = arith.muli %mul3A_13, %scan3A_12 : i32
      %add3A_15 = arith.constant 1 : i32
      %add3A_16 = arith.addi %mul3A_14, %add3A_15 : i32
      %mul3A_17 = arith.constant 128 : i32
      %mul3A_18 = arith.muli %add3A_16, %mul3A_17 : i32
      %add3A_19 = arith.addi %mul3A_2, %mul3A_18 : i32
      "tpu.region"() ({
        %run_scoped3A = tpu.sem_alloc : memref<!tpu.dma_semaphore, #tpu.memory_space<semaphore_mem>>
        %dma_start3A_40 = tpu.memref_slice %arg3[%add3A_19] : memref<32768xi32, #tpu.memory_space<hbm>> -> memref<128xi32, #tpu.memory_space<hbm>>
        %dma_start3A_41 = tpu.memref_slice %arg3[%add3A_19] : memref<32768xi32, #tpu.memory_space<hbm>> -> memref<128xi32, #tpu.memory_space<hbm>>
        tpu.enqueue_dma source(%dma_start3A_41 : memref<128xi32, #tpu.memory_space<hbm>>) target(%arg6 : memref<128xi32, #tpu.memory_space<vmem>>) target_semaphore(%run_scoped3A : memref<!tpu.dma_semaphore, #tpu.memory_space<semaphore_mem>>)
        %dma_wait3A_42 = tpu.memref_slice %arg3[%add3A_19] : memref<32768xi32, #tpu.memory_space<hbm>> -> memref<128xi32, #tpu.memory_space<hbm>>
        %dma_wait3A_43 = tpu.memref_slice %arg3[%add3A_19] : memref<32768xi32, #tpu.memory_space<hbm>> -> memref<128xi32, #tpu.memory_space<hbm>>
        tpu.wait_dma2 semaphore(%run_scoped3A : memref<!tpu.dma_semaphore, #tpu.memory_space<semaphore_mem>>) src(%dma_wait3A_43 : memref<128xi32, #tpu.memory_space<hbm>>) dst(%arg6 : memref<128xi32, #tpu.memory_space<vmem>>)
        tpu.yield
      }) : () -> ()
      %dma_start3A_20 = arith.constant 0 : i32
      %dma_start3A_21 = arith.constant 0 : i32
      %dma_start3A_22 = tpu.memref_slice %arg2[%dma_start3A_20, %dma_start3A_21] : memref<2048x128xf32, #tpu.memory_space<hbm>> -> memref<2048x128xf32, #tpu.memory_space<hbm>>
      tpu.enqueue_indirect_dma source(%dma_start3A_22 : memref<2048x128xf32, #tpu.memory_space<hbm>>) target(%arg8 : memref<128x128xf32, #tpu.memory_space<vmem>>) offsets(%arg6 : memref<128xi32, #tpu.memory_space<vmem>>) semaphore(%arg10 : memref<!tpu.dma_semaphore, #tpu.memory_space<semaphore_mem>>)
      %dma_wait3A = arith.constant 0 : i32
      %dma_wait3A_23 = arith.constant 0 : i32
      %dma_wait3A_24 = tpu.memref_slice %arg2[%dma_wait3A, %dma_wait3A_23] : memref<2048x128xf32, #tpu.memory_space<hbm>> -> memref<2048x128xf32, #tpu.memory_space<hbm>>
      tpu.wait_indirect_dma semaphore(%arg9 : memref<!tpu.dma_semaphore, #tpu.memory_space<semaphore_mem>>) src(%dma_wait3A_24 : memref<2048x128xf32, #tpu.memory_space<hbm>>) dst(%arg7 : memref<128x128xf32, #tpu.memory_space<vmem>>)
      %mul3A_25 = arith.constant 128 : i32
      %mul3A_26 = arith.muli %mul3A_14, %mul3A_25 : i32
      %add3A_27 = arith.addi %mul3A_2, %mul3A_26 : i32
      "tpu.region"() ({
        %run_scoped3A = tpu.sem_alloc : memref<!tpu.dma_semaphore, #tpu.memory_space<semaphore_mem>>
        %dma_start3A_40 = arith.constant 0 : i32
        %dma_start3A_41 = tpu.memref_slice %arg4[%add3A_27, %dma_start3A_40] : memref<32768x128xf32, #tpu.memory_space<hbm>> -> memref<128x128xf32, #tpu.memory_space<hbm>>
        %dma_start3A_42 = arith.constant 0 : i32
        %dma_start3A_43 = tpu.memref_slice %arg4[%add3A_27, %dma_start3A_42] : memref<32768x128xf32, #tpu.memory_space<hbm>> -> memref<128x128xf32, #tpu.memory_space<hbm>>
        tpu.enqueue_dma source(%arg7 : memref<128x128xf32, #tpu.memory_space<vmem>>) target(%dma_start3A_43 : memref<128x128xf32, #tpu.memory_space<hbm>>) target_semaphore(%run_scoped3A : memref<!tpu.dma_semaphore, #tpu.memory_space<semaphore_mem>>)
        %dma_wait3A_44 = arith.constant 0 : i32
        %dma_wait3A_45 = tpu.memref_slice %arg4[%add3A_27, %dma_wait3A_44] : memref<32768x128xf32, #tpu.memory_space<hbm>> -> memref<128x128xf32, #tpu.memory_space<hbm>>
        %dma_wait3A_46 = arith.constant 0 : i32
        %dma_wait3A_47 = tpu.memref_slice %arg4[%add3A_27, %dma_wait3A_46] : memref<32768x128xf32, #tpu.memory_space<hbm>> -> memref<128x128xf32, #tpu.memory_space<hbm>>
        tpu.wait_dma2 semaphore(%run_scoped3A : memref<!tpu.dma_semaphore, #tpu.memory_space<semaphore_mem>>) src(%arg7 : memref<128x128xf32, #tpu.memory_space<vmem>>) dst(%dma_wait3A_47 : memref<128x128xf32, #tpu.memory_space<hbm>>)
        tpu.yield
      }) : () -> ()
      %add3A_28 = arith.constant 1 : i32
      %add3A_29 = arith.addi %scan3A_12, %add3A_28 : i32
      %lt3A = arith.constant 4 : i32
      %lt3A_30 = arith.cmpi slt, %add3A_29, %lt3A : i32
      %convert_element_type3A = arith.extui %lt3A_30 : i1 to i32
      %cond3A = arith.constant 0 : i32
      %cond3A_31 = arith.cmpi ne, %convert_element_type3A, %cond3A : i32
      scf.if %cond3A_31 {
        %add3A_40 = arith.constant 2 : i32
        %add3A_41 = arith.addi %mul3A_14, %add3A_40 : i32
        %mul3A_42 = arith.constant 128 : i32
        %mul3A_43 = arith.muli %add3A_41, %mul3A_42 : i32
        %add3A_44 = arith.addi %mul3A_2, %mul3A_43 : i32
        "tpu.region"() ({
          %run_scoped3A = tpu.sem_alloc : memref<!tpu.dma_semaphore, #tpu.memory_space<semaphore_mem>>
          %dma_start3A_48 = tpu.memref_slice %arg3[%add3A_44] : memref<32768xi32, #tpu.memory_space<hbm>> -> memref<128xi32, #tpu.memory_space<hbm>>
          %dma_start3A_49 = tpu.memref_slice %arg3[%add3A_44] : memref<32768xi32, #tpu.memory_space<hbm>> -> memref<128xi32, #tpu.memory_space<hbm>>
          tpu.enqueue_dma source(%dma_start3A_49 : memref<128xi32, #tpu.memory_space<hbm>>) target(%arg5 : memref<128xi32, #tpu.memory_space<vmem>>) target_semaphore(%run_scoped3A : memref<!tpu.dma_semaphore, #tpu.memory_space<semaphore_mem>>)
          %dma_wait3A_50 = tpu.memref_slice %arg3[%add3A_44] : memref<32768xi32, #tpu.memory_space<hbm>> -> memref<128xi32, #tpu.memory_space<hbm>>
          %dma_wait3A_51 = tpu.memref_slice %arg3[%add3A_44] : memref<32768xi32, #tpu.memory_space<hbm>> -> memref<128xi32, #tpu.memory_space<hbm>>
          tpu.wait_dma2 semaphore(%run_scoped3A : memref<!tpu.dma_semaphore, #tpu.memory_space<semaphore_mem>>) src(%dma_wait3A_51 : memref<128xi32, #tpu.memory_space<hbm>>) dst(%arg5 : memref<128xi32, #tpu.memory_space<vmem>>)
          tpu.yield
        }) : () -> ()
        %dma_start3A_45 = arith.constant 0 : i32
        %dma_start3A_46 = arith.constant 0 : i32
        %dma_start3A_47 = tpu.memref_slice %arg2[%dma_start3A_45, %dma_start3A_46] : memref<2048x128xf32, #tpu.memory_space<hbm>> -> memref<2048x128xf32, #tpu.memory_space<hbm>>
        tpu.enqueue_indirect_dma source(%dma_start3A_47 : memref<2048x128xf32, #tpu.memory_space<hbm>>) target(%arg7 : memref<128x128xf32, #tpu.memory_space<vmem>>) offsets(%arg5 : memref<128xi32, #tpu.memory_space<vmem>>) semaphore(%arg9 : memref<!tpu.dma_semaphore, #tpu.memory_space<semaphore_mem>>)
      } else {
      }
      %add3A_32 = arith.constant 1 : i32
      %add3A_33 = arith.addi %mul3A_14, %add3A_32 : i32
      %dma_wait3A_34 = arith.constant 0 : i32
      %dma_wait3A_35 = arith.constant 0 : i32
      %dma_wait3A_36 = tpu.memref_slice %arg2[%dma_wait3A_34, %dma_wait3A_35] : memref<2048x128xf32, #tpu.memory_space<hbm>> -> memref<2048x128xf32, #tpu.memory_space<hbm>>
      tpu.wait_indirect_dma semaphore(%arg10 : memref<!tpu.dma_semaphore, #tpu.memory_space<semaphore_mem>>) src(%dma_wait3A_36 : memref<2048x128xf32, #tpu.memory_space<hbm>>) dst(%arg8 : memref<128x128xf32, #tpu.memory_space<vmem>>)
      %mul3A_37 = arith.constant 128 : i32
      %mul3A_38 = arith.muli %add3A_33, %mul3A_37 : i32
      %add3A_39 = arith.addi %mul3A_2, %mul3A_38 : i32
      "tpu.region"() ({
        %run_scoped3A = tpu.sem_alloc : memref<!tpu.dma_semaphore, #tpu.memory_space<semaphore_mem>>
        %dma_start3A_40 = arith.constant 0 : i32
        %dma_start3A_41 = tpu.memref_slice %arg4[%add3A_39, %dma_start3A_40] : memref<32768x128xf32, #tpu.memory_space<hbm>> -> memref<128x128xf32, #tpu.memory_space<hbm>>
        %dma_start3A_42 = arith.constant 0 : i32
        %dma_start3A_43 = tpu.memref_slice %arg4[%add3A_39, %dma_start3A_42] : memref<32768x128xf32, #tpu.memory_space<hbm>> -> memref<128x128xf32, #tpu.memory_space<hbm>>
        tpu.enqueue_dma source(%arg8 : memref<128x128xf32, #tpu.memory_space<vmem>>) target(%dma_start3A_43 : memref<128x128xf32, #tpu.memory_space<hbm>>) target_semaphore(%run_scoped3A : memref<!tpu.dma_semaphore, #tpu.memory_space<semaphore_mem>>)
        %dma_wait3A_44 = arith.constant 0 : i32
        %dma_wait3A_45 = tpu.memref_slice %arg4[%add3A_39, %dma_wait3A_44] : memref<32768x128xf32, #tpu.memory_space<hbm>> -> memref<128x128xf32, #tpu.memory_space<hbm>>
        %dma_wait3A_46 = arith.constant 0 : i32
        %dma_wait3A_47 = tpu.memref_slice %arg4[%add3A_39, %dma_wait3A_46] : memref<32768x128xf32, #tpu.memory_space<hbm>> -> memref<128x128xf32, #tpu.memory_space<hbm>>
        tpu.wait_dma2 semaphore(%run_scoped3A : memref<!tpu.dma_semaphore, #tpu.memory_space<semaphore_mem>>) src(%arg8 : memref<128x128xf32, #tpu.memory_space<vmem>>) dst(%dma_wait3A_47 : memref<128x128xf32, #tpu.memory_space<hbm>>)
        tpu.yield
      }) : () -> ()
    }
    %scan3A_11 = arith.constant 4 : i32
    return
  }
}

#map = affine_map<(d0, d1) -> (0, 0)>
#map1 = affine_map<(d0, d1) -> (0)>
module attributes {stable_mosaic.version = 14 : i64} {
  func.func @_sc_gather(%arg0: i32, %arg1: i32, %arg2: memref<2048x128xf32, #tpu.memory_space<hbm>>, %arg3: memref<32768xi32, #tpu.memory_space<hbm>>, %arg4: memref<32768x128xf32, #tpu.memory_space<hbm>>, %arg5: memref<128xi32, #tpu.memory_space<vmem>>, %arg6: memref<128xi32, #tpu.memory_space<vmem>>, %arg7: memref<128x128xf32, #tpu.memory_space<vmem>>, %arg8: memref<128x128xf32, #tpu.memory_space<vmem>>, %arg9: memref<!tpu.dma_semaphore, #tpu.memory_space<semaphore_mem>>, %arg10: memref<!tpu.dma_semaphore, #tpu.memory_space<semaphore_mem>>) attributes {dimension_semantics = [#tpu.dimension_semantics<core_parallel>, #tpu.dimension_semantics<subcore_parallel>], iteration_bounds = array<i64: 2, 16>, scalar_prefetch = 0 : i64, scratch_operands = 6 : i64, tpu.core_type = #tpu.core_type<sc_vector_subcore>, window_params = [{transform_indices = #map}, {transform_indices = #map1}, {transform_indices = #map}]} {
    %mul3A = arith.constant 2 : i32
    %mul3A_0 = arith.muli %arg1, %mul3A : i32
    %add3A = arith.addi %mul3A_0, %arg0 : i32
    %mul3A_1 = arith.constant 1024 : i32
    %mul3A_2 = arith.muli %add3A, %mul3A_1 : i32
    %add3A_3 = arith.constant 0 : i32
    %add3A_4 = arith.addi %mul3A_2, %add3A_3 : i32
    "tpu.region"() ({
      %run_scoped3A = tpu.sem_alloc : memref<!tpu.dma_semaphore, #tpu.memory_space<semaphore_mem>>
      %dma_start3A_12 = tpu.memref_slice %arg3[%add3A_4] : memref<32768xi32, #tpu.memory_space<hbm>> -> memref<128xi32, #tpu.memory_space<hbm>>
      %dma_start3A_13 = tpu.memref_slice %arg3[%add3A_4] : memref<32768xi32, #tpu.memory_space<hbm>> -> memref<128xi32, #tpu.memory_space<hbm>>
      tpu.enqueue_dma source(%dma_start3A_13 : memref<128xi32, #tpu.memory_space<hbm>>) target(%arg5 : memref<128xi32, #tpu.memory_space<vmem>>) target_semaphore(%run_scoped3A : memref<!tpu.dma_semaphore, #tpu.memory_space<semaphore_mem>>)
      %dma_wait3A = tpu.memref_slice %arg3[%add3A_4] : memref<32768xi32, #tpu.memory_space<hbm>> -> memref<128xi32, #tpu.memory_space<hbm>>
      %dma_wait3A_14 = tpu.memref_slice %arg3[%add3A_4] : memref<32768xi32, #tpu.memory_space<hbm>> -> memref<128xi32, #tpu.memory_space<hbm>>
      tpu.wait_dma2 semaphore(%run_scoped3A : memref<!tpu.dma_semaphore, #tpu.memory_space<semaphore_mem>>) src(%dma_wait3A_14 : memref<128xi32, #tpu.memory_space<hbm>>) dst(%arg5 : memref<128xi32, #tpu.memory_space<vmem>>)
      tpu.yield
    }) : () -> ()
    %dma_start3A = arith.constant 0 : i32
    %dma_start3A_5 = arith.constant 0 : i32
    %dma_start3A_6 = tpu.memref_slice %arg2[%dma_start3A, %dma_start3A_5] : memref<2048x128xf32, #tpu.memory_space<hbm>> -> memref<2048x128xf32, #tpu.memory_space<hbm>>
    tpu.enqueue_indirect_dma source(%dma_start3A_6 : memref<2048x128xf32, #tpu.memory_space<hbm>>) target(%arg7 : memref<128x128xf32, #tpu.memory_space<vmem>>) offsets(%arg5 : memref<128xi32, #tpu.memory_space<vmem>>) semaphore(%arg9 : memref<!tpu.dma_semaphore, #tpu.memory_space<semaphore_mem>>)
    %scan3A = arith.constant 0 : i32
    %scan3A_7 = arith.constant 0 : i32
    %scan3A_8 = arith.constant 4 : i32
    %scan3A_9 = arith.addi %scan3A_7, %scan3A_8 : i32
    %scan3A_10 = arith.constant 1 : i32
    scf.for %scan3A_12 = %scan3A_7 to %scan3A_9 step %scan3A_10  : i32 {
      %mul3A_13 = arith.constant 2 : i32
      %mul3A_14 = arith.muli %mul3A_13, %scan3A_12 : i32
      %add3A_15 = arith.constant 1 : i32
      %add3A_16 = arith.addi %mul3A_14, %add3A_15 : i32
      %mul3A_17 = arith.constant 128 : i32
      %mul3A_18 = arith.muli %add3A_16, %mul3A_17 : i32
      %add3A_19 = arith.addi %mul3A_2, %mul3A_18 : i32
      "tpu.region"() ({
        %run_scoped3A = tpu.sem_alloc : memref<!tpu.dma_semaphore, #tpu.memory_space<semaphore_mem>>
        %dma_start3A_40 = tpu.memref_slice %arg3[%add3A_19] : memref<32768xi32, #tpu.memory_space<hbm>> -> memref<128xi32, #tpu.memory_space<hbm>>
        %dma_start3A_41 = tpu.memref_slice %arg3[%add3A_19] : memref<32768xi32, #tpu.memory_space<hbm>> -> memref<128xi32, #tpu.memory_space<hbm>>
        tpu.enqueue_dma source(%dma_start3A_41 : memref<128xi32, #tpu.memory_space<hbm>>) target(%arg6 : memref<128xi32, #tpu.memory_space<vmem>>) target_semaphore(%run_scoped3A : memref<!tpu.dma_semaphore, #tpu.memory_space<semaphore_mem>>)
        %dma_wait3A_42 = tpu.memref_slice %arg3[%add3A_19] : memref<32768xi32, #tpu.memory_space<hbm>> -> memref<128xi32, #tpu.memory_space<hbm>>
        %dma_wait3A_43 = tpu.memref_slice %arg3[%add3A_19] : memref<32768xi32, #tpu.memory_space<hbm>> -> memref<128xi32, #tpu.memory_space<hbm>>
        tpu.wait_dma2 semaphore(%run_scoped3A : memref<!tpu.dma_semaphore, #tpu.memory_space<semaphore_mem>>) src(%dma_wait3A_43 : memref<128xi32, #tpu.memory_space<hbm>>) dst(%arg6 : memref<128xi32, #tpu.memory_space<vmem>>)
        tpu.yield
      }) : () -> ()
      %dma_start3A_20 = arith.constant 0 : i32
      %dma_start3A_21 = arith.constant 0 : i32
      %dma_start3A_22 = tpu.memref_slice %arg2[%dma_start3A_20, %dma_start3A_21] : memref<2048x128xf32, #tpu.memory_space<hbm>> -> memref<2048x128xf32, #tpu.memory_space<hbm>>
      tpu.enqueue_indirect_dma source(%dma_start3A_22 : memref<2048x128xf32, #tpu.memory_space<hbm>>) target(%arg8 : memref<128x128xf32, #tpu.memory_space<vmem>>) offsets(%arg6 : memref<128xi32, #tpu.memory_space<vmem>>) semaphore(%arg10 : memref<!tpu.dma_semaphore, #tpu.memory_space<semaphore_mem>>)
      %dma_wait3A = arith.constant 0 : i32
      %dma_wait3A_23 = arith.constant 0 : i32
      %dma_wait3A_24 = tpu.memref_slice %arg2[%dma_wait3A, %dma_wait3A_23] : memref<2048x128xf32, #tpu.memory_space<hbm>> -> memref<2048x128xf32, #tpu.memory_space<hbm>>
      tpu.wait_indirect_dma semaphore(%arg9 : memref<!tpu.dma_semaphore, #tpu.memory_space<semaphore_mem>>) src(%dma_wait3A_24 : memref<2048x128xf32, #tpu.memory_space<hbm>>) dst(%arg7 : memref<128x128xf32, #tpu.memory_space<vmem>>)
      %mul3A_25 = arith.constant 128 : i32
      %mul3A_26 = arith.muli %mul3A_14, %mul3A_25 : i32
      %add3A_27 = arith.addi %mul3A_2, %mul3A_26 : i32
      "tpu.region"() ({
        %run_scoped3A = tpu.sem_alloc : memref<!tpu.dma_semaphore, #tpu.memory_space<semaphore_mem>>
        %dma_start3A_40 = arith.constant 0 : i32
        %dma_start3A_41 = tpu.memref_slice %arg4[%add3A_27, %dma_start3A_40] : memref<32768x128xf32, #tpu.memory_space<hbm>> -> memref<128x128xf32, #tpu.memory_space<hbm>>
        %dma_start3A_42 = arith.constant 0 : i32
        %dma_start3A_43 = tpu.memref_slice %arg4[%add3A_27, %dma_start3A_42] : memref<32768x128xf32, #tpu.memory_space<hbm>> -> memref<128x128xf32, #tpu.memory_space<hbm>>
        tpu.enqueue_dma source(%arg7 : memref<128x128xf32, #tpu.memory_space<vmem>>) target(%dma_start3A_43 : memref<128x128xf32, #tpu.memory_space<hbm>>) target_semaphore(%run_scoped3A : memref<!tpu.dma_semaphore, #tpu.memory_space<semaphore_mem>>)
        %dma_wait3A_44 = arith.constant 0 : i32
        %dma_wait3A_45 = tpu.memref_slice %arg4[%add3A_27, %dma_wait3A_44] : memref<32768x128xf32, #tpu.memory_space<hbm>> -> memref<128x128xf32, #tpu.memory_space<hbm>>
        %dma_wait3A_46 = arith.constant 0 : i32
        %dma_wait3A_47 = tpu.memref_slice %arg4[%add3A_27, %dma_wait3A_46] : memref<32768x128xf32, #tpu.memory_space<hbm>> -> memref<128x128xf32, #tpu.memory_space<hbm>>
        tpu.wait_dma2 semaphore(%run_scoped3A : memref<!tpu.dma_semaphore, #tpu.memory_space<semaphore_mem>>) src(%arg7 : memref<128x128xf32, #tpu.memory_space<vmem>>) dst(%dma_wait3A_47 : memref<128x128xf32, #tpu.memory_space<hbm>>)
        tpu.yield
      }) : () -> ()
      %add3A_28 = arith.constant 1 : i32
      %add3A_29 = arith.addi %scan3A_12, %add3A_28 : i32
      %lt3A = arith.constant 4 : i32
      %lt3A_30 = arith.cmpi slt, %add3A_29, %lt3A : i32
      %convert_element_type3A = arith.extui %lt3A_30 : i1 to i32
      %cond3A = arith.constant 0 : i32
      %cond3A_31 = arith.cmpi ne, %convert_element_type3A, %cond3A : i32
      scf.if %cond3A_31 {
        %add3A_40 = arith.constant 2 : i32
        %add3A_41 = arith.addi %mul3A_14, %add3A_40 : i32
        %mul3A_42 = arith.constant 128 : i32
        %mul3A_43 = arith.muli %add3A_41, %mul3A_42 : i32
        %add3A_44 = arith.addi %mul3A_2, %mul3A_43 : i32
        "tpu.region"() ({
          %run_scoped3A = tpu.sem_alloc : memref<!tpu.dma_semaphore, #tpu.memory_space<semaphore_mem>>
          %dma_start3A_48 = tpu.memref_slice %arg3[%add3A_44] : memref<32768xi32, #tpu.memory_space<hbm>> -> memref<128xi32, #tpu.memory_space<hbm>>
          %dma_start3A_49 = tpu.memref_slice %arg3[%add3A_44] : memref<32768xi32, #tpu.memory_space<hbm>> -> memref<128xi32, #tpu.memory_space<hbm>>
          tpu.enqueue_dma source(%dma_start3A_49 : memref<128xi32, #tpu.memory_space<hbm>>) target(%arg5 : memref<128xi32, #tpu.memory_space<vmem>>) target_semaphore(%run_scoped3A : memref<!tpu.dma_semaphore, #tpu.memory_space<semaphore_mem>>)
          %dma_wait3A_50 = tpu.memref_slice %arg3[%add3A_44] : memref<32768xi32, #tpu.memory_space<hbm>> -> memref<128xi32, #tpu.memory_space<hbm>>
          %dma_wait3A_51 = tpu.memref_slice %arg3[%add3A_44] : memref<32768xi32, #tpu.memory_space<hbm>> -> memref<128xi32, #tpu.memory_space<hbm>>
          tpu.wait_dma2 semaphore(%run_scoped3A : memref<!tpu.dma_semaphore, #tpu.memory_space<semaphore_mem>>) src(%dma_wait3A_51 : memref<128xi32, #tpu.memory_space<hbm>>) dst(%arg5 : memref<128xi32, #tpu.memory_space<vmem>>)
          tpu.yield
        }) : () -> ()
        %dma_start3A_45 = arith.constant 0 : i32
        %dma_start3A_46 = arith.constant 0 : i32
        %dma_start3A_47 = tpu.memref_slice %arg2[%dma_start3A_45, %dma_start3A_46] : memref<2048x128xf32, #tpu.memory_space<hbm>> -> memref<2048x128xf32, #tpu.memory_space<hbm>>
        tpu.enqueue_indirect_dma source(%dma_start3A_47 : memref<2048x128xf32, #tpu.memory_space<hbm>>) target(%arg7 : memref<128x128xf32, #tpu.memory_space<vmem>>) offsets(%arg5 : memref<128xi32, #tpu.memory_space<vmem>>) semaphore(%arg9 : memref<!tpu.dma_semaphore, #tpu.memory_space<semaphore_mem>>)
      } else {
      }
      %add3A_32 = arith.constant 1 : i32
      %add3A_33 = arith.addi %mul3A_14, %add3A_32 : i32
      %dma_wait3A_34 = arith.constant 0 : i32
      %dma_wait3A_35 = arith.constant 0 : i32
      %dma_wait3A_36 = tpu.memref_slice %arg2[%dma_wait3A_34, %dma_wait3A_35] : memref<2048x128xf32, #tpu.memory_space<hbm>> -> memref<2048x128xf32, #tpu.memory_space<hbm>>
      tpu.wait_indirect_dma semaphore(%arg10 : memref<!tpu.dma_semaphore, #tpu.memory_space<semaphore_mem>>) src(%dma_wait3A_36 : memref<2048x128xf32, #tpu.memory_space<hbm>>) dst(%arg8 : memref<128x128xf32, #tpu.memory_space<vmem>>)
      %mul3A_37 = arith.constant 128 : i32
      %mul3A_38 = arith.muli %add3A_33, %mul3A_37 : i32
      %add3A_39 = arith.addi %mul3A_2, %mul3A_38 : i32
      "tpu.region"() ({
        %run_scoped3A = tpu.sem_alloc : memref<!tpu.dma_semaphore, #tpu.memory_space<semaphore_mem>>
        %dma_start3A_40 = arith.constant 0 : i32
        %dma_start3A_41 = tpu.memref_slice %arg4[%add3A_39, %dma_start3A_40] : memref<32768x128xf32, #tpu.memory_space<hbm>> -> memref<128x128xf32, #tpu.memory_space<hbm>>
        %dma_start3A_42 = arith.constant 0 : i32
        %dma_start3A_43 = tpu.memref_slice %arg4[%add3A_39, %dma_start3A_42] : memref<32768x128xf32, #tpu.memory_space<hbm>> -> memref<128x128xf32, #tpu.memory_space<hbm>>
        tpu.enqueue_dma source(%arg8 : memref<128x128xf32, #tpu.memory_space<vmem>>) target(%dma_start3A_43 : memref<128x128xf32, #tpu.memory_space<hbm>>) target_semaphore(%run_scoped3A : memref<!tpu.dma_semaphore, #tpu.memory_space<semaphore_mem>>)
        %dma_wait3A_44 = arith.constant 0 : i32
        %dma_wait3A_45 = tpu.memref_slice %arg4[%add3A_39, %dma_wait3A_44] : memref<32768x128xf32, #tpu.memory_space<hbm>> -> memref<128x128xf32, #tpu.memory_space<hbm>>
        %dma_wait3A_46 = arith.constant 0 : i32
        %dma_wait3A_47 = tpu.memref_slice %arg4[%add3A_39, %dma_wait3A_46] : memref<32768x128xf32, #tpu.memory_space<hbm>> -> memref<128x128xf32, #tpu.memory_space<hbm>>
        tpu.wait_dma2 semaphore(%run_scoped3A : memref<!tpu.dma_semaphore, #tpu.memory_space<semaphore_mem>>) src(%arg8 : memref<128x128xf32, #tpu.memory_space<vmem>>) dst(%dma_wait3A_47 : memref<128x128xf32, #tpu.memory_space<hbm>>)
        tpu.yield
      }) : () -> ()
    }
    %scan3A_11 = arith.constant 4 : i32
    return
  }
}

module attributes {stable_mosaic.version = 14 : i64} {
  func.func @_proj_body(%arg0: i32, %arg1: memref<1x2048x3xf32, #tpu.memory_space<vmem>>, %arg2: memref<1x2048x32xf32, #tpu.memory_space<vmem>>, %arg3: memref<32x64xf32, #tpu.memory_space<vmem>>, %arg4: memref<1x64xf32, #tpu.memory_space<vmem>>, %arg5: memref<1x64xf32, #tpu.memory_space<vmem>>, %arg6: memref<1x64xf32, #tpu.memory_space<vmem>>, %arg7: memref<64x64xf32, #tpu.memory_space<vmem>>, %arg8: memref<64x64xf32, #tpu.memory_space<vmem>>, %arg9: memref<64x64xf32, #tpu.memory_space<vmem>>, %arg10: memref<1x2048x64xf32, #tpu.memory_space<vmem>>, %arg11: memref<1x2048x64xf32, #tpu.memory_space<vmem>>, %arg12: memref<1x2048x16xf32, #tpu.memory_space<vmem>>, %arg13: memref<1x1x2048xf32, #tpu.memory_space<vmem>>, %arg14: memref<1x2048x128xf32, #tpu.memory_space<vmem>>) attributes {dimension_semantics = [#tpu.dimension_semantics<parallel>], iteration_bounds = array<i64: 4>, scalar_prefetch = 0 : i64, scratch_operands = 0 : i64, tpu.core_type = #tpu.core_type<tc>, window_params = [{transform_indices = @transform_0, window_bounds = array<i64: 1, 2048, 3>}, {transform_indices = @transform_1, window_bounds = array<i64: 1, 2048, 32>}, {pipeline_mode = #tpu.pipeline_mode<synchronous>, transform_indices = @transform_2, window_bounds = array<i64: 32, 64>}, {pipeline_mode = #tpu.pipeline_mode<synchronous>, transform_indices = @transform_3, window_bounds = array<i64: 1, 64>}, {pipeline_mode = #tpu.pipeline_mode<synchronous>, transform_indices = @transform_4, window_bounds = array<i64: 1, 64>}, {pipeline_mode = #tpu.pipeline_mode<synchronous>, transform_indices = @transform_5, window_bounds = array<i64: 1, 64>}, {pipeline_mode = #tpu.pipeline_mode<synchronous>, transform_indices = @transform_6, window_bounds = array<i64: 64, 64>}, {pipeline_mode = #tpu.pipeline_mode<synchronous>, transform_indices = @transform_7, window_bounds = array<i64: 64, 64>}, {pipeline_mode = #tpu.pipeline_mode<synchronous>, transform_indices = @transform_8, window_bounds = array<i64: 64, 64>}, {transform_indices = @transform_9, window_bounds = array<i64: 1, 2048, 64>}, {transform_indices = @transform_10, window_bounds = array<i64: 1, 2048, 64>}, {transform_indices = @transform_11, window_bounds = array<i64: 1, 2048, 16>}, {transform_indices = @transform_12, window_bounds = array<i64: 1, 1, 2048>}, {transform_indices = @transform_13, window_bounds = array<i64: 1, 2048, 128>}]} {
    %get3A = arith.constant 0 : index
    %get3A_0 = arith.constant 0 : index
    %get3A_1 = arith.constant 0 : index
    %get3A_2 = vector.load %arg1[%get3A, %get3A_0, %get3A_1] : memref<1x2048x3xf32, #tpu.memory_space<vmem>>, vector<1x2048x3xf32>
    %get3A_3 = vector.shape_cast %get3A_2 : vector<1x2048x3xf32> to vector<2048x3xf32>
    %get3A_4 = arith.constant 0 : index
    %get3A_5 = arith.constant 0 : index
    %get3A_6 = arith.constant 0 : index
    %get3A_7 = vector.load %arg2[%get3A_4, %get3A_5, %get3A_6] : memref<1x2048x32xf32, #tpu.memory_space<vmem>>, vector<1x2048x32xf32>
    %get3A_8 = vector.shape_cast %get3A_7 : vector<1x2048x32xf32> to vector<2048x32xf32>
    %get3A_9 = arith.constant 0 : index
    %get3A_10 = arith.constant 0 : index
    %get3A_11 = vector.load %arg3[%get3A_9, %get3A_10] : memref<32x64xf32, #tpu.memory_space<vmem>>, vector<32x64xf32>
    %dot_general3A = arith.constant dense<0.000000e+00> : vector<2048x64xf32>
    %dot_general3A_12 = tpu.matmul %get3A_8, %get3A_11, %dot_general3A {dimension_numbers = #tpu.dot_dimension_numbers<[1], [0], [0], [1], [0, 0, 1, 1], [], []>, transpose_lhs_hint = false} : vector<2048x32xf32>, vector<32x64xf32>, vector<2048x64xf32> -> vector<2048x64xf32>
    %get3A_13 = arith.constant 0 : index
    %get3A_14 = arith.constant 0 : index
    %get3A_15 = vector.load %arg4[%get3A_13, %get3A_14] : memref<1x64xf32, #tpu.memory_space<vmem>>, vector<1x64xf32>
    %add3A = vector.broadcast %get3A_15 : vector<1x64xf32> to vector<2048x64xf32>
    %add3A_16 = arith.addf %dot_general3A_12, %add3A : vector<2048x64xf32>
    %get3A_17 = arith.constant 0 : index
    %get3A_18 = arith.constant 0 : index
    %get3A_19 = vector.load %arg5[%get3A_17, %get3A_18] : memref<1x64xf32, #tpu.memory_space<vmem>>, vector<1x64xf32>
    %get3A_20 = arith.constant 0 : index
    %get3A_21 = arith.constant 0 : index
    %get3A_22 = vector.load %arg6[%get3A_20, %get3A_21] : memref<1x64xf32, #tpu.memory_space<vmem>>, vector<1x64xf32>
    %reduce_sum3A = arith.constant dense<0.000000e+00> : vector<2048xf32>
    %reduce_sum3A_23 = vector.multi_reduction <add>, %add3A_16, %reduce_sum3A [1] : vector<2048x64xf32> to vector<2048xf32>
    %broadcast_in_dim3A = vector.shape_cast %reduce_sum3A_23 : vector<2048xf32> to vector<2048x1xf32>
    %div3A = arith.constant 6.400000e+01 : f32
    %div3A_24 = vector.broadcast %div3A : f32 to vector<2048x1xf32>
    %div3A_25 = arith.divf %broadcast_in_dim3A, %div3A_24 : vector<2048x1xf32>
    %sub3A = vector.broadcast %div3A_25 : vector<2048x1xf32> to vector<2048x64xf32>
    %sub3A_26 = arith.subf %add3A_16, %sub3A : vector<2048x64xf32>
    %integer_pow3A = arith.mulf %sub3A_26, %sub3A_26 : vector<2048x64xf32>
    %reduce_sum3A_27 = arith.constant dense<0.000000e+00> : vector<2048xf32>
    %reduce_sum3A_28 = vector.multi_reduction <add>, %integer_pow3A, %reduce_sum3A_27 [1] : vector<2048x64xf32> to vector<2048xf32>
    %broadcast_in_dim3A_29 = vector.shape_cast %reduce_sum3A_28 : vector<2048xf32> to vector<2048x1xf32>
    %div3A_30 = arith.constant 6.400000e+01 : f32
    %div3A_31 = vector.broadcast %div3A_30 : f32 to vector<2048x1xf32>
    %div3A_32 = arith.divf %broadcast_in_dim3A_29, %div3A_31 : vector<2048x1xf32>
    %sub3A_33 = vector.broadcast %div3A_25 : vector<2048x1xf32> to vector<2048x64xf32>
    %sub3A_34 = arith.subf %add3A_16, %sub3A_33 : vector<2048x64xf32>
    %add3A_35 = arith.constant 9.99999974E-6 : f32
    %add3A_36 = vector.broadcast %add3A_35 : f32 to vector<2048x1xf32>
    %add3A_37 = arith.addf %div3A_32, %add3A_36 : vector<2048x1xf32>
    %rsqrt3A = math.rsqrt %add3A_37 : vector<2048x1xf32>
    %mul3A = vector.broadcast %rsqrt3A : vector<2048x1xf32> to vector<2048x64xf32>
    %mul3A_38 = arith.mulf %sub3A_34, %mul3A : vector<2048x64xf32>
    %mul3A_39 = vector.broadcast %get3A_19 : vector<1x64xf32> to vector<2048x64xf32>
    %mul3A_40 = arith.mulf %mul3A_38, %mul3A_39 : vector<2048x64xf32>
    %add3A_41 = vector.broadcast %get3A_22 : vector<1x64xf32> to vector<2048x64xf32>
    %add3A_42 = arith.addf %mul3A_40, %add3A_41 : vector<2048x64xf32>
    %get3A_43 = arith.constant 0 : index
    %get3A_44 = arith.constant 0 : index
    %get3A_45 = vector.load %arg7[%get3A_43, %get3A_44] : memref<64x64xf32, #tpu.memory_space<vmem>>, vector<64x64xf32>
    %dot_general3A_46 = arith.constant dense<0.000000e+00> : vector<2048x64xf32>
    %dot_general3A_47 = tpu.matmul %add3A_42, %get3A_45, %dot_general3A_46 {dimension_numbers = #tpu.dot_dimension_numbers<[1], [0], [0], [1], [0, 0, 1, 1], [], []>, transpose_lhs_hint = false} : vector<2048x64xf32>, vector<64x64xf32>, vector<2048x64xf32> -> vector<2048x64xf32>
    %swap3A = arith.constant 0 : index
    %swap3A_48 = arith.constant 0 : index
    %swap3A_49 = arith.constant 0 : index
    %swap3A_50 = vector.load %arg10[%swap3A, %swap3A_48, %swap3A_49] : memref<1x2048x64xf32, #tpu.memory_space<vmem>>, vector<1x2048x64xf32>
    %swap3A_51 = vector.shape_cast %swap3A_50 : vector<1x2048x64xf32> to vector<2048x64xf32>
    %swap3A_52 = vector.shape_cast %dot_general3A_47 : vector<2048x64xf32> to vector<1x2048x64xf32>
    tpu.vector_store %arg10[%swap3A, %swap3A_48, %swap3A_49], %swap3A_52 {strides = array<i32>} : memref<1x2048x64xf32, #tpu.memory_space<vmem>>, vector<1x2048x64xf32>,
    %get3A_53 = arith.constant 0 : index
    %get3A_54 = arith.constant 0 : index
    %get3A_55 = vector.load %arg8[%get3A_53, %get3A_54] : memref<64x64xf32, #tpu.memory_space<vmem>>, vector<64x64xf32>
    %dot_general3A_56 = arith.constant dense<0.000000e+00> : vector<2048x64xf32>
    %dot_general3A_57 = tpu.matmul %add3A_42, %get3A_55, %dot_general3A_56 {dimension_numbers = #tpu.dot_dimension_numbers<[1], [0], [0], [1], [0, 0, 1, 1], [], []>, transpose_lhs_hint = false} : vector<2048x64xf32>, vector<64x64xf32>, vector<2048x64xf32> -> vector<2048x64xf32>
    %swap3A_58 = arith.constant 0 : index
    %swap3A_59 = arith.constant 0 : index
    %swap3A_60 = arith.constant 0 : index
    %swap3A_61 = vector.load %arg11[%swap3A_58, %swap3A_59, %swap3A_60] : memref<1x2048x64xf32, #tpu.memory_space<vmem>>, vector<1x2048x64xf32>
    %swap3A_62 = vector.shape_cast %swap3A_61 : vector<1x2048x64xf32> to vector<2048x64xf32>
    %swap3A_63 = vector.shape_cast %dot_general3A_57 : vector<2048x64xf32> to vector<1x2048x64xf32>
    tpu.vector_store %arg11[%swap3A_58, %swap3A_59, %swap3A_60], %swap3A_63 {strides = array<i32>} : memref<1x2048x64xf32, #tpu.memory_space<vmem>>, vector<1x2048x64xf32>,
    %get3A_64 = arith.constant 0 : index
    %get3A_65 = arith.constant 0 : index
    %get3A_66 = vector.load %arg9[%get3A_64, %get3A_65] : memref<64x64xf32, #tpu.memory_space<vmem>>, vector<64x64xf32>
    %dot_general3A_67 = arith.constant dense<0.000000e+00> : vector<2048x64xf32>
    %dot_general3A_68 = tpu.matmul %add3A_42, %get3A_66, %dot_general3A_67 {dimension_numbers = #tpu.dot_dimension_numbers<[1], [0], [0], [1], [0, 0, 1, 1], [], []>, transpose_lhs_hint = false} : vector<2048x64xf32>, vector<64x64xf32>, vector<2048x64xf32> -> vector<2048x64xf32>
    %mul3A_69 = arith.mulf %get3A_3, %get3A_3 : vector<2048x3xf32>
    %reduce_sum3A_70 = arith.constant dense<0.000000e+00> : vector<2048xf32>
    %reduce_sum3A_71 = vector.multi_reduction <add>, %mul3A_69, %reduce_sum3A_70 [1] : vector<2048x3xf32> to vector<2048xf32>
    %broadcast_in_dim3A_72 = vector.shape_cast %reduce_sum3A_71 : vector<2048xf32> to vector<2048x1xf32>
    %broadcast_in_dim3A_73 = arith.constant 0.000000e+00 : f32
    %broadcast_in_dim3A_74 = vector.broadcast %broadcast_in_dim3A_73 : f32 to vector<2048x12xf32>
    %concatenate3A = tpu.concatenate %get3A_3, %broadcast_in_dim3A_72, %broadcast_in_dim3A_74 in 1 : vector<2048x3xf32>, vector<2048x1xf32>, vector<2048x12xf32> -> vector<2048x16xf32>
    %swap3A_75 = arith.constant 0 : index
    %swap3A_76 = arith.constant 0 : index
    %swap3A_77 = arith.constant 0 : index
    %swap3A_78 = vector.load %arg12[%swap3A_75, %swap3A_76, %swap3A_77] : memref<1x2048x16xf32, #tpu.memory_space<vmem>>, vector<1x2048x16xf32>
    %swap3A_79 = vector.shape_cast %swap3A_78 : vector<1x2048x16xf32> to vector<2048x16xf32>
    %swap3A_80 = vector.shape_cast %concatenate3A : vector<2048x16xf32> to vector<1x2048x16xf32>
    tpu.vector_store %arg12[%swap3A_75, %swap3A_76, %swap3A_77], %swap3A_80 {strides = array<i32>} : memref<1x2048x16xf32, #tpu.memory_space<vmem>>, vector<1x2048x16xf32>,
    %reshape3A = vector.shape_cast %broadcast_in_dim3A_72 : vector<2048x1xf32> to vector<1x2048xf32>
    %swap3A_81 = arith.constant 0 : index
    %swap3A_82 = arith.constant 0 : index
    %swap3A_83 = arith.constant 0 : index
    %swap3A_84 = vector.load %arg13[%swap3A_81, %swap3A_82, %swap3A_83] : memref<1x1x2048xf32, #tpu.memory_space<vmem>>, vector<1x1x2048xf32>
    %swap3A_85 = vector.shape_cast %swap3A_84 : vector<1x1x2048xf32> to vector<1x2048xf32>
    %swap3A_86 = vector.shape_cast %reshape3A : vector<1x2048xf32> to vector<1x1x2048xf32>
    tpu.vector_store %arg13[%swap3A_81, %swap3A_82, %swap3A_83], %swap3A_86 {strides = array<i32>} : memref<1x1x2048xf32, #tpu.memory_space<vmem>>, vector<1x1x2048xf32>,
    %broadcast_in_dim3A_87 = arith.constant 0.000000e+00 : f32
    %broadcast_in_dim3A_88 = vector.broadcast %broadcast_in_dim3A_87 : f32 to vector<2048x48xf32>
    %concatenate3A_89 = tpu.concatenate %dot_general3A_68, %concatenate3A, %broadcast_in_dim3A_88 in 1 : vector<2048x64xf32>, vector<2048x16xf32>, vector<2048x48xf32> -> vector<2048x128xf32>
    %swap3A_90 = arith.constant 0 : index
    %swap3A_91 = arith.constant 0 : index
    %swap3A_92 = arith.constant 0 : index
    %swap3A_93 = vector.load %arg14[%swap3A_90, %swap3A_91, %swap3A_92] : memref<1x2048x128xf32, #tpu.memory_space<vmem>>, vector<1x2048x128xf32>
    %swap3A_94 = vector.shape_cast %swap3A_93 : vector<1x2048x128xf32> to vector<2048x128xf32>
    %swap3A_95 = vector.shape_cast %concatenate3A_89 : vector<2048x128xf32> to vector<1x2048x128xf32>
    tpu.vector_store %arg14[%swap3A_90, %swap3A_91, %swap3A_92], %swap3A_95 {strides = array<i32>} : memref<1x2048x128xf32, #tpu.memory_space<vmem>>, vector<1x2048x128xf32>,
    return
  }
  func.func @transform_0(%arg0: i32) -> (i32, i32, i32) {
    %c0_i32 = arith.constant 0 : i32
    %c0_i32_0 = arith.constant 0 : i32
    %c0_i32_1 = arith.constant 0 : i32
    return %arg0, %c0_i32, %c0_i32_0 : i32, i32, i32
  }
  func.func @transform_1(%arg0: i32) -> (i32, i32, i32) {
    %c0_i32 = arith.constant 0 : i32
    %c0_i32_0 = arith.constant 0 : i32
    %c0_i32_1 = arith.constant 0 : i32
    return %arg0, %c0_i32, %c0_i32_0 : i32, i32, i32
  }
  func.func @transform_2(%arg0: i32) -> (i32, i32) {
    %c0_i32 = arith.constant 0 : i32
    %c0_i32_0 = arith.constant 0 : i32
    %c0_i32_1 = arith.constant 0 : i32
    return %c0_i32, %c0_i32_0 : i32, i32
  }
  func.func @transform_3(%arg0: i32) -> (i32, i32) {
    %c0_i32 = arith.constant 0 : i32
    %c0_i32_0 = arith.constant 0 : i32
    %c0_i32_1 = arith.constant 0 : i32
    return %c0_i32, %c0_i32_0 : i32, i32
  }
  func.func @transform_4(%arg0: i32) -> (i32, i32) {
    %c0_i32 = arith.constant 0 : i32
    %c0_i32_0 = arith.constant 0 : i32
    %c0_i32_1 = arith.constant 0 : i32
    return %c0_i32, %c0_i32_0 : i32, i32
  }
  func.func @transform_5(%arg0: i32) -> (i32, i32) {
    %c0_i32 = arith.constant 0 : i32
    %c0_i32_0 = arith.constant 0 : i32
    %c0_i32_1 = arith.constant 0 : i32
    return %c0_i32, %c0_i32_0 : i32, i32
  }
  func.func @transform_6(%arg0: i32) -> (i32, i32) {
    %c0_i32 = arith.constant 0 : i32
    %c0_i32_0 = arith.constant 0 : i32
    %c0_i32_1 = arith.constant 0 : i32
    return %c0_i32, %c0_i32_0 : i32, i32
  }
  func.func @transform_7(%arg0: i32) -> (i32, i32) {
    %c0_i32 = arith.constant 0 : i32
    %c0_i32_0 = arith.constant 0 : i32
    %c0_i32_1 = arith.constant 0 : i32
    return %c0_i32, %c0_i32_0 : i32, i32
  }
  func.func @transform_8(%arg0: i32) -> (i32, i32) {
    %c0_i32 = arith.constant 0 : i32
    %c0_i32_0 = arith.constant 0 : i32
    %c0_i32_1 = arith.constant 0 : i32
    return %c0_i32, %c0_i32_0 : i32, i32
  }
  func.func @transform_9(%arg0: i32) -> (i32, i32, i32) {
    %c0_i32 = arith.constant 0 : i32
    %c0_i32_0 = arith.constant 0 : i32
    %c0_i32_1 = arith.constant 0 : i32
    return %arg0, %c0_i32, %c0_i32_0 : i32, i32, i32
  }
  func.func @transform_10(%arg0: i32) -> (i32, i32, i32) {
    %c0_i32 = arith.constant 0 : i32
    %c0_i32_0 = arith.constant 0 : i32
    %c0_i32_1 = arith.constant 0 : i32
    return %arg0, %c0_i32, %c0_i32_0 : i32, i32, i32
  }
  func.func @transform_11(%arg0: i32) -> (i32, i32, i32) {
    %c0_i32 = arith.constant 0 : i32
    %c0_i32_0 = arith.constant 0 : i32
    %c0_i32_1 = arith.constant 0 : i32
    return %arg0, %c0_i32, %c0_i32_0 : i32, i32, i32
  }
  func.func @transform_12(%arg0: i32) -> (i32, i32, i32) {
    %c0_i32 = arith.constant 0 : i32
    %c0_i32_0 = arith.constant 0 : i32
    %c0_i32_1 = arith.constant 0 : i32
    return %arg0, %c0_i32, %c0_i32_0 : i32, i32, i32
  }
  func.func @transform_13(%arg0: i32) -> (i32, i32, i32) {
    %c0_i32 = arith.constant 0 : i32
    %c0_i32_0 = arith.constant 0 : i32
    %c0_i32_1 = arith.constant 0 : i32
    return %arg0, %c0_i32, %c0_i32_0 : i32, i32, i32
  }
}

module attributes {stable_mosaic.version = 14 : i64} {
  func.func @_topk_body(%arg0: i32, %arg1: memref<1x256x16xf32, #tpu.memory_space<vmem>>, %arg2: memref<1x2048x16xf32, #tpu.memory_space<vmem>>, %arg3: memref<1x1x2048xf32, #tpu.memory_space<vmem>>, %arg4: memref<1x2048x64xf32, #tpu.memory_space<vmem>>, %arg5: memref<1x256x64xf32, #tpu.memory_space<vmem>>, %arg6: memref<256x16xi32, #tpu.memory_space<vmem>>, %arg7: memref<256x16xf32, #tpu.memory_space<vmem>>) attributes {dimension_semantics = [#tpu.dimension_semantics<parallel>], iteration_bounds = array<i64: 8>, scalar_prefetch = 0 : i64, scratch_operands = 0 : i64, tpu.core_type = #tpu.core_type<tc>, window_params = [{transform_indices = @transform_0, window_bounds = array<i64: 1, 256, 16>}, {transform_indices = @transform_1, window_bounds = array<i64: 1, 2048, 16>}, {transform_indices = @transform_2, window_bounds = array<i64: 1, 1, 2048>}, {transform_indices = @transform_3, window_bounds = array<i64: 1, 2048, 64>}, {transform_indices = @transform_4, window_bounds = array<i64: 1, 256, 64>}, {transform_indices = @transform_5, window_bounds = array<i64: 256, 16>}, {transform_indices = @transform_6, window_bounds = array<i64: 256, 16>}]} {
    %get3A = arith.constant 0 : index
    %get3A_0 = arith.constant 0 : index
    %get3A_1 = arith.constant 0 : index
    %get3A_2 = vector.load %arg1[%get3A, %get3A_0, %get3A_1] : memref<1x256x16xf32, #tpu.memory_space<vmem>>, vector<1x256x16xf32>
    %get3A_3 = vector.shape_cast %get3A_2 : vector<1x256x16xf32> to vector<256x16xf32>
    %get3A_4 = arith.constant 0 : index
    %get3A_5 = arith.constant 0 : index
    %get3A_6 = arith.constant 0 : index
    %get3A_7 = vector.load %arg2[%get3A_4, %get3A_5, %get3A_6] : memref<1x2048x16xf32, #tpu.memory_space<vmem>>, vector<1x2048x16xf32>
    %get3A_8 = vector.shape_cast %get3A_7 : vector<1x2048x16xf32> to vector<2048x16xf32>
    %iota3A = tpu.iota {dimensions = array<i32: 1>} : vector<1x16xi32>
    %lt3A = arith.constant 3 : i32
    %lt3A_9 = vector.broadcast %lt3A : i32 to vector<1x16xi32>
    %lt3A_10 = arith.cmpi slt, %iota3A, %lt3A_9 : vector<1x16xi32>
    %convert_element_type3A = arith.extui %lt3A_10 : vector<1x16xi1> to vector<1x16xi32>
    %convert_element_type3A_11 = arith.sitofp %convert_element_type3A : vector<1x16xi32> to vector<1x16xf32>
    %mul3A = vector.broadcast %convert_element_type3A_11 : vector<1x16xf32> to vector<256x16xf32>
    %mul3A_12 = arith.mulf %get3A_3, %mul3A : vector<256x16xf32>
    %mul3A_13 = vector.broadcast %convert_element_type3A_11 : vector<1x16xf32> to vector<2048x16xf32>
    %mul3A_14 = arith.mulf %get3A_8, %mul3A_13 : vector<2048x16xf32>
    %dot_general3A = arith.constant dense<0.000000e+00> : vector<256x2048xf32>
    %dot_general3A_15 = tpu.matmul %mul3A_12, %mul3A_14, %dot_general3A {dimension_numbers = #tpu.dot_dimension_numbers<[1], [1], [0], [0], [0, 0, 1, 0], [], []>, transpose_lhs_hint = false} : vector<256x16xf32>, vector<2048x16xf32>, vector<256x2048xf32> -> vector<256x2048xf32>
    %slice3A = vector.extract_strided_slice %get3A_3 {offsets = [0, 3], sizes = [256, 1], strides = [1, 1]} : vector<256x16xf32> to vector<256x1xf32>
    %get3A_16 = arith.constant 0 : index
    %get3A_17 = arith.constant 0 : index
    %get3A_18 = arith.constant 0 : index
    %get3A_19 = vector.load %arg3[%get3A_16, %get3A_17, %get3A_18] : memref<1x1x2048xf32, #tpu.memory_space<vmem>>, vector<1x1x2048xf32>
    %get3A_20 = vector.shape_cast %get3A_19 : vector<1x1x2048xf32> to vector<1x2048xf32>
    %add3A = vector.broadcast %slice3A : vector<256x1xf32> to vector<256x2048xf32>
    %add3A_21 = vector.broadcast %get3A_20 : vector<1x2048xf32> to vector<256x2048xf32>
    %add3A_22 = arith.addf %add3A, %add3A_21 : vector<256x2048xf32>
    %mul3A_23 = arith.constant 2.000000e+00 : f32
    %mul3A_24 = vector.broadcast %mul3A_23 : f32 to vector<256x2048xf32>
    %mul3A_25 = arith.mulf %mul3A_24, %dot_general3A_15 : vector<256x2048xf32>
    %sub3A = arith.subf %add3A_22, %mul3A_25 : vector<256x2048xf32>
    %get3A_26 = arith.constant 0 : index
    %get3A_27 = arith.constant 0 : index
    %get3A_28 = arith.constant 0 : index
    %get3A_29 = vector.load %arg5[%get3A_26, %get3A_27, %get3A_28] : memref<1x256x64xf32, #tpu.memory_space<vmem>>, vector<1x256x64xf32>
    %get3A_30 = vector.shape_cast %get3A_29 : vector<1x256x64xf32> to vector<256x64xf32>
    %get3A_31 = arith.constant 0 : index
    %get3A_32 = arith.constant 0 : index
    %get3A_33 = arith.constant 0 : index
    %get3A_34 = vector.load %arg4[%get3A_31, %get3A_32, %get3A_33] : memref<1x2048x64xf32, #tpu.memory_space<vmem>>, vector<1x2048x64xf32>
    %get3A_35 = vector.shape_cast %get3A_34 : vector<1x2048x64xf32> to vector<2048x64xf32>
    %dot_general3A_36 = arith.constant dense<0.000000e+00> : vector<256x2048xf32>
    %dot_general3A_37 = tpu.matmul %get3A_30, %get3A_35, %dot_general3A_36 {dimension_numbers = #tpu.dot_dimension_numbers<[1], [1], [0], [0], [0, 0, 1, 0], [], []>, transpose_lhs_hint = false} : vector<256x64xf32>, vector<2048x64xf32>, vector<256x2048xf32> -> vector<256x2048xf32>
    %iota3A_38 = tpu.iota {dimensions = array<i32: 1>} : vector<256x2048xi32>
    %convert_element_type3A_39 = arith.sitofp %iota3A_38 : vector<256x2048xi32> to vector<256x2048xf32>
    %iota3A_40 = tpu.iota {dimensions = array<i32: 1>} : vector<256x16xi32>
    %broadcast_in_dim3A = arith.constant 0.000000e+00 : f32
    %broadcast_in_dim3A_41 = vector.broadcast %broadcast_in_dim3A : f32 to vector<256x16xf32>
    %broadcast_in_dim3A_42 = arith.constant 0.000000e+00 : f32
    %broadcast_in_dim3A_43 = vector.broadcast %broadcast_in_dim3A_42 : f32 to vector<256x16xf32>
    %reduce_min3A = arith.constant dense<0x7F800000> : vector<256xf32>
    %reduce_min3A_44 = vector.multi_reduction <minimumf>, %sub3A, %reduce_min3A [1] : vector<256x2048xf32> to vector<256xf32>
    %broadcast_in_dim3A_45 = vector.shape_cast %reduce_min3A_44 : vector<256xf32> to vector<256x1xf32>
    %eq3A = vector.broadcast %broadcast_in_dim3A_45 : vector<256x1xf32> to vector<256x2048xf32>
    %eq3A_46 = arith.cmpf oeq, %sub3A, %eq3A : vector<256x2048xf32>
    %jit3A = arith.constant 2.048000e+03 : f32
    %broadcast_in_dim3A_47 = vector.broadcast %jit3A : f32 to vector<256x2048xf32>
    %select_n3A = arith.select %eq3A_46, %convert_element_type3A_39, %broadcast_in_dim3A_47 : vector<256x2048xi1>, vector<256x2048xf32>
    %reduce_min3A_48 = arith.constant dense<0x7F800000> : vector<256xf32>
    %reduce_min3A_49 = vector.multi_reduction <minimumf>, %select_n3A, %reduce_min3A_48 [1] : vector<256x2048xf32> to vector<256xf32>
    %broadcast_in_dim3A_50 = vector.shape_cast %reduce_min3A_49 : vector<256xf32> to vector<256x1xf32>
    %eq3A_51 = vector.broadcast %broadcast_in_dim3A_50 : vector<256x1xf32> to vector<256x2048xf32>
    %eq3A_52 = arith.cmpf oeq, %select_n3A, %eq3A_51 : vector<256x2048xf32>
    %jit3A_53 = arith.constant 0x7F800000 : f32
    %broadcast_in_dim3A_54 = vector.broadcast %jit3A_53 : f32 to vector<256x2048xf32>
    %select_n3A_55 = arith.select %eq3A_52, %broadcast_in_dim3A_54, %sub3A : vector<256x2048xi1>, vector<256x2048xf32>
    %eq3A_56 = arith.constant 0 : i32
    %eq3A_57 = vector.broadcast %eq3A_56 : i32 to vector<256x16xi32>
    %eq3A_58 = arith.cmpi eq, %iota3A_40, %eq3A_57 : vector<256x16xi32>
    %broadcast_in_dim3A_59 = vector.shape_cast %broadcast_in_dim3A_50 : vector<256x1xf32> to vector<256x1xf32>
    %broadcast_in_dim3A_60 = vector.broadcast %broadcast_in_dim3A_59 : vector<256x1xf32> to vector<256x16xf32>
    %select_n3A_61 = arith.select %eq3A_58, %broadcast_in_dim3A_60, %broadcast_in_dim3A_41 : vector<256x16xi1>, vector<256x16xf32>
    %reduce_min3A_62 = arith.constant dense<0x7F800000> : vector<256xf32>
    %reduce_min3A_63 = vector.multi_reduction <minimumf>, %select_n3A_55, %reduce_min3A_62 [1] : vector<256x2048xf32> to vector<256xf32>
    %broadcast_in_dim3A_64 = vector.shape_cast %reduce_min3A_63 : vector<256xf32> to vector<256x1xf32>
    %eq3A_65 = vector.broadcast %broadcast_in_dim3A_64 : vector<256x1xf32> to vector<256x2048xf32>
    %eq3A_66 = arith.cmpf oeq, %select_n3A_55, %eq3A_65 : vector<256x2048xf32>
    %jit3A_67 = arith.constant 2.048000e+03 : f32
    %broadcast_in_dim3A_68 = vector.broadcast %jit3A_67 : f32 to vector<256x2048xf32>
    %select_n3A_69 = arith.select %eq3A_66, %convert_element_type3A_39, %broadcast_in_dim3A_68 : vector<256x2048xi1>, vector<256x2048xf32>
    %reduce_min3A_70 = arith.constant dense<0x7F800000> : vector<256xf32>
    %reduce_min3A_71 = vector.multi_reduction <minimumf>, %select_n3A_69, %reduce_min3A_70 [1] : vector<256x2048xf32> to vector<256xf32>
    %broadcast_in_dim3A_72 = vector.shape_cast %reduce_min3A_71 : vector<256xf32> to vector<256x1xf32>
    %eq3A_73 = vector.broadcast %broadcast_in_dim3A_72 : vector<256x1xf32> to vector<256x2048xf32>
    %eq3A_74 = arith.cmpf oeq, %select_n3A_69, %eq3A_73 : vector<256x2048xf32>
    %jit3A_75 = arith.constant 0x7F800000 : f32
    %broadcast_in_dim3A_76 = vector.broadcast %jit3A_75 : f32 to vector<256x2048xf32>
    %select_n3A_77 = arith.select %eq3A_74, %broadcast_in_dim3A_76, %select_n3A_55 : vector<256x2048xi1>, vector<256x2048xf32>
    %eq3A_78 = arith.constant 1 : i32
    %eq3A_79 = vector.broadcast %eq3A_78 : i32 to vector<256x16xi32>
    %eq3A_80 = arith.cmpi eq, %iota3A_40, %eq3A_79 : vector<256x16xi32>
    %broadcast_in_dim3A_81 = vector.shape_cast %broadcast_in_dim3A_72 : vector<256x1xf32> to vector<256x1xf32>
    %broadcast_in_dim3A_82 = vector.broadcast %broadcast_in_dim3A_81 : vector<256x1xf32> to vector<256x16xf32>
    %select_n3A_83 = arith.select %eq3A_80, %broadcast_in_dim3A_82, %select_n3A_61 : vector<256x16xi1>, vector<256x16xf32>
    %reduce_min3A_84 = arith.constant dense<0x7F800000> : vector<256xf32>
    %reduce_min3A_85 = vector.multi_reduction <minimumf>, %select_n3A_77, %reduce_min3A_84 [1] : vector<256x2048xf32> to vector<256xf32>
    %broadcast_in_dim3A_86 = vector.shape_cast %reduce_min3A_85 : vector<256xf32> to vector<256x1xf32>
    %eq3A_87 = vector.broadcast %broadcast_in_dim3A_86 : vector<256x1xf32> to vector<256x2048xf32>
    %eq3A_88 = arith.cmpf oeq, %select_n3A_77, %eq3A_87 : vector<256x2048xf32>
    %jit3A_89 = arith.constant 2.048000e+03 : f32
    %broadcast_in_dim3A_90 = vector.broadcast %jit3A_89 : f32 to vector<256x2048xf32>
    %select_n3A_91 = arith.select %eq3A_88, %convert_element_type3A_39, %broadcast_in_dim3A_90 : vector<256x2048xi1>, vector<256x2048xf32>
    %reduce_min3A_92 = arith.constant dense<0x7F800000> : vector<256xf32>
    %reduce_min3A_93 = vector.multi_reduction <minimumf>, %select_n3A_91, %reduce_min3A_92 [1] : vector<256x2048xf32> to vector<256xf32>
    %broadcast_in_dim3A_94 = vector.shape_cast %reduce_min3A_93 : vector<256xf32> to vector<256x1xf32>
    %eq3A_95 = vector.broadcast %broadcast_in_dim3A_94 : vector<256x1xf32> to vector<256x2048xf32>
    %eq3A_96 = arith.cmpf oeq, %select_n3A_91, %eq3A_95 : vector<256x2048xf32>
    %jit3A_97 = arith.constant 0x7F800000 : f32
    %broadcast_in_dim3A_98 = vector.broadcast %jit3A_97 : f32 to vector<256x2048xf32>
    %select_n3A_99 = arith.select %eq3A_96, %broadcast_in_dim3A_98, %select_n3A_77 : vector<256x2048xi1>, vector<256x2048xf32>
    %eq3A_100 = arith.constant 2 : i32
    %eq3A_101 = vector.broadcast %eq3A_100 : i32 to vector<256x16xi32>
    %eq3A_102 = arith.cmpi eq, %iota3A_40, %eq3A_101 : vector<256x16xi32>
    %broadcast_in_dim3A_103 = vector.shape_cast %broadcast_in_dim3A_94 : vector<256x1xf32> to vector<256x1xf32>
    %broadcast_in_dim3A_104 = vector.broadcast %broadcast_in_dim3A_103 : vector<256x1xf32> to vector<256x16xf32>
    %select_n3A_105 = arith.select %eq3A_102, %broadcast_in_dim3A_104, %select_n3A_83 : vector<256x16xi1>, vector<256x16xf32>
    %reduce_min3A_106 = arith.constant dense<0x7F800000> : vector<256xf32>
    %reduce_min3A_107 = vector.multi_reduction <minimumf>, %select_n3A_99, %reduce_min3A_106 [1] : vector<256x2048xf32> to vector<256xf32>
    %broadcast_in_dim3A_108 = vector.shape_cast %reduce_min3A_107 : vector<256xf32> to vector<256x1xf32>
    %eq3A_109 = vector.broadcast %broadcast_in_dim3A_108 : vector<256x1xf32> to vector<256x2048xf32>
    %eq3A_110 = arith.cmpf oeq, %select_n3A_99, %eq3A_109 : vector<256x2048xf32>
    %jit3A_111 = arith.constant 2.048000e+03 : f32
    %broadcast_in_dim3A_112 = vector.broadcast %jit3A_111 : f32 to vector<256x2048xf32>
    %select_n3A_113 = arith.select %eq3A_110, %convert_element_type3A_39, %broadcast_in_dim3A_112 : vector<256x2048xi1>, vector<256x2048xf32>
    %reduce_min3A_114 = arith.constant dense<0x7F800000> : vector<256xf32>
    %reduce_min3A_115 = vector.multi_reduction <minimumf>, %select_n3A_113, %reduce_min3A_114 [1] : vector<256x2048xf32> to vector<256xf32>
    %broadcast_in_dim3A_116 = vector.shape_cast %reduce_min3A_115 : vector<256xf32> to vector<256x1xf32>
    %eq3A_117 = vector.broadcast %broadcast_in_dim3A_116 : vector<256x1xf32> to vector<256x2048xf32>
    %eq3A_118 = arith.cmpf oeq, %select_n3A_113, %eq3A_117 : vector<256x2048xf32>
    %jit3A_119 = arith.constant 0x7F800000 : f32
    %broadcast_in_dim3A_120 = vector.broadcast %jit3A_119 : f32 to vector<256x2048xf32>
    %select_n3A_121 = arith.select %eq3A_118, %broadcast_in_dim3A_120, %select_n3A_99 : vector<256x2048xi1>, vector<256x2048xf32>
    %eq3A_122 = arith.constant 3 : i32
    %eq3A_123 = vector.broadcast %eq3A_122 : i32 to vector<256x16xi32>
    %eq3A_124 = arith.cmpi eq, %iota3A_40, %eq3A_123 : vector<256x16xi32>
    %broadcast_in_dim3A_125 = vector.shape_cast %broadcast_in_dim3A_116 : vector<256x1xf32> to vector<256x1xf32>
    %broadcast_in_dim3A_126 = vector.broadcast %broadcast_in_dim3A_125 : vector<256x1xf32> to vector<256x16xf32>
    %select_n3A_127 = arith.select %eq3A_124, %broadcast_in_dim3A_126, %select_n3A_105 : vector<256x16xi1>, vector<256x16xf32>
    %reduce_min3A_128 = arith.constant dense<0x7F800000> : vector<256xf32>
    %reduce_min3A_129 = vector.multi_reduction <minimumf>, %select_n3A_121, %reduce_min3A_128 [1] : vector<256x2048xf32> to vector<256xf32>
    %broadcast_in_dim3A_130 = vector.shape_cast %reduce_min3A_129 : vector<256xf32> to vector<256x1xf32>
    %eq3A_131 = vector.broadcast %broadcast_in_dim3A_130 : vector<256x1xf32> to vector<256x2048xf32>
    %eq3A_132 = arith.cmpf oeq, %select_n3A_121, %eq3A_131 : vector<256x2048xf32>
    %jit3A_133 = arith.constant 2.048000e+03 : f32
    %broadcast_in_dim3A_134 = vector.broadcast %jit3A_133 : f32 to vector<256x2048xf32>
    %select_n3A_135 = arith.select %eq3A_132, %convert_element_type3A_39, %broadcast_in_dim3A_134 : vector<256x2048xi1>, vector<256x2048xf32>
    %reduce_min3A_136 = arith.constant dense<0x7F800000> : vector<256xf32>
    %reduce_min3A_137 = vector.multi_reduction <minimumf>, %select_n3A_135, %reduce_min3A_136 [1] : vector<256x2048xf32> to vector<256xf32>
    %broadcast_in_dim3A_138 = vector.shape_cast %reduce_min3A_137 : vector<256xf32> to vector<256x1xf32>
    %eq3A_139 = vector.broadcast %broadcast_in_dim3A_138 : vector<256x1xf32> to vector<256x2048xf32>
    %eq3A_140 = arith.cmpf oeq, %select_n3A_135, %eq3A_139 : vector<256x2048xf32>
    %jit3A_141 = arith.constant 0x7F800000 : f32
    %broadcast_in_dim3A_142 = vector.broadcast %jit3A_141 : f32 to vector<256x2048xf32>
    %select_n3A_143 = arith.select %eq3A_140, %broadcast_in_dim3A_142, %select_n3A_121 : vector<256x2048xi1>, vector<256x2048xf32>
    %eq3A_144 = arith.constant 4 : i32
    %eq3A_145 = vector.broadcast %eq3A_144 : i32 to vector<256x16xi32>
    %eq3A_146 = arith.cmpi eq, %iota3A_40, %eq3A_145 : vector<256x16xi32>
    %broadcast_in_dim3A_147 = vector.shape_cast %broadcast_in_dim3A_138 : vector<256x1xf32> to vector<256x1xf32>
    %broadcast_in_dim3A_148 = vector.broadcast %broadcast_in_dim3A_147 : vector<256x1xf32> to vector<256x16xf32>
    %select_n3A_149 = arith.select %eq3A_146, %broadcast_in_dim3A_148, %select_n3A_127 : vector<256x16xi1>, vector<256x16xf32>
    %reduce_min3A_150 = arith.constant dense<0x7F800000> : vector<256xf32>
    %reduce_min3A_151 = vector.multi_reduction <minimumf>, %select_n3A_143, %reduce_min3A_150 [1] : vector<256x2048xf32> to vector<256xf32>
    %broadcast_in_dim3A_152 = vector.shape_cast %reduce_min3A_151 : vector<256xf32> to vector<256x1xf32>
    %eq3A_153 = vector.broadcast %broadcast_in_dim3A_152 : vector<256x1xf32> to vector<256x2048xf32>
    %eq3A_154 = arith.cmpf oeq, %select_n3A_143, %eq3A_153 : vector<256x2048xf32>
    %jit3A_155 = arith.constant 2.048000e+03 : f32
    %broadcast_in_dim3A_156 = vector.broadcast %jit3A_155 : f32 to vector<256x2048xf32>
    %select_n3A_157 = arith.select %eq3A_154, %convert_element_type3A_39, %broadcast_in_dim3A_156 : vector<256x2048xi1>, vector<256x2048xf32>
    %reduce_min3A_158 = arith.constant dense<0x7F800000> : vector<256xf32>
    %reduce_min3A_159 = vector.multi_reduction <minimumf>, %select_n3A_157, %reduce_min3A_158 [1] : vector<256x2048xf32> to vector<256xf32>
    %broadcast_in_dim3A_160 = vector.shape_cast %reduce_min3A_159 : vector<256xf32> to vector<256x1xf32>
    %eq3A_161 = vector.broadcast %broadcast_in_dim3A_160 : vector<256x1xf32> to vector<256x2048xf32>
    %eq3A_162 = arith.cmpf oeq, %select_n3A_157, %eq3A_161 : vector<256x2048xf32>
    %jit3A_163 = arith.constant 0x7F800000 : f32
    %broadcast_in_dim3A_164 = vector.broadcast %jit3A_163 : f32 to vector<256x2048xf32>
    %select_n3A_165 = arith.select %eq3A_162, %broadcast_in_dim3A_164, %select_n3A_143 : vector<256x2048xi1>, vector<256x2048xf32>
    %eq3A_166 = arith.constant 5 : i32
    %eq3A_167 = vector.broadcast %eq3A_166 : i32 to vector<256x16xi32>
    %eq3A_168 = arith.cmpi eq, %iota3A_40, %eq3A_167 : vector<256x16xi32>
    %broadcast_in_dim3A_169 = vector.shape_cast %broadcast_in_dim3A_160 : vector<256x1xf32> to vector<256x1xf32>
    %broadcast_in_dim3A_170 = vector.broadcast %broadcast_in_dim3A_169 : vector<256x1xf32> to vector<256x16xf32>
    %select_n3A_171 = arith.select %eq3A_168, %broadcast_in_dim3A_170, %select_n3A_149 : vector<256x16xi1>, vector<256x16xf32>
    %reduce_min3A_172 = arith.constant dense<0x7F800000> : vector<256xf32>
    %reduce_min3A_173 = vector.multi_reduction <minimumf>, %select_n3A_165, %reduce_min3A_172 [1] : vector<256x2048xf32> to vector<256xf32>
    %broadcast_in_dim3A_174 = vector.shape_cast %reduce_min3A_173 : vector<256xf32> to vector<256x1xf32>
    %eq3A_175 = vector.broadcast %broadcast_in_dim3A_174 : vector<256x1xf32> to vector<256x2048xf32>
    %eq3A_176 = arith.cmpf oeq, %select_n3A_165, %eq3A_175 : vector<256x2048xf32>
    %jit3A_177 = arith.constant 2.048000e+03 : f32
    %broadcast_in_dim3A_178 = vector.broadcast %jit3A_177 : f32 to vector<256x2048xf32>
    %select_n3A_179 = arith.select %eq3A_176, %convert_element_type3A_39, %broadcast_in_dim3A_178 : vector<256x2048xi1>, vector<256x2048xf32>
    %reduce_min3A_180 = arith.constant dense<0x7F800000> : vector<256xf32>
    %reduce_min3A_181 = vector.multi_reduction <minimumf>, %select_n3A_179, %reduce_min3A_180 [1] : vector<256x2048xf32> to vector<256xf32>
    %broadcast_in_dim3A_182 = vector.shape_cast %reduce_min3A_181 : vector<256xf32> to vector<256x1xf32>
    %eq3A_183 = vector.broadcast %broadcast_in_dim3A_182 : vector<256x1xf32> to vector<256x2048xf32>
    %eq3A_184 = arith.cmpf oeq, %select_n3A_179, %eq3A_183 : vector<256x2048xf32>
    %jit3A_185 = arith.constant 0x7F800000 : f32
    %broadcast_in_dim3A_186 = vector.broadcast %jit3A_185 : f32 to vector<256x2048xf32>
    %select_n3A_187 = arith.select %eq3A_184, %broadcast_in_dim3A_186, %select_n3A_165 : vector<256x2048xi1>, vector<256x2048xf32>
    %eq3A_188 = arith.constant 6 : i32
    %eq3A_189 = vector.broadcast %eq3A_188 : i32 to vector<256x16xi32>
    %eq3A_190 = arith.cmpi eq, %iota3A_40, %eq3A_189 : vector<256x16xi32>
    %broadcast_in_dim3A_191 = vector.shape_cast %broadcast_in_dim3A_182 : vector<256x1xf32> to vector<256x1xf32>
    %broadcast_in_dim3A_192 = vector.broadcast %broadcast_in_dim3A_191 : vector<256x1xf32> to vector<256x16xf32>
    %select_n3A_193 = arith.select %eq3A_190, %broadcast_in_dim3A_192, %select_n3A_171 : vector<256x16xi1>, vector<256x16xf32>
    %reduce_min3A_194 = arith.constant dense<0x7F800000> : vector<256xf32>
    %reduce_min3A_195 = vector.multi_reduction <minimumf>, %select_n3A_187, %reduce_min3A_194 [1] : vector<256x2048xf32> to vector<256xf32>
    %broadcast_in_dim3A_196 = vector.shape_cast %reduce_min3A_195 : vector<256xf32> to vector<256x1xf32>
    %eq3A_197 = vector.broadcast %broadcast_in_dim3A_196 : vector<256x1xf32> to vector<256x2048xf32>
    %eq3A_198 = arith.cmpf oeq, %select_n3A_187, %eq3A_197 : vector<256x2048xf32>
    %jit3A_199 = arith.constant 2.048000e+03 : f32
    %broadcast_in_dim3A_200 = vector.broadcast %jit3A_199 : f32 to vector<256x2048xf32>
    %select_n3A_201 = arith.select %eq3A_198, %convert_element_type3A_39, %broadcast_in_dim3A_200 : vector<256x2048xi1>, vector<256x2048xf32>
    %reduce_min3A_202 = arith.constant dense<0x7F800000> : vector<256xf32>
    %reduce_min3A_203 = vector.multi_reduction <minimumf>, %select_n3A_201, %reduce_min3A_202 [1] : vector<256x2048xf32> to vector<256xf32>
    %broadcast_in_dim3A_204 = vector.shape_cast %reduce_min3A_203 : vector<256xf32> to vector<256x1xf32>
    %eq3A_205 = vector.broadcast %broadcast_in_dim3A_204 : vector<256x1xf32> to vector<256x2048xf32>
    %eq3A_206 = arith.cmpf oeq, %select_n3A_201, %eq3A_205 : vector<256x2048xf32>
    %jit3A_207 = arith.constant 0x7F800000 : f32
    %broadcast_in_dim3A_208 = vector.broadcast %jit3A_207 : f32 to vector<256x2048xf32>
    %select_n3A_209 = arith.select %eq3A_206, %broadcast_in_dim3A_208, %select_n3A_187 : vector<256x2048xi1>, vector<256x2048xf32>
    %eq3A_210 = arith.constant 7 : i32
    %eq3A_211 = vector.broadcast %eq3A_210 : i32 to vector<256x16xi32>
    %eq3A_212 = arith.cmpi eq, %iota3A_40, %eq3A_211 : vector<256x16xi32>
    %broadcast_in_dim3A_213 = vector.shape_cast %broadcast_in_dim3A_204 : vector<256x1xf32> to vector<256x1xf32>
    %broadcast_in_dim3A_214 = vector.broadcast %broadcast_in_dim3A_213 : vector<256x1xf32> to vector<256x16xf32>
    %select_n3A_215 = arith.select %eq3A_212, %broadcast_in_dim3A_214, %select_n3A_193 : vector<256x16xi1>, vector<256x16xf32>
    %reduce_min3A_216 = arith.constant dense<0x7F800000> : vector<256xf32>
    %reduce_min3A_217 = vector.multi_reduction <minimumf>, %select_n3A_209, %reduce_min3A_216 [1] : vector<256x2048xf32> to vector<256xf32>
    %broadcast_in_dim3A_218 = vector.shape_cast %reduce_min3A_217 : vector<256xf32> to vector<256x1xf32>
    %eq3A_219 = vector.broadcast %broadcast_in_dim3A_218 : vector<256x1xf32> to vector<256x2048xf32>
    %eq3A_220 = arith.cmpf oeq, %select_n3A_209, %eq3A_219 : vector<256x2048xf32>
    %jit3A_221 = arith.constant 2.048000e+03 : f32
    %broadcast_in_dim3A_222 = vector.broadcast %jit3A_221 : f32 to vector<256x2048xf32>
    %select_n3A_223 = arith.select %eq3A_220, %convert_element_type3A_39, %broadcast_in_dim3A_222 : vector<256x2048xi1>, vector<256x2048xf32>
    %reduce_min3A_224 = arith.constant dense<0x7F800000> : vector<256xf32>
    %reduce_min3A_225 = vector.multi_reduction <minimumf>, %select_n3A_223, %reduce_min3A_224 [1] : vector<256x2048xf32> to vector<256xf32>
    %broadcast_in_dim3A_226 = vector.shape_cast %reduce_min3A_225 : vector<256xf32> to vector<256x1xf32>
    %eq3A_227 = vector.broadcast %broadcast_in_dim3A_226 : vector<256x1xf32> to vector<256x2048xf32>
    %eq3A_228 = arith.cmpf oeq, %select_n3A_223, %eq3A_227 : vector<256x2048xf32>
    %jit3A_229 = arith.constant 0x7F800000 : f32
    %broadcast_in_dim3A_230 = vector.broadcast %jit3A_229 : f32 to vector<256x2048xf32>
    %select_n3A_231 = arith.select %eq3A_228, %broadcast_in_dim3A_230, %select_n3A_209 : vector<256x2048xi1>, vector<256x2048xf32>
    %eq3A_232 = arith.constant 8 : i32
    %eq3A_233 = vector.broadcast %eq3A_232 : i32 to vector<256x16xi32>
    %eq3A_234 = arith.cmpi eq, %iota3A_40, %eq3A_233 : vector<256x16xi32>
    %broadcast_in_dim3A_235 = vector.shape_cast %broadcast_in_dim3A_226 : vector<256x1xf32> to vector<256x1xf32>
    %broadcast_in_dim3A_236 = vector.broadcast %broadcast_in_dim3A_235 : vector<256x1xf32> to vector<256x16xf32>
    %select_n3A_237 = arith.select %eq3A_234, %broadcast_in_dim3A_236, %select_n3A_215 : vector<256x16xi1>, vector<256x16xf32>
    %reduce_min3A_238 = arith.constant dense<0x7F800000> : vector<256xf32>
    %reduce_min3A_239 = vector.multi_reduction <minimumf>, %select_n3A_231, %reduce_min3A_238 [1] : vector<256x2048xf32> to vector<256xf32>
    %broadcast_in_dim3A_240 = vector.shape_cast %reduce_min3A_239 : vector<256xf32> to vector<256x1xf32>
    %eq3A_241 = vector.broadcast %broadcast_in_dim3A_240 : vector<256x1xf32> to vector<256x2048xf32>
    %eq3A_242 = arith.cmpf oeq, %select_n3A_231, %eq3A_241 : vector<256x2048xf32>
    %jit3A_243 = arith.constant 2.048000e+03 : f32
    %broadcast_in_dim3A_244 = vector.broadcast %jit3A_243 : f32 to vector<256x2048xf32>
    %select_n3A_245 = arith.select %eq3A_242, %convert_element_type3A_39, %broadcast_in_dim3A_244 : vector<256x2048xi1>, vector<256x2048xf32>
    %reduce_min3A_246 = arith.constant dense<0x7F800000> : vector<256xf32>
    %reduce_min3A_247 = vector.multi_reduction <minimumf>, %select_n3A_245, %reduce_min3A_246 [1] : vector<256x2048xf32> to vector<256xf32>
    %broadcast_in_dim3A_248 = vector.shape_cast %reduce_min3A_247 : vector<256xf32> to vector<256x1xf32>
    %eq3A_249 = vector.broadcast %broadcast_in_dim3A_248 : vector<256x1xf32> to vector<256x2048xf32>
    %eq3A_250 = arith.cmpf oeq, %select_n3A_245, %eq3A_249 : vector<256x2048xf32>
    %jit3A_251 = arith.constant 0x7F800000 : f32
    %broadcast_in_dim3A_252 = vector.broadcast %jit3A_251 : f32 to vector<256x2048xf32>
    %select_n3A_253 = arith.select %eq3A_250, %broadcast_in_dim3A_252, %select_n3A_231 : vector<256x2048xi1>, vector<256x2048xf32>
    %eq3A_254 = arith.constant 9 : i32
    %eq3A_255 = vector.broadcast %eq3A_254 : i32 to vector<256x16xi32>
    %eq3A_256 = arith.cmpi eq, %iota3A_40, %eq3A_255 : vector<256x16xi32>
    %broadcast_in_dim3A_257 = vector.shape_cast %broadcast_in_dim3A_248 : vector<256x1xf32> to vector<256x1xf32>
    %broadcast_in_dim3A_258 = vector.broadcast %broadcast_in_dim3A_257 : vector<256x1xf32> to vector<256x16xf32>
    %select_n3A_259 = arith.select %eq3A_256, %broadcast_in_dim3A_258, %select_n3A_237 : vector<256x16xi1>, vector<256x16xf32>
    %reduce_min3A_260 = arith.constant dense<0x7F800000> : vector<256xf32>
    %reduce_min3A_261 = vector.multi_reduction <minimumf>, %select_n3A_253, %reduce_min3A_260 [1] : vector<256x2048xf32> to vector<256xf32>
    %broadcast_in_dim3A_262 = vector.shape_cast %reduce_min3A_261 : vector<256xf32> to vector<256x1xf32>
    %eq3A_263 = vector.broadcast %broadcast_in_dim3A_262 : vector<256x1xf32> to vector<256x2048xf32>
    %eq3A_264 = arith.cmpf oeq, %select_n3A_253, %eq3A_263 : vector<256x2048xf32>
    %jit3A_265 = arith.constant 2.048000e+03 : f32
    %broadcast_in_dim3A_266 = vector.broadcast %jit3A_265 : f32 to vector<256x2048xf32>
    %select_n3A_267 = arith.select %eq3A_264, %convert_element_type3A_39, %broadcast_in_dim3A_266 : vector<256x2048xi1>, vector<256x2048xf32>
    %reduce_min3A_268 = arith.constant dense<0x7F800000> : vector<256xf32>
    %reduce_min3A_269 = vector.multi_reduction <minimumf>, %select_n3A_267, %reduce_min3A_268 [1] : vector<256x2048xf32> to vector<256xf32>
    %broadcast_in_dim3A_270 = vector.shape_cast %reduce_min3A_269 : vector<256xf32> to vector<256x1xf32>
    %eq3A_271 = vector.broadcast %broadcast_in_dim3A_270 : vector<256x1xf32> to vector<256x2048xf32>
    %eq3A_272 = arith.cmpf oeq, %select_n3A_267, %eq3A_271 : vector<256x2048xf32>
    %jit3A_273 = arith.constant 0x7F800000 : f32
    %broadcast_in_dim3A_274 = vector.broadcast %jit3A_273 : f32 to vector<256x2048xf32>
    %select_n3A_275 = arith.select %eq3A_272, %broadcast_in_dim3A_274, %select_n3A_253 : vector<256x2048xi1>, vector<256x2048xf32>
    %eq3A_276 = arith.constant 10 : i32
    %eq3A_277 = vector.broadcast %eq3A_276 : i32 to vector<256x16xi32>
    %eq3A_278 = arith.cmpi eq, %iota3A_40, %eq3A_277 : vector<256x16xi32>
    %broadcast_in_dim3A_279 = vector.shape_cast %broadcast_in_dim3A_270 : vector<256x1xf32> to vector<256x1xf32>
    %broadcast_in_dim3A_280 = vector.broadcast %broadcast_in_dim3A_279 : vector<256x1xf32> to vector<256x16xf32>
    %select_n3A_281 = arith.select %eq3A_278, %broadcast_in_dim3A_280, %select_n3A_259 : vector<256x16xi1>, vector<256x16xf32>
    %reduce_min3A_282 = arith.constant dense<0x7F800000> : vector<256xf32>
    %reduce_min3A_283 = vector.multi_reduction <minimumf>, %select_n3A_275, %reduce_min3A_282 [1] : vector<256x2048xf32> to vector<256xf32>
    %broadcast_in_dim3A_284 = vector.shape_cast %reduce_min3A_283 : vector<256xf32> to vector<256x1xf32>
    %eq3A_285 = vector.broadcast %broadcast_in_dim3A_284 : vector<256x1xf32> to vector<256x2048xf32>
    %eq3A_286 = arith.cmpf oeq, %select_n3A_275, %eq3A_285 : vector<256x2048xf32>
    %jit3A_287 = arith.constant 2.048000e+03 : f32
    %broadcast_in_dim3A_288 = vector.broadcast %jit3A_287 : f32 to vector<256x2048xf32>
    %select_n3A_289 = arith.select %eq3A_286, %convert_element_type3A_39, %broadcast_in_dim3A_288 : vector<256x2048xi1>, vector<256x2048xf32>
    %reduce_min3A_290 = arith.constant dense<0x7F800000> : vector<256xf32>
    %reduce_min3A_291 = vector.multi_reduction <minimumf>, %select_n3A_289, %reduce_min3A_290 [1] : vector<256x2048xf32> to vector<256xf32>
    %broadcast_in_dim3A_292 = vector.shape_cast %reduce_min3A_291 : vector<256xf32> to vector<256x1xf32>
    %eq3A_293 = vector.broadcast %broadcast_in_dim3A_292 : vector<256x1xf32> to vector<256x2048xf32>
    %eq3A_294 = arith.cmpf oeq, %select_n3A_289, %eq3A_293 : vector<256x2048xf32>
    %jit3A_295 = arith.constant 0x7F800000 : f32
    %broadcast_in_dim3A_296 = vector.broadcast %jit3A_295 : f32 to vector<256x2048xf32>
    %select_n3A_297 = arith.select %eq3A_294, %broadcast_in_dim3A_296, %select_n3A_275 : vector<256x2048xi1>, vector<256x2048xf32>
    %eq3A_298 = arith.constant 11 : i32
    %eq3A_299 = vector.broadcast %eq3A_298 : i32 to vector<256x16xi32>
    %eq3A_300 = arith.cmpi eq, %iota3A_40, %eq3A_299 : vector<256x16xi32>
    %broadcast_in_dim3A_301 = vector.shape_cast %broadcast_in_dim3A_292 : vector<256x1xf32> to vector<256x1xf32>
    %broadcast_in_dim3A_302 = vector.broadcast %broadcast_in_dim3A_301 : vector<256x1xf32> to vector<256x16xf32>
    %select_n3A_303 = arith.select %eq3A_300, %broadcast_in_dim3A_302, %select_n3A_281 : vector<256x16xi1>, vector<256x16xf32>
    %reduce_min3A_304 = arith.constant dense<0x7F800000> : vector<256xf32>
    %reduce_min3A_305 = vector.multi_reduction <minimumf>, %select_n3A_297, %reduce_min3A_304 [1] : vector<256x2048xf32> to vector<256xf32>
    %broadcast_in_dim3A_306 = vector.shape_cast %reduce_min3A_305 : vector<256xf32> to vector<256x1xf32>
    %eq3A_307 = vector.broadcast %broadcast_in_dim3A_306 : vector<256x1xf32> to vector<256x2048xf32>
    %eq3A_308 = arith.cmpf oeq, %select_n3A_297, %eq3A_307 : vector<256x2048xf32>
    %jit3A_309 = arith.constant 2.048000e+03 : f32
    %broadcast_in_dim3A_310 = vector.broadcast %jit3A_309 : f32 to vector<256x2048xf32>
    %select_n3A_311 = arith.select %eq3A_308, %convert_element_type3A_39, %broadcast_in_dim3A_310 : vector<256x2048xi1>, vector<256x2048xf32>
    %reduce_min3A_312 = arith.constant dense<0x7F800000> : vector<256xf32>
    %reduce_min3A_313 = vector.multi_reduction <minimumf>, %select_n3A_311, %reduce_min3A_312 [1] : vector<256x2048xf32> to vector<256xf32>
    %broadcast_in_dim3A_314 = vector.shape_cast %reduce_min3A_313 : vector<256xf32> to vector<256x1xf32>
    %eq3A_315 = vector.broadcast %broadcast_in_dim3A_314 : vector<256x1xf32> to vector<256x2048xf32>
    %eq3A_316 = arith.cmpf oeq, %select_n3A_311, %eq3A_315 : vector<256x2048xf32>
    %jit3A_317 = arith.constant 0x7F800000 : f32
    %broadcast_in_dim3A_318 = vector.broadcast %jit3A_317 : f32 to vector<256x2048xf32>
    %select_n3A_319 = arith.select %eq3A_316, %broadcast_in_dim3A_318, %select_n3A_297 : vector<256x2048xi1>, vector<256x2048xf32>
    %eq3A_320 = arith.constant 12 : i32
    %eq3A_321 = vector.broadcast %eq3A_320 : i32 to vector<256x16xi32>
    %eq3A_322 = arith.cmpi eq, %iota3A_40, %eq3A_321 : vector<256x16xi32>
    %broadcast_in_dim3A_323 = vector.shape_cast %broadcast_in_dim3A_314 : vector<256x1xf32> to vector<256x1xf32>
    %broadcast_in_dim3A_324 = vector.broadcast %broadcast_in_dim3A_323 : vector<256x1xf32> to vector<256x16xf32>
    %select_n3A_325 = arith.select %eq3A_322, %broadcast_in_dim3A_324, %select_n3A_303 : vector<256x16xi1>, vector<256x16xf32>
    %reduce_min3A_326 = arith.constant dense<0x7F800000> : vector<256xf32>
    %reduce_min3A_327 = vector.multi_reduction <minimumf>, %select_n3A_319, %reduce_min3A_326 [1] : vector<256x2048xf32> to vector<256xf32>
    %broadcast_in_dim3A_328 = vector.shape_cast %reduce_min3A_327 : vector<256xf32> to vector<256x1xf32>
    %eq3A_329 = vector.broadcast %broadcast_in_dim3A_328 : vector<256x1xf32> to vector<256x2048xf32>
    %eq3A_330 = arith.cmpf oeq, %select_n3A_319, %eq3A_329 : vector<256x2048xf32>
    %jit3A_331 = arith.constant 2.048000e+03 : f32
    %broadcast_in_dim3A_332 = vector.broadcast %jit3A_331 : f32 to vector<256x2048xf32>
    %select_n3A_333 = arith.select %eq3A_330, %convert_element_type3A_39, %broadcast_in_dim3A_332 : vector<256x2048xi1>, vector<256x2048xf32>
    %reduce_min3A_334 = arith.constant dense<0x7F800000> : vector<256xf32>
    %reduce_min3A_335 = vector.multi_reduction <minimumf>, %select_n3A_333, %reduce_min3A_334 [1] : vector<256x2048xf32> to vector<256xf32>
    %broadcast_in_dim3A_336 = vector.shape_cast %reduce_min3A_335 : vector<256xf32> to vector<256x1xf32>
    %eq3A_337 = vector.broadcast %broadcast_in_dim3A_336 : vector<256x1xf32> to vector<256x2048xf32>
    %eq3A_338 = arith.cmpf oeq, %select_n3A_333, %eq3A_337 : vector<256x2048xf32>
    %jit3A_339 = arith.constant 0x7F800000 : f32
    %broadcast_in_dim3A_340 = vector.broadcast %jit3A_339 : f32 to vector<256x2048xf32>
    %select_n3A_341 = arith.select %eq3A_338, %broadcast_in_dim3A_340, %select_n3A_319 : vector<256x2048xi1>, vector<256x2048xf32>
    %eq3A_342 = arith.constant 13 : i32
    %eq3A_343 = vector.broadcast %eq3A_342 : i32 to vector<256x16xi32>
    %eq3A_344 = arith.cmpi eq, %iota3A_40, %eq3A_343 : vector<256x16xi32>
    %broadcast_in_dim3A_345 = vector.shape_cast %broadcast_in_dim3A_336 : vector<256x1xf32> to vector<256x1xf32>
    %broadcast_in_dim3A_346 = vector.broadcast %broadcast_in_dim3A_345 : vector<256x1xf32> to vector<256x16xf32>
    %select_n3A_347 = arith.select %eq3A_344, %broadcast_in_dim3A_346, %select_n3A_325 : vector<256x16xi1>, vector<256x16xf32>
    %reduce_min3A_348 = arith.constant dense<0x7F800000> : vector<256xf32>
    %reduce_min3A_349 = vector.multi_reduction <minimumf>, %select_n3A_341, %reduce_min3A_348 [1] : vector<256x2048xf32> to vector<256xf32>
    %broadcast_in_dim3A_350 = vector.shape_cast %reduce_min3A_349 : vector<256xf32> to vector<256x1xf32>
    %eq3A_351 = vector.broadcast %broadcast_in_dim3A_350 : vector<256x1xf32> to vector<256x2048xf32>
    %eq3A_352 = arith.cmpf oeq, %select_n3A_341, %eq3A_351 : vector<256x2048xf32>
    %jit3A_353 = arith.constant 2.048000e+03 : f32
    %broadcast_in_dim3A_354 = vector.broadcast %jit3A_353 : f32 to vector<256x2048xf32>
    %select_n3A_355 = arith.select %eq3A_352, %convert_element_type3A_39, %broadcast_in_dim3A_354 : vector<256x2048xi1>, vector<256x2048xf32>
    %reduce_min3A_356 = arith.constant dense<0x7F800000> : vector<256xf32>
    %reduce_min3A_357 = vector.multi_reduction <minimumf>, %select_n3A_355, %reduce_min3A_356 [1] : vector<256x2048xf32> to vector<256xf32>
    %broadcast_in_dim3A_358 = vector.shape_cast %reduce_min3A_357 : vector<256xf32> to vector<256x1xf32>
    %eq3A_359 = vector.broadcast %broadcast_in_dim3A_358 : vector<256x1xf32> to vector<256x2048xf32>
    %eq3A_360 = arith.cmpf oeq, %select_n3A_355, %eq3A_359 : vector<256x2048xf32>
    %jit3A_361 = arith.constant 0x7F800000 : f32
    %broadcast_in_dim3A_362 = vector.broadcast %jit3A_361 : f32 to vector<256x2048xf32>
    %select_n3A_363 = arith.select %eq3A_360, %broadcast_in_dim3A_362, %select_n3A_341 : vector<256x2048xi1>, vector<256x2048xf32>
    %eq3A_364 = arith.constant 14 : i32
    %eq3A_365 = vector.broadcast %eq3A_364 : i32 to vector<256x16xi32>
    %eq3A_366 = arith.cmpi eq, %iota3A_40, %eq3A_365 : vector<256x16xi32>
    %broadcast_in_dim3A_367 = vector.shape_cast %broadcast_in_dim3A_358 : vector<256x1xf32> to vector<256x1xf32>
    %broadcast_in_dim3A_368 = vector.broadcast %broadcast_in_dim3A_367 : vector<256x1xf32> to vector<256x16xf32>
    %select_n3A_369 = arith.select %eq3A_366, %broadcast_in_dim3A_368, %select_n3A_347 : vector<256x16xi1>, vector<256x16xf32>
    %reduce_min3A_370 = arith.constant dense<0x7F800000> : vector<256xf32>
    %reduce_min3A_371 = vector.multi_reduction <minimumf>, %select_n3A_363, %reduce_min3A_370 [1] : vector<256x2048xf32> to vector<256xf32>
    %broadcast_in_dim3A_372 = vector.shape_cast %reduce_min3A_371 : vector<256xf32> to vector<256x1xf32>
    %eq3A_373 = vector.broadcast %broadcast_in_dim3A_372 : vector<256x1xf32> to vector<256x2048xf32>
    %eq3A_374 = arith.cmpf oeq, %select_n3A_363, %eq3A_373 : vector<256x2048xf32>
    %jit3A_375 = arith.constant 2.048000e+03 : f32
    %broadcast_in_dim3A_376 = vector.broadcast %jit3A_375 : f32 to vector<256x2048xf32>
    %select_n3A_377 = arith.select %eq3A_374, %convert_element_type3A_39, %broadcast_in_dim3A_376 : vector<256x2048xi1>, vector<256x2048xf32>
    %reduce_min3A_378 = arith.constant dense<0x7F800000> : vector<256xf32>
    %reduce_min3A_379 = vector.multi_reduction <minimumf>, %select_n3A_377, %reduce_min3A_378 [1] : vector<256x2048xf32> to vector<256xf32>
    %broadcast_in_dim3A_380 = vector.shape_cast %reduce_min3A_379 : vector<256xf32> to vector<256x1xf32>
    %eq3A_381 = arith.constant 15 : i32
    %eq3A_382 = vector.broadcast %eq3A_381 : i32 to vector<256x16xi32>
    %eq3A_383 = arith.cmpi eq, %iota3A_40, %eq3A_382 : vector<256x16xi32>
    %broadcast_in_dim3A_384 = vector.shape_cast %broadcast_in_dim3A_380 : vector<256x1xf32> to vector<256x1xf32>
    %broadcast_in_dim3A_385 = vector.broadcast %broadcast_in_dim3A_384 : vector<256x1xf32> to vector<256x16xf32>
    %select_n3A_386 = arith.select %eq3A_383, %broadcast_in_dim3A_385, %select_n3A_369 : vector<256x16xi1>, vector<256x16xf32>
    %convert_element_type3A_387 = arith.fptosi %select_n3A_386 : vector<256x16xf32> to vector<256x16xi32>
    %and3A = arith.constant 127 : i32
    %and3A_388 = vector.broadcast %and3A : i32 to vector<256x16xi32>
    %and3A_389 = arith.andi %convert_element_type3A_387, %and3A_388 : vector<256x16xi32>
    %shift_right_arithmetic3A = arith.constant 7 : i32
    %shift_right_arithmetic3A_390 = vector.broadcast %shift_right_arithmetic3A : i32 to vector<256x16xi32>
    %shift_right_arithmetic3A_391 = arith.shrsi %convert_element_type3A_387, %shift_right_arithmetic3A_390 : vector<256x16xi32>
    %slice3A_392 = vector.extract_strided_slice %dot_general3A_37 {offsets = [0, 0], sizes = [256, 128], strides = [1, 1]} : vector<256x2048xf32> to vector<256x128xf32>
    %lt3A_393 = arith.constant 0 : i32
    %lt3A_394 = vector.broadcast %lt3A_393 : i32 to vector<256x16xi32>
    %lt3A_395 = arith.cmpi slt, %and3A_389, %lt3A_394 : vector<256x16xi32>
    %add3A_396 = arith.constant 128 : i32
    %add3A_397 = vector.broadcast %add3A_396 : i32 to vector<256x16xi32>
    %add3A_398 = arith.addi %and3A_389, %add3A_397 : vector<256x16xi32>
    %select_n3A_399 = arith.select %lt3A_395, %add3A_398, %and3A_389 : vector<256x16xi1>, vector<256x16xi32>
    %reshape3A = vector.shape_cast %select_n3A_399 : vector<256x16xi32> to vector<256x16x1xi32>
    %gather3A = vector.shape_cast %reshape3A : vector<256x16x1xi32> to vector<256x16xi32>
    %gather3A_400 = tpu.dynamic_gather %slice3A_392[%gather3A] in [1] : vector<256x128xf32>, vector<256x16xi32> -> vector<256x16xf32>
    %eq3A_401 = arith.constant 0 : i32
    %eq3A_402 = vector.broadcast %eq3A_401 : i32 to vector<256x16xi32>
    %eq3A_403 = arith.cmpi eq, %shift_right_arithmetic3A_391, %eq3A_402 : vector<256x16xi32>
    %select_n3A_404 = arith.select %eq3A_403, %gather3A_400, %broadcast_in_dim3A_43 : vector<256x16xi1>, vector<256x16xf32>
    %slice3A_405 = vector.extract_strided_slice %dot_general3A_37 {offsets = [0, 128], sizes = [256, 128], strides = [1, 1]} : vector<256x2048xf32> to vector<256x128xf32>
    %lt3A_406 = arith.constant 0 : i32
    %lt3A_407 = vector.broadcast %lt3A_406 : i32 to vector<256x16xi32>
    %lt3A_408 = arith.cmpi slt, %and3A_389, %lt3A_407 : vector<256x16xi32>
    %add3A_409 = arith.constant 128 : i32
    %add3A_410 = vector.broadcast %add3A_409 : i32 to vector<256x16xi32>
    %add3A_411 = arith.addi %and3A_389, %add3A_410 : vector<256x16xi32>
    %select_n3A_412 = arith.select %lt3A_408, %add3A_411, %and3A_389 : vector<256x16xi1>, vector<256x16xi32>
    %reshape3A_413 = vector.shape_cast %select_n3A_412 : vector<256x16xi32> to vector<256x16x1xi32>
    %gather3A_414 = vector.shape_cast %reshape3A_413 : vector<256x16x1xi32> to vector<256x16xi32>
    %gather3A_415 = tpu.dynamic_gather %slice3A_405[%gather3A_414] in [1] : vector<256x128xf32>, vector<256x16xi32> -> vector<256x16xf32>
    %eq3A_416 = arith.constant 1 : i32
    %eq3A_417 = vector.broadcast %eq3A_416 : i32 to vector<256x16xi32>
    %eq3A_418 = arith.cmpi eq, %shift_right_arithmetic3A_391, %eq3A_417 : vector<256x16xi32>
    %select_n3A_419 = arith.select %eq3A_418, %gather3A_415, %select_n3A_404 : vector<256x16xi1>, vector<256x16xf32>
    %slice3A_420 = vector.extract_strided_slice %dot_general3A_37 {offsets = [0, 256], sizes = [256, 128], strides = [1, 1]} : vector<256x2048xf32> to vector<256x128xf32>
    %lt3A_421 = arith.constant 0 : i32
    %lt3A_422 = vector.broadcast %lt3A_421 : i32 to vector<256x16xi32>
    %lt3A_423 = arith.cmpi slt, %and3A_389, %lt3A_422 : vector<256x16xi32>
    %add3A_424 = arith.constant 128 : i32
    %add3A_425 = vector.broadcast %add3A_424 : i32 to vector<256x16xi32>
    %add3A_426 = arith.addi %and3A_389, %add3A_425 : vector<256x16xi32>
    %select_n3A_427 = arith.select %lt3A_423, %add3A_426, %and3A_389 : vector<256x16xi1>, vector<256x16xi32>
    %reshape3A_428 = vector.shape_cast %select_n3A_427 : vector<256x16xi32> to vector<256x16x1xi32>
    %gather3A_429 = vector.shape_cast %reshape3A_428 : vector<256x16x1xi32> to vector<256x16xi32>
    %gather3A_430 = tpu.dynamic_gather %slice3A_420[%gather3A_429] in [1] : vector<256x128xf32>, vector<256x16xi32> -> vector<256x16xf32>
    %eq3A_431 = arith.constant 2 : i32
    %eq3A_432 = vector.broadcast %eq3A_431 : i32 to vector<256x16xi32>
    %eq3A_433 = arith.cmpi eq, %shift_right_arithmetic3A_391, %eq3A_432 : vector<256x16xi32>
    %select_n3A_434 = arith.select %eq3A_433, %gather3A_430, %select_n3A_419 : vector<256x16xi1>, vector<256x16xf32>
    %slice3A_435 = vector.extract_strided_slice %dot_general3A_37 {offsets = [0, 384], sizes = [256, 128], strides = [1, 1]} : vector<256x2048xf32> to vector<256x128xf32>
    %lt3A_436 = arith.constant 0 : i32
    %lt3A_437 = vector.broadcast %lt3A_436 : i32 to vector<256x16xi32>
    %lt3A_438 = arith.cmpi slt, %and3A_389, %lt3A_437 : vector<256x16xi32>
    %add3A_439 = arith.constant 128 : i32
    %add3A_440 = vector.broadcast %add3A_439 : i32 to vector<256x16xi32>
    %add3A_441 = arith.addi %and3A_389, %add3A_440 : vector<256x16xi32>
    %select_n3A_442 = arith.select %lt3A_438, %add3A_441, %and3A_389 : vector<256x16xi1>, vector<256x16xi32>
    %reshape3A_443 = vector.shape_cast %select_n3A_442 : vector<256x16xi32> to vector<256x16x1xi32>
    %gather3A_444 = vector.shape_cast %reshape3A_443 : vector<256x16x1xi32> to vector<256x16xi32>
    %gather3A_445 = tpu.dynamic_gather %slice3A_435[%gather3A_444] in [1] : vector<256x128xf32>, vector<256x16xi32> -> vector<256x16xf32>
    %eq3A_446 = arith.constant 3 : i32
    %eq3A_447 = vector.broadcast %eq3A_446 : i32 to vector<256x16xi32>
    %eq3A_448 = arith.cmpi eq, %shift_right_arithmetic3A_391, %eq3A_447 : vector<256x16xi32>
    %select_n3A_449 = arith.select %eq3A_448, %gather3A_445, %select_n3A_434 : vector<256x16xi1>, vector<256x16xf32>
    %slice3A_450 = vector.extract_strided_slice %dot_general3A_37 {offsets = [0, 512], sizes = [256, 128], strides = [1, 1]} : vector<256x2048xf32> to vector<256x128xf32>
    %lt3A_451 = arith.constant 0 : i32
    %lt3A_452 = vector.broadcast %lt3A_451 : i32 to vector<256x16xi32>
    %lt3A_453 = arith.cmpi slt, %and3A_389, %lt3A_452 : vector<256x16xi32>
    %add3A_454 = arith.constant 128 : i32
    %add3A_455 = vector.broadcast %add3A_454 : i32 to vector<256x16xi32>
    %add3A_456 = arith.addi %and3A_389, %add3A_455 : vector<256x16xi32>
    %select_n3A_457 = arith.select %lt3A_453, %add3A_456, %and3A_389 : vector<256x16xi1>, vector<256x16xi32>
    %reshape3A_458 = vector.shape_cast %select_n3A_457 : vector<256x16xi32> to vector<256x16x1xi32>
    %gather3A_459 = vector.shape_cast %reshape3A_458 : vector<256x16x1xi32> to vector<256x16xi32>
    %gather3A_460 = tpu.dynamic_gather %slice3A_450[%gather3A_459] in [1] : vector<256x128xf32>, vector<256x16xi32> -> vector<256x16xf32>
    %eq3A_461 = arith.constant 4 : i32
    %eq3A_462 = vector.broadcast %eq3A_461 : i32 to vector<256x16xi32>
    %eq3A_463 = arith.cmpi eq, %shift_right_arithmetic3A_391, %eq3A_462 : vector<256x16xi32>
    %select_n3A_464 = arith.select %eq3A_463, %gather3A_460, %select_n3A_449 : vector<256x16xi1>, vector<256x16xf32>
    %slice3A_465 = vector.extract_strided_slice %dot_general3A_37 {offsets = [0, 640], sizes = [256, 128], strides = [1, 1]} : vector<256x2048xf32> to vector<256x128xf32>
    %lt3A_466 = arith.constant 0 : i32
    %lt3A_467 = vector.broadcast %lt3A_466 : i32 to vector<256x16xi32>
    %lt3A_468 = arith.cmpi slt, %and3A_389, %lt3A_467 : vector<256x16xi32>
    %add3A_469 = arith.constant 128 : i32
    %add3A_470 = vector.broadcast %add3A_469 : i32 to vector<256x16xi32>
    %add3A_471 = arith.addi %and3A_389, %add3A_470 : vector<256x16xi32>
    %select_n3A_472 = arith.select %lt3A_468, %add3A_471, %and3A_389 : vector<256x16xi1>, vector<256x16xi32>
    %reshape3A_473 = vector.shape_cast %select_n3A_472 : vector<256x16xi32> to vector<256x16x1xi32>
    %gather3A_474 = vector.shape_cast %reshape3A_473 : vector<256x16x1xi32> to vector<256x16xi32>
    %gather3A_475 = tpu.dynamic_gather %slice3A_465[%gather3A_474] in [1] : vector<256x128xf32>, vector<256x16xi32> -> vector<256x16xf32>
    %eq3A_476 = arith.constant 5 : i32
    %eq3A_477 = vector.broadcast %eq3A_476 : i32 to vector<256x16xi32>
    %eq3A_478 = arith.cmpi eq, %shift_right_arithmetic3A_391, %eq3A_477 : vector<256x16xi32>
    %select_n3A_479 = arith.select %eq3A_478, %gather3A_475, %select_n3A_464 : vector<256x16xi1>, vector<256x16xf32>
    %slice3A_480 = vector.extract_strided_slice %dot_general3A_37 {offsets = [0, 768], sizes = [256, 128], strides = [1, 1]} : vector<256x2048xf32> to vector<256x128xf32>
    %lt3A_481 = arith.constant 0 : i32
    %lt3A_482 = vector.broadcast %lt3A_481 : i32 to vector<256x16xi32>
    %lt3A_483 = arith.cmpi slt, %and3A_389, %lt3A_482 : vector<256x16xi32>
    %add3A_484 = arith.constant 128 : i32
    %add3A_485 = vector.broadcast %add3A_484 : i32 to vector<256x16xi32>
    %add3A_486 = arith.addi %and3A_389, %add3A_485 : vector<256x16xi32>
    %select_n3A_487 = arith.select %lt3A_483, %add3A_486, %and3A_389 : vector<256x16xi1>, vector<256x16xi32>
    %reshape3A_488 = vector.shape_cast %select_n3A_487 : vector<256x16xi32> to vector<256x16x1xi32>
    %gather3A_489 = vector.shape_cast %reshape3A_488 : vector<256x16x1xi32> to vector<256x16xi32>
    %gather3A_490 = tpu.dynamic_gather %slice3A_480[%gather3A_489] in [1] : vector<256x128xf32>, vector<256x16xi32> -> vector<256x16xf32>
    %eq3A_491 = arith.constant 6 : i32
    %eq3A_492 = vector.broadcast %eq3A_491 : i32 to vector<256x16xi32>
    %eq3A_493 = arith.cmpi eq, %shift_right_arithmetic3A_391, %eq3A_492 : vector<256x16xi32>
    %select_n3A_494 = arith.select %eq3A_493, %gather3A_490, %select_n3A_479 : vector<256x16xi1>, vector<256x16xf32>
    %slice3A_495 = vector.extract_strided_slice %dot_general3A_37 {offsets = [0, 896], sizes = [256, 128], strides = [1, 1]} : vector<256x2048xf32> to vector<256x128xf32>
    %lt3A_496 = arith.constant 0 : i32
    %lt3A_497 = vector.broadcast %lt3A_496 : i32 to vector<256x16xi32>
    %lt3A_498 = arith.cmpi slt, %and3A_389, %lt3A_497 : vector<256x16xi32>
    %add3A_499 = arith.constant 128 : i32
    %add3A_500 = vector.broadcast %add3A_499 : i32 to vector<256x16xi32>
    %add3A_501 = arith.addi %and3A_389, %add3A_500 : vector<256x16xi32>
    %select_n3A_502 = arith.select %lt3A_498, %add3A_501, %and3A_389 : vector<256x16xi1>, vector<256x16xi32>
    %reshape3A_503 = vector.shape_cast %select_n3A_502 : vector<256x16xi32> to vector<256x16x1xi32>
    %gather3A_504 = vector.shape_cast %reshape3A_503 : vector<256x16x1xi32> to vector<256x16xi32>
    %gather3A_505 = tpu.dynamic_gather %slice3A_495[%gather3A_504] in [1] : vector<256x128xf32>, vector<256x16xi32> -> vector<256x16xf32>
    %eq3A_506 = arith.constant 7 : i32
    %eq3A_507 = vector.broadcast %eq3A_506 : i32 to vector<256x16xi32>
    %eq3A_508 = arith.cmpi eq, %shift_right_arithmetic3A_391, %eq3A_507 : vector<256x16xi32>
    %select_n3A_509 = arith.select %eq3A_508, %gather3A_505, %select_n3A_494 : vector<256x16xi1>, vector<256x16xf32>
    %slice3A_510 = vector.extract_strided_slice %dot_general3A_37 {offsets = [0, 1024], sizes = [256, 128], strides = [1, 1]} : vector<256x2048xf32> to vector<256x128xf32>
    %lt3A_511 = arith.constant 0 : i32
    %lt3A_512 = vector.broadcast %lt3A_511 : i32 to vector<256x16xi32>
    %lt3A_513 = arith.cmpi slt, %and3A_389, %lt3A_512 : vector<256x16xi32>
    %add3A_514 = arith.constant 128 : i32
    %add3A_515 = vector.broadcast %add3A_514 : i32 to vector<256x16xi32>
    %add3A_516 = arith.addi %and3A_389, %add3A_515 : vector<256x16xi32>
    %select_n3A_517 = arith.select %lt3A_513, %add3A_516, %and3A_389 : vector<256x16xi1>, vector<256x16xi32>
    %reshape3A_518 = vector.shape_cast %select_n3A_517 : vector<256x16xi32> to vector<256x16x1xi32>
    %gather3A_519 = vector.shape_cast %reshape3A_518 : vector<256x16x1xi32> to vector<256x16xi32>
    %gather3A_520 = tpu.dynamic_gather %slice3A_510[%gather3A_519] in [1] : vector<256x128xf32>, vector<256x16xi32> -> vector<256x16xf32>
    %eq3A_521 = arith.constant 8 : i32
    %eq3A_522 = vector.broadcast %eq3A_521 : i32 to vector<256x16xi32>
    %eq3A_523 = arith.cmpi eq, %shift_right_arithmetic3A_391, %eq3A_522 : vector<256x16xi32>
    %select_n3A_524 = arith.select %eq3A_523, %gather3A_520, %select_n3A_509 : vector<256x16xi1>, vector<256x16xf32>
    %slice3A_525 = vector.extract_strided_slice %dot_general3A_37 {offsets = [0, 1152], sizes = [256, 128], strides = [1, 1]} : vector<256x2048xf32> to vector<256x128xf32>
    %lt3A_526 = arith.constant 0 : i32
    %lt3A_527 = vector.broadcast %lt3A_526 : i32 to vector<256x16xi32>
    %lt3A_528 = arith.cmpi slt, %and3A_389, %lt3A_527 : vector<256x16xi32>
    %add3A_529 = arith.constant 128 : i32
    %add3A_530 = vector.broadcast %add3A_529 : i32 to vector<256x16xi32>
    %add3A_531 = arith.addi %and3A_389, %add3A_530 : vector<256x16xi32>
    %select_n3A_532 = arith.select %lt3A_528, %add3A_531, %and3A_389 : vector<256x16xi1>, vector<256x16xi32>
    %reshape3A_533 = vector.shape_cast %select_n3A_532 : vector<256x16xi32> to vector<256x16x1xi32>
    %gather3A_534 = vector.shape_cast %reshape3A_533 : vector<256x16x1xi32> to vector<256x16xi32>
    %gather3A_535 = tpu.dynamic_gather %slice3A_525[%gather3A_534] in [1] : vector<256x128xf32>, vector<256x16xi32> -> vector<256x16xf32>
    %eq3A_536 = arith.constant 9 : i32
    %eq3A_537 = vector.broadcast %eq3A_536 : i32 to vector<256x16xi32>
    %eq3A_538 = arith.cmpi eq, %shift_right_arithmetic3A_391, %eq3A_537 : vector<256x16xi32>
    %select_n3A_539 = arith.select %eq3A_538, %gather3A_535, %select_n3A_524 : vector<256x16xi1>, vector<256x16xf32>
    %slice3A_540 = vector.extract_strided_slice %dot_general3A_37 {offsets = [0, 1280], sizes = [256, 128], strides = [1, 1]} : vector<256x2048xf32> to vector<256x128xf32>
    %lt3A_541 = arith.constant 0 : i32
    %lt3A_542 = vector.broadcast %lt3A_541 : i32 to vector<256x16xi32>
    %lt3A_543 = arith.cmpi slt, %and3A_389, %lt3A_542 : vector<256x16xi32>
    %add3A_544 = arith.constant 128 : i32
    %add3A_545 = vector.broadcast %add3A_544 : i32 to vector<256x16xi32>
    %add3A_546 = arith.addi %and3A_389, %add3A_545 : vector<256x16xi32>
    %select_n3A_547 = arith.select %lt3A_543, %add3A_546, %and3A_389 : vector<256x16xi1>, vector<256x16xi32>
    %reshape3A_548 = vector.shape_cast %select_n3A_547 : vector<256x16xi32> to vector<256x16x1xi32>
    %gather3A_549 = vector.shape_cast %reshape3A_548 : vector<256x16x1xi32> to vector<256x16xi32>
    %gather3A_550 = tpu.dynamic_gather %slice3A_540[%gather3A_549] in [1] : vector<256x128xf32>, vector<256x16xi32> -> vector<256x16xf32>
    %eq3A_551 = arith.constant 10 : i32
    %eq3A_552 = vector.broadcast %eq3A_551 : i32 to vector<256x16xi32>
    %eq3A_553 = arith.cmpi eq, %shift_right_arithmetic3A_391, %eq3A_552 : vector<256x16xi32>
    %select_n3A_554 = arith.select %eq3A_553, %gather3A_550, %select_n3A_539 : vector<256x16xi1>, vector<256x16xf32>
    %slice3A_555 = vector.extract_strided_slice %dot_general3A_37 {offsets = [0, 1408], sizes = [256, 128], strides = [1, 1]} : vector<256x2048xf32> to vector<256x128xf32>
    %lt3A_556 = arith.constant 0 : i32
    %lt3A_557 = vector.broadcast %lt3A_556 : i32 to vector<256x16xi32>
    %lt3A_558 = arith.cmpi slt, %and3A_389, %lt3A_557 : vector<256x16xi32>
    %add3A_559 = arith.constant 128 : i32
    %add3A_560 = vector.broadcast %add3A_559 : i32 to vector<256x16xi32>
    %add3A_561 = arith.addi %and3A_389, %add3A_560 : vector<256x16xi32>
    %select_n3A_562 = arith.select %lt3A_558, %add3A_561, %and3A_389 : vector<256x16xi1>, vector<256x16xi32>
    %reshape3A_563 = vector.shape_cast %select_n3A_562 : vector<256x16xi32> to vector<256x16x1xi32>
    %gather3A_564 = vector.shape_cast %reshape3A_563 : vector<256x16x1xi32> to vector<256x16xi32>
    %gather3A_565 = tpu.dynamic_gather %slice3A_555[%gather3A_564] in [1] : vector<256x128xf32>, vector<256x16xi32> -> vector<256x16xf32>
    %eq3A_566 = arith.constant 11 : i32
    %eq3A_567 = vector.broadcast %eq3A_566 : i32 to vector<256x16xi32>
    %eq3A_568 = arith.cmpi eq, %shift_right_arithmetic3A_391, %eq3A_567 : vector<256x16xi32>
    %select_n3A_569 = arith.select %eq3A_568, %gather3A_565, %select_n3A_554 : vector<256x16xi1>, vector<256x16xf32>
    %slice3A_570 = vector.extract_strided_slice %dot_general3A_37 {offsets = [0, 1536], sizes = [256, 128], strides = [1, 1]} : vector<256x2048xf32> to vector<256x128xf32>
    %lt3A_571 = arith.constant 0 : i32
    %lt3A_572 = vector.broadcast %lt3A_571 : i32 to vector<256x16xi32>
    %lt3A_573 = arith.cmpi slt, %and3A_389, %lt3A_572 : vector<256x16xi32>
    %add3A_574 = arith.constant 128 : i32
    %add3A_575 = vector.broadcast %add3A_574 : i32 to vector<256x16xi32>
    %add3A_576 = arith.addi %and3A_389, %add3A_575 : vector<256x16xi32>
    %select_n3A_577 = arith.select %lt3A_573, %add3A_576, %and3A_389 : vector<256x16xi1>, vector<256x16xi32>
    %reshape3A_578 = vector.shape_cast %select_n3A_577 : vector<256x16xi32> to vector<256x16x1xi32>
    %gather3A_579 = vector.shape_cast %reshape3A_578 : vector<256x16x1xi32> to vector<256x16xi32>
    %gather3A_580 = tpu.dynamic_gather %slice3A_570[%gather3A_579] in [1] : vector<256x128xf32>, vector<256x16xi32> -> vector<256x16xf32>
    %eq3A_581 = arith.constant 12 : i32
    %eq3A_582 = vector.broadcast %eq3A_581 : i32 to vector<256x16xi32>
    %eq3A_583 = arith.cmpi eq, %shift_right_arithmetic3A_391, %eq3A_582 : vector<256x16xi32>
    %select_n3A_584 = arith.select %eq3A_583, %gather3A_580, %select_n3A_569 : vector<256x16xi1>, vector<256x16xf32>
    %slice3A_585 = vector.extract_strided_slice %dot_general3A_37 {offsets = [0, 1664], sizes = [256, 128], strides = [1, 1]} : vector<256x2048xf32> to vector<256x128xf32>
    %lt3A_586 = arith.constant 0 : i32
    %lt3A_587 = vector.broadcast %lt3A_586 : i32 to vector<256x16xi32>
    %lt3A_588 = arith.cmpi slt, %and3A_389, %lt3A_587 : vector<256x16xi32>
    %add3A_589 = arith.constant 128 : i32
    %add3A_590 = vector.broadcast %add3A_589 : i32 to vector<256x16xi32>
    %add3A_591 = arith.addi %and3A_389, %add3A_590 : vector<256x16xi32>
    %select_n3A_592 = arith.select %lt3A_588, %add3A_591, %and3A_389 : vector<256x16xi1>, vector<256x16xi32>
    %reshape3A_593 = vector.shape_cast %select_n3A_592 : vector<256x16xi32> to vector<256x16x1xi32>
    %gather3A_594 = vector.shape_cast %reshape3A_593 : vector<256x16x1xi32> to vector<256x16xi32>
    %gather3A_595 = tpu.dynamic_gather %slice3A_585[%gather3A_594] in [1] : vector<256x128xf32>, vector<256x16xi32> -> vector<256x16xf32>
    %eq3A_596 = arith.constant 13 : i32
    %eq3A_597 = vector.broadcast %eq3A_596 : i32 to vector<256x16xi32>
    %eq3A_598 = arith.cmpi eq, %shift_right_arithmetic3A_391, %eq3A_597 : vector<256x16xi32>
    %select_n3A_599 = arith.select %eq3A_598, %gather3A_595, %select_n3A_584 : vector<256x16xi1>, vector<256x16xf32>
    %slice3A_600 = vector.extract_strided_slice %dot_general3A_37 {offsets = [0, 1792], sizes = [256, 128], strides = [1, 1]} : vector<256x2048xf32> to vector<256x128xf32>
    %lt3A_601 = arith.constant 0 : i32
    %lt3A_602 = vector.broadcast %lt3A_601 : i32 to vector<256x16xi32>
    %lt3A_603 = arith.cmpi slt, %and3A_389, %lt3A_602 : vector<256x16xi32>
    %add3A_604 = arith.constant 128 : i32
    %add3A_605 = vector.broadcast %add3A_604 : i32 to vector<256x16xi32>
    %add3A_606 = arith.addi %and3A_389, %add3A_605 : vector<256x16xi32>
    %select_n3A_607 = arith.select %lt3A_603, %add3A_606, %and3A_389 : vector<256x16xi1>, vector<256x16xi32>
    %reshape3A_608 = vector.shape_cast %select_n3A_607 : vector<256x16xi32> to vector<256x16x1xi32>
    %gather3A_609 = vector.shape_cast %reshape3A_608 : vector<256x16x1xi32> to vector<256x16xi32>
    %gather3A_610 = tpu.dynamic_gather %slice3A_600[%gather3A_609] in [1] : vector<256x128xf32>, vector<256x16xi32> -> vector<256x16xf32>
    %eq3A_611 = arith.constant 14 : i32
    %eq3A_612 = vector.broadcast %eq3A_611 : i32 to vector<256x16xi32>
    %eq3A_613 = arith.cmpi eq, %shift_right_arithmetic3A_391, %eq3A_612 : vector<256x16xi32>
    %select_n3A_614 = arith.select %eq3A_613, %gather3A_610, %select_n3A_599 : vector<256x16xi1>, vector<256x16xf32>
    %slice3A_615 = vector.extract_strided_slice %dot_general3A_37 {offsets = [0, 1920], sizes = [256, 128], strides = [1, 1]} : vector<256x2048xf32> to vector<256x128xf32>
    %lt3A_616 = arith.constant 0 : i32
    %lt3A_617 = vector.broadcast %lt3A_616 : i32 to vector<256x16xi32>
    %lt3A_618 = arith.cmpi slt, %and3A_389, %lt3A_617 : vector<256x16xi32>
    %add3A_619 = arith.constant 128 : i32
    %add3A_620 = vector.broadcast %add3A_619 : i32 to vector<256x16xi32>
    %add3A_621 = arith.addi %and3A_389, %add3A_620 : vector<256x16xi32>
    %select_n3A_622 = arith.select %lt3A_618, %add3A_621, %and3A_389 : vector<256x16xi1>, vector<256x16xi32>
    %reshape3A_623 = vector.shape_cast %select_n3A_622 : vector<256x16xi32> to vector<256x16x1xi32>
    %gather3A_624 = vector.shape_cast %reshape3A_623 : vector<256x16x1xi32> to vector<256x16xi32>
    %gather3A_625 = tpu.dynamic_gather %slice3A_615[%gather3A_624] in [1] : vector<256x128xf32>, vector<256x16xi32> -> vector<256x16xf32>
    %eq3A_626 = arith.constant 15 : i32
    %eq3A_627 = vector.broadcast %eq3A_626 : i32 to vector<256x16xi32>
    %eq3A_628 = arith.cmpi eq, %shift_right_arithmetic3A_391, %eq3A_627 : vector<256x16xi32>
    %select_n3A_629 = arith.select %eq3A_628, %gather3A_625, %select_n3A_614 : vector<256x16xi1>, vector<256x16xf32>
    %swap3A = arith.constant 0 : index
    %swap3A_630 = arith.constant 0 : index
    %swap3A_631 = vector.load %arg6[%swap3A, %swap3A_630] : memref<256x16xi32, #tpu.memory_space<vmem>>, vector<256x16xi32>
    tpu.vector_store %arg6[%swap3A, %swap3A_630], %convert_element_type3A_387 {strides = array<i32>} : memref<256x16xi32, #tpu.memory_space<vmem>>, vector<256x16xi32>,
    %swap3A_632 = arith.constant 0 : index
    %swap3A_633 = arith.constant 0 : index
    %swap3A_634 = vector.load %arg7[%swap3A_632, %swap3A_633] : memref<256x16xf32, #tpu.memory_space<vmem>>, vector<256x16xf32>
    tpu.vector_store %arg7[%swap3A_632, %swap3A_633], %select_n3A_629 {strides = array<i32>} : memref<256x16xf32, #tpu.memory_space<vmem>>, vector<256x16xf32>,
    return
  }
  func.func @transform_0(%arg0: i32) -> (i32, i32, i32) {
    %c0_i32 = arith.constant 0 : i32
    %c0_i32_0 = arith.constant 0 : i32
    %c0_i32_1 = arith.constant 0 : i32
    return %c0_i32, %arg0, %c0_i32_0 : i32, i32, i32
  }
  func.func @transform_1(%arg0: i32) -> (i32, i32, i32) {
    %c0_i32 = arith.constant 0 : i32
    %c0_i32_0 = arith.constant 0 : i32
    %c0_i32_1 = arith.constant 0 : i32
    %c0_i32_2 = arith.constant 0 : i32
    return %c0_i32, %c0_i32_0, %c0_i32_1 : i32, i32, i32
  }
  func.func @transform_2(%arg0: i32) -> (i32, i32, i32) {
    %c0_i32 = arith.constant 0 : i32
    %c0_i32_0 = arith.constant 0 : i32
    %c0_i32_1 = arith.constant 0 : i32
    %c0_i32_2 = arith.constant 0 : i32
    return %c0_i32, %c0_i32_0, %c0_i32_1 : i32, i32, i32
  }
  func.func @transform_3(%arg0: i32) -> (i32, i32, i32) {
    %c0_i32 = arith.constant 0 : i32
    %c0_i32_0 = arith.constant 0 : i32
    %c0_i32_1 = arith.constant 0 : i32
    %c0_i32_2 = arith.constant 0 : i32
    return %c0_i32, %c0_i32_0, %c0_i32_1 : i32, i32, i32
  }
  func.func @transform_4(%arg0: i32) -> (i32, i32, i32) {
    %c0_i32 = arith.constant 0 : i32
    %c0_i32_0 = arith.constant 0 : i32
    %c0_i32_1 = arith.constant 0 : i32
    return %c0_i32, %arg0, %c0_i32_0 : i32, i32, i32
  }
  func.func @transform_5(%arg0: i32) -> (i32, i32) {
    %c0_i32 = arith.constant 0 : i32
    %c0_i32_0 = arith.constant 0 : i32
    return %arg0, %c0_i32 : i32, i32
  }
  func.func @transform_6(%arg0: i32) -> (i32, i32) {
    %c0_i32 = arith.constant 0 : i32
    %c0_i32_0 = arith.constant 0 : i32
    return %arg0, %c0_i32 : i32, i32
  }
}

module attributes {stable_mosaic.version = 14 : i64} {
  func.func @_topk_body(%arg0: i32, %arg1: memref<1x256x16xf32, #tpu.memory_space<vmem>>, %arg2: memref<1x2048x16xf32, #tpu.memory_space<vmem>>, %arg3: memref<1x1x2048xf32, #tpu.memory_space<vmem>>, %arg4: memref<1x2048x64xf32, #tpu.memory_space<vmem>>, %arg5: memref<1x256x64xf32, #tpu.memory_space<vmem>>, %arg6: memref<256x16xi32, #tpu.memory_space<vmem>>, %arg7: memref<256x16xf32, #tpu.memory_space<vmem>>) attributes {dimension_semantics = [#tpu.dimension_semantics<parallel>], iteration_bounds = array<i64: 8>, scalar_prefetch = 0 : i64, scratch_operands = 0 : i64, tpu.core_type = #tpu.core_type<tc>, window_params = [{transform_indices = @transform_0, window_bounds = array<i64: 1, 256, 16>}, {transform_indices = @transform_1, window_bounds = array<i64: 1, 2048, 16>}, {transform_indices = @transform_2, window_bounds = array<i64: 1, 1, 2048>}, {transform_indices = @transform_3, window_bounds = array<i64: 1, 2048, 64>}, {transform_indices = @transform_4, window_bounds = array<i64: 1, 256, 64>}, {transform_indices = @transform_5, window_bounds = array<i64: 256, 16>}, {transform_indices = @transform_6, window_bounds = array<i64: 256, 16>}]} {
    %get3A = arith.constant 0 : index
    %get3A_0 = arith.constant 0 : index
    %get3A_1 = arith.constant 0 : index
    %get3A_2 = vector.load %arg1[%get3A, %get3A_0, %get3A_1] : memref<1x256x16xf32, #tpu.memory_space<vmem>>, vector<1x256x16xf32>
    %get3A_3 = vector.shape_cast %get3A_2 : vector<1x256x16xf32> to vector<256x16xf32>
    %get3A_4 = arith.constant 0 : index
    %get3A_5 = arith.constant 0 : index
    %get3A_6 = arith.constant 0 : index
    %get3A_7 = vector.load %arg2[%get3A_4, %get3A_5, %get3A_6] : memref<1x2048x16xf32, #tpu.memory_space<vmem>>, vector<1x2048x16xf32>
    %get3A_8 = vector.shape_cast %get3A_7 : vector<1x2048x16xf32> to vector<2048x16xf32>
    %iota3A = tpu.iota {dimensions = array<i32: 1>} : vector<1x16xi32>
    %lt3A = arith.constant 3 : i32
    %lt3A_9 = vector.broadcast %lt3A : i32 to vector<1x16xi32>
    %lt3A_10 = arith.cmpi slt, %iota3A, %lt3A_9 : vector<1x16xi32>
    %convert_element_type3A = arith.extui %lt3A_10 : vector<1x16xi1> to vector<1x16xi32>
    %convert_element_type3A_11 = arith.sitofp %convert_element_type3A : vector<1x16xi32> to vector<1x16xf32>
    %mul3A = vector.broadcast %convert_element_type3A_11 : vector<1x16xf32> to vector<256x16xf32>
    %mul3A_12 = arith.mulf %get3A_3, %mul3A : vector<256x16xf32>
    %mul3A_13 = vector.broadcast %convert_element_type3A_11 : vector<1x16xf32> to vector<2048x16xf32>
    %mul3A_14 = arith.mulf %get3A_8, %mul3A_13 : vector<2048x16xf32>
    %dot_general3A = arith.constant dense<0.000000e+00> : vector<256x2048xf32>
    %dot_general3A_15 = tpu.matmul %mul3A_12, %mul3A_14, %dot_general3A {dimension_numbers = #tpu.dot_dimension_numbers<[1], [1], [0], [0], [0, 0, 1, 0], [], []>, transpose_lhs_hint = false} : vector<256x16xf32>, vector<2048x16xf32>, vector<256x2048xf32> -> vector<256x2048xf32>
    %slice3A = vector.extract_strided_slice %get3A_3 {offsets = [0, 3], sizes = [256, 1], strides = [1, 1]} : vector<256x16xf32> to vector<256x1xf32>
    %get3A_16 = arith.constant 0 : index
    %get3A_17 = arith.constant 0 : index
    %get3A_18 = arith.constant 0 : index
    %get3A_19 = vector.load %arg3[%get3A_16, %get3A_17, %get3A_18] : memref<1x1x2048xf32, #tpu.memory_space<vmem>>, vector<1x1x2048xf32>
    %get3A_20 = vector.shape_cast %get3A_19 : vector<1x1x2048xf32> to vector<1x2048xf32>
    %add3A = vector.broadcast %slice3A : vector<256x1xf32> to vector<256x2048xf32>
    %add3A_21 = vector.broadcast %get3A_20 : vector<1x2048xf32> to vector<256x2048xf32>
    %add3A_22 = arith.addf %add3A, %add3A_21 : vector<256x2048xf32>
    %mul3A_23 = arith.constant 2.000000e+00 : f32
    %mul3A_24 = vector.broadcast %mul3A_23 : f32 to vector<256x2048xf32>
    %mul3A_25 = arith.mulf %mul3A_24, %dot_general3A_15 : vector<256x2048xf32>
    %sub3A = arith.subf %add3A_22, %mul3A_25 : vector<256x2048xf32>
    %get3A_26 = arith.constant 0 : index
    %get3A_27 = arith.constant 0 : index
    %get3A_28 = arith.constant 0 : index
    %get3A_29 = vector.load %arg5[%get3A_26, %get3A_27, %get3A_28] : memref<1x256x64xf32, #tpu.memory_space<vmem>>, vector<1x256x64xf32>
    %get3A_30 = vector.shape_cast %get3A_29 : vector<1x256x64xf32> to vector<256x64xf32>
    %get3A_31 = arith.constant 0 : index
    %get3A_32 = arith.constant 0 : index
    %get3A_33 = arith.constant 0 : index
    %get3A_34 = vector.load %arg4[%get3A_31, %get3A_32, %get3A_33] : memref<1x2048x64xf32, #tpu.memory_space<vmem>>, vector<1x2048x64xf32>
    %get3A_35 = vector.shape_cast %get3A_34 : vector<1x2048x64xf32> to vector<2048x64xf32>
    %dot_general3A_36 = arith.constant dense<0.000000e+00> : vector<256x2048xf32>
    %dot_general3A_37 = tpu.matmul %get3A_30, %get3A_35, %dot_general3A_36 {dimension_numbers = #tpu.dot_dimension_numbers<[1], [1], [0], [0], [0, 0, 1, 0], [], []>, transpose_lhs_hint = false} : vector<256x64xf32>, vector<2048x64xf32>, vector<256x2048xf32> -> vector<256x2048xf32>
    %iota3A_38 = tpu.iota {dimensions = array<i32: 1>} : vector<256x2048xi32>
    %convert_element_type3A_39 = arith.sitofp %iota3A_38 : vector<256x2048xi32> to vector<256x2048xf32>
    %iota3A_40 = tpu.iota {dimensions = array<i32: 1>} : vector<256x16xi32>
    %broadcast_in_dim3A = arith.constant 0.000000e+00 : f32
    %broadcast_in_dim3A_41 = vector.broadcast %broadcast_in_dim3A : f32 to vector<256x16xf32>
    %broadcast_in_dim3A_42 = arith.constant 0.000000e+00 : f32
    %broadcast_in_dim3A_43 = vector.broadcast %broadcast_in_dim3A_42 : f32 to vector<256x16xf32>
    %reduce_min3A = arith.constant dense<0x7F800000> : vector<256xf32>
    %reduce_min3A_44 = vector.multi_reduction <minimumf>, %sub3A, %reduce_min3A [1] : vector<256x2048xf32> to vector<256xf32>
    %broadcast_in_dim3A_45 = vector.shape_cast %reduce_min3A_44 : vector<256xf32> to vector<256x1xf32>
    %eq3A = vector.broadcast %broadcast_in_dim3A_45 : vector<256x1xf32> to vector<256x2048xf32>
    %eq3A_46 = arith.cmpf oeq, %sub3A, %eq3A : vector<256x2048xf32>
    %jit3A = arith.constant 2.048000e+03 : f32
    %broadcast_in_dim3A_47 = vector.broadcast %jit3A : f32 to vector<256x2048xf32>
    %select_n3A = arith.select %eq3A_46, %convert_element_type3A_39, %broadcast_in_dim3A_47 : vector<256x2048xi1>, vector<256x2048xf32>
    %reduce_min3A_48 = arith.constant dense<0x7F800000> : vector<256xf32>
    %reduce_min3A_49 = vector.multi_reduction <minimumf>, %select_n3A, %reduce_min3A_48 [1] : vector<256x2048xf32> to vector<256xf32>
    %broadcast_in_dim3A_50 = vector.shape_cast %reduce_min3A_49 : vector<256xf32> to vector<256x1xf32>
    %eq3A_51 = vector.broadcast %broadcast_in_dim3A_50 : vector<256x1xf32> to vector<256x2048xf32>
    %eq3A_52 = arith.cmpf oeq, %select_n3A, %eq3A_51 : vector<256x2048xf32>
    %jit3A_53 = arith.constant 0x7F800000 : f32
    %broadcast_in_dim3A_54 = vector.broadcast %jit3A_53 : f32 to vector<256x2048xf32>
    %select_n3A_55 = arith.select %eq3A_52, %broadcast_in_dim3A_54, %sub3A : vector<256x2048xi1>, vector<256x2048xf32>
    %eq3A_56 = arith.constant 0 : i32
    %eq3A_57 = vector.broadcast %eq3A_56 : i32 to vector<256x16xi32>
    %eq3A_58 = arith.cmpi eq, %iota3A_40, %eq3A_57 : vector<256x16xi32>
    %broadcast_in_dim3A_59 = vector.shape_cast %broadcast_in_dim3A_50 : vector<256x1xf32> to vector<256x1xf32>
    %broadcast_in_dim3A_60 = vector.broadcast %broadcast_in_dim3A_59 : vector<256x1xf32> to vector<256x16xf32>
    %select_n3A_61 = arith.select %eq3A_58, %broadcast_in_dim3A_60, %broadcast_in_dim3A_41 : vector<256x16xi1>, vector<256x16xf32>
    %reduce_min3A_62 = arith.constant dense<0x7F800000> : vector<256xf32>
    %reduce_min3A_63 = vector.multi_reduction <minimumf>, %select_n3A_55, %reduce_min3A_62 [1] : vector<256x2048xf32> to vector<256xf32>
    %broadcast_in_dim3A_64 = vector.shape_cast %reduce_min3A_63 : vector<256xf32> to vector<256x1xf32>
    %eq3A_65 = vector.broadcast %broadcast_in_dim3A_64 : vector<256x1xf32> to vector<256x2048xf32>
    %eq3A_66 = arith.cmpf oeq, %select_n3A_55, %eq3A_65 : vector<256x2048xf32>
    %jit3A_67 = arith.constant 2.048000e+03 : f32
    %broadcast_in_dim3A_68 = vector.broadcast %jit3A_67 : f32 to vector<256x2048xf32>
    %select_n3A_69 = arith.select %eq3A_66, %convert_element_type3A_39, %broadcast_in_dim3A_68 : vector<256x2048xi1>, vector<256x2048xf32>
    %reduce_min3A_70 = arith.constant dense<0x7F800000> : vector<256xf32>
    %reduce_min3A_71 = vector.multi_reduction <minimumf>, %select_n3A_69, %reduce_min3A_70 [1] : vector<256x2048xf32> to vector<256xf32>
    %broadcast_in_dim3A_72 = vector.shape_cast %reduce_min3A_71 : vector<256xf32> to vector<256x1xf32>
    %eq3A_73 = vector.broadcast %broadcast_in_dim3A_72 : vector<256x1xf32> to vector<256x2048xf32>
    %eq3A_74 = arith.cmpf oeq, %select_n3A_69, %eq3A_73 : vector<256x2048xf32>
    %jit3A_75 = arith.constant 0x7F800000 : f32
    %broadcast_in_dim3A_76 = vector.broadcast %jit3A_75 : f32 to vector<256x2048xf32>
    %select_n3A_77 = arith.select %eq3A_74, %broadcast_in_dim3A_76, %select_n3A_55 : vector<256x2048xi1>, vector<256x2048xf32>
    %eq3A_78 = arith.constant 1 : i32
    %eq3A_79 = vector.broadcast %eq3A_78 : i32 to vector<256x16xi32>
    %eq3A_80 = arith.cmpi eq, %iota3A_40, %eq3A_79 : vector<256x16xi32>
    %broadcast_in_dim3A_81 = vector.shape_cast %broadcast_in_dim3A_72 : vector<256x1xf32> to vector<256x1xf32>
    %broadcast_in_dim3A_82 = vector.broadcast %broadcast_in_dim3A_81 : vector<256x1xf32> to vector<256x16xf32>
    %select_n3A_83 = arith.select %eq3A_80, %broadcast_in_dim3A_82, %select_n3A_61 : vector<256x16xi1>, vector<256x16xf32>
    %reduce_min3A_84 = arith.constant dense<0x7F800000> : vector<256xf32>
    %reduce_min3A_85 = vector.multi_reduction <minimumf>, %select_n3A_77, %reduce_min3A_84 [1] : vector<256x2048xf32> to vector<256xf32>
    %broadcast_in_dim3A_86 = vector.shape_cast %reduce_min3A_85 : vector<256xf32> to vector<256x1xf32>
    %eq3A_87 = vector.broadcast %broadcast_in_dim3A_86 : vector<256x1xf32> to vector<256x2048xf32>
    %eq3A_88 = arith.cmpf oeq, %select_n3A_77, %eq3A_87 : vector<256x2048xf32>
    %jit3A_89 = arith.constant 2.048000e+03 : f32
    %broadcast_in_dim3A_90 = vector.broadcast %jit3A_89 : f32 to vector<256x2048xf32>
    %select_n3A_91 = arith.select %eq3A_88, %convert_element_type3A_39, %broadcast_in_dim3A_90 : vector<256x2048xi1>, vector<256x2048xf32>
    %reduce_min3A_92 = arith.constant dense<0x7F800000> : vector<256xf32>
    %reduce_min3A_93 = vector.multi_reduction <minimumf>, %select_n3A_91, %reduce_min3A_92 [1] : vector<256x2048xf32> to vector<256xf32>
    %broadcast_in_dim3A_94 = vector.shape_cast %reduce_min3A_93 : vector<256xf32> to vector<256x1xf32>
    %eq3A_95 = vector.broadcast %broadcast_in_dim3A_94 : vector<256x1xf32> to vector<256x2048xf32>
    %eq3A_96 = arith.cmpf oeq, %select_n3A_91, %eq3A_95 : vector<256x2048xf32>
    %jit3A_97 = arith.constant 0x7F800000 : f32
    %broadcast_in_dim3A_98 = vector.broadcast %jit3A_97 : f32 to vector<256x2048xf32>
    %select_n3A_99 = arith.select %eq3A_96, %broadcast_in_dim3A_98, %select_n3A_77 : vector<256x2048xi1>, vector<256x2048xf32>
    %eq3A_100 = arith.constant 2 : i32
    %eq3A_101 = vector.broadcast %eq3A_100 : i32 to vector<256x16xi32>
    %eq3A_102 = arith.cmpi eq, %iota3A_40, %eq3A_101 : vector<256x16xi32>
    %broadcast_in_dim3A_103 = vector.shape_cast %broadcast_in_dim3A_94 : vector<256x1xf32> to vector<256x1xf32>
    %broadcast_in_dim3A_104 = vector.broadcast %broadcast_in_dim3A_103 : vector<256x1xf32> to vector<256x16xf32>
    %select_n3A_105 = arith.select %eq3A_102, %broadcast_in_dim3A_104, %select_n3A_83 : vector<256x16xi1>, vector<256x16xf32>
    %reduce_min3A_106 = arith.constant dense<0x7F800000> : vector<256xf32>
    %reduce_min3A_107 = vector.multi_reduction <minimumf>, %select_n3A_99, %reduce_min3A_106 [1] : vector<256x2048xf32> to vector<256xf32>
    %broadcast_in_dim3A_108 = vector.shape_cast %reduce_min3A_107 : vector<256xf32> to vector<256x1xf32>
    %eq3A_109 = vector.broadcast %broadcast_in_dim3A_108 : vector<256x1xf32> to vector<256x2048xf32>
    %eq3A_110 = arith.cmpf oeq, %select_n3A_99, %eq3A_109 : vector<256x2048xf32>
    %jit3A_111 = arith.constant 2.048000e+03 : f32
    %broadcast_in_dim3A_112 = vector.broadcast %jit3A_111 : f32 to vector<256x2048xf32>
    %select_n3A_113 = arith.select %eq3A_110, %convert_element_type3A_39, %broadcast_in_dim3A_112 : vector<256x2048xi1>, vector<256x2048xf32>
    %reduce_min3A_114 = arith.constant dense<0x7F800000> : vector<256xf32>
    %reduce_min3A_115 = vector.multi_reduction <minimumf>, %select_n3A_113, %reduce_min3A_114 [1] : vector<256x2048xf32> to vector<256xf32>
    %broadcast_in_dim3A_116 = vector.shape_cast %reduce_min3A_115 : vector<256xf32> to vector<256x1xf32>
    %eq3A_117 = vector.broadcast %broadcast_in_dim3A_116 : vector<256x1xf32> to vector<256x2048xf32>
    %eq3A_118 = arith.cmpf oeq, %select_n3A_113, %eq3A_117 : vector<256x2048xf32>
    %jit3A_119 = arith.constant 0x7F800000 : f32
    %broadcast_in_dim3A_120 = vector.broadcast %jit3A_119 : f32 to vector<256x2048xf32>
    %select_n3A_121 = arith.select %eq3A_118, %broadcast_in_dim3A_120, %select_n3A_99 : vector<256x2048xi1>, vector<256x2048xf32>
    %eq3A_122 = arith.constant 3 : i32
    %eq3A_123 = vector.broadcast %eq3A_122 : i32 to vector<256x16xi32>
    %eq3A_124 = arith.cmpi eq, %iota3A_40, %eq3A_123 : vector<256x16xi32>
    %broadcast_in_dim3A_125 = vector.shape_cast %broadcast_in_dim3A_116 : vector<256x1xf32> to vector<256x1xf32>
    %broadcast_in_dim3A_126 = vector.broadcast %broadcast_in_dim3A_125 : vector<256x1xf32> to vector<256x16xf32>
    %select_n3A_127 = arith.select %eq3A_124, %broadcast_in_dim3A_126, %select_n3A_105 : vector<256x16xi1>, vector<256x16xf32>
    %reduce_min3A_128 = arith.constant dense<0x7F800000> : vector<256xf32>
    %reduce_min3A_129 = vector.multi_reduction <minimumf>, %select_n3A_121, %reduce_min3A_128 [1] : vector<256x2048xf32> to vector<256xf32>
    %broadcast_in_dim3A_130 = vector.shape_cast %reduce_min3A_129 : vector<256xf32> to vector<256x1xf32>
    %eq3A_131 = vector.broadcast %broadcast_in_dim3A_130 : vector<256x1xf32> to vector<256x2048xf32>
    %eq3A_132 = arith.cmpf oeq, %select_n3A_121, %eq3A_131 : vector<256x2048xf32>
    %jit3A_133 = arith.constant 2.048000e+03 : f32
    %broadcast_in_dim3A_134 = vector.broadcast %jit3A_133 : f32 to vector<256x2048xf32>
    %select_n3A_135 = arith.select %eq3A_132, %convert_element_type3A_39, %broadcast_in_dim3A_134 : vector<256x2048xi1>, vector<256x2048xf32>
    %reduce_min3A_136 = arith.constant dense<0x7F800000> : vector<256xf32>
    %reduce_min3A_137 = vector.multi_reduction <minimumf>, %select_n3A_135, %reduce_min3A_136 [1] : vector<256x2048xf32> to vector<256xf32>
    %broadcast_in_dim3A_138 = vector.shape_cast %reduce_min3A_137 : vector<256xf32> to vector<256x1xf32>
    %eq3A_139 = vector.broadcast %broadcast_in_dim3A_138 : vector<256x1xf32> to vector<256x2048xf32>
    %eq3A_140 = arith.cmpf oeq, %select_n3A_135, %eq3A_139 : vector<256x2048xf32>
    %jit3A_141 = arith.constant 0x7F800000 : f32
    %broadcast_in_dim3A_142 = vector.broadcast %jit3A_141 : f32 to vector<256x2048xf32>
    %select_n3A_143 = arith.select %eq3A_140, %broadcast_in_dim3A_142, %select_n3A_121 : vector<256x2048xi1>, vector<256x2048xf32>
    %eq3A_144 = arith.constant 4 : i32
    %eq3A_145 = vector.broadcast %eq3A_144 : i32 to vector<256x16xi32>
    %eq3A_146 = arith.cmpi eq, %iota3A_40, %eq3A_145 : vector<256x16xi32>
    %broadcast_in_dim3A_147 = vector.shape_cast %broadcast_in_dim3A_138 : vector<256x1xf32> to vector<256x1xf32>
    %broadcast_in_dim3A_148 = vector.broadcast %broadcast_in_dim3A_147 : vector<256x1xf32> to vector<256x16xf32>
    %select_n3A_149 = arith.select %eq3A_146, %broadcast_in_dim3A_148, %select_n3A_127 : vector<256x16xi1>, vector<256x16xf32>
    %reduce_min3A_150 = arith.constant dense<0x7F800000> : vector<256xf32>
    %reduce_min3A_151 = vector.multi_reduction <minimumf>, %select_n3A_143, %reduce_min3A_150 [1] : vector<256x2048xf32> to vector<256xf32>
    %broadcast_in_dim3A_152 = vector.shape_cast %reduce_min3A_151 : vector<256xf32> to vector<256x1xf32>
    %eq3A_153 = vector.broadcast %broadcast_in_dim3A_152 : vector<256x1xf32> to vector<256x2048xf32>
    %eq3A_154 = arith.cmpf oeq, %select_n3A_143, %eq3A_153 : vector<256x2048xf32>
    %jit3A_155 = arith.constant 2.048000e+03 : f32
    %broadcast_in_dim3A_156 = vector.broadcast %jit3A_155 : f32 to vector<256x2048xf32>
    %select_n3A_157 = arith.select %eq3A_154, %convert_element_type3A_39, %broadcast_in_dim3A_156 : vector<256x2048xi1>, vector<256x2048xf32>
    %reduce_min3A_158 = arith.constant dense<0x7F800000> : vector<256xf32>
    %reduce_min3A_159 = vector.multi_reduction <minimumf>, %select_n3A_157, %reduce_min3A_158 [1] : vector<256x2048xf32> to vector<256xf32>
    %broadcast_in_dim3A_160 = vector.shape_cast %reduce_min3A_159 : vector<256xf32> to vector<256x1xf32>
    %eq3A_161 = vector.broadcast %broadcast_in_dim3A_160 : vector<256x1xf32> to vector<256x2048xf32>
    %eq3A_162 = arith.cmpf oeq, %select_n3A_157, %eq3A_161 : vector<256x2048xf32>
    %jit3A_163 = arith.constant 0x7F800000 : f32
    %broadcast_in_dim3A_164 = vector.broadcast %jit3A_163 : f32 to vector<256x2048xf32>
    %select_n3A_165 = arith.select %eq3A_162, %broadcast_in_dim3A_164, %select_n3A_143 : vector<256x2048xi1>, vector<256x2048xf32>
    %eq3A_166 = arith.constant 5 : i32
    %eq3A_167 = vector.broadcast %eq3A_166 : i32 to vector<256x16xi32>
    %eq3A_168 = arith.cmpi eq, %iota3A_40, %eq3A_167 : vector<256x16xi32>
    %broadcast_in_dim3A_169 = vector.shape_cast %broadcast_in_dim3A_160 : vector<256x1xf32> to vector<256x1xf32>
    %broadcast_in_dim3A_170 = vector.broadcast %broadcast_in_dim3A_169 : vector<256x1xf32> to vector<256x16xf32>
    %select_n3A_171 = arith.select %eq3A_168, %broadcast_in_dim3A_170, %select_n3A_149 : vector<256x16xi1>, vector<256x16xf32>
    %reduce_min3A_172 = arith.constant dense<0x7F800000> : vector<256xf32>
    %reduce_min3A_173 = vector.multi_reduction <minimumf>, %select_n3A_165, %reduce_min3A_172 [1] : vector<256x2048xf32> to vector<256xf32>
    %broadcast_in_dim3A_174 = vector.shape_cast %reduce_min3A_173 : vector<256xf32> to vector<256x1xf32>
    %eq3A_175 = vector.broadcast %broadcast_in_dim3A_174 : vector<256x1xf32> to vector<256x2048xf32>
    %eq3A_176 = arith.cmpf oeq, %select_n3A_165, %eq3A_175 : vector<256x2048xf32>
    %jit3A_177 = arith.constant 2.048000e+03 : f32
    %broadcast_in_dim3A_178 = vector.broadcast %jit3A_177 : f32 to vector<256x2048xf32>
    %select_n3A_179 = arith.select %eq3A_176, %convert_element_type3A_39, %broadcast_in_dim3A_178 : vector<256x2048xi1>, vector<256x2048xf32>
    %reduce_min3A_180 = arith.constant dense<0x7F800000> : vector<256xf32>
    %reduce_min3A_181 = vector.multi_reduction <minimumf>, %select_n3A_179, %reduce_min3A_180 [1] : vector<256x2048xf32> to vector<256xf32>
    %broadcast_in_dim3A_182 = vector.shape_cast %reduce_min3A_181 : vector<256xf32> to vector<256x1xf32>
    %eq3A_183 = vector.broadcast %broadcast_in_dim3A_182 : vector<256x1xf32> to vector<256x2048xf32>
    %eq3A_184 = arith.cmpf oeq, %select_n3A_179, %eq3A_183 : vector<256x2048xf32>
    %jit3A_185 = arith.constant 0x7F800000 : f32
    %broadcast_in_dim3A_186 = vector.broadcast %jit3A_185 : f32 to vector<256x2048xf32>
    %select_n3A_187 = arith.select %eq3A_184, %broadcast_in_dim3A_186, %select_n3A_165 : vector<256x2048xi1>, vector<256x2048xf32>
    %eq3A_188 = arith.constant 6 : i32
    %eq3A_189 = vector.broadcast %eq3A_188 : i32 to vector<256x16xi32>
    %eq3A_190 = arith.cmpi eq, %iota3A_40, %eq3A_189 : vector<256x16xi32>
    %broadcast_in_dim3A_191 = vector.shape_cast %broadcast_in_dim3A_182 : vector<256x1xf32> to vector<256x1xf32>
    %broadcast_in_dim3A_192 = vector.broadcast %broadcast_in_dim3A_191 : vector<256x1xf32> to vector<256x16xf32>
    %select_n3A_193 = arith.select %eq3A_190, %broadcast_in_dim3A_192, %select_n3A_171 : vector<256x16xi1>, vector<256x16xf32>
    %reduce_min3A_194 = arith.constant dense<0x7F800000> : vector<256xf32>
    %reduce_min3A_195 = vector.multi_reduction <minimumf>, %select_n3A_187, %reduce_min3A_194 [1] : vector<256x2048xf32> to vector<256xf32>
    %broadcast_in_dim3A_196 = vector.shape_cast %reduce_min3A_195 : vector<256xf32> to vector<256x1xf32>
    %eq3A_197 = vector.broadcast %broadcast_in_dim3A_196 : vector<256x1xf32> to vector<256x2048xf32>
    %eq3A_198 = arith.cmpf oeq, %select_n3A_187, %eq3A_197 : vector<256x2048xf32>
    %jit3A_199 = arith.constant 2.048000e+03 : f32
    %broadcast_in_dim3A_200 = vector.broadcast %jit3A_199 : f32 to vector<256x2048xf32>
    %select_n3A_201 = arith.select %eq3A_198, %convert_element_type3A_39, %broadcast_in_dim3A_200 : vector<256x2048xi1>, vector<256x2048xf32>
    %reduce_min3A_202 = arith.constant dense<0x7F800000> : vector<256xf32>
    %reduce_min3A_203 = vector.multi_reduction <minimumf>, %select_n3A_201, %reduce_min3A_202 [1] : vector<256x2048xf32> to vector<256xf32>
    %broadcast_in_dim3A_204 = vector.shape_cast %reduce_min3A_203 : vector<256xf32> to vector<256x1xf32>
    %eq3A_205 = vector.broadcast %broadcast_in_dim3A_204 : vector<256x1xf32> to vector<256x2048xf32>
    %eq3A_206 = arith.cmpf oeq, %select_n3A_201, %eq3A_205 : vector<256x2048xf32>
    %jit3A_207 = arith.constant 0x7F800000 : f32
    %broadcast_in_dim3A_208 = vector.broadcast %jit3A_207 : f32 to vector<256x2048xf32>
    %select_n3A_209 = arith.select %eq3A_206, %broadcast_in_dim3A_208, %select_n3A_187 : vector<256x2048xi1>, vector<256x2048xf32>
    %eq3A_210 = arith.constant 7 : i32
    %eq3A_211 = vector.broadcast %eq3A_210 : i32 to vector<256x16xi32>
    %eq3A_212 = arith.cmpi eq, %iota3A_40, %eq3A_211 : vector<256x16xi32>
    %broadcast_in_dim3A_213 = vector.shape_cast %broadcast_in_dim3A_204 : vector<256x1xf32> to vector<256x1xf32>
    %broadcast_in_dim3A_214 = vector.broadcast %broadcast_in_dim3A_213 : vector<256x1xf32> to vector<256x16xf32>
    %select_n3A_215 = arith.select %eq3A_212, %broadcast_in_dim3A_214, %select_n3A_193 : vector<256x16xi1>, vector<256x16xf32>
    %reduce_min3A_216 = arith.constant dense<0x7F800000> : vector<256xf32>
    %reduce_min3A_217 = vector.multi_reduction <minimumf>, %select_n3A_209, %reduce_min3A_216 [1] : vector<256x2048xf32> to vector<256xf32>
    %broadcast_in_dim3A_218 = vector.shape_cast %reduce_min3A_217 : vector<256xf32> to vector<256x1xf32>
    %eq3A_219 = vector.broadcast %broadcast_in_dim3A_218 : vector<256x1xf32> to vector<256x2048xf32>
    %eq3A_220 = arith.cmpf oeq, %select_n3A_209, %eq3A_219 : vector<256x2048xf32>
    %jit3A_221 = arith.constant 2.048000e+03 : f32
    %broadcast_in_dim3A_222 = vector.broadcast %jit3A_221 : f32 to vector<256x2048xf32>
    %select_n3A_223 = arith.select %eq3A_220, %convert_element_type3A_39, %broadcast_in_dim3A_222 : vector<256x2048xi1>, vector<256x2048xf32>
    %reduce_min3A_224 = arith.constant dense<0x7F800000> : vector<256xf32>
    %reduce_min3A_225 = vector.multi_reduction <minimumf>, %select_n3A_223, %reduce_min3A_224 [1] : vector<256x2048xf32> to vector<256xf32>
    %broadcast_in_dim3A_226 = vector.shape_cast %reduce_min3A_225 : vector<256xf32> to vector<256x1xf32>
    %eq3A_227 = vector.broadcast %broadcast_in_dim3A_226 : vector<256x1xf32> to vector<256x2048xf32>
    %eq3A_228 = arith.cmpf oeq, %select_n3A_223, %eq3A_227 : vector<256x2048xf32>
    %jit3A_229 = arith.constant 0x7F800000 : f32
    %broadcast_in_dim3A_230 = vector.broadcast %jit3A_229 : f32 to vector<256x2048xf32>
    %select_n3A_231 = arith.select %eq3A_228, %broadcast_in_dim3A_230, %select_n3A_209 : vector<256x2048xi1>, vector<256x2048xf32>
    %eq3A_232 = arith.constant 8 : i32
    %eq3A_233 = vector.broadcast %eq3A_232 : i32 to vector<256x16xi32>
    %eq3A_234 = arith.cmpi eq, %iota3A_40, %eq3A_233 : vector<256x16xi32>
    %broadcast_in_dim3A_235 = vector.shape_cast %broadcast_in_dim3A_226 : vector<256x1xf32> to vector<256x1xf32>
    %broadcast_in_dim3A_236 = vector.broadcast %broadcast_in_dim3A_235 : vector<256x1xf32> to vector<256x16xf32>
    %select_n3A_237 = arith.select %eq3A_234, %broadcast_in_dim3A_236, %select_n3A_215 : vector<256x16xi1>, vector<256x16xf32>
    %reduce_min3A_238 = arith.constant dense<0x7F800000> : vector<256xf32>
    %reduce_min3A_239 = vector.multi_reduction <minimumf>, %select_n3A_231, %reduce_min3A_238 [1] : vector<256x2048xf32> to vector<256xf32>
    %broadcast_in_dim3A_240 = vector.shape_cast %reduce_min3A_239 : vector<256xf32> to vector<256x1xf32>
    %eq3A_241 = vector.broadcast %broadcast_in_dim3A_240 : vector<256x1xf32> to vector<256x2048xf32>
    %eq3A_242 = arith.cmpf oeq, %select_n3A_231, %eq3A_241 : vector<256x2048xf32>
    %jit3A_243 = arith.constant 2.048000e+03 : f32
    %broadcast_in_dim3A_244 = vector.broadcast %jit3A_243 : f32 to vector<256x2048xf32>
    %select_n3A_245 = arith.select %eq3A_242, %convert_element_type3A_39, %broadcast_in_dim3A_244 : vector<256x2048xi1>, vector<256x2048xf32>
    %reduce_min3A_246 = arith.constant dense<0x7F800000> : vector<256xf32>
    %reduce_min3A_247 = vector.multi_reduction <minimumf>, %select_n3A_245, %reduce_min3A_246 [1] : vector<256x2048xf32> to vector<256xf32>
    %broadcast_in_dim3A_248 = vector.shape_cast %reduce_min3A_247 : vector<256xf32> to vector<256x1xf32>
    %eq3A_249 = vector.broadcast %broadcast_in_dim3A_248 : vector<256x1xf32> to vector<256x2048xf32>
    %eq3A_250 = arith.cmpf oeq, %select_n3A_245, %eq3A_249 : vector<256x2048xf32>
    %jit3A_251 = arith.constant 0x7F800000 : f32
    %broadcast_in_dim3A_252 = vector.broadcast %jit3A_251 : f32 to vector<256x2048xf32>
    %select_n3A_253 = arith.select %eq3A_250, %broadcast_in_dim3A_252, %select_n3A_231 : vector<256x2048xi1>, vector<256x2048xf32>
    %eq3A_254 = arith.constant 9 : i32
    %eq3A_255 = vector.broadcast %eq3A_254 : i32 to vector<256x16xi32>
    %eq3A_256 = arith.cmpi eq, %iota3A_40, %eq3A_255 : vector<256x16xi32>
    %broadcast_in_dim3A_257 = vector.shape_cast %broadcast_in_dim3A_248 : vector<256x1xf32> to vector<256x1xf32>
    %broadcast_in_dim3A_258 = vector.broadcast %broadcast_in_dim3A_257 : vector<256x1xf32> to vector<256x16xf32>
    %select_n3A_259 = arith.select %eq3A_256, %broadcast_in_dim3A_258, %select_n3A_237 : vector<256x16xi1>, vector<256x16xf32>
    %reduce_min3A_260 = arith.constant dense<0x7F800000> : vector<256xf32>
    %reduce_min3A_261 = vector.multi_reduction <minimumf>, %select_n3A_253, %reduce_min3A_260 [1] : vector<256x2048xf32> to vector<256xf32>
    %broadcast_in_dim3A_262 = vector.shape_cast %reduce_min3A_261 : vector<256xf32> to vector<256x1xf32>
    %eq3A_263 = vector.broadcast %broadcast_in_dim3A_262 : vector<256x1xf32> to vector<256x2048xf32>
    %eq3A_264 = arith.cmpf oeq, %select_n3A_253, %eq3A_263 : vector<256x2048xf32>
    %jit3A_265 = arith.constant 2.048000e+03 : f32
    %broadcast_in_dim3A_266 = vector.broadcast %jit3A_265 : f32 to vector<256x2048xf32>
    %select_n3A_267 = arith.select %eq3A_264, %convert_element_type3A_39, %broadcast_in_dim3A_266 : vector<256x2048xi1>, vector<256x2048xf32>
    %reduce_min3A_268 = arith.constant dense<0x7F800000> : vector<256xf32>
    %reduce_min3A_269 = vector.multi_reduction <minimumf>, %select_n3A_267, %reduce_min3A_268 [1] : vector<256x2048xf32> to vector<256xf32>
    %broadcast_in_dim3A_270 = vector.shape_cast %reduce_min3A_269 : vector<256xf32> to vector<256x1xf32>
    %eq3A_271 = vector.broadcast %broadcast_in_dim3A_270 : vector<256x1xf32> to vector<256x2048xf32>
    %eq3A_272 = arith.cmpf oeq, %select_n3A_267, %eq3A_271 : vector<256x2048xf32>
    %jit3A_273 = arith.constant 0x7F800000 : f32
    %broadcast_in_dim3A_274 = vector.broadcast %jit3A_273 : f32 to vector<256x2048xf32>
    %select_n3A_275 = arith.select %eq3A_272, %broadcast_in_dim3A_274, %select_n3A_253 : vector<256x2048xi1>, vector<256x2048xf32>
    %eq3A_276 = arith.constant 10 : i32
    %eq3A_277 = vector.broadcast %eq3A_276 : i32 to vector<256x16xi32>
    %eq3A_278 = arith.cmpi eq, %iota3A_40, %eq3A_277 : vector<256x16xi32>
    %broadcast_in_dim3A_279 = vector.shape_cast %broadcast_in_dim3A_270 : vector<256x1xf32> to vector<256x1xf32>
    %broadcast_in_dim3A_280 = vector.broadcast %broadcast_in_dim3A_279 : vector<256x1xf32> to vector<256x16xf32>
    %select_n3A_281 = arith.select %eq3A_278, %broadcast_in_dim3A_280, %select_n3A_259 : vector<256x16xi1>, vector<256x16xf32>
    %reduce_min3A_282 = arith.constant dense<0x7F800000> : vector<256xf32>
    %reduce_min3A_283 = vector.multi_reduction <minimumf>, %select_n3A_275, %reduce_min3A_282 [1] : vector<256x2048xf32> to vector<256xf32>
    %broadcast_in_dim3A_284 = vector.shape_cast %reduce_min3A_283 : vector<256xf32> to vector<256x1xf32>
    %eq3A_285 = vector.broadcast %broadcast_in_dim3A_284 : vector<256x1xf32> to vector<256x2048xf32>
    %eq3A_286 = arith.cmpf oeq, %select_n3A_275, %eq3A_285 : vector<256x2048xf32>
    %jit3A_287 = arith.constant 2.048000e+03 : f32
    %broadcast_in_dim3A_288 = vector.broadcast %jit3A_287 : f32 to vector<256x2048xf32>
    %select_n3A_289 = arith.select %eq3A_286, %convert_element_type3A_39, %broadcast_in_dim3A_288 : vector<256x2048xi1>, vector<256x2048xf32>
    %reduce_min3A_290 = arith.constant dense<0x7F800000> : vector<256xf32>
    %reduce_min3A_291 = vector.multi_reduction <minimumf>, %select_n3A_289, %reduce_min3A_290 [1] : vector<256x2048xf32> to vector<256xf32>
    %broadcast_in_dim3A_292 = vector.shape_cast %reduce_min3A_291 : vector<256xf32> to vector<256x1xf32>
    %eq3A_293 = vector.broadcast %broadcast_in_dim3A_292 : vector<256x1xf32> to vector<256x2048xf32>
    %eq3A_294 = arith.cmpf oeq, %select_n3A_289, %eq3A_293 : vector<256x2048xf32>
    %jit3A_295 = arith.constant 0x7F800000 : f32
    %broadcast_in_dim3A_296 = vector.broadcast %jit3A_295 : f32 to vector<256x2048xf32>
    %select_n3A_297 = arith.select %eq3A_294, %broadcast_in_dim3A_296, %select_n3A_275 : vector<256x2048xi1>, vector<256x2048xf32>
    %eq3A_298 = arith.constant 11 : i32
    %eq3A_299 = vector.broadcast %eq3A_298 : i32 to vector<256x16xi32>
    %eq3A_300 = arith.cmpi eq, %iota3A_40, %eq3A_299 : vector<256x16xi32>
    %broadcast_in_dim3A_301 = vector.shape_cast %broadcast_in_dim3A_292 : vector<256x1xf32> to vector<256x1xf32>
    %broadcast_in_dim3A_302 = vector.broadcast %broadcast_in_dim3A_301 : vector<256x1xf32> to vector<256x16xf32>
    %select_n3A_303 = arith.select %eq3A_300, %broadcast_in_dim3A_302, %select_n3A_281 : vector<256x16xi1>, vector<256x16xf32>
    %reduce_min3A_304 = arith.constant dense<0x7F800000> : vector<256xf32>
    %reduce_min3A_305 = vector.multi_reduction <minimumf>, %select_n3A_297, %reduce_min3A_304 [1] : vector<256x2048xf32> to vector<256xf32>
    %broadcast_in_dim3A_306 = vector.shape_cast %reduce_min3A_305 : vector<256xf32> to vector<256x1xf32>
    %eq3A_307 = vector.broadcast %broadcast_in_dim3A_306 : vector<256x1xf32> to vector<256x2048xf32>
    %eq3A_308 = arith.cmpf oeq, %select_n3A_297, %eq3A_307 : vector<256x2048xf32>
    %jit3A_309 = arith.constant 2.048000e+03 : f32
    %broadcast_in_dim3A_310 = vector.broadcast %jit3A_309 : f32 to vector<256x2048xf32>
    %select_n3A_311 = arith.select %eq3A_308, %convert_element_type3A_39, %broadcast_in_dim3A_310 : vector<256x2048xi1>, vector<256x2048xf32>
    %reduce_min3A_312 = arith.constant dense<0x7F800000> : vector<256xf32>
    %reduce_min3A_313 = vector.multi_reduction <minimumf>, %select_n3A_311, %reduce_min3A_312 [1] : vector<256x2048xf32> to vector<256xf32>
    %broadcast_in_dim3A_314 = vector.shape_cast %reduce_min3A_313 : vector<256xf32> to vector<256x1xf32>
    %eq3A_315 = vector.broadcast %broadcast_in_dim3A_314 : vector<256x1xf32> to vector<256x2048xf32>
    %eq3A_316 = arith.cmpf oeq, %select_n3A_311, %eq3A_315 : vector<256x2048xf32>
    %jit3A_317 = arith.constant 0x7F800000 : f32
    %broadcast_in_dim3A_318 = vector.broadcast %jit3A_317 : f32 to vector<256x2048xf32>
    %select_n3A_319 = arith.select %eq3A_316, %broadcast_in_dim3A_318, %select_n3A_297 : vector<256x2048xi1>, vector<256x2048xf32>
    %eq3A_320 = arith.constant 12 : i32
    %eq3A_321 = vector.broadcast %eq3A_320 : i32 to vector<256x16xi32>
    %eq3A_322 = arith.cmpi eq, %iota3A_40, %eq3A_321 : vector<256x16xi32>
    %broadcast_in_dim3A_323 = vector.shape_cast %broadcast_in_dim3A_314 : vector<256x1xf32> to vector<256x1xf32>
    %broadcast_in_dim3A_324 = vector.broadcast %broadcast_in_dim3A_323 : vector<256x1xf32> to vector<256x16xf32>
    %select_n3A_325 = arith.select %eq3A_322, %broadcast_in_dim3A_324, %select_n3A_303 : vector<256x16xi1>, vector<256x16xf32>
    %reduce_min3A_326 = arith.constant dense<0x7F800000> : vector<256xf32>
    %reduce_min3A_327 = vector.multi_reduction <minimumf>, %select_n3A_319, %reduce_min3A_326 [1] : vector<256x2048xf32> to vector<256xf32>
    %broadcast_in_dim3A_328 = vector.shape_cast %reduce_min3A_327 : vector<256xf32> to vector<256x1xf32>
    %eq3A_329 = vector.broadcast %broadcast_in_dim3A_328 : vector<256x1xf32> to vector<256x2048xf32>
    %eq3A_330 = arith.cmpf oeq, %select_n3A_319, %eq3A_329 : vector<256x2048xf32>
    %jit3A_331 = arith.constant 2.048000e+03 : f32
    %broadcast_in_dim3A_332 = vector.broadcast %jit3A_331 : f32 to vector<256x2048xf32>
    %select_n3A_333 = arith.select %eq3A_330, %convert_element_type3A_39, %broadcast_in_dim3A_332 : vector<256x2048xi1>, vector<256x2048xf32>
    %reduce_min3A_334 = arith.constant dense<0x7F800000> : vector<256xf32>
    %reduce_min3A_335 = vector.multi_reduction <minimumf>, %select_n3A_333, %reduce_min3A_334 [1] : vector<256x2048xf32> to vector<256xf32>
    %broadcast_in_dim3A_336 = vector.shape_cast %reduce_min3A_335 : vector<256xf32> to vector<256x1xf32>
    %eq3A_337 = vector.broadcast %broadcast_in_dim3A_336 : vector<256x1xf32> to vector<256x2048xf32>
    %eq3A_338 = arith.cmpf oeq, %select_n3A_333, %eq3A_337 : vector<256x2048xf32>
    %jit3A_339 = arith.constant 0x7F800000 : f32
    %broadcast_in_dim3A_340 = vector.broadcast %jit3A_339 : f32 to vector<256x2048xf32>
    %select_n3A_341 = arith.select %eq3A_338, %broadcast_in_dim3A_340, %select_n3A_319 : vector<256x2048xi1>, vector<256x2048xf32>
    %eq3A_342 = arith.constant 13 : i32
    %eq3A_343 = vector.broadcast %eq3A_342 : i32 to vector<256x16xi32>
    %eq3A_344 = arith.cmpi eq, %iota3A_40, %eq3A_343 : vector<256x16xi32>
    %broadcast_in_dim3A_345 = vector.shape_cast %broadcast_in_dim3A_336 : vector<256x1xf32> to vector<256x1xf32>
    %broadcast_in_dim3A_346 = vector.broadcast %broadcast_in_dim3A_345 : vector<256x1xf32> to vector<256x16xf32>
    %select_n3A_347 = arith.select %eq3A_344, %broadcast_in_dim3A_346, %select_n3A_325 : vector<256x16xi1>, vector<256x16xf32>
    %reduce_min3A_348 = arith.constant dense<0x7F800000> : vector<256xf32>
    %reduce_min3A_349 = vector.multi_reduction <minimumf>, %select_n3A_341, %reduce_min3A_348 [1] : vector<256x2048xf32> to vector<256xf32>
    %broadcast_in_dim3A_350 = vector.shape_cast %reduce_min3A_349 : vector<256xf32> to vector<256x1xf32>
    %eq3A_351 = vector.broadcast %broadcast_in_dim3A_350 : vector<256x1xf32> to vector<256x2048xf32>
    %eq3A_352 = arith.cmpf oeq, %select_n3A_341, %eq3A_351 : vector<256x2048xf32>
    %jit3A_353 = arith.constant 2.048000e+03 : f32
    %broadcast_in_dim3A_354 = vector.broadcast %jit3A_353 : f32 to vector<256x2048xf32>
    %select_n3A_355 = arith.select %eq3A_352, %convert_element_type3A_39, %broadcast_in_dim3A_354 : vector<256x2048xi1>, vector<256x2048xf32>
    %reduce_min3A_356 = arith.constant dense<0x7F800000> : vector<256xf32>
    %reduce_min3A_357 = vector.multi_reduction <minimumf>, %select_n3A_355, %reduce_min3A_356 [1] : vector<256x2048xf32> to vector<256xf32>
    %broadcast_in_dim3A_358 = vector.shape_cast %reduce_min3A_357 : vector<256xf32> to vector<256x1xf32>
    %eq3A_359 = vector.broadcast %broadcast_in_dim3A_358 : vector<256x1xf32> to vector<256x2048xf32>
    %eq3A_360 = arith.cmpf oeq, %select_n3A_355, %eq3A_359 : vector<256x2048xf32>
    %jit3A_361 = arith.constant 0x7F800000 : f32
    %broadcast_in_dim3A_362 = vector.broadcast %jit3A_361 : f32 to vector<256x2048xf32>
    %select_n3A_363 = arith.select %eq3A_360, %broadcast_in_dim3A_362, %select_n3A_341 : vector<256x2048xi1>, vector<256x2048xf32>
    %eq3A_364 = arith.constant 14 : i32
    %eq3A_365 = vector.broadcast %eq3A_364 : i32 to vector<256x16xi32>
    %eq3A_366 = arith.cmpi eq, %iota3A_40, %eq3A_365 : vector<256x16xi32>
    %broadcast_in_dim3A_367 = vector.shape_cast %broadcast_in_dim3A_358 : vector<256x1xf32> to vector<256x1xf32>
    %broadcast_in_dim3A_368 = vector.broadcast %broadcast_in_dim3A_367 : vector<256x1xf32> to vector<256x16xf32>
    %select_n3A_369 = arith.select %eq3A_366, %broadcast_in_dim3A_368, %select_n3A_347 : vector<256x16xi1>, vector<256x16xf32>
    %reduce_min3A_370 = arith.constant dense<0x7F800000> : vector<256xf32>
    %reduce_min3A_371 = vector.multi_reduction <minimumf>, %select_n3A_363, %reduce_min3A_370 [1] : vector<256x2048xf32> to vector<256xf32>
    %broadcast_in_dim3A_372 = vector.shape_cast %reduce_min3A_371 : vector<256xf32> to vector<256x1xf32>
    %eq3A_373 = vector.broadcast %broadcast_in_dim3A_372 : vector<256x1xf32> to vector<256x2048xf32>
    %eq3A_374 = arith.cmpf oeq, %select_n3A_363, %eq3A_373 : vector<256x2048xf32>
    %jit3A_375 = arith.constant 2.048000e+03 : f32
    %broadcast_in_dim3A_376 = vector.broadcast %jit3A_375 : f32 to vector<256x2048xf32>
    %select_n3A_377 = arith.select %eq3A_374, %convert_element_type3A_39, %broadcast_in_dim3A_376 : vector<256x2048xi1>, vector<256x2048xf32>
    %reduce_min3A_378 = arith.constant dense<0x7F800000> : vector<256xf32>
    %reduce_min3A_379 = vector.multi_reduction <minimumf>, %select_n3A_377, %reduce_min3A_378 [1] : vector<256x2048xf32> to vector<256xf32>
    %broadcast_in_dim3A_380 = vector.shape_cast %reduce_min3A_379 : vector<256xf32> to vector<256x1xf32>
    %eq3A_381 = arith.constant 15 : i32
    %eq3A_382 = vector.broadcast %eq3A_381 : i32 to vector<256x16xi32>
    %eq3A_383 = arith.cmpi eq, %iota3A_40, %eq3A_382 : vector<256x16xi32>
    %broadcast_in_dim3A_384 = vector.shape_cast %broadcast_in_dim3A_380 : vector<256x1xf32> to vector<256x1xf32>
    %broadcast_in_dim3A_385 = vector.broadcast %broadcast_in_dim3A_384 : vector<256x1xf32> to vector<256x16xf32>
    %select_n3A_386 = arith.select %eq3A_383, %broadcast_in_dim3A_385, %select_n3A_369 : vector<256x16xi1>, vector<256x16xf32>
    %convert_element_type3A_387 = arith.fptosi %select_n3A_386 : vector<256x16xf32> to vector<256x16xi32>
    %and3A = arith.constant 127 : i32
    %and3A_388 = vector.broadcast %and3A : i32 to vector<256x16xi32>
    %and3A_389 = arith.andi %convert_element_type3A_387, %and3A_388 : vector<256x16xi32>
    %shift_right_arithmetic3A = arith.constant 7 : i32
    %shift_right_arithmetic3A_390 = vector.broadcast %shift_right_arithmetic3A : i32 to vector<256x16xi32>
    %shift_right_arithmetic3A_391 = arith.shrsi %convert_element_type3A_387, %shift_right_arithmetic3A_390 : vector<256x16xi32>
    %slice3A_392 = vector.extract_strided_slice %dot_general3A_37 {offsets = [0, 0], sizes = [256, 128], strides = [1, 1]} : vector<256x2048xf32> to vector<256x128xf32>
    %lt3A_393 = arith.constant 0 : i32
    %lt3A_394 = vector.broadcast %lt3A_393 : i32 to vector<256x16xi32>
    %lt3A_395 = arith.cmpi slt, %and3A_389, %lt3A_394 : vector<256x16xi32>
    %add3A_396 = arith.constant 128 : i32
    %add3A_397 = vector.broadcast %add3A_396 : i32 to vector<256x16xi32>
    %add3A_398 = arith.addi %and3A_389, %add3A_397 : vector<256x16xi32>
    %select_n3A_399 = arith.select %lt3A_395, %add3A_398, %and3A_389 : vector<256x16xi1>, vector<256x16xi32>
    %reshape3A = vector.shape_cast %select_n3A_399 : vector<256x16xi32> to vector<256x16x1xi32>
    %gather3A = vector.shape_cast %reshape3A : vector<256x16x1xi32> to vector<256x16xi32>
    %gather3A_400 = tpu.dynamic_gather %slice3A_392[%gather3A] in [1] : vector<256x128xf32>, vector<256x16xi32> -> vector<256x16xf32>
    %eq3A_401 = arith.constant 0 : i32
    %eq3A_402 = vector.broadcast %eq3A_401 : i32 to vector<256x16xi32>
    %eq3A_403 = arith.cmpi eq, %shift_right_arithmetic3A_391, %eq3A_402 : vector<256x16xi32>
    %select_n3A_404 = arith.select %eq3A_403, %gather3A_400, %broadcast_in_dim3A_43 : vector<256x16xi1>, vector<256x16xf32>
    %slice3A_405 = vector.extract_strided_slice %dot_general3A_37 {offsets = [0, 128], sizes = [256, 128], strides = [1, 1]} : vector<256x2048xf32> to vector<256x128xf32>
    %lt3A_406 = arith.constant 0 : i32
    %lt3A_407 = vector.broadcast %lt3A_406 : i32 to vector<256x16xi32>
    %lt3A_408 = arith.cmpi slt, %and3A_389, %lt3A_407 : vector<256x16xi32>
    %add3A_409 = arith.constant 128 : i32
    %add3A_410 = vector.broadcast %add3A_409 : i32 to vector<256x16xi32>
    %add3A_411 = arith.addi %and3A_389, %add3A_410 : vector<256x16xi32>
    %select_n3A_412 = arith.select %lt3A_408, %add3A_411, %and3A_389 : vector<256x16xi1>, vector<256x16xi32>
    %reshape3A_413 = vector.shape_cast %select_n3A_412 : vector<256x16xi32> to vector<256x16x1xi32>
    %gather3A_414 = vector.shape_cast %reshape3A_413 : vector<256x16x1xi32> to vector<256x16xi32>
    %gather3A_415 = tpu.dynamic_gather %slice3A_405[%gather3A_414] in [1] : vector<256x128xf32>, vector<256x16xi32> -> vector<256x16xf32>
    %eq3A_416 = arith.constant 1 : i32
    %eq3A_417 = vector.broadcast %eq3A_416 : i32 to vector<256x16xi32>
    %eq3A_418 = arith.cmpi eq, %shift_right_arithmetic3A_391, %eq3A_417 : vector<256x16xi32>
    %select_n3A_419 = arith.select %eq3A_418, %gather3A_415, %select_n3A_404 : vector<256x16xi1>, vector<256x16xf32>
    %slice3A_420 = vector.extract_strided_slice %dot_general3A_37 {offsets = [0, 256], sizes = [256, 128], strides = [1, 1]} : vector<256x2048xf32> to vector<256x128xf32>
    %lt3A_421 = arith.constant 0 : i32
    %lt3A_422 = vector.broadcast %lt3A_421 : i32 to vector<256x16xi32>
    %lt3A_423 = arith.cmpi slt, %and3A_389, %lt3A_422 : vector<256x16xi32>
    %add3A_424 = arith.constant 128 : i32
    %add3A_425 = vector.broadcast %add3A_424 : i32 to vector<256x16xi32>
    %add3A_426 = arith.addi %and3A_389, %add3A_425 : vector<256x16xi32>
    %select_n3A_427 = arith.select %lt3A_423, %add3A_426, %and3A_389 : vector<256x16xi1>, vector<256x16xi32>
    %reshape3A_428 = vector.shape_cast %select_n3A_427 : vector<256x16xi32> to vector<256x16x1xi32>
    %gather3A_429 = vector.shape_cast %reshape3A_428 : vector<256x16x1xi32> to vector<256x16xi32>
    %gather3A_430 = tpu.dynamic_gather %slice3A_420[%gather3A_429] in [1] : vector<256x128xf32>, vector<256x16xi32> -> vector<256x16xf32>
    %eq3A_431 = arith.constant 2 : i32
    %eq3A_432 = vector.broadcast %eq3A_431 : i32 to vector<256x16xi32>
    %eq3A_433 = arith.cmpi eq, %shift_right_arithmetic3A_391, %eq3A_432 : vector<256x16xi32>
    %select_n3A_434 = arith.select %eq3A_433, %gather3A_430, %select_n3A_419 : vector<256x16xi1>, vector<256x16xf32>
    %slice3A_435 = vector.extract_strided_slice %dot_general3A_37 {offsets = [0, 384], sizes = [256, 128], strides = [1, 1]} : vector<256x2048xf32> to vector<256x128xf32>
    %lt3A_436 = arith.constant 0 : i32
    %lt3A_437 = vector.broadcast %lt3A_436 : i32 to vector<256x16xi32>
    %lt3A_438 = arith.cmpi slt, %and3A_389, %lt3A_437 : vector<256x16xi32>
    %add3A_439 = arith.constant 128 : i32
    %add3A_440 = vector.broadcast %add3A_439 : i32 to vector<256x16xi32>
    %add3A_441 = arith.addi %and3A_389, %add3A_440 : vector<256x16xi32>
    %select_n3A_442 = arith.select %lt3A_438, %add3A_441, %and3A_389 : vector<256x16xi1>, vector<256x16xi32>
    %reshape3A_443 = vector.shape_cast %select_n3A_442 : vector<256x16xi32> to vector<256x16x1xi32>
    %gather3A_444 = vector.shape_cast %reshape3A_443 : vector<256x16x1xi32> to vector<256x16xi32>
    %gather3A_445 = tpu.dynamic_gather %slice3A_435[%gather3A_444] in [1] : vector<256x128xf32>, vector<256x16xi32> -> vector<256x16xf32>
    %eq3A_446 = arith.constant 3 : i32
    %eq3A_447 = vector.broadcast %eq3A_446 : i32 to vector<256x16xi32>
    %eq3A_448 = arith.cmpi eq, %shift_right_arithmetic3A_391, %eq3A_447 : vector<256x16xi32>
    %select_n3A_449 = arith.select %eq3A_448, %gather3A_445, %select_n3A_434 : vector<256x16xi1>, vector<256x16xf32>
    %slice3A_450 = vector.extract_strided_slice %dot_general3A_37 {offsets = [0, 512], sizes = [256, 128], strides = [1, 1]} : vector<256x2048xf32> to vector<256x128xf32>
    %lt3A_451 = arith.constant 0 : i32
    %lt3A_452 = vector.broadcast %lt3A_451 : i32 to vector<256x16xi32>
    %lt3A_453 = arith.cmpi slt, %and3A_389, %lt3A_452 : vector<256x16xi32>
    %add3A_454 = arith.constant 128 : i32
    %add3A_455 = vector.broadcast %add3A_454 : i32 to vector<256x16xi32>
    %add3A_456 = arith.addi %and3A_389, %add3A_455 : vector<256x16xi32>
    %select_n3A_457 = arith.select %lt3A_453, %add3A_456, %and3A_389 : vector<256x16xi1>, vector<256x16xi32>
    %reshape3A_458 = vector.shape_cast %select_n3A_457 : vector<256x16xi32> to vector<256x16x1xi32>
    %gather3A_459 = vector.shape_cast %reshape3A_458 : vector<256x16x1xi32> to vector<256x16xi32>
    %gather3A_460 = tpu.dynamic_gather %slice3A_450[%gather3A_459] in [1] : vector<256x128xf32>, vector<256x16xi32> -> vector<256x16xf32>
    %eq3A_461 = arith.constant 4 : i32
    %eq3A_462 = vector.broadcast %eq3A_461 : i32 to vector<256x16xi32>
    %eq3A_463 = arith.cmpi eq, %shift_right_arithmetic3A_391, %eq3A_462 : vector<256x16xi32>
    %select_n3A_464 = arith.select %eq3A_463, %gather3A_460, %select_n3A_449 : vector<256x16xi1>, vector<256x16xf32>
    %slice3A_465 = vector.extract_strided_slice %dot_general3A_37 {offsets = [0, 640], sizes = [256, 128], strides = [1, 1]} : vector<256x2048xf32> to vector<256x128xf32>
    %lt3A_466 = arith.constant 0 : i32
    %lt3A_467 = vector.broadcast %lt3A_466 : i32 to vector<256x16xi32>
    %lt3A_468 = arith.cmpi slt, %and3A_389, %lt3A_467 : vector<256x16xi32>
    %add3A_469 = arith.constant 128 : i32
    %add3A_470 = vector.broadcast %add3A_469 : i32 to vector<256x16xi32>
    %add3A_471 = arith.addi %and3A_389, %add3A_470 : vector<256x16xi32>
    %select_n3A_472 = arith.select %lt3A_468, %add3A_471, %and3A_389 : vector<256x16xi1>, vector<256x16xi32>
    %reshape3A_473 = vector.shape_cast %select_n3A_472 : vector<256x16xi32> to vector<256x16x1xi32>
    %gather3A_474 = vector.shape_cast %reshape3A_473 : vector<256x16x1xi32> to vector<256x16xi32>
    %gather3A_475 = tpu.dynamic_gather %slice3A_465[%gather3A_474] in [1] : vector<256x128xf32>, vector<256x16xi32> -> vector<256x16xf32>
    %eq3A_476 = arith.constant 5 : i32
    %eq3A_477 = vector.broadcast %eq3A_476 : i32 to vector<256x16xi32>
    %eq3A_478 = arith.cmpi eq, %shift_right_arithmetic3A_391, %eq3A_477 : vector<256x16xi32>
    %select_n3A_479 = arith.select %eq3A_478, %gather3A_475, %select_n3A_464 : vector<256x16xi1>, vector<256x16xf32>
    %slice3A_480 = vector.extract_strided_slice %dot_general3A_37 {offsets = [0, 768], sizes = [256, 128], strides = [1, 1]} : vector<256x2048xf32> to vector<256x128xf32>
    %lt3A_481 = arith.constant 0 : i32
    %lt3A_482 = vector.broadcast %lt3A_481 : i32 to vector<256x16xi32>
    %lt3A_483 = arith.cmpi slt, %and3A_389, %lt3A_482 : vector<256x16xi32>
    %add3A_484 = arith.constant 128 : i32
    %add3A_485 = vector.broadcast %add3A_484 : i32 to vector<256x16xi32>
    %add3A_486 = arith.addi %and3A_389, %add3A_485 : vector<256x16xi32>
    %select_n3A_487 = arith.select %lt3A_483, %add3A_486, %and3A_389 : vector<256x16xi1>, vector<256x16xi32>
    %reshape3A_488 = vector.shape_cast %select_n3A_487 : vector<256x16xi32> to vector<256x16x1xi32>
    %gather3A_489 = vector.shape_cast %reshape3A_488 : vector<256x16x1xi32> to vector<256x16xi32>
    %gather3A_490 = tpu.dynamic_gather %slice3A_480[%gather3A_489] in [1] : vector<256x128xf32>, vector<256x16xi32> -> vector<256x16xf32>
    %eq3A_491 = arith.constant 6 : i32
    %eq3A_492 = vector.broadcast %eq3A_491 : i32 to vector<256x16xi32>
    %eq3A_493 = arith.cmpi eq, %shift_right_arithmetic3A_391, %eq3A_492 : vector<256x16xi32>
    %select_n3A_494 = arith.select %eq3A_493, %gather3A_490, %select_n3A_479 : vector<256x16xi1>, vector<256x16xf32>
    %slice3A_495 = vector.extract_strided_slice %dot_general3A_37 {offsets = [0, 896], sizes = [256, 128], strides = [1, 1]} : vector<256x2048xf32> to vector<256x128xf32>
    %lt3A_496 = arith.constant 0 : i32
    %lt3A_497 = vector.broadcast %lt3A_496 : i32 to vector<256x16xi32>
    %lt3A_498 = arith.cmpi slt, %and3A_389, %lt3A_497 : vector<256x16xi32>
    %add3A_499 = arith.constant 128 : i32
    %add3A_500 = vector.broadcast %add3A_499 : i32 to vector<256x16xi32>
    %add3A_501 = arith.addi %and3A_389, %add3A_500 : vector<256x16xi32>
    %select_n3A_502 = arith.select %lt3A_498, %add3A_501, %and3A_389 : vector<256x16xi1>, vector<256x16xi32>
    %reshape3A_503 = vector.shape_cast %select_n3A_502 : vector<256x16xi32> to vector<256x16x1xi32>
    %gather3A_504 = vector.shape_cast %reshape3A_503 : vector<256x16x1xi32> to vector<256x16xi32>
    %gather3A_505 = tpu.dynamic_gather %slice3A_495[%gather3A_504] in [1] : vector<256x128xf32>, vector<256x16xi32> -> vector<256x16xf32>
    %eq3A_506 = arith.constant 7 : i32
    %eq3A_507 = vector.broadcast %eq3A_506 : i32 to vector<256x16xi32>
    %eq3A_508 = arith.cmpi eq, %shift_right_arithmetic3A_391, %eq3A_507 : vector<256x16xi32>
    %select_n3A_509 = arith.select %eq3A_508, %gather3A_505, %select_n3A_494 : vector<256x16xi1>, vector<256x16xf32>
    %slice3A_510 = vector.extract_strided_slice %dot_general3A_37 {offsets = [0, 1024], sizes = [256, 128], strides = [1, 1]} : vector<256x2048xf32> to vector<256x128xf32>
    %lt3A_511 = arith.constant 0 : i32
    %lt3A_512 = vector.broadcast %lt3A_511 : i32 to vector<256x16xi32>
    %lt3A_513 = arith.cmpi slt, %and3A_389, %lt3A_512 : vector<256x16xi32>
    %add3A_514 = arith.constant 128 : i32
    %add3A_515 = vector.broadcast %add3A_514 : i32 to vector<256x16xi32>
    %add3A_516 = arith.addi %and3A_389, %add3A_515 : vector<256x16xi32>
    %select_n3A_517 = arith.select %lt3A_513, %add3A_516, %and3A_389 : vector<256x16xi1>, vector<256x16xi32>
    %reshape3A_518 = vector.shape_cast %select_n3A_517 : vector<256x16xi32> to vector<256x16x1xi32>
    %gather3A_519 = vector.shape_cast %reshape3A_518 : vector<256x16x1xi32> to vector<256x16xi32>
    %gather3A_520 = tpu.dynamic_gather %slice3A_510[%gather3A_519] in [1] : vector<256x128xf32>, vector<256x16xi32> -> vector<256x16xf32>
    %eq3A_521 = arith.constant 8 : i32
    %eq3A_522 = vector.broadcast %eq3A_521 : i32 to vector<256x16xi32>
    %eq3A_523 = arith.cmpi eq, %shift_right_arithmetic3A_391, %eq3A_522 : vector<256x16xi32>
    %select_n3A_524 = arith.select %eq3A_523, %gather3A_520, %select_n3A_509 : vector<256x16xi1>, vector<256x16xf32>
    %slice3A_525 = vector.extract_strided_slice %dot_general3A_37 {offsets = [0, 1152], sizes = [256, 128], strides = [1, 1]} : vector<256x2048xf32> to vector<256x128xf32>
    %lt3A_526 = arith.constant 0 : i32
    %lt3A_527 = vector.broadcast %lt3A_526 : i32 to vector<256x16xi32>
    %lt3A_528 = arith.cmpi slt, %and3A_389, %lt3A_527 : vector<256x16xi32>
    %add3A_529 = arith.constant 128 : i32
    %add3A_530 = vector.broadcast %add3A_529 : i32 to vector<256x16xi32>
    %add3A_531 = arith.addi %and3A_389, %add3A_530 : vector<256x16xi32>
    %select_n3A_532 = arith.select %lt3A_528, %add3A_531, %and3A_389 : vector<256x16xi1>, vector<256x16xi32>
    %reshape3A_533 = vector.shape_cast %select_n3A_532 : vector<256x16xi32> to vector<256x16x1xi32>
    %gather3A_534 = vector.shape_cast %reshape3A_533 : vector<256x16x1xi32> to vector<256x16xi32>
    %gather3A_535 = tpu.dynamic_gather %slice3A_525[%gather3A_534] in [1] : vector<256x128xf32>, vector<256x16xi32> -> vector<256x16xf32>
    %eq3A_536 = arith.constant 9 : i32
    %eq3A_537 = vector.broadcast %eq3A_536 : i32 to vector<256x16xi32>
    %eq3A_538 = arith.cmpi eq, %shift_right_arithmetic3A_391, %eq3A_537 : vector<256x16xi32>
    %select_n3A_539 = arith.select %eq3A_538, %gather3A_535, %select_n3A_524 : vector<256x16xi1>, vector<256x16xf32>
    %slice3A_540 = vector.extract_strided_slice %dot_general3A_37 {offsets = [0, 1280], sizes = [256, 128], strides = [1, 1]} : vector<256x2048xf32> to vector<256x128xf32>
    %lt3A_541 = arith.constant 0 : i32
    %lt3A_542 = vector.broadcast %lt3A_541 : i32 to vector<256x16xi32>
    %lt3A_543 = arith.cmpi slt, %and3A_389, %lt3A_542 : vector<256x16xi32>
    %add3A_544 = arith.constant 128 : i32
    %add3A_545 = vector.broadcast %add3A_544 : i32 to vector<256x16xi32>
    %add3A_546 = arith.addi %and3A_389, %add3A_545 : vector<256x16xi32>
    %select_n3A_547 = arith.select %lt3A_543, %add3A_546, %and3A_389 : vector<256x16xi1>, vector<256x16xi32>
    %reshape3A_548 = vector.shape_cast %select_n3A_547 : vector<256x16xi32> to vector<256x16x1xi32>
    %gather3A_549 = vector.shape_cast %reshape3A_548 : vector<256x16x1xi32> to vector<256x16xi32>
    %gather3A_550 = tpu.dynamic_gather %slice3A_540[%gather3A_549] in [1] : vector<256x128xf32>, vector<256x16xi32> -> vector<256x16xf32>
    %eq3A_551 = arith.constant 10 : i32
    %eq3A_552 = vector.broadcast %eq3A_551 : i32 to vector<256x16xi32>
    %eq3A_553 = arith.cmpi eq, %shift_right_arithmetic3A_391, %eq3A_552 : vector<256x16xi32>
    %select_n3A_554 = arith.select %eq3A_553, %gather3A_550, %select_n3A_539 : vector<256x16xi1>, vector<256x16xf32>
    %slice3A_555 = vector.extract_strided_slice %dot_general3A_37 {offsets = [0, 1408], sizes = [256, 128], strides = [1, 1]} : vector<256x2048xf32> to vector<256x128xf32>
    %lt3A_556 = arith.constant 0 : i32
    %lt3A_557 = vector.broadcast %lt3A_556 : i32 to vector<256x16xi32>
    %lt3A_558 = arith.cmpi slt, %and3A_389, %lt3A_557 : vector<256x16xi32>
    %add3A_559 = arith.constant 128 : i32
    %add3A_560 = vector.broadcast %add3A_559 : i32 to vector<256x16xi32>
    %add3A_561 = arith.addi %and3A_389, %add3A_560 : vector<256x16xi32>
    %select_n3A_562 = arith.select %lt3A_558, %add3A_561, %and3A_389 : vector<256x16xi1>, vector<256x16xi32>
    %reshape3A_563 = vector.shape_cast %select_n3A_562 : vector<256x16xi32> to vector<256x16x1xi32>
    %gather3A_564 = vector.shape_cast %reshape3A_563 : vector<256x16x1xi32> to vector<256x16xi32>
    %gather3A_565 = tpu.dynamic_gather %slice3A_555[%gather3A_564] in [1] : vector<256x128xf32>, vector<256x16xi32> -> vector<256x16xf32>
    %eq3A_566 = arith.constant 11 : i32
    %eq3A_567 = vector.broadcast %eq3A_566 : i32 to vector<256x16xi32>
    %eq3A_568 = arith.cmpi eq, %shift_right_arithmetic3A_391, %eq3A_567 : vector<256x16xi32>
    %select_n3A_569 = arith.select %eq3A_568, %gather3A_565, %select_n3A_554 : vector<256x16xi1>, vector<256x16xf32>
    %slice3A_570 = vector.extract_strided_slice %dot_general3A_37 {offsets = [0, 1536], sizes = [256, 128], strides = [1, 1]} : vector<256x2048xf32> to vector<256x128xf32>
    %lt3A_571 = arith.constant 0 : i32
    %lt3A_572 = vector.broadcast %lt3A_571 : i32 to vector<256x16xi32>
    %lt3A_573 = arith.cmpi slt, %and3A_389, %lt3A_572 : vector<256x16xi32>
    %add3A_574 = arith.constant 128 : i32
    %add3A_575 = vector.broadcast %add3A_574 : i32 to vector<256x16xi32>
    %add3A_576 = arith.addi %and3A_389, %add3A_575 : vector<256x16xi32>
    %select_n3A_577 = arith.select %lt3A_573, %add3A_576, %and3A_389 : vector<256x16xi1>, vector<256x16xi32>
    %reshape3A_578 = vector.shape_cast %select_n3A_577 : vector<256x16xi32> to vector<256x16x1xi32>
    %gather3A_579 = vector.shape_cast %reshape3A_578 : vector<256x16x1xi32> to vector<256x16xi32>
    %gather3A_580 = tpu.dynamic_gather %slice3A_570[%gather3A_579] in [1] : vector<256x128xf32>, vector<256x16xi32> -> vector<256x16xf32>
    %eq3A_581 = arith.constant 12 : i32
    %eq3A_582 = vector.broadcast %eq3A_581 : i32 to vector<256x16xi32>
    %eq3A_583 = arith.cmpi eq, %shift_right_arithmetic3A_391, %eq3A_582 : vector<256x16xi32>
    %select_n3A_584 = arith.select %eq3A_583, %gather3A_580, %select_n3A_569 : vector<256x16xi1>, vector<256x16xf32>
    %slice3A_585 = vector.extract_strided_slice %dot_general3A_37 {offsets = [0, 1664], sizes = [256, 128], strides = [1, 1]} : vector<256x2048xf32> to vector<256x128xf32>
    %lt3A_586 = arith.constant 0 : i32
    %lt3A_587 = vector.broadcast %lt3A_586 : i32 to vector<256x16xi32>
    %lt3A_588 = arith.cmpi slt, %and3A_389, %lt3A_587 : vector<256x16xi32>
    %add3A_589 = arith.constant 128 : i32
    %add3A_590 = vector.broadcast %add3A_589 : i32 to vector<256x16xi32>
    %add3A_591 = arith.addi %and3A_389, %add3A_590 : vector<256x16xi32>
    %select_n3A_592 = arith.select %lt3A_588, %add3A_591, %and3A_389 : vector<256x16xi1>, vector<256x16xi32>
    %reshape3A_593 = vector.shape_cast %select_n3A_592 : vector<256x16xi32> to vector<256x16x1xi32>
    %gather3A_594 = vector.shape_cast %reshape3A_593 : vector<256x16x1xi32> to vector<256x16xi32>
    %gather3A_595 = tpu.dynamic_gather %slice3A_585[%gather3A_594] in [1] : vector<256x128xf32>, vector<256x16xi32> -> vector<256x16xf32>
    %eq3A_596 = arith.constant 13 : i32
    %eq3A_597 = vector.broadcast %eq3A_596 : i32 to vector<256x16xi32>
    %eq3A_598 = arith.cmpi eq, %shift_right_arithmetic3A_391, %eq3A_597 : vector<256x16xi32>
    %select_n3A_599 = arith.select %eq3A_598, %gather3A_595, %select_n3A_584 : vector<256x16xi1>, vector<256x16xf32>
    %slice3A_600 = vector.extract_strided_slice %dot_general3A_37 {offsets = [0, 1792], sizes = [256, 128], strides = [1, 1]} : vector<256x2048xf32> to vector<256x128xf32>
    %lt3A_601 = arith.constant 0 : i32
    %lt3A_602 = vector.broadcast %lt3A_601 : i32 to vector<256x16xi32>
    %lt3A_603 = arith.cmpi slt, %and3A_389, %lt3A_602 : vector<256x16xi32>
    %add3A_604 = arith.constant 128 : i32
    %add3A_605 = vector.broadcast %add3A_604 : i32 to vector<256x16xi32>
    %add3A_606 = arith.addi %and3A_389, %add3A_605 : vector<256x16xi32>
    %select_n3A_607 = arith.select %lt3A_603, %add3A_606, %and3A_389 : vector<256x16xi1>, vector<256x16xi32>
    %reshape3A_608 = vector.shape_cast %select_n3A_607 : vector<256x16xi32> to vector<256x16x1xi32>
    %gather3A_609 = vector.shape_cast %reshape3A_608 : vector<256x16x1xi32> to vector<256x16xi32>
    %gather3A_610 = tpu.dynamic_gather %slice3A_600[%gather3A_609] in [1] : vector<256x128xf32>, vector<256x16xi32> -> vector<256x16xf32>
    %eq3A_611 = arith.constant 14 : i32
    %eq3A_612 = vector.broadcast %eq3A_611 : i32 to vector<256x16xi32>
    %eq3A_613 = arith.cmpi eq, %shift_right_arithmetic3A_391, %eq3A_612 : vector<256x16xi32>
    %select_n3A_614 = arith.select %eq3A_613, %gather3A_610, %select_n3A_599 : vector<256x16xi1>, vector<256x16xf32>
    %slice3A_615 = vector.extract_strided_slice %dot_general3A_37 {offsets = [0, 1920], sizes = [256, 128], strides = [1, 1]} : vector<256x2048xf32> to vector<256x128xf32>
    %lt3A_616 = arith.constant 0 : i32
    %lt3A_617 = vector.broadcast %lt3A_616 : i32 to vector<256x16xi32>
    %lt3A_618 = arith.cmpi slt, %and3A_389, %lt3A_617 : vector<256x16xi32>
    %add3A_619 = arith.constant 128 : i32
    %add3A_620 = vector.broadcast %add3A_619 : i32 to vector<256x16xi32>
    %add3A_621 = arith.addi %and3A_389, %add3A_620 : vector<256x16xi32>
    %select_n3A_622 = arith.select %lt3A_618, %add3A_621, %and3A_389 : vector<256x16xi1>, vector<256x16xi32>
    %reshape3A_623 = vector.shape_cast %select_n3A_622 : vector<256x16xi32> to vector<256x16x1xi32>
    %gather3A_624 = vector.shape_cast %reshape3A_623 : vector<256x16x1xi32> to vector<256x16xi32>
    %gather3A_625 = tpu.dynamic_gather %slice3A_615[%gather3A_624] in [1] : vector<256x128xf32>, vector<256x16xi32> -> vector<256x16xf32>
    %eq3A_626 = arith.constant 15 : i32
    %eq3A_627 = vector.broadcast %eq3A_626 : i32 to vector<256x16xi32>
    %eq3A_628 = arith.cmpi eq, %shift_right_arithmetic3A_391, %eq3A_627 : vector<256x16xi32>
    %select_n3A_629 = arith.select %eq3A_628, %gather3A_625, %select_n3A_614 : vector<256x16xi1>, vector<256x16xf32>
    %swap3A = arith.constant 0 : index
    %swap3A_630 = arith.constant 0 : index
    %swap3A_631 = vector.load %arg6[%swap3A, %swap3A_630] : memref<256x16xi32, #tpu.memory_space<vmem>>, vector<256x16xi32>
    tpu.vector_store %arg6[%swap3A, %swap3A_630], %convert_element_type3A_387 {strides = array<i32>} : memref<256x16xi32, #tpu.memory_space<vmem>>, vector<256x16xi32>,
    %swap3A_632 = arith.constant 0 : index
    %swap3A_633 = arith.constant 0 : index
    %swap3A_634 = vector.load %arg7[%swap3A_632, %swap3A_633] : memref<256x16xf32, #tpu.memory_space<vmem>>, vector<256x16xf32>
    tpu.vector_store %arg7[%swap3A_632, %swap3A_633], %select_n3A_629 {strides = array<i32>} : memref<256x16xf32, #tpu.memory_space<vmem>>, vector<256x16xf32>,
    return
  }
  func.func @transform_0(%arg0: i32) -> (i32, i32, i32) {
    %c1_i32 = arith.constant 1 : i32
    %c0_i32 = arith.constant 0 : i32
    %c0_i32_0 = arith.constant 0 : i32
    return %c1_i32, %arg0, %c0_i32 : i32, i32, i32
  }
  func.func @transform_1(%arg0: i32) -> (i32, i32, i32) {
    %c1_i32 = arith.constant 1 : i32
    %c0_i32 = arith.constant 0 : i32
    %c0_i32_0 = arith.constant 0 : i32
    %c0_i32_1 = arith.constant 0 : i32
    return %c1_i32, %c0_i32, %c0_i32_0 : i32, i32, i32
  }
  func.func @transform_2(%arg0: i32) -> (i32, i32, i32) {
    %c1_i32 = arith.constant 1 : i32
    %c0_i32 = arith.constant 0 : i32
    %c0_i32_0 = arith.constant 0 : i32
    %c0_i32_1 = arith.constant 0 : i32
    return %c1_i32, %c0_i32, %c0_i32_0 : i32, i32, i32
  }
  func.func @transform_3(%arg0: i32) -> (i32, i32, i32) {
    %c1_i32 = arith.constant 1 : i32
    %c0_i32 = arith.constant 0 : i32
    %c0_i32_0 = arith.constant 0 : i32
    %c0_i32_1 = arith.constant 0 : i32
    return %c1_i32, %c0_i32, %c0_i32_0 : i32, i32, i32
  }
  func.func @transform_4(%arg0: i32) -> (i32, i32, i32) {
    %c1_i32 = arith.constant 1 : i32
    %c0_i32 = arith.constant 0 : i32
    %c0_i32_0 = arith.constant 0 : i32
    return %c1_i32, %arg0, %c0_i32 : i32, i32, i32
  }
  func.func @transform_5(%arg0: i32) -> (i32, i32) {
    %c0_i32 = arith.constant 0 : i32
    %c0_i32_0 = arith.constant 0 : i32
    return %arg0, %c0_i32 : i32, i32
  }
  func.func @transform_6(%arg0: i32) -> (i32, i32) {
    %c0_i32 = arith.constant 0 : i32
    %c0_i32_0 = arith.constant 0 : i32
    return %arg0, %c0_i32 : i32, i32
  }
}

module attributes {stable_mosaic.version = 14 : i64} {
  func.func @_topk_body(%arg0: i32, %arg1: memref<1x256x16xf32, #tpu.memory_space<vmem>>, %arg2: memref<1x2048x16xf32, #tpu.memory_space<vmem>>, %arg3: memref<1x1x2048xf32, #tpu.memory_space<vmem>>, %arg4: memref<1x2048x64xf32, #tpu.memory_space<vmem>>, %arg5: memref<1x256x64xf32, #tpu.memory_space<vmem>>, %arg6: memref<256x16xi32, #tpu.memory_space<vmem>>, %arg7: memref<256x16xf32, #tpu.memory_space<vmem>>) attributes {dimension_semantics = [#tpu.dimension_semantics<parallel>], iteration_bounds = array<i64: 8>, scalar_prefetch = 0 : i64, scratch_operands = 0 : i64, tpu.core_type = #tpu.core_type<tc>, window_params = [{transform_indices = @transform_0, window_bounds = array<i64: 1, 256, 16>}, {transform_indices = @transform_1, window_bounds = array<i64: 1, 2048, 16>}, {transform_indices = @transform_2, window_bounds = array<i64: 1, 1, 2048>}, {transform_indices = @transform_3, window_bounds = array<i64: 1, 2048, 64>}, {transform_indices = @transform_4, window_bounds = array<i64: 1, 256, 64>}, {transform_indices = @transform_5, window_bounds = array<i64: 256, 16>}, {transform_indices = @transform_6, window_bounds = array<i64: 256, 16>}]} {
    %get3A = arith.constant 0 : index
    %get3A_0 = arith.constant 0 : index
    %get3A_1 = arith.constant 0 : index
    %get3A_2 = vector.load %arg1[%get3A, %get3A_0, %get3A_1] : memref<1x256x16xf32, #tpu.memory_space<vmem>>, vector<1x256x16xf32>
    %get3A_3 = vector.shape_cast %get3A_2 : vector<1x256x16xf32> to vector<256x16xf32>
    %get3A_4 = arith.constant 0 : index
    %get3A_5 = arith.constant 0 : index
    %get3A_6 = arith.constant 0 : index
    %get3A_7 = vector.load %arg2[%get3A_4, %get3A_5, %get3A_6] : memref<1x2048x16xf32, #tpu.memory_space<vmem>>, vector<1x2048x16xf32>
    %get3A_8 = vector.shape_cast %get3A_7 : vector<1x2048x16xf32> to vector<2048x16xf32>
    %iota3A = tpu.iota {dimensions = array<i32: 1>} : vector<1x16xi32>
    %lt3A = arith.constant 3 : i32
    %lt3A_9 = vector.broadcast %lt3A : i32 to vector<1x16xi32>
    %lt3A_10 = arith.cmpi slt, %iota3A, %lt3A_9 : vector<1x16xi32>
    %convert_element_type3A = arith.extui %lt3A_10 : vector<1x16xi1> to vector<1x16xi32>
    %convert_element_type3A_11 = arith.sitofp %convert_element_type3A : vector<1x16xi32> to vector<1x16xf32>
    %mul3A = vector.broadcast %convert_element_type3A_11 : vector<1x16xf32> to vector<256x16xf32>
    %mul3A_12 = arith.mulf %get3A_3, %mul3A : vector<256x16xf32>
    %mul3A_13 = vector.broadcast %convert_element_type3A_11 : vector<1x16xf32> to vector<2048x16xf32>
    %mul3A_14 = arith.mulf %get3A_8, %mul3A_13 : vector<2048x16xf32>
    %dot_general3A = arith.constant dense<0.000000e+00> : vector<256x2048xf32>
    %dot_general3A_15 = tpu.matmul %mul3A_12, %mul3A_14, %dot_general3A {dimension_numbers = #tpu.dot_dimension_numbers<[1], [1], [0], [0], [0, 0, 1, 0], [], []>, transpose_lhs_hint = false} : vector<256x16xf32>, vector<2048x16xf32>, vector<256x2048xf32> -> vector<256x2048xf32>
    %slice3A = vector.extract_strided_slice %get3A_3 {offsets = [0, 3], sizes = [256, 1], strides = [1, 1]} : vector<256x16xf32> to vector<256x1xf32>
    %get3A_16 = arith.constant 0 : index
    %get3A_17 = arith.constant 0 : index
    %get3A_18 = arith.constant 0 : index
    %get3A_19 = vector.load %arg3[%get3A_16, %get3A_17, %get3A_18] : memref<1x1x2048xf32, #tpu.memory_space<vmem>>, vector<1x1x2048xf32>
    %get3A_20 = vector.shape_cast %get3A_19 : vector<1x1x2048xf32> to vector<1x2048xf32>
    %add3A = vector.broadcast %slice3A : vector<256x1xf32> to vector<256x2048xf32>
    %add3A_21 = vector.broadcast %get3A_20 : vector<1x2048xf32> to vector<256x2048xf32>
    %add3A_22 = arith.addf %add3A, %add3A_21 : vector<256x2048xf32>
    %mul3A_23 = arith.constant 2.000000e+00 : f32
    %mul3A_24 = vector.broadcast %mul3A_23 : f32 to vector<256x2048xf32>
    %mul3A_25 = arith.mulf %mul3A_24, %dot_general3A_15 : vector<256x2048xf32>
    %sub3A = arith.subf %add3A_22, %mul3A_25 : vector<256x2048xf32>
    %get3A_26 = arith.constant 0 : index
    %get3A_27 = arith.constant 0 : index
    %get3A_28 = arith.constant 0 : index
    %get3A_29 = vector.load %arg5[%get3A_26, %get3A_27, %get3A_28] : memref<1x256x64xf32, #tpu.memory_space<vmem>>, vector<1x256x64xf32>
    %get3A_30 = vector.shape_cast %get3A_29 : vector<1x256x64xf32> to vector<256x64xf32>
    %get3A_31 = arith.constant 0 : index
    %get3A_32 = arith.constant 0 : index
    %get3A_33 = arith.constant 0 : index
    %get3A_34 = vector.load %arg4[%get3A_31, %get3A_32, %get3A_33] : memref<1x2048x64xf32, #tpu.memory_space<vmem>>, vector<1x2048x64xf32>
    %get3A_35 = vector.shape_cast %get3A_34 : vector<1x2048x64xf32> to vector<2048x64xf32>
    %dot_general3A_36 = arith.constant dense<0.000000e+00> : vector<256x2048xf32>
    %dot_general3A_37 = tpu.matmul %get3A_30, %get3A_35, %dot_general3A_36 {dimension_numbers = #tpu.dot_dimension_numbers<[1], [1], [0], [0], [0, 0, 1, 0], [], []>, transpose_lhs_hint = false} : vector<256x64xf32>, vector<2048x64xf32>, vector<256x2048xf32> -> vector<256x2048xf32>
    %iota3A_38 = tpu.iota {dimensions = array<i32: 1>} : vector<256x2048xi32>
    %convert_element_type3A_39 = arith.sitofp %iota3A_38 : vector<256x2048xi32> to vector<256x2048xf32>
    %iota3A_40 = tpu.iota {dimensions = array<i32: 1>} : vector<256x16xi32>
    %broadcast_in_dim3A = arith.constant 0.000000e+00 : f32
    %broadcast_in_dim3A_41 = vector.broadcast %broadcast_in_dim3A : f32 to vector<256x16xf32>
    %broadcast_in_dim3A_42 = arith.constant 0.000000e+00 : f32
    %broadcast_in_dim3A_43 = vector.broadcast %broadcast_in_dim3A_42 : f32 to vector<256x16xf32>
    %reduce_min3A = arith.constant dense<0x7F800000> : vector<256xf32>
    %reduce_min3A_44 = vector.multi_reduction <minimumf>, %sub3A, %reduce_min3A [1] : vector<256x2048xf32> to vector<256xf32>
    %broadcast_in_dim3A_45 = vector.shape_cast %reduce_min3A_44 : vector<256xf32> to vector<256x1xf32>
    %eq3A = vector.broadcast %broadcast_in_dim3A_45 : vector<256x1xf32> to vector<256x2048xf32>
    %eq3A_46 = arith.cmpf oeq, %sub3A, %eq3A : vector<256x2048xf32>
    %jit3A = arith.constant 2.048000e+03 : f32
    %broadcast_in_dim3A_47 = vector.broadcast %jit3A : f32 to vector<256x2048xf32>
    %select_n3A = arith.select %eq3A_46, %convert_element_type3A_39, %broadcast_in_dim3A_47 : vector<256x2048xi1>, vector<256x2048xf32>
    %reduce_min3A_48 = arith.constant dense<0x7F800000> : vector<256xf32>
    %reduce_min3A_49 = vector.multi_reduction <minimumf>, %select_n3A, %reduce_min3A_48 [1] : vector<256x2048xf32> to vector<256xf32>
    %broadcast_in_dim3A_50 = vector.shape_cast %reduce_min3A_49 : vector<256xf32> to vector<256x1xf32>
    %eq3A_51 = vector.broadcast %broadcast_in_dim3A_50 : vector<256x1xf32> to vector<256x2048xf32>
    %eq3A_52 = arith.cmpf oeq, %select_n3A, %eq3A_51 : vector<256x2048xf32>
    %jit3A_53 = arith.constant 0x7F800000 : f32
    %broadcast_in_dim3A_54 = vector.broadcast %jit3A_53 : f32 to vector<256x2048xf32>
    %select_n3A_55 = arith.select %eq3A_52, %broadcast_in_dim3A_54, %sub3A : vector<256x2048xi1>, vector<256x2048xf32>
    %eq3A_56 = arith.constant 0 : i32
    %eq3A_57 = vector.broadcast %eq3A_56 : i32 to vector<256x16xi32>
    %eq3A_58 = arith.cmpi eq, %iota3A_40, %eq3A_57 : vector<256x16xi32>
    %broadcast_in_dim3A_59 = vector.shape_cast %broadcast_in_dim3A_50 : vector<256x1xf32> to vector<256x1xf32>
    %broadcast_in_dim3A_60 = vector.broadcast %broadcast_in_dim3A_59 : vector<256x1xf32> to vector<256x16xf32>
    %select_n3A_61 = arith.select %eq3A_58, %broadcast_in_dim3A_60, %broadcast_in_dim3A_41 : vector<256x16xi1>, vector<256x16xf32>
    %reduce_min3A_62 = arith.constant dense<0x7F800000> : vector<256xf32>
    %reduce_min3A_63 = vector.multi_reduction <minimumf>, %select_n3A_55, %reduce_min3A_62 [1] : vector<256x2048xf32> to vector<256xf32>
    %broadcast_in_dim3A_64 = vector.shape_cast %reduce_min3A_63 : vector<256xf32> to vector<256x1xf32>
    %eq3A_65 = vector.broadcast %broadcast_in_dim3A_64 : vector<256x1xf32> to vector<256x2048xf32>
    %eq3A_66 = arith.cmpf oeq, %select_n3A_55, %eq3A_65 : vector<256x2048xf32>
    %jit3A_67 = arith.constant 2.048000e+03 : f32
    %broadcast_in_dim3A_68 = vector.broadcast %jit3A_67 : f32 to vector<256x2048xf32>
    %select_n3A_69 = arith.select %eq3A_66, %convert_element_type3A_39, %broadcast_in_dim3A_68 : vector<256x2048xi1>, vector<256x2048xf32>
    %reduce_min3A_70 = arith.constant dense<0x7F800000> : vector<256xf32>
    %reduce_min3A_71 = vector.multi_reduction <minimumf>, %select_n3A_69, %reduce_min3A_70 [1] : vector<256x2048xf32> to vector<256xf32>
    %broadcast_in_dim3A_72 = vector.shape_cast %reduce_min3A_71 : vector<256xf32> to vector<256x1xf32>
    %eq3A_73 = vector.broadcast %broadcast_in_dim3A_72 : vector<256x1xf32> to vector<256x2048xf32>
    %eq3A_74 = arith.cmpf oeq, %select_n3A_69, %eq3A_73 : vector<256x2048xf32>
    %jit3A_75 = arith.constant 0x7F800000 : f32
    %broadcast_in_dim3A_76 = vector.broadcast %jit3A_75 : f32 to vector<256x2048xf32>
    %select_n3A_77 = arith.select %eq3A_74, %broadcast_in_dim3A_76, %select_n3A_55 : vector<256x2048xi1>, vector<256x2048xf32>
    %eq3A_78 = arith.constant 1 : i32
    %eq3A_79 = vector.broadcast %eq3A_78 : i32 to vector<256x16xi32>
    %eq3A_80 = arith.cmpi eq, %iota3A_40, %eq3A_79 : vector<256x16xi32>
    %broadcast_in_dim3A_81 = vector.shape_cast %broadcast_in_dim3A_72 : vector<256x1xf32> to vector<256x1xf32>
    %broadcast_in_dim3A_82 = vector.broadcast %broadcast_in_dim3A_81 : vector<256x1xf32> to vector<256x16xf32>
    %select_n3A_83 = arith.select %eq3A_80, %broadcast_in_dim3A_82, %select_n3A_61 : vector<256x16xi1>, vector<256x16xf32>
    %reduce_min3A_84 = arith.constant dense<0x7F800000> : vector<256xf32>
    %reduce_min3A_85 = vector.multi_reduction <minimumf>, %select_n3A_77, %reduce_min3A_84 [1] : vector<256x2048xf32> to vector<256xf32>
    %broadcast_in_dim3A_86 = vector.shape_cast %reduce_min3A_85 : vector<256xf32> to vector<256x1xf32>
    %eq3A_87 = vector.broadcast %broadcast_in_dim3A_86 : vector<256x1xf32> to vector<256x2048xf32>
    %eq3A_88 = arith.cmpf oeq, %select_n3A_77, %eq3A_87 : vector<256x2048xf32>
    %jit3A_89 = arith.constant 2.048000e+03 : f32
    %broadcast_in_dim3A_90 = vector.broadcast %jit3A_89 : f32 to vector<256x2048xf32>
    %select_n3A_91 = arith.select %eq3A_88, %convert_element_type3A_39, %broadcast_in_dim3A_90 : vector<256x2048xi1>, vector<256x2048xf32>
    %reduce_min3A_92 = arith.constant dense<0x7F800000> : vector<256xf32>
    %reduce_min3A_93 = vector.multi_reduction <minimumf>, %select_n3A_91, %reduce_min3A_92 [1] : vector<256x2048xf32> to vector<256xf32>
    %broadcast_in_dim3A_94 = vector.shape_cast %reduce_min3A_93 : vector<256xf32> to vector<256x1xf32>
    %eq3A_95 = vector.broadcast %broadcast_in_dim3A_94 : vector<256x1xf32> to vector<256x2048xf32>
    %eq3A_96 = arith.cmpf oeq, %select_n3A_91, %eq3A_95 : vector<256x2048xf32>
    %jit3A_97 = arith.constant 0x7F800000 : f32
    %broadcast_in_dim3A_98 = vector.broadcast %jit3A_97 : f32 to vector<256x2048xf32>
    %select_n3A_99 = arith.select %eq3A_96, %broadcast_in_dim3A_98, %select_n3A_77 : vector<256x2048xi1>, vector<256x2048xf32>
    %eq3A_100 = arith.constant 2 : i32
    %eq3A_101 = vector.broadcast %eq3A_100 : i32 to vector<256x16xi32>
    %eq3A_102 = arith.cmpi eq, %iota3A_40, %eq3A_101 : vector<256x16xi32>
    %broadcast_in_dim3A_103 = vector.shape_cast %broadcast_in_dim3A_94 : vector<256x1xf32> to vector<256x1xf32>
    %broadcast_in_dim3A_104 = vector.broadcast %broadcast_in_dim3A_103 : vector<256x1xf32> to vector<256x16xf32>
    %select_n3A_105 = arith.select %eq3A_102, %broadcast_in_dim3A_104, %select_n3A_83 : vector<256x16xi1>, vector<256x16xf32>
    %reduce_min3A_106 = arith.constant dense<0x7F800000> : vector<256xf32>
    %reduce_min3A_107 = vector.multi_reduction <minimumf>, %select_n3A_99, %reduce_min3A_106 [1] : vector<256x2048xf32> to vector<256xf32>
    %broadcast_in_dim3A_108 = vector.shape_cast %reduce_min3A_107 : vector<256xf32> to vector<256x1xf32>
    %eq3A_109 = vector.broadcast %broadcast_in_dim3A_108 : vector<256x1xf32> to vector<256x2048xf32>
    %eq3A_110 = arith.cmpf oeq, %select_n3A_99, %eq3A_109 : vector<256x2048xf32>
    %jit3A_111 = arith.constant 2.048000e+03 : f32
    %broadcast_in_dim3A_112 = vector.broadcast %jit3A_111 : f32 to vector<256x2048xf32>
    %select_n3A_113 = arith.select %eq3A_110, %convert_element_type3A_39, %broadcast_in_dim3A_112 : vector<256x2048xi1>, vector<256x2048xf32>
    %reduce_min3A_114 = arith.constant dense<0x7F800000> : vector<256xf32>
    %reduce_min3A_115 = vector.multi_reduction <minimumf>, %select_n3A_113, %reduce_min3A_114 [1] : vector<256x2048xf32> to vector<256xf32>
    %broadcast_in_dim3A_116 = vector.shape_cast %reduce_min3A_115 : vector<256xf32> to vector<256x1xf32>
    %eq3A_117 = vector.broadcast %broadcast_in_dim3A_116 : vector<256x1xf32> to vector<256x2048xf32>
    %eq3A_118 = arith.cmpf oeq, %select_n3A_113, %eq3A_117 : vector<256x2048xf32>
    %jit3A_119 = arith.constant 0x7F800000 : f32
    %broadcast_in_dim3A_120 = vector.broadcast %jit3A_119 : f32 to vector<256x2048xf32>
    %select_n3A_121 = arith.select %eq3A_118, %broadcast_in_dim3A_120, %select_n3A_99 : vector<256x2048xi1>, vector<256x2048xf32>
    %eq3A_122 = arith.constant 3 : i32
    %eq3A_123 = vector.broadcast %eq3A_122 : i32 to vector<256x16xi32>
    %eq3A_124 = arith.cmpi eq, %iota3A_40, %eq3A_123 : vector<256x16xi32>
    %broadcast_in_dim3A_125 = vector.shape_cast %broadcast_in_dim3A_116 : vector<256x1xf32> to vector<256x1xf32>
    %broadcast_in_dim3A_126 = vector.broadcast %broadcast_in_dim3A_125 : vector<256x1xf32> to vector<256x16xf32>
    %select_n3A_127 = arith.select %eq3A_124, %broadcast_in_dim3A_126, %select_n3A_105 : vector<256x16xi1>, vector<256x16xf32>
    %reduce_min3A_128 = arith.constant dense<0x7F800000> : vector<256xf32>
    %reduce_min3A_129 = vector.multi_reduction <minimumf>, %select_n3A_121, %reduce_min3A_128 [1] : vector<256x2048xf32> to vector<256xf32>
    %broadcast_in_dim3A_130 = vector.shape_cast %reduce_min3A_129 : vector<256xf32> to vector<256x1xf32>
    %eq3A_131 = vector.broadcast %broadcast_in_dim3A_130 : vector<256x1xf32> to vector<256x2048xf32>
    %eq3A_132 = arith.cmpf oeq, %select_n3A_121, %eq3A_131 : vector<256x2048xf32>
    %jit3A_133 = arith.constant 2.048000e+03 : f32
    %broadcast_in_dim3A_134 = vector.broadcast %jit3A_133 : f32 to vector<256x2048xf32>
    %select_n3A_135 = arith.select %eq3A_132, %convert_element_type3A_39, %broadcast_in_dim3A_134 : vector<256x2048xi1>, vector<256x2048xf32>
    %reduce_min3A_136 = arith.constant dense<0x7F800000> : vector<256xf32>
    %reduce_min3A_137 = vector.multi_reduction <minimumf>, %select_n3A_135, %reduce_min3A_136 [1] : vector<256x2048xf32> to vector<256xf32>
    %broadcast_in_dim3A_138 = vector.shape_cast %reduce_min3A_137 : vector<256xf32> to vector<256x1xf32>
    %eq3A_139 = vector.broadcast %broadcast_in_dim3A_138 : vector<256x1xf32> to vector<256x2048xf32>
    %eq3A_140 = arith.cmpf oeq, %select_n3A_135, %eq3A_139 : vector<256x2048xf32>
    %jit3A_141 = arith.constant 0x7F800000 : f32
    %broadcast_in_dim3A_142 = vector.broadcast %jit3A_141 : f32 to vector<256x2048xf32>
    %select_n3A_143 = arith.select %eq3A_140, %broadcast_in_dim3A_142, %select_n3A_121 : vector<256x2048xi1>, vector<256x2048xf32>
    %eq3A_144 = arith.constant 4 : i32
    %eq3A_145 = vector.broadcast %eq3A_144 : i32 to vector<256x16xi32>
    %eq3A_146 = arith.cmpi eq, %iota3A_40, %eq3A_145 : vector<256x16xi32>
    %broadcast_in_dim3A_147 = vector.shape_cast %broadcast_in_dim3A_138 : vector<256x1xf32> to vector<256x1xf32>
    %broadcast_in_dim3A_148 = vector.broadcast %broadcast_in_dim3A_147 : vector<256x1xf32> to vector<256x16xf32>
    %select_n3A_149 = arith.select %eq3A_146, %broadcast_in_dim3A_148, %select_n3A_127 : vector<256x16xi1>, vector<256x16xf32>
    %reduce_min3A_150 = arith.constant dense<0x7F800000> : vector<256xf32>
    %reduce_min3A_151 = vector.multi_reduction <minimumf>, %select_n3A_143, %reduce_min3A_150 [1] : vector<256x2048xf32> to vector<256xf32>
    %broadcast_in_dim3A_152 = vector.shape_cast %reduce_min3A_151 : vector<256xf32> to vector<256x1xf32>
    %eq3A_153 = vector.broadcast %broadcast_in_dim3A_152 : vector<256x1xf32> to vector<256x2048xf32>
    %eq3A_154 = arith.cmpf oeq, %select_n3A_143, %eq3A_153 : vector<256x2048xf32>
    %jit3A_155 = arith.constant 2.048000e+03 : f32
    %broadcast_in_dim3A_156 = vector.broadcast %jit3A_155 : f32 to vector<256x2048xf32>
    %select_n3A_157 = arith.select %eq3A_154, %convert_element_type3A_39, %broadcast_in_dim3A_156 : vector<256x2048xi1>, vector<256x2048xf32>
    %reduce_min3A_158 = arith.constant dense<0x7F800000> : vector<256xf32>
    %reduce_min3A_159 = vector.multi_reduction <minimumf>, %select_n3A_157, %reduce_min3A_158 [1] : vector<256x2048xf32> to vector<256xf32>
    %broadcast_in_dim3A_160 = vector.shape_cast %reduce_min3A_159 : vector<256xf32> to vector<256x1xf32>
    %eq3A_161 = vector.broadcast %broadcast_in_dim3A_160 : vector<256x1xf32> to vector<256x2048xf32>
    %eq3A_162 = arith.cmpf oeq, %select_n3A_157, %eq3A_161 : vector<256x2048xf32>
    %jit3A_163 = arith.constant 0x7F800000 : f32
    %broadcast_in_dim3A_164 = vector.broadcast %jit3A_163 : f32 to vector<256x2048xf32>
    %select_n3A_165 = arith.select %eq3A_162, %broadcast_in_dim3A_164, %select_n3A_143 : vector<256x2048xi1>, vector<256x2048xf32>
    %eq3A_166 = arith.constant 5 : i32
    %eq3A_167 = vector.broadcast %eq3A_166 : i32 to vector<256x16xi32>
    %eq3A_168 = arith.cmpi eq, %iota3A_40, %eq3A_167 : vector<256x16xi32>
    %broadcast_in_dim3A_169 = vector.shape_cast %broadcast_in_dim3A_160 : vector<256x1xf32> to vector<256x1xf32>
    %broadcast_in_dim3A_170 = vector.broadcast %broadcast_in_dim3A_169 : vector<256x1xf32> to vector<256x16xf32>
    %select_n3A_171 = arith.select %eq3A_168, %broadcast_in_dim3A_170, %select_n3A_149 : vector<256x16xi1>, vector<256x16xf32>
    %reduce_min3A_172 = arith.constant dense<0x7F800000> : vector<256xf32>
    %reduce_min3A_173 = vector.multi_reduction <minimumf>, %select_n3A_165, %reduce_min3A_172 [1] : vector<256x2048xf32> to vector<256xf32>
    %broadcast_in_dim3A_174 = vector.shape_cast %reduce_min3A_173 : vector<256xf32> to vector<256x1xf32>
    %eq3A_175 = vector.broadcast %broadcast_in_dim3A_174 : vector<256x1xf32> to vector<256x2048xf32>
    %eq3A_176 = arith.cmpf oeq, %select_n3A_165, %eq3A_175 : vector<256x2048xf32>
    %jit3A_177 = arith.constant 2.048000e+03 : f32
    %broadcast_in_dim3A_178 = vector.broadcast %jit3A_177 : f32 to vector<256x2048xf32>
    %select_n3A_179 = arith.select %eq3A_176, %convert_element_type3A_39, %broadcast_in_dim3A_178 : vector<256x2048xi1>, vector<256x2048xf32>
    %reduce_min3A_180 = arith.constant dense<0x7F800000> : vector<256xf32>
    %reduce_min3A_181 = vector.multi_reduction <minimumf>, %select_n3A_179, %reduce_min3A_180 [1] : vector<256x2048xf32> to vector<256xf32>
    %broadcast_in_dim3A_182 = vector.shape_cast %reduce_min3A_181 : vector<256xf32> to vector<256x1xf32>
    %eq3A_183 = vector.broadcast %broadcast_in_dim3A_182 : vector<256x1xf32> to vector<256x2048xf32>
    %eq3A_184 = arith.cmpf oeq, %select_n3A_179, %eq3A_183 : vector<256x2048xf32>
    %jit3A_185 = arith.constant 0x7F800000 : f32
    %broadcast_in_dim3A_186 = vector.broadcast %jit3A_185 : f32 to vector<256x2048xf32>
    %select_n3A_187 = arith.select %eq3A_184, %broadcast_in_dim3A_186, %select_n3A_165 : vector<256x2048xi1>, vector<256x2048xf32>
    %eq3A_188 = arith.constant 6 : i32
    %eq3A_189 = vector.broadcast %eq3A_188 : i32 to vector<256x16xi32>
    %eq3A_190 = arith.cmpi eq, %iota3A_40, %eq3A_189 : vector<256x16xi32>
    %broadcast_in_dim3A_191 = vector.shape_cast %broadcast_in_dim3A_182 : vector<256x1xf32> to vector<256x1xf32>
    %broadcast_in_dim3A_192 = vector.broadcast %broadcast_in_dim3A_191 : vector<256x1xf32> to vector<256x16xf32>
    %select_n3A_193 = arith.select %eq3A_190, %broadcast_in_dim3A_192, %select_n3A_171 : vector<256x16xi1>, vector<256x16xf32>
    %reduce_min3A_194 = arith.constant dense<0x7F800000> : vector<256xf32>
    %reduce_min3A_195 = vector.multi_reduction <minimumf>, %select_n3A_187, %reduce_min3A_194 [1] : vector<256x2048xf32> to vector<256xf32>
    %broadcast_in_dim3A_196 = vector.shape_cast %reduce_min3A_195 : vector<256xf32> to vector<256x1xf32>
    %eq3A_197 = vector.broadcast %broadcast_in_dim3A_196 : vector<256x1xf32> to vector<256x2048xf32>
    %eq3A_198 = arith.cmpf oeq, %select_n3A_187, %eq3A_197 : vector<256x2048xf32>
    %jit3A_199 = arith.constant 2.048000e+03 : f32
    %broadcast_in_dim3A_200 = vector.broadcast %jit3A_199 : f32 to vector<256x2048xf32>
    %select_n3A_201 = arith.select %eq3A_198, %convert_element_type3A_39, %broadcast_in_dim3A_200 : vector<256x2048xi1>, vector<256x2048xf32>
    %reduce_min3A_202 = arith.constant dense<0x7F800000> : vector<256xf32>
    %reduce_min3A_203 = vector.multi_reduction <minimumf>, %select_n3A_201, %reduce_min3A_202 [1] : vector<256x2048xf32> to vector<256xf32>
    %broadcast_in_dim3A_204 = vector.shape_cast %reduce_min3A_203 : vector<256xf32> to vector<256x1xf32>
    %eq3A_205 = vector.broadcast %broadcast_in_dim3A_204 : vector<256x1xf32> to vector<256x2048xf32>
    %eq3A_206 = arith.cmpf oeq, %select_n3A_201, %eq3A_205 : vector<256x2048xf32>
    %jit3A_207 = arith.constant 0x7F800000 : f32
    %broadcast_in_dim3A_208 = vector.broadcast %jit3A_207 : f32 to vector<256x2048xf32>
    %select_n3A_209 = arith.select %eq3A_206, %broadcast_in_dim3A_208, %select_n3A_187 : vector<256x2048xi1>, vector<256x2048xf32>
    %eq3A_210 = arith.constant 7 : i32
    %eq3A_211 = vector.broadcast %eq3A_210 : i32 to vector<256x16xi32>
    %eq3A_212 = arith.cmpi eq, %iota3A_40, %eq3A_211 : vector<256x16xi32>
    %broadcast_in_dim3A_213 = vector.shape_cast %broadcast_in_dim3A_204 : vector<256x1xf32> to vector<256x1xf32>
    %broadcast_in_dim3A_214 = vector.broadcast %broadcast_in_dim3A_213 : vector<256x1xf32> to vector<256x16xf32>
    %select_n3A_215 = arith.select %eq3A_212, %broadcast_in_dim3A_214, %select_n3A_193 : vector<256x16xi1>, vector<256x16xf32>
    %reduce_min3A_216 = arith.constant dense<0x7F800000> : vector<256xf32>
    %reduce_min3A_217 = vector.multi_reduction <minimumf>, %select_n3A_209, %reduce_min3A_216 [1] : vector<256x2048xf32> to vector<256xf32>
    %broadcast_in_dim3A_218 = vector.shape_cast %reduce_min3A_217 : vector<256xf32> to vector<256x1xf32>
    %eq3A_219 = vector.broadcast %broadcast_in_dim3A_218 : vector<256x1xf32> to vector<256x2048xf32>
    %eq3A_220 = arith.cmpf oeq, %select_n3A_209, %eq3A_219 : vector<256x2048xf32>
    %jit3A_221 = arith.constant 2.048000e+03 : f32
    %broadcast_in_dim3A_222 = vector.broadcast %jit3A_221 : f32 to vector<256x2048xf32>
    %select_n3A_223 = arith.select %eq3A_220, %convert_element_type3A_39, %broadcast_in_dim3A_222 : vector<256x2048xi1>, vector<256x2048xf32>
    %reduce_min3A_224 = arith.constant dense<0x7F800000> : vector<256xf32>
    %reduce_min3A_225 = vector.multi_reduction <minimumf>, %select_n3A_223, %reduce_min3A_224 [1] : vector<256x2048xf32> to vector<256xf32>
    %broadcast_in_dim3A_226 = vector.shape_cast %reduce_min3A_225 : vector<256xf32> to vector<256x1xf32>
    %eq3A_227 = vector.broadcast %broadcast_in_dim3A_226 : vector<256x1xf32> to vector<256x2048xf32>
    %eq3A_228 = arith.cmpf oeq, %select_n3A_223, %eq3A_227 : vector<256x2048xf32>
    %jit3A_229 = arith.constant 0x7F800000 : f32
    %broadcast_in_dim3A_230 = vector.broadcast %jit3A_229 : f32 to vector<256x2048xf32>
    %select_n3A_231 = arith.select %eq3A_228, %broadcast_in_dim3A_230, %select_n3A_209 : vector<256x2048xi1>, vector<256x2048xf32>
    %eq3A_232 = arith.constant 8 : i32
    %eq3A_233 = vector.broadcast %eq3A_232 : i32 to vector<256x16xi32>
    %eq3A_234 = arith.cmpi eq, %iota3A_40, %eq3A_233 : vector<256x16xi32>
    %broadcast_in_dim3A_235 = vector.shape_cast %broadcast_in_dim3A_226 : vector<256x1xf32> to vector<256x1xf32>
    %broadcast_in_dim3A_236 = vector.broadcast %broadcast_in_dim3A_235 : vector<256x1xf32> to vector<256x16xf32>
    %select_n3A_237 = arith.select %eq3A_234, %broadcast_in_dim3A_236, %select_n3A_215 : vector<256x16xi1>, vector<256x16xf32>
    %reduce_min3A_238 = arith.constant dense<0x7F800000> : vector<256xf32>
    %reduce_min3A_239 = vector.multi_reduction <minimumf>, %select_n3A_231, %reduce_min3A_238 [1] : vector<256x2048xf32> to vector<256xf32>
    %broadcast_in_dim3A_240 = vector.shape_cast %reduce_min3A_239 : vector<256xf32> to vector<256x1xf32>
    %eq3A_241 = vector.broadcast %broadcast_in_dim3A_240 : vector<256x1xf32> to vector<256x2048xf32>
    %eq3A_242 = arith.cmpf oeq, %select_n3A_231, %eq3A_241 : vector<256x2048xf32>
    %jit3A_243 = arith.constant 2.048000e+03 : f32
    %broadcast_in_dim3A_244 = vector.broadcast %jit3A_243 : f32 to vector<256x2048xf32>
    %select_n3A_245 = arith.select %eq3A_242, %convert_element_type3A_39, %broadcast_in_dim3A_244 : vector<256x2048xi1>, vector<256x2048xf32>
    %reduce_min3A_246 = arith.constant dense<0x7F800000> : vector<256xf32>
    %reduce_min3A_247 = vector.multi_reduction <minimumf>, %select_n3A_245, %reduce_min3A_246 [1] : vector<256x2048xf32> to vector<256xf32>
    %broadcast_in_dim3A_248 = vector.shape_cast %reduce_min3A_247 : vector<256xf32> to vector<256x1xf32>
    %eq3A_249 = vector.broadcast %broadcast_in_dim3A_248 : vector<256x1xf32> to vector<256x2048xf32>
    %eq3A_250 = arith.cmpf oeq, %select_n3A_245, %eq3A_249 : vector<256x2048xf32>
    %jit3A_251 = arith.constant 0x7F800000 : f32
    %broadcast_in_dim3A_252 = vector.broadcast %jit3A_251 : f32 to vector<256x2048xf32>
    %select_n3A_253 = arith.select %eq3A_250, %broadcast_in_dim3A_252, %select_n3A_231 : vector<256x2048xi1>, vector<256x2048xf32>
    %eq3A_254 = arith.constant 9 : i32
    %eq3A_255 = vector.broadcast %eq3A_254 : i32 to vector<256x16xi32>
    %eq3A_256 = arith.cmpi eq, %iota3A_40, %eq3A_255 : vector<256x16xi32>
    %broadcast_in_dim3A_257 = vector.shape_cast %broadcast_in_dim3A_248 : vector<256x1xf32> to vector<256x1xf32>
    %broadcast_in_dim3A_258 = vector.broadcast %broadcast_in_dim3A_257 : vector<256x1xf32> to vector<256x16xf32>
    %select_n3A_259 = arith.select %eq3A_256, %broadcast_in_dim3A_258, %select_n3A_237 : vector<256x16xi1>, vector<256x16xf32>
    %reduce_min3A_260 = arith.constant dense<0x7F800000> : vector<256xf32>
    %reduce_min3A_261 = vector.multi_reduction <minimumf>, %select_n3A_253, %reduce_min3A_260 [1] : vector<256x2048xf32> to vector<256xf32>
    %broadcast_in_dim3A_262 = vector.shape_cast %reduce_min3A_261 : vector<256xf32> to vector<256x1xf32>
    %eq3A_263 = vector.broadcast %broadcast_in_dim3A_262 : vector<256x1xf32> to vector<256x2048xf32>
    %eq3A_264 = arith.cmpf oeq, %select_n3A_253, %eq3A_263 : vector<256x2048xf32>
    %jit3A_265 = arith.constant 2.048000e+03 : f32
    %broadcast_in_dim3A_266 = vector.broadcast %jit3A_265 : f32 to vector<256x2048xf32>
    %select_n3A_267 = arith.select %eq3A_264, %convert_element_type3A_39, %broadcast_in_dim3A_266 : vector<256x2048xi1>, vector<256x2048xf32>
    %reduce_min3A_268 = arith.constant dense<0x7F800000> : vector<256xf32>
    %reduce_min3A_269 = vector.multi_reduction <minimumf>, %select_n3A_267, %reduce_min3A_268 [1] : vector<256x2048xf32> to vector<256xf32>
    %broadcast_in_dim3A_270 = vector.shape_cast %reduce_min3A_269 : vector<256xf32> to vector<256x1xf32>
    %eq3A_271 = vector.broadcast %broadcast_in_dim3A_270 : vector<256x1xf32> to vector<256x2048xf32>
    %eq3A_272 = arith.cmpf oeq, %select_n3A_267, %eq3A_271 : vector<256x2048xf32>
    %jit3A_273 = arith.constant 0x7F800000 : f32
    %broadcast_in_dim3A_274 = vector.broadcast %jit3A_273 : f32 to vector<256x2048xf32>
    %select_n3A_275 = arith.select %eq3A_272, %broadcast_in_dim3A_274, %select_n3A_253 : vector<256x2048xi1>, vector<256x2048xf32>
    %eq3A_276 = arith.constant 10 : i32
    %eq3A_277 = vector.broadcast %eq3A_276 : i32 to vector<256x16xi32>
    %eq3A_278 = arith.cmpi eq, %iota3A_40, %eq3A_277 : vector<256x16xi32>
    %broadcast_in_dim3A_279 = vector.shape_cast %broadcast_in_dim3A_270 : vector<256x1xf32> to vector<256x1xf32>
    %broadcast_in_dim3A_280 = vector.broadcast %broadcast_in_dim3A_279 : vector<256x1xf32> to vector<256x16xf32>
    %select_n3A_281 = arith.select %eq3A_278, %broadcast_in_dim3A_280, %select_n3A_259 : vector<256x16xi1>, vector<256x16xf32>
    %reduce_min3A_282 = arith.constant dense<0x7F800000> : vector<256xf32>
    %reduce_min3A_283 = vector.multi_reduction <minimumf>, %select_n3A_275, %reduce_min3A_282 [1] : vector<256x2048xf32> to vector<256xf32>
    %broadcast_in_dim3A_284 = vector.shape_cast %reduce_min3A_283 : vector<256xf32> to vector<256x1xf32>
    %eq3A_285 = vector.broadcast %broadcast_in_dim3A_284 : vector<256x1xf32> to vector<256x2048xf32>
    %eq3A_286 = arith.cmpf oeq, %select_n3A_275, %eq3A_285 : vector<256x2048xf32>
    %jit3A_287 = arith.constant 2.048000e+03 : f32
    %broadcast_in_dim3A_288 = vector.broadcast %jit3A_287 : f32 to vector<256x2048xf32>
    %select_n3A_289 = arith.select %eq3A_286, %convert_element_type3A_39, %broadcast_in_dim3A_288 : vector<256x2048xi1>, vector<256x2048xf32>
    %reduce_min3A_290 = arith.constant dense<0x7F800000> : vector<256xf32>
    %reduce_min3A_291 = vector.multi_reduction <minimumf>, %select_n3A_289, %reduce_min3A_290 [1] : vector<256x2048xf32> to vector<256xf32>
    %broadcast_in_dim3A_292 = vector.shape_cast %reduce_min3A_291 : vector<256xf32> to vector<256x1xf32>
    %eq3A_293 = vector.broadcast %broadcast_in_dim3A_292 : vector<256x1xf32> to vector<256x2048xf32>
    %eq3A_294 = arith.cmpf oeq, %select_n3A_289, %eq3A_293 : vector<256x2048xf32>
    %jit3A_295 = arith.constant 0x7F800000 : f32
    %broadcast_in_dim3A_296 = vector.broadcast %jit3A_295 : f32 to vector<256x2048xf32>
    %select_n3A_297 = arith.select %eq3A_294, %broadcast_in_dim3A_296, %select_n3A_275 : vector<256x2048xi1>, vector<256x2048xf32>
    %eq3A_298 = arith.constant 11 : i32
    %eq3A_299 = vector.broadcast %eq3A_298 : i32 to vector<256x16xi32>
    %eq3A_300 = arith.cmpi eq, %iota3A_40, %eq3A_299 : vector<256x16xi32>
    %broadcast_in_dim3A_301 = vector.shape_cast %broadcast_in_dim3A_292 : vector<256x1xf32> to vector<256x1xf32>
    %broadcast_in_dim3A_302 = vector.broadcast %broadcast_in_dim3A_301 : vector<256x1xf32> to vector<256x16xf32>
    %select_n3A_303 = arith.select %eq3A_300, %broadcast_in_dim3A_302, %select_n3A_281 : vector<256x16xi1>, vector<256x16xf32>
    %reduce_min3A_304 = arith.constant dense<0x7F800000> : vector<256xf32>
    %reduce_min3A_305 = vector.multi_reduction <minimumf>, %select_n3A_297, %reduce_min3A_304 [1] : vector<256x2048xf32> to vector<256xf32>
    %broadcast_in_dim3A_306 = vector.shape_cast %reduce_min3A_305 : vector<256xf32> to vector<256x1xf32>
    %eq3A_307 = vector.broadcast %broadcast_in_dim3A_306 : vector<256x1xf32> to vector<256x2048xf32>
    %eq3A_308 = arith.cmpf oeq, %select_n3A_297, %eq3A_307 : vector<256x2048xf32>
    %jit3A_309 = arith.constant 2.048000e+03 : f32
    %broadcast_in_dim3A_310 = vector.broadcast %jit3A_309 : f32 to vector<256x2048xf32>
    %select_n3A_311 = arith.select %eq3A_308, %convert_element_type3A_39, %broadcast_in_dim3A_310 : vector<256x2048xi1>, vector<256x2048xf32>
    %reduce_min3A_312 = arith.constant dense<0x7F800000> : vector<256xf32>
    %reduce_min3A_313 = vector.multi_reduction <minimumf>, %select_n3A_311, %reduce_min3A_312 [1] : vector<256x2048xf32> to vector<256xf32>
    %broadcast_in_dim3A_314 = vector.shape_cast %reduce_min3A_313 : vector<256xf32> to vector<256x1xf32>
    %eq3A_315 = vector.broadcast %broadcast_in_dim3A_314 : vector<256x1xf32> to vector<256x2048xf32>
    %eq3A_316 = arith.cmpf oeq, %select_n3A_311, %eq3A_315 : vector<256x2048xf32>
    %jit3A_317 = arith.constant 0x7F800000 : f32
    %broadcast_in_dim3A_318 = vector.broadcast %jit3A_317 : f32 to vector<256x2048xf32>
    %select_n3A_319 = arith.select %eq3A_316, %broadcast_in_dim3A_318, %select_n3A_297 : vector<256x2048xi1>, vector<256x2048xf32>
    %eq3A_320 = arith.constant 12 : i32
    %eq3A_321 = vector.broadcast %eq3A_320 : i32 to vector<256x16xi32>
    %eq3A_322 = arith.cmpi eq, %iota3A_40, %eq3A_321 : vector<256x16xi32>
    %broadcast_in_dim3A_323 = vector.shape_cast %broadcast_in_dim3A_314 : vector<256x1xf32> to vector<256x1xf32>
    %broadcast_in_dim3A_324 = vector.broadcast %broadcast_in_dim3A_323 : vector<256x1xf32> to vector<256x16xf32>
    %select_n3A_325 = arith.select %eq3A_322, %broadcast_in_dim3A_324, %select_n3A_303 : vector<256x16xi1>, vector<256x16xf32>
    %reduce_min3A_326 = arith.constant dense<0x7F800000> : vector<256xf32>
    %reduce_min3A_327 = vector.multi_reduction <minimumf>, %select_n3A_319, %reduce_min3A_326 [1] : vector<256x2048xf32> to vector<256xf32>
    %broadcast_in_dim3A_328 = vector.shape_cast %reduce_min3A_327 : vector<256xf32> to vector<256x1xf32>
    %eq3A_329 = vector.broadcast %broadcast_in_dim3A_328 : vector<256x1xf32> to vector<256x2048xf32>
    %eq3A_330 = arith.cmpf oeq, %select_n3A_319, %eq3A_329 : vector<256x2048xf32>
    %jit3A_331 = arith.constant 2.048000e+03 : f32
    %broadcast_in_dim3A_332 = vector.broadcast %jit3A_331 : f32 to vector<256x2048xf32>
    %select_n3A_333 = arith.select %eq3A_330, %convert_element_type3A_39, %broadcast_in_dim3A_332 : vector<256x2048xi1>, vector<256x2048xf32>
    %reduce_min3A_334 = arith.constant dense<0x7F800000> : vector<256xf32>
    %reduce_min3A_335 = vector.multi_reduction <minimumf>, %select_n3A_333, %reduce_min3A_334 [1] : vector<256x2048xf32> to vector<256xf32>
    %broadcast_in_dim3A_336 = vector.shape_cast %reduce_min3A_335 : vector<256xf32> to vector<256x1xf32>
    %eq3A_337 = vector.broadcast %broadcast_in_dim3A_336 : vector<256x1xf32> to vector<256x2048xf32>
    %eq3A_338 = arith.cmpf oeq, %select_n3A_333, %eq3A_337 : vector<256x2048xf32>
    %jit3A_339 = arith.constant 0x7F800000 : f32
    %broadcast_in_dim3A_340 = vector.broadcast %jit3A_339 : f32 to vector<256x2048xf32>
    %select_n3A_341 = arith.select %eq3A_338, %broadcast_in_dim3A_340, %select_n3A_319 : vector<256x2048xi1>, vector<256x2048xf32>
    %eq3A_342 = arith.constant 13 : i32
    %eq3A_343 = vector.broadcast %eq3A_342 : i32 to vector<256x16xi32>
    %eq3A_344 = arith.cmpi eq, %iota3A_40, %eq3A_343 : vector<256x16xi32>
    %broadcast_in_dim3A_345 = vector.shape_cast %broadcast_in_dim3A_336 : vector<256x1xf32> to vector<256x1xf32>
    %broadcast_in_dim3A_346 = vector.broadcast %broadcast_in_dim3A_345 : vector<256x1xf32> to vector<256x16xf32>
    %select_n3A_347 = arith.select %eq3A_344, %broadcast_in_dim3A_346, %select_n3A_325 : vector<256x16xi1>, vector<256x16xf32>
    %reduce_min3A_348 = arith.constant dense<0x7F800000> : vector<256xf32>
    %reduce_min3A_349 = vector.multi_reduction <minimumf>, %select_n3A_341, %reduce_min3A_348 [1] : vector<256x2048xf32> to vector<256xf32>
    %broadcast_in_dim3A_350 = vector.shape_cast %reduce_min3A_349 : vector<256xf32> to vector<256x1xf32>
    %eq3A_351 = vector.broadcast %broadcast_in_dim3A_350 : vector<256x1xf32> to vector<256x2048xf32>
    %eq3A_352 = arith.cmpf oeq, %select_n3A_341, %eq3A_351 : vector<256x2048xf32>
    %jit3A_353 = arith.constant 2.048000e+03 : f32
    %broadcast_in_dim3A_354 = vector.broadcast %jit3A_353 : f32 to vector<256x2048xf32>
    %select_n3A_355 = arith.select %eq3A_352, %convert_element_type3A_39, %broadcast_in_dim3A_354 : vector<256x2048xi1>, vector<256x2048xf32>
    %reduce_min3A_356 = arith.constant dense<0x7F800000> : vector<256xf32>
    %reduce_min3A_357 = vector.multi_reduction <minimumf>, %select_n3A_355, %reduce_min3A_356 [1] : vector<256x2048xf32> to vector<256xf32>
    %broadcast_in_dim3A_358 = vector.shape_cast %reduce_min3A_357 : vector<256xf32> to vector<256x1xf32>
    %eq3A_359 = vector.broadcast %broadcast_in_dim3A_358 : vector<256x1xf32> to vector<256x2048xf32>
    %eq3A_360 = arith.cmpf oeq, %select_n3A_355, %eq3A_359 : vector<256x2048xf32>
    %jit3A_361 = arith.constant 0x7F800000 : f32
    %broadcast_in_dim3A_362 = vector.broadcast %jit3A_361 : f32 to vector<256x2048xf32>
    %select_n3A_363 = arith.select %eq3A_360, %broadcast_in_dim3A_362, %select_n3A_341 : vector<256x2048xi1>, vector<256x2048xf32>
    %eq3A_364 = arith.constant 14 : i32
    %eq3A_365 = vector.broadcast %eq3A_364 : i32 to vector<256x16xi32>
    %eq3A_366 = arith.cmpi eq, %iota3A_40, %eq3A_365 : vector<256x16xi32>
    %broadcast_in_dim3A_367 = vector.shape_cast %broadcast_in_dim3A_358 : vector<256x1xf32> to vector<256x1xf32>
    %broadcast_in_dim3A_368 = vector.broadcast %broadcast_in_dim3A_367 : vector<256x1xf32> to vector<256x16xf32>
    %select_n3A_369 = arith.select %eq3A_366, %broadcast_in_dim3A_368, %select_n3A_347 : vector<256x16xi1>, vector<256x16xf32>
    %reduce_min3A_370 = arith.constant dense<0x7F800000> : vector<256xf32>
    %reduce_min3A_371 = vector.multi_reduction <minimumf>, %select_n3A_363, %reduce_min3A_370 [1] : vector<256x2048xf32> to vector<256xf32>
    %broadcast_in_dim3A_372 = vector.shape_cast %reduce_min3A_371 : vector<256xf32> to vector<256x1xf32>
    %eq3A_373 = vector.broadcast %broadcast_in_dim3A_372 : vector<256x1xf32> to vector<256x2048xf32>
    %eq3A_374 = arith.cmpf oeq, %select_n3A_363, %eq3A_373 : vector<256x2048xf32>
    %jit3A_375 = arith.constant 2.048000e+03 : f32
    %broadcast_in_dim3A_376 = vector.broadcast %jit3A_375 : f32 to vector<256x2048xf32>
    %select_n3A_377 = arith.select %eq3A_374, %convert_element_type3A_39, %broadcast_in_dim3A_376 : vector<256x2048xi1>, vector<256x2048xf32>
    %reduce_min3A_378 = arith.constant dense<0x7F800000> : vector<256xf32>
    %reduce_min3A_379 = vector.multi_reduction <minimumf>, %select_n3A_377, %reduce_min3A_378 [1] : vector<256x2048xf32> to vector<256xf32>
    %broadcast_in_dim3A_380 = vector.shape_cast %reduce_min3A_379 : vector<256xf32> to vector<256x1xf32>
    %eq3A_381 = arith.constant 15 : i32
    %eq3A_382 = vector.broadcast %eq3A_381 : i32 to vector<256x16xi32>
    %eq3A_383 = arith.cmpi eq, %iota3A_40, %eq3A_382 : vector<256x16xi32>
    %broadcast_in_dim3A_384 = vector.shape_cast %broadcast_in_dim3A_380 : vector<256x1xf32> to vector<256x1xf32>
    %broadcast_in_dim3A_385 = vector.broadcast %broadcast_in_dim3A_384 : vector<256x1xf32> to vector<256x16xf32>
    %select_n3A_386 = arith.select %eq3A_383, %broadcast_in_dim3A_385, %select_n3A_369 : vector<256x16xi1>, vector<256x16xf32>
    %convert_element_type3A_387 = arith.fptosi %select_n3A_386 : vector<256x16xf32> to vector<256x16xi32>
    %and3A = arith.constant 127 : i32
    %and3A_388 = vector.broadcast %and3A : i32 to vector<256x16xi32>
    %and3A_389 = arith.andi %convert_element_type3A_387, %and3A_388 : vector<256x16xi32>
    %shift_right_arithmetic3A = arith.constant 7 : i32
    %shift_right_arithmetic3A_390 = vector.broadcast %shift_right_arithmetic3A : i32 to vector<256x16xi32>
    %shift_right_arithmetic3A_391 = arith.shrsi %convert_element_type3A_387, %shift_right_arithmetic3A_390 : vector<256x16xi32>
    %slice3A_392 = vector.extract_strided_slice %dot_general3A_37 {offsets = [0, 0], sizes = [256, 128], strides = [1, 1]} : vector<256x2048xf32> to vector<256x128xf32>
    %lt3A_393 = arith.constant 0 : i32
    %lt3A_394 = vector.broadcast %lt3A_393 : i32 to vector<256x16xi32>
    %lt3A_395 = arith.cmpi slt, %and3A_389, %lt3A_394 : vector<256x16xi32>
    %add3A_396 = arith.constant 128 : i32
    %add3A_397 = vector.broadcast %add3A_396 : i32 to vector<256x16xi32>
    %add3A_398 = arith.addi %and3A_389, %add3A_397 : vector<256x16xi32>
    %select_n3A_399 = arith.select %lt3A_395, %add3A_398, %and3A_389 : vector<256x16xi1>, vector<256x16xi32>
    %reshape3A = vector.shape_cast %select_n3A_399 : vector<256x16xi32> to vector<256x16x1xi32>
    %gather3A = vector.shape_cast %reshape3A : vector<256x16x1xi32> to vector<256x16xi32>
    %gather3A_400 = tpu.dynamic_gather %slice3A_392[%gather3A] in [1] : vector<256x128xf32>, vector<256x16xi32> -> vector<256x16xf32>
    %eq3A_401 = arith.constant 0 : i32
    %eq3A_402 = vector.broadcast %eq3A_401 : i32 to vector<256x16xi32>
    %eq3A_403 = arith.cmpi eq, %shift_right_arithmetic3A_391, %eq3A_402 : vector<256x16xi32>
    %select_n3A_404 = arith.select %eq3A_403, %gather3A_400, %broadcast_in_dim3A_43 : vector<256x16xi1>, vector<256x16xf32>
    %slice3A_405 = vector.extract_strided_slice %dot_general3A_37 {offsets = [0, 128], sizes = [256, 128], strides = [1, 1]} : vector<256x2048xf32> to vector<256x128xf32>
    %lt3A_406 = arith.constant 0 : i32
    %lt3A_407 = vector.broadcast %lt3A_406 : i32 to vector<256x16xi32>
    %lt3A_408 = arith.cmpi slt, %and3A_389, %lt3A_407 : vector<256x16xi32>
    %add3A_409 = arith.constant 128 : i32
    %add3A_410 = vector.broadcast %add3A_409 : i32 to vector<256x16xi32>
    %add3A_411 = arith.addi %and3A_389, %add3A_410 : vector<256x16xi32>
    %select_n3A_412 = arith.select %lt3A_408, %add3A_411, %and3A_389 : vector<256x16xi1>, vector<256x16xi32>
    %reshape3A_413 = vector.shape_cast %select_n3A_412 : vector<256x16xi32> to vector<256x16x1xi32>
    %gather3A_414 = vector.shape_cast %reshape3A_413 : vector<256x16x1xi32> to vector<256x16xi32>
    %gather3A_415 = tpu.dynamic_gather %slice3A_405[%gather3A_414] in [1] : vector<256x128xf32>, vector<256x16xi32> -> vector<256x16xf32>
    %eq3A_416 = arith.constant 1 : i32
    %eq3A_417 = vector.broadcast %eq3A_416 : i32 to vector<256x16xi32>
    %eq3A_418 = arith.cmpi eq, %shift_right_arithmetic3A_391, %eq3A_417 : vector<256x16xi32>
    %select_n3A_419 = arith.select %eq3A_418, %gather3A_415, %select_n3A_404 : vector<256x16xi1>, vector<256x16xf32>
    %slice3A_420 = vector.extract_strided_slice %dot_general3A_37 {offsets = [0, 256], sizes = [256, 128], strides = [1, 1]} : vector<256x2048xf32> to vector<256x128xf32>
    %lt3A_421 = arith.constant 0 : i32
    %lt3A_422 = vector.broadcast %lt3A_421 : i32 to vector<256x16xi32>
    %lt3A_423 = arith.cmpi slt, %and3A_389, %lt3A_422 : vector<256x16xi32>
    %add3A_424 = arith.constant 128 : i32
    %add3A_425 = vector.broadcast %add3A_424 : i32 to vector<256x16xi32>
    %add3A_426 = arith.addi %and3A_389, %add3A_425 : vector<256x16xi32>
    %select_n3A_427 = arith.select %lt3A_423, %add3A_426, %and3A_389 : vector<256x16xi1>, vector<256x16xi32>
    %reshape3A_428 = vector.shape_cast %select_n3A_427 : vector<256x16xi32> to vector<256x16x1xi32>
    %gather3A_429 = vector.shape_cast %reshape3A_428 : vector<256x16x1xi32> to vector<256x16xi32>
    %gather3A_430 = tpu.dynamic_gather %slice3A_420[%gather3A_429] in [1] : vector<256x128xf32>, vector<256x16xi32> -> vector<256x16xf32>
    %eq3A_431 = arith.constant 2 : i32
    %eq3A_432 = vector.broadcast %eq3A_431 : i32 to vector<256x16xi32>
    %eq3A_433 = arith.cmpi eq, %shift_right_arithmetic3A_391, %eq3A_432 : vector<256x16xi32>
    %select_n3A_434 = arith.select %eq3A_433, %gather3A_430, %select_n3A_419 : vector<256x16xi1>, vector<256x16xf32>
    %slice3A_435 = vector.extract_strided_slice %dot_general3A_37 {offsets = [0, 384], sizes = [256, 128], strides = [1, 1]} : vector<256x2048xf32> to vector<256x128xf32>
    %lt3A_436 = arith.constant 0 : i32
    %lt3A_437 = vector.broadcast %lt3A_436 : i32 to vector<256x16xi32>
    %lt3A_438 = arith.cmpi slt, %and3A_389, %lt3A_437 : vector<256x16xi32>
    %add3A_439 = arith.constant 128 : i32
    %add3A_440 = vector.broadcast %add3A_439 : i32 to vector<256x16xi32>
    %add3A_441 = arith.addi %and3A_389, %add3A_440 : vector<256x16xi32>
    %select_n3A_442 = arith.select %lt3A_438, %add3A_441, %and3A_389 : vector<256x16xi1>, vector<256x16xi32>
    %reshape3A_443 = vector.shape_cast %select_n3A_442 : vector<256x16xi32> to vector<256x16x1xi32>
    %gather3A_444 = vector.shape_cast %reshape3A_443 : vector<256x16x1xi32> to vector<256x16xi32>
    %gather3A_445 = tpu.dynamic_gather %slice3A_435[%gather3A_444] in [1] : vector<256x128xf32>, vector<256x16xi32> -> vector<256x16xf32>
    %eq3A_446 = arith.constant 3 : i32
    %eq3A_447 = vector.broadcast %eq3A_446 : i32 to vector<256x16xi32>
    %eq3A_448 = arith.cmpi eq, %shift_right_arithmetic3A_391, %eq3A_447 : vector<256x16xi32>
    %select_n3A_449 = arith.select %eq3A_448, %gather3A_445, %select_n3A_434 : vector<256x16xi1>, vector<256x16xf32>
    %slice3A_450 = vector.extract_strided_slice %dot_general3A_37 {offsets = [0, 512], sizes = [256, 128], strides = [1, 1]} : vector<256x2048xf32> to vector<256x128xf32>
    %lt3A_451 = arith.constant 0 : i32
    %lt3A_452 = vector.broadcast %lt3A_451 : i32 to vector<256x16xi32>
    %lt3A_453 = arith.cmpi slt, %and3A_389, %lt3A_452 : vector<256x16xi32>
    %add3A_454 = arith.constant 128 : i32
    %add3A_455 = vector.broadcast %add3A_454 : i32 to vector<256x16xi32>
    %add3A_456 = arith.addi %and3A_389, %add3A_455 : vector<256x16xi32>
    %select_n3A_457 = arith.select %lt3A_453, %add3A_456, %and3A_389 : vector<256x16xi1>, vector<256x16xi32>
    %reshape3A_458 = vector.shape_cast %select_n3A_457 : vector<256x16xi32> to vector<256x16x1xi32>
    %gather3A_459 = vector.shape_cast %reshape3A_458 : vector<256x16x1xi32> to vector<256x16xi32>
    %gather3A_460 = tpu.dynamic_gather %slice3A_450[%gather3A_459] in [1] : vector<256x128xf32>, vector<256x16xi32> -> vector<256x16xf32>
    %eq3A_461 = arith.constant 4 : i32
    %eq3A_462 = vector.broadcast %eq3A_461 : i32 to vector<256x16xi32>
    %eq3A_463 = arith.cmpi eq, %shift_right_arithmetic3A_391, %eq3A_462 : vector<256x16xi32>
    %select_n3A_464 = arith.select %eq3A_463, %gather3A_460, %select_n3A_449 : vector<256x16xi1>, vector<256x16xf32>
    %slice3A_465 = vector.extract_strided_slice %dot_general3A_37 {offsets = [0, 640], sizes = [256, 128], strides = [1, 1]} : vector<256x2048xf32> to vector<256x128xf32>
    %lt3A_466 = arith.constant 0 : i32
    %lt3A_467 = vector.broadcast %lt3A_466 : i32 to vector<256x16xi32>
    %lt3A_468 = arith.cmpi slt, %and3A_389, %lt3A_467 : vector<256x16xi32>
    %add3A_469 = arith.constant 128 : i32
    %add3A_470 = vector.broadcast %add3A_469 : i32 to vector<256x16xi32>
    %add3A_471 = arith.addi %and3A_389, %add3A_470 : vector<256x16xi32>
    %select_n3A_472 = arith.select %lt3A_468, %add3A_471, %and3A_389 : vector<256x16xi1>, vector<256x16xi32>
    %reshape3A_473 = vector.shape_cast %select_n3A_472 : vector<256x16xi32> to vector<256x16x1xi32>
    %gather3A_474 = vector.shape_cast %reshape3A_473 : vector<256x16x1xi32> to vector<256x16xi32>
    %gather3A_475 = tpu.dynamic_gather %slice3A_465[%gather3A_474] in [1] : vector<256x128xf32>, vector<256x16xi32> -> vector<256x16xf32>
    %eq3A_476 = arith.constant 5 : i32
    %eq3A_477 = vector.broadcast %eq3A_476 : i32 to vector<256x16xi32>
    %eq3A_478 = arith.cmpi eq, %shift_right_arithmetic3A_391, %eq3A_477 : vector<256x16xi32>
    %select_n3A_479 = arith.select %eq3A_478, %gather3A_475, %select_n3A_464 : vector<256x16xi1>, vector<256x16xf32>
    %slice3A_480 = vector.extract_strided_slice %dot_general3A_37 {offsets = [0, 768], sizes = [256, 128], strides = [1, 1]} : vector<256x2048xf32> to vector<256x128xf32>
    %lt3A_481 = arith.constant 0 : i32
    %lt3A_482 = vector.broadcast %lt3A_481 : i32 to vector<256x16xi32>
    %lt3A_483 = arith.cmpi slt, %and3A_389, %lt3A_482 : vector<256x16xi32>
    %add3A_484 = arith.constant 128 : i32
    %add3A_485 = vector.broadcast %add3A_484 : i32 to vector<256x16xi32>
    %add3A_486 = arith.addi %and3A_389, %add3A_485 : vector<256x16xi32>
    %select_n3A_487 = arith.select %lt3A_483, %add3A_486, %and3A_389 : vector<256x16xi1>, vector<256x16xi32>
    %reshape3A_488 = vector.shape_cast %select_n3A_487 : vector<256x16xi32> to vector<256x16x1xi32>
    %gather3A_489 = vector.shape_cast %reshape3A_488 : vector<256x16x1xi32> to vector<256x16xi32>
    %gather3A_490 = tpu.dynamic_gather %slice3A_480[%gather3A_489] in [1] : vector<256x128xf32>, vector<256x16xi32> -> vector<256x16xf32>
    %eq3A_491 = arith.constant 6 : i32
    %eq3A_492 = vector.broadcast %eq3A_491 : i32 to vector<256x16xi32>
    %eq3A_493 = arith.cmpi eq, %shift_right_arithmetic3A_391, %eq3A_492 : vector<256x16xi32>
    %select_n3A_494 = arith.select %eq3A_493, %gather3A_490, %select_n3A_479 : vector<256x16xi1>, vector<256x16xf32>
    %slice3A_495 = vector.extract_strided_slice %dot_general3A_37 {offsets = [0, 896], sizes = [256, 128], strides = [1, 1]} : vector<256x2048xf32> to vector<256x128xf32>
    %lt3A_496 = arith.constant 0 : i32
    %lt3A_497 = vector.broadcast %lt3A_496 : i32 to vector<256x16xi32>
    %lt3A_498 = arith.cmpi slt, %and3A_389, %lt3A_497 : vector<256x16xi32>
    %add3A_499 = arith.constant 128 : i32
    %add3A_500 = vector.broadcast %add3A_499 : i32 to vector<256x16xi32>
    %add3A_501 = arith.addi %and3A_389, %add3A_500 : vector<256x16xi32>
    %select_n3A_502 = arith.select %lt3A_498, %add3A_501, %and3A_389 : vector<256x16xi1>, vector<256x16xi32>
    %reshape3A_503 = vector.shape_cast %select_n3A_502 : vector<256x16xi32> to vector<256x16x1xi32>
    %gather3A_504 = vector.shape_cast %reshape3A_503 : vector<256x16x1xi32> to vector<256x16xi32>
    %gather3A_505 = tpu.dynamic_gather %slice3A_495[%gather3A_504] in [1] : vector<256x128xf32>, vector<256x16xi32> -> vector<256x16xf32>
    %eq3A_506 = arith.constant 7 : i32
    %eq3A_507 = vector.broadcast %eq3A_506 : i32 to vector<256x16xi32>
    %eq3A_508 = arith.cmpi eq, %shift_right_arithmetic3A_391, %eq3A_507 : vector<256x16xi32>
    %select_n3A_509 = arith.select %eq3A_508, %gather3A_505, %select_n3A_494 : vector<256x16xi1>, vector<256x16xf32>
    %slice3A_510 = vector.extract_strided_slice %dot_general3A_37 {offsets = [0, 1024], sizes = [256, 128], strides = [1, 1]} : vector<256x2048xf32> to vector<256x128xf32>
    %lt3A_511 = arith.constant 0 : i32
    %lt3A_512 = vector.broadcast %lt3A_511 : i32 to vector<256x16xi32>
    %lt3A_513 = arith.cmpi slt, %and3A_389, %lt3A_512 : vector<256x16xi32>
    %add3A_514 = arith.constant 128 : i32
    %add3A_515 = vector.broadcast %add3A_514 : i32 to vector<256x16xi32>
    %add3A_516 = arith.addi %and3A_389, %add3A_515 : vector<256x16xi32>
    %select_n3A_517 = arith.select %lt3A_513, %add3A_516, %and3A_389 : vector<256x16xi1>, vector<256x16xi32>
    %reshape3A_518 = vector.shape_cast %select_n3A_517 : vector<256x16xi32> to vector<256x16x1xi32>
    %gather3A_519 = vector.shape_cast %reshape3A_518 : vector<256x16x1xi32> to vector<256x16xi32>
    %gather3A_520 = tpu.dynamic_gather %slice3A_510[%gather3A_519] in [1] : vector<256x128xf32>, vector<256x16xi32> -> vector<256x16xf32>
    %eq3A_521 = arith.constant 8 : i32
    %eq3A_522 = vector.broadcast %eq3A_521 : i32 to vector<256x16xi32>
    %eq3A_523 = arith.cmpi eq, %shift_right_arithmetic3A_391, %eq3A_522 : vector<256x16xi32>
    %select_n3A_524 = arith.select %eq3A_523, %gather3A_520, %select_n3A_509 : vector<256x16xi1>, vector<256x16xf32>
    %slice3A_525 = vector.extract_strided_slice %dot_general3A_37 {offsets = [0, 1152], sizes = [256, 128], strides = [1, 1]} : vector<256x2048xf32> to vector<256x128xf32>
    %lt3A_526 = arith.constant 0 : i32
    %lt3A_527 = vector.broadcast %lt3A_526 : i32 to vector<256x16xi32>
    %lt3A_528 = arith.cmpi slt, %and3A_389, %lt3A_527 : vector<256x16xi32>
    %add3A_529 = arith.constant 128 : i32
    %add3A_530 = vector.broadcast %add3A_529 : i32 to vector<256x16xi32>
    %add3A_531 = arith.addi %and3A_389, %add3A_530 : vector<256x16xi32>
    %select_n3A_532 = arith.select %lt3A_528, %add3A_531, %and3A_389 : vector<256x16xi1>, vector<256x16xi32>
    %reshape3A_533 = vector.shape_cast %select_n3A_532 : vector<256x16xi32> to vector<256x16x1xi32>
    %gather3A_534 = vector.shape_cast %reshape3A_533 : vector<256x16x1xi32> to vector<256x16xi32>
    %gather3A_535 = tpu.dynamic_gather %slice3A_525[%gather3A_534] in [1] : vector<256x128xf32>, vector<256x16xi32> -> vector<256x16xf32>
    %eq3A_536 = arith.constant 9 : i32
    %eq3A_537 = vector.broadcast %eq3A_536 : i32 to vector<256x16xi32>
    %eq3A_538 = arith.cmpi eq, %shift_right_arithmetic3A_391, %eq3A_537 : vector<256x16xi32>
    %select_n3A_539 = arith.select %eq3A_538, %gather3A_535, %select_n3A_524 : vector<256x16xi1>, vector<256x16xf32>
    %slice3A_540 = vector.extract_strided_slice %dot_general3A_37 {offsets = [0, 1280], sizes = [256, 128], strides = [1, 1]} : vector<256x2048xf32> to vector<256x128xf32>
    %lt3A_541 = arith.constant 0 : i32
    %lt3A_542 = vector.broadcast %lt3A_541 : i32 to vector<256x16xi32>
    %lt3A_543 = arith.cmpi slt, %and3A_389, %lt3A_542 : vector<256x16xi32>
    %add3A_544 = arith.constant 128 : i32
    %add3A_545 = vector.broadcast %add3A_544 : i32 to vector<256x16xi32>
    %add3A_546 = arith.addi %and3A_389, %add3A_545 : vector<256x16xi32>
    %select_n3A_547 = arith.select %lt3A_543, %add3A_546, %and3A_389 : vector<256x16xi1>, vector<256x16xi32>
    %reshape3A_548 = vector.shape_cast %select_n3A_547 : vector<256x16xi32> to vector<256x16x1xi32>
    %gather3A_549 = vector.shape_cast %reshape3A_548 : vector<256x16x1xi32> to vector<256x16xi32>
    %gather3A_550 = tpu.dynamic_gather %slice3A_540[%gather3A_549] in [1] : vector<256x128xf32>, vector<256x16xi32> -> vector<256x16xf32>
    %eq3A_551 = arith.constant 10 : i32
    %eq3A_552 = vector.broadcast %eq3A_551 : i32 to vector<256x16xi32>
    %eq3A_553 = arith.cmpi eq, %shift_right_arithmetic3A_391, %eq3A_552 : vector<256x16xi32>
    %select_n3A_554 = arith.select %eq3A_553, %gather3A_550, %select_n3A_539 : vector<256x16xi1>, vector<256x16xf32>
    %slice3A_555 = vector.extract_strided_slice %dot_general3A_37 {offsets = [0, 1408], sizes = [256, 128], strides = [1, 1]} : vector<256x2048xf32> to vector<256x128xf32>
    %lt3A_556 = arith.constant 0 : i32
    %lt3A_557 = vector.broadcast %lt3A_556 : i32 to vector<256x16xi32>
    %lt3A_558 = arith.cmpi slt, %and3A_389, %lt3A_557 : vector<256x16xi32>
    %add3A_559 = arith.constant 128 : i32
    %add3A_560 = vector.broadcast %add3A_559 : i32 to vector<256x16xi32>
    %add3A_561 = arith.addi %and3A_389, %add3A_560 : vector<256x16xi32>
    %select_n3A_562 = arith.select %lt3A_558, %add3A_561, %and3A_389 : vector<256x16xi1>, vector<256x16xi32>
    %reshape3A_563 = vector.shape_cast %select_n3A_562 : vector<256x16xi32> to vector<256x16x1xi32>
    %gather3A_564 = vector.shape_cast %reshape3A_563 : vector<256x16x1xi32> to vector<256x16xi32>
    %gather3A_565 = tpu.dynamic_gather %slice3A_555[%gather3A_564] in [1] : vector<256x128xf32>, vector<256x16xi32> -> vector<256x16xf32>
    %eq3A_566 = arith.constant 11 : i32
    %eq3A_567 = vector.broadcast %eq3A_566 : i32 to vector<256x16xi32>
    %eq3A_568 = arith.cmpi eq, %shift_right_arithmetic3A_391, %eq3A_567 : vector<256x16xi32>
    %select_n3A_569 = arith.select %eq3A_568, %gather3A_565, %select_n3A_554 : vector<256x16xi1>, vector<256x16xf32>
    %slice3A_570 = vector.extract_strided_slice %dot_general3A_37 {offsets = [0, 1536], sizes = [256, 128], strides = [1, 1]} : vector<256x2048xf32> to vector<256x128xf32>
    %lt3A_571 = arith.constant 0 : i32
    %lt3A_572 = vector.broadcast %lt3A_571 : i32 to vector<256x16xi32>
    %lt3A_573 = arith.cmpi slt, %and3A_389, %lt3A_572 : vector<256x16xi32>
    %add3A_574 = arith.constant 128 : i32
    %add3A_575 = vector.broadcast %add3A_574 : i32 to vector<256x16xi32>
    %add3A_576 = arith.addi %and3A_389, %add3A_575 : vector<256x16xi32>
    %select_n3A_577 = arith.select %lt3A_573, %add3A_576, %and3A_389 : vector<256x16xi1>, vector<256x16xi32>
    %reshape3A_578 = vector.shape_cast %select_n3A_577 : vector<256x16xi32> to vector<256x16x1xi32>
    %gather3A_579 = vector.shape_cast %reshape3A_578 : vector<256x16x1xi32> to vector<256x16xi32>
    %gather3A_580 = tpu.dynamic_gather %slice3A_570[%gather3A_579] in [1] : vector<256x128xf32>, vector<256x16xi32> -> vector<256x16xf32>
    %eq3A_581 = arith.constant 12 : i32
    %eq3A_582 = vector.broadcast %eq3A_581 : i32 to vector<256x16xi32>
    %eq3A_583 = arith.cmpi eq, %shift_right_arithmetic3A_391, %eq3A_582 : vector<256x16xi32>
    %select_n3A_584 = arith.select %eq3A_583, %gather3A_580, %select_n3A_569 : vector<256x16xi1>, vector<256x16xf32>
    %slice3A_585 = vector.extract_strided_slice %dot_general3A_37 {offsets = [0, 1664], sizes = [256, 128], strides = [1, 1]} : vector<256x2048xf32> to vector<256x128xf32>
    %lt3A_586 = arith.constant 0 : i32
    %lt3A_587 = vector.broadcast %lt3A_586 : i32 to vector<256x16xi32>
    %lt3A_588 = arith.cmpi slt, %and3A_389, %lt3A_587 : vector<256x16xi32>
    %add3A_589 = arith.constant 128 : i32
    %add3A_590 = vector.broadcast %add3A_589 : i32 to vector<256x16xi32>
    %add3A_591 = arith.addi %and3A_389, %add3A_590 : vector<256x16xi32>
    %select_n3A_592 = arith.select %lt3A_588, %add3A_591, %and3A_389 : vector<256x16xi1>, vector<256x16xi32>
    %reshape3A_593 = vector.shape_cast %select_n3A_592 : vector<256x16xi32> to vector<256x16x1xi32>
    %gather3A_594 = vector.shape_cast %reshape3A_593 : vector<256x16x1xi32> to vector<256x16xi32>
    %gather3A_595 = tpu.dynamic_gather %slice3A_585[%gather3A_594] in [1] : vector<256x128xf32>, vector<256x16xi32> -> vector<256x16xf32>
    %eq3A_596 = arith.constant 13 : i32
    %eq3A_597 = vector.broadcast %eq3A_596 : i32 to vector<256x16xi32>
    %eq3A_598 = arith.cmpi eq, %shift_right_arithmetic3A_391, %eq3A_597 : vector<256x16xi32>
    %select_n3A_599 = arith.select %eq3A_598, %gather3A_595, %select_n3A_584 : vector<256x16xi1>, vector<256x16xf32>
    %slice3A_600 = vector.extract_strided_slice %dot_general3A_37 {offsets = [0, 1792], sizes = [256, 128], strides = [1, 1]} : vector<256x2048xf32> to vector<256x128xf32>
    %lt3A_601 = arith.constant 0 : i32
    %lt3A_602 = vector.broadcast %lt3A_601 : i32 to vector<256x16xi32>
    %lt3A_603 = arith.cmpi slt, %and3A_389, %lt3A_602 : vector<256x16xi32>
    %add3A_604 = arith.constant 128 : i32
    %add3A_605 = vector.broadcast %add3A_604 : i32 to vector<256x16xi32>
    %add3A_606 = arith.addi %and3A_389, %add3A_605 : vector<256x16xi32>
    %select_n3A_607 = arith.select %lt3A_603, %add3A_606, %and3A_389 : vector<256x16xi1>, vector<256x16xi32>
    %reshape3A_608 = vector.shape_cast %select_n3A_607 : vector<256x16xi32> to vector<256x16x1xi32>
    %gather3A_609 = vector.shape_cast %reshape3A_608 : vector<256x16x1xi32> to vector<256x16xi32>
    %gather3A_610 = tpu.dynamic_gather %slice3A_600[%gather3A_609] in [1] : vector<256x128xf32>, vector<256x16xi32> -> vector<256x16xf32>
    %eq3A_611 = arith.constant 14 : i32
    %eq3A_612 = vector.broadcast %eq3A_611 : i32 to vector<256x16xi32>
    %eq3A_613 = arith.cmpi eq, %shift_right_arithmetic3A_391, %eq3A_612 : vector<256x16xi32>
    %select_n3A_614 = arith.select %eq3A_613, %gather3A_610, %select_n3A_599 : vector<256x16xi1>, vector<256x16xf32>
    %slice3A_615 = vector.extract_strided_slice %dot_general3A_37 {offsets = [0, 1920], sizes = [256, 128], strides = [1, 1]} : vector<256x2048xf32> to vector<256x128xf32>
    %lt3A_616 = arith.constant 0 : i32
    %lt3A_617 = vector.broadcast %lt3A_616 : i32 to vector<256x16xi32>
    %lt3A_618 = arith.cmpi slt, %and3A_389, %lt3A_617 : vector<256x16xi32>
    %add3A_619 = arith.constant 128 : i32
    %add3A_620 = vector.broadcast %add3A_619 : i32 to vector<256x16xi32>
    %add3A_621 = arith.addi %and3A_389, %add3A_620 : vector<256x16xi32>
    %select_n3A_622 = arith.select %lt3A_618, %add3A_621, %and3A_389 : vector<256x16xi1>, vector<256x16xi32>
    %reshape3A_623 = vector.shape_cast %select_n3A_622 : vector<256x16xi32> to vector<256x16x1xi32>
    %gather3A_624 = vector.shape_cast %reshape3A_623 : vector<256x16x1xi32> to vector<256x16xi32>
    %gather3A_625 = tpu.dynamic_gather %slice3A_615[%gather3A_624] in [1] : vector<256x128xf32>, vector<256x16xi32> -> vector<256x16xf32>
    %eq3A_626 = arith.constant 15 : i32
    %eq3A_627 = vector.broadcast %eq3A_626 : i32 to vector<256x16xi32>
    %eq3A_628 = arith.cmpi eq, %shift_right_arithmetic3A_391, %eq3A_627 : vector<256x16xi32>
    %select_n3A_629 = arith.select %eq3A_628, %gather3A_625, %select_n3A_614 : vector<256x16xi1>, vector<256x16xf32>
    %swap3A = arith.constant 0 : index
    %swap3A_630 = arith.constant 0 : index
    %swap3A_631 = vector.load %arg6[%swap3A, %swap3A_630] : memref<256x16xi32, #tpu.memory_space<vmem>>, vector<256x16xi32>
    tpu.vector_store %arg6[%swap3A, %swap3A_630], %convert_element_type3A_387 {strides = array<i32>} : memref<256x16xi32, #tpu.memory_space<vmem>>, vector<256x16xi32>,
    %swap3A_632 = arith.constant 0 : index
    %swap3A_633 = arith.constant 0 : index
    %swap3A_634 = vector.load %arg7[%swap3A_632, %swap3A_633] : memref<256x16xf32, #tpu.memory_space<vmem>>, vector<256x16xf32>
    tpu.vector_store %arg7[%swap3A_632, %swap3A_633], %select_n3A_629 {strides = array<i32>} : memref<256x16xf32, #tpu.memory_space<vmem>>, vector<256x16xf32>,
    return
  }
  func.func @transform_0(%arg0: i32) -> (i32, i32, i32) {
    %c2_i32 = arith.constant 2 : i32
    %c0_i32 = arith.constant 0 : i32
    %c0_i32_0 = arith.constant 0 : i32
    return %c2_i32, %arg0, %c0_i32 : i32, i32, i32
  }
  func.func @transform_1(%arg0: i32) -> (i32, i32, i32) {
    %c2_i32 = arith.constant 2 : i32
    %c0_i32 = arith.constant 0 : i32
    %c0_i32_0 = arith.constant 0 : i32
    %c0_i32_1 = arith.constant 0 : i32
    return %c2_i32, %c0_i32, %c0_i32_0 : i32, i32, i32
  }
  func.func @transform_2(%arg0: i32) -> (i32, i32, i32) {
    %c2_i32 = arith.constant 2 : i32
    %c0_i32 = arith.constant 0 : i32
    %c0_i32_0 = arith.constant 0 : i32
    %c0_i32_1 = arith.constant 0 : i32
    return %c2_i32, %c0_i32, %c0_i32_0 : i32, i32, i32
  }
  func.func @transform_3(%arg0: i32) -> (i32, i32, i32) {
    %c2_i32 = arith.constant 2 : i32
    %c0_i32 = arith.constant 0 : i32
    %c0_i32_0 = arith.constant 0 : i32
    %c0_i32_1 = arith.constant 0 : i32
    return %c2_i32, %c0_i32, %c0_i32_0 : i32, i32, i32
  }
  func.func @transform_4(%arg0: i32) -> (i32, i32, i32) {
    %c2_i32 = arith.constant 2 : i32
    %c0_i32 = arith.constant 0 : i32
    %c0_i32_0 = arith.constant 0 : i32
    return %c2_i32, %arg0, %c0_i32 : i32, i32, i32
  }
  func.func @transform_5(%arg0: i32) -> (i32, i32) {
    %c0_i32 = arith.constant 0 : i32
    %c0_i32_0 = arith.constant 0 : i32
    return %arg0, %c0_i32 : i32, i32
  }
  func.func @transform_6(%arg0: i32) -> (i32, i32) {
    %c0_i32 = arith.constant 0 : i32
    %c0_i32_0 = arith.constant 0 : i32
    return %arg0, %c0_i32 : i32, i32
  }
}

module attributes {stable_mosaic.version = 14 : i64} {
  func.func @_topk_body(%arg0: i32, %arg1: memref<1x256x16xf32, #tpu.memory_space<vmem>>, %arg2: memref<1x2048x16xf32, #tpu.memory_space<vmem>>, %arg3: memref<1x1x2048xf32, #tpu.memory_space<vmem>>, %arg4: memref<1x2048x64xf32, #tpu.memory_space<vmem>>, %arg5: memref<1x256x64xf32, #tpu.memory_space<vmem>>, %arg6: memref<256x16xi32, #tpu.memory_space<vmem>>, %arg7: memref<256x16xf32, #tpu.memory_space<vmem>>) attributes {dimension_semantics = [#tpu.dimension_semantics<parallel>], iteration_bounds = array<i64: 8>, scalar_prefetch = 0 : i64, scratch_operands = 0 : i64, tpu.core_type = #tpu.core_type<tc>, window_params = [{transform_indices = @transform_0, window_bounds = array<i64: 1, 256, 16>}, {transform_indices = @transform_1, window_bounds = array<i64: 1, 2048, 16>}, {transform_indices = @transform_2, window_bounds = array<i64: 1, 1, 2048>}, {transform_indices = @transform_3, window_bounds = array<i64: 1, 2048, 64>}, {transform_indices = @transform_4, window_bounds = array<i64: 1, 256, 64>}, {transform_indices = @transform_5, window_bounds = array<i64: 256, 16>}, {transform_indices = @transform_6, window_bounds = array<i64: 256, 16>}]} {
    %get3A = arith.constant 0 : index
    %get3A_0 = arith.constant 0 : index
    %get3A_1 = arith.constant 0 : index
    %get3A_2 = vector.load %arg1[%get3A, %get3A_0, %get3A_1] : memref<1x256x16xf32, #tpu.memory_space<vmem>>, vector<1x256x16xf32>
    %get3A_3 = vector.shape_cast %get3A_2 : vector<1x256x16xf32> to vector<256x16xf32>
    %get3A_4 = arith.constant 0 : index
    %get3A_5 = arith.constant 0 : index
    %get3A_6 = arith.constant 0 : index
    %get3A_7 = vector.load %arg2[%get3A_4, %get3A_5, %get3A_6] : memref<1x2048x16xf32, #tpu.memory_space<vmem>>, vector<1x2048x16xf32>
    %get3A_8 = vector.shape_cast %get3A_7 : vector<1x2048x16xf32> to vector<2048x16xf32>
    %iota3A = tpu.iota {dimensions = array<i32: 1>} : vector<1x16xi32>
    %lt3A = arith.constant 3 : i32
    %lt3A_9 = vector.broadcast %lt3A : i32 to vector<1x16xi32>
    %lt3A_10 = arith.cmpi slt, %iota3A, %lt3A_9 : vector<1x16xi32>
    %convert_element_type3A = arith.extui %lt3A_10 : vector<1x16xi1> to vector<1x16xi32>
    %convert_element_type3A_11 = arith.sitofp %convert_element_type3A : vector<1x16xi32> to vector<1x16xf32>
    %mul3A = vector.broadcast %convert_element_type3A_11 : vector<1x16xf32> to vector<256x16xf32>
    %mul3A_12 = arith.mulf %get3A_3, %mul3A : vector<256x16xf32>
    %mul3A_13 = vector.broadcast %convert_element_type3A_11 : vector<1x16xf32> to vector<2048x16xf32>
    %mul3A_14 = arith.mulf %get3A_8, %mul3A_13 : vector<2048x16xf32>
    %dot_general3A = arith.constant dense<0.000000e+00> : vector<256x2048xf32>
    %dot_general3A_15 = tpu.matmul %mul3A_12, %mul3A_14, %dot_general3A {dimension_numbers = #tpu.dot_dimension_numbers<[1], [1], [0], [0], [0, 0, 1, 0], [], []>, transpose_lhs_hint = false} : vector<256x16xf32>, vector<2048x16xf32>, vector<256x2048xf32> -> vector<256x2048xf32>
    %slice3A = vector.extract_strided_slice %get3A_3 {offsets = [0, 3], sizes = [256, 1], strides = [1, 1]} : vector<256x16xf32> to vector<256x1xf32>
    %get3A_16 = arith.constant 0 : index
    %get3A_17 = arith.constant 0 : index
    %get3A_18 = arith.constant 0 : index
    %get3A_19 = vector.load %arg3[%get3A_16, %get3A_17, %get3A_18] : memref<1x1x2048xf32, #tpu.memory_space<vmem>>, vector<1x1x2048xf32>
    %get3A_20 = vector.shape_cast %get3A_19 : vector<1x1x2048xf32> to vector<1x2048xf32>
    %add3A = vector.broadcast %slice3A : vector<256x1xf32> to vector<256x2048xf32>
    %add3A_21 = vector.broadcast %get3A_20 : vector<1x2048xf32> to vector<256x2048xf32>
    %add3A_22 = arith.addf %add3A, %add3A_21 : vector<256x2048xf32>
    %mul3A_23 = arith.constant 2.000000e+00 : f32
    %mul3A_24 = vector.broadcast %mul3A_23 : f32 to vector<256x2048xf32>
    %mul3A_25 = arith.mulf %mul3A_24, %dot_general3A_15 : vector<256x2048xf32>
    %sub3A = arith.subf %add3A_22, %mul3A_25 : vector<256x2048xf32>
    %get3A_26 = arith.constant 0 : index
    %get3A_27 = arith.constant 0 : index
    %get3A_28 = arith.constant 0 : index
    %get3A_29 = vector.load %arg5[%get3A_26, %get3A_27, %get3A_28] : memref<1x256x64xf32, #tpu.memory_space<vmem>>, vector<1x256x64xf32>
    %get3A_30 = vector.shape_cast %get3A_29 : vector<1x256x64xf32> to vector<256x64xf32>
    %get3A_31 = arith.constant 0 : index
    %get3A_32 = arith.constant 0 : index
    %get3A_33 = arith.constant 0 : index
    %get3A_34 = vector.load %arg4[%get3A_31, %get3A_32, %get3A_33] : memref<1x2048x64xf32, #tpu.memory_space<vmem>>, vector<1x2048x64xf32>
    %get3A_35 = vector.shape_cast %get3A_34 : vector<1x2048x64xf32> to vector<2048x64xf32>
    %dot_general3A_36 = arith.constant dense<0.000000e+00> : vector<256x2048xf32>
    %dot_general3A_37 = tpu.matmul %get3A_30, %get3A_35, %dot_general3A_36 {dimension_numbers = #tpu.dot_dimension_numbers<[1], [1], [0], [0], [0, 0, 1, 0], [], []>, transpose_lhs_hint = false} : vector<256x64xf32>, vector<2048x64xf32>, vector<256x2048xf32> -> vector<256x2048xf32>
    %iota3A_38 = tpu.iota {dimensions = array<i32: 1>} : vector<256x2048xi32>
    %convert_element_type3A_39 = arith.sitofp %iota3A_38 : vector<256x2048xi32> to vector<256x2048xf32>
    %iota3A_40 = tpu.iota {dimensions = array<i32: 1>} : vector<256x16xi32>
    %broadcast_in_dim3A = arith.constant 0.000000e+00 : f32
    %broadcast_in_dim3A_41 = vector.broadcast %broadcast_in_dim3A : f32 to vector<256x16xf32>
    %broadcast_in_dim3A_42 = arith.constant 0.000000e+00 : f32
    %broadcast_in_dim3A_43 = vector.broadcast %broadcast_in_dim3A_42 : f32 to vector<256x16xf32>
    %reduce_min3A = arith.constant dense<0x7F800000> : vector<256xf32>
    %reduce_min3A_44 = vector.multi_reduction <minimumf>, %sub3A, %reduce_min3A [1] : vector<256x2048xf32> to vector<256xf32>
    %broadcast_in_dim3A_45 = vector.shape_cast %reduce_min3A_44 : vector<256xf32> to vector<256x1xf32>
    %eq3A = vector.broadcast %broadcast_in_dim3A_45 : vector<256x1xf32> to vector<256x2048xf32>
    %eq3A_46 = arith.cmpf oeq, %sub3A, %eq3A : vector<256x2048xf32>
    %jit3A = arith.constant 2.048000e+03 : f32
    %broadcast_in_dim3A_47 = vector.broadcast %jit3A : f32 to vector<256x2048xf32>
    %select_n3A = arith.select %eq3A_46, %convert_element_type3A_39, %broadcast_in_dim3A_47 : vector<256x2048xi1>, vector<256x2048xf32>
    %reduce_min3A_48 = arith.constant dense<0x7F800000> : vector<256xf32>
    %reduce_min3A_49 = vector.multi_reduction <minimumf>, %select_n3A, %reduce_min3A_48 [1] : vector<256x2048xf32> to vector<256xf32>
    %broadcast_in_dim3A_50 = vector.shape_cast %reduce_min3A_49 : vector<256xf32> to vector<256x1xf32>
    %eq3A_51 = vector.broadcast %broadcast_in_dim3A_50 : vector<256x1xf32> to vector<256x2048xf32>
    %eq3A_52 = arith.cmpf oeq, %select_n3A, %eq3A_51 : vector<256x2048xf32>
    %jit3A_53 = arith.constant 0x7F800000 : f32
    %broadcast_in_dim3A_54 = vector.broadcast %jit3A_53 : f32 to vector<256x2048xf32>
    %select_n3A_55 = arith.select %eq3A_52, %broadcast_in_dim3A_54, %sub3A : vector<256x2048xi1>, vector<256x2048xf32>
    %eq3A_56 = arith.constant 0 : i32
    %eq3A_57 = vector.broadcast %eq3A_56 : i32 to vector<256x16xi32>
    %eq3A_58 = arith.cmpi eq, %iota3A_40, %eq3A_57 : vector<256x16xi32>
    %broadcast_in_dim3A_59 = vector.shape_cast %broadcast_in_dim3A_50 : vector<256x1xf32> to vector<256x1xf32>
    %broadcast_in_dim3A_60 = vector.broadcast %broadcast_in_dim3A_59 : vector<256x1xf32> to vector<256x16xf32>
    %select_n3A_61 = arith.select %eq3A_58, %broadcast_in_dim3A_60, %broadcast_in_dim3A_41 : vector<256x16xi1>, vector<256x16xf32>
    %reduce_min3A_62 = arith.constant dense<0x7F800000> : vector<256xf32>
    %reduce_min3A_63 = vector.multi_reduction <minimumf>, %select_n3A_55, %reduce_min3A_62 [1] : vector<256x2048xf32> to vector<256xf32>
    %broadcast_in_dim3A_64 = vector.shape_cast %reduce_min3A_63 : vector<256xf32> to vector<256x1xf32>
    %eq3A_65 = vector.broadcast %broadcast_in_dim3A_64 : vector<256x1xf32> to vector<256x2048xf32>
    %eq3A_66 = arith.cmpf oeq, %select_n3A_55, %eq3A_65 : vector<256x2048xf32>
    %jit3A_67 = arith.constant 2.048000e+03 : f32
    %broadcast_in_dim3A_68 = vector.broadcast %jit3A_67 : f32 to vector<256x2048xf32>
    %select_n3A_69 = arith.select %eq3A_66, %convert_element_type3A_39, %broadcast_in_dim3A_68 : vector<256x2048xi1>, vector<256x2048xf32>
    %reduce_min3A_70 = arith.constant dense<0x7F800000> : vector<256xf32>
    %reduce_min3A_71 = vector.multi_reduction <minimumf>, %select_n3A_69, %reduce_min3A_70 [1] : vector<256x2048xf32> to vector<256xf32>
    %broadcast_in_dim3A_72 = vector.shape_cast %reduce_min3A_71 : vector<256xf32> to vector<256x1xf32>
    %eq3A_73 = vector.broadcast %broadcast_in_dim3A_72 : vector<256x1xf32> to vector<256x2048xf32>
    %eq3A_74 = arith.cmpf oeq, %select_n3A_69, %eq3A_73 : vector<256x2048xf32>
    %jit3A_75 = arith.constant 0x7F800000 : f32
    %broadcast_in_dim3A_76 = vector.broadcast %jit3A_75 : f32 to vector<256x2048xf32>
    %select_n3A_77 = arith.select %eq3A_74, %broadcast_in_dim3A_76, %select_n3A_55 : vector<256x2048xi1>, vector<256x2048xf32>
    %eq3A_78 = arith.constant 1 : i32
    %eq3A_79 = vector.broadcast %eq3A_78 : i32 to vector<256x16xi32>
    %eq3A_80 = arith.cmpi eq, %iota3A_40, %eq3A_79 : vector<256x16xi32>
    %broadcast_in_dim3A_81 = vector.shape_cast %broadcast_in_dim3A_72 : vector<256x1xf32> to vector<256x1xf32>
    %broadcast_in_dim3A_82 = vector.broadcast %broadcast_in_dim3A_81 : vector<256x1xf32> to vector<256x16xf32>
    %select_n3A_83 = arith.select %eq3A_80, %broadcast_in_dim3A_82, %select_n3A_61 : vector<256x16xi1>, vector<256x16xf32>
    %reduce_min3A_84 = arith.constant dense<0x7F800000> : vector<256xf32>
    %reduce_min3A_85 = vector.multi_reduction <minimumf>, %select_n3A_77, %reduce_min3A_84 [1] : vector<256x2048xf32> to vector<256xf32>
    %broadcast_in_dim3A_86 = vector.shape_cast %reduce_min3A_85 : vector<256xf32> to vector<256x1xf32>
    %eq3A_87 = vector.broadcast %broadcast_in_dim3A_86 : vector<256x1xf32> to vector<256x2048xf32>
    %eq3A_88 = arith.cmpf oeq, %select_n3A_77, %eq3A_87 : vector<256x2048xf32>
    %jit3A_89 = arith.constant 2.048000e+03 : f32
    %broadcast_in_dim3A_90 = vector.broadcast %jit3A_89 : f32 to vector<256x2048xf32>
    %select_n3A_91 = arith.select %eq3A_88, %convert_element_type3A_39, %broadcast_in_dim3A_90 : vector<256x2048xi1>, vector<256x2048xf32>
    %reduce_min3A_92 = arith.constant dense<0x7F800000> : vector<256xf32>
    %reduce_min3A_93 = vector.multi_reduction <minimumf>, %select_n3A_91, %reduce_min3A_92 [1] : vector<256x2048xf32> to vector<256xf32>
    %broadcast_in_dim3A_94 = vector.shape_cast %reduce_min3A_93 : vector<256xf32> to vector<256x1xf32>
    %eq3A_95 = vector.broadcast %broadcast_in_dim3A_94 : vector<256x1xf32> to vector<256x2048xf32>
    %eq3A_96 = arith.cmpf oeq, %select_n3A_91, %eq3A_95 : vector<256x2048xf32>
    %jit3A_97 = arith.constant 0x7F800000 : f32
    %broadcast_in_dim3A_98 = vector.broadcast %jit3A_97 : f32 to vector<256x2048xf32>
    %select_n3A_99 = arith.select %eq3A_96, %broadcast_in_dim3A_98, %select_n3A_77 : vector<256x2048xi1>, vector<256x2048xf32>
    %eq3A_100 = arith.constant 2 : i32
    %eq3A_101 = vector.broadcast %eq3A_100 : i32 to vector<256x16xi32>
    %eq3A_102 = arith.cmpi eq, %iota3A_40, %eq3A_101 : vector<256x16xi32>
    %broadcast_in_dim3A_103 = vector.shape_cast %broadcast_in_dim3A_94 : vector<256x1xf32> to vector<256x1xf32>
    %broadcast_in_dim3A_104 = vector.broadcast %broadcast_in_dim3A_103 : vector<256x1xf32> to vector<256x16xf32>
    %select_n3A_105 = arith.select %eq3A_102, %broadcast_in_dim3A_104, %select_n3A_83 : vector<256x16xi1>, vector<256x16xf32>
    %reduce_min3A_106 = arith.constant dense<0x7F800000> : vector<256xf32>
    %reduce_min3A_107 = vector.multi_reduction <minimumf>, %select_n3A_99, %reduce_min3A_106 [1] : vector<256x2048xf32> to vector<256xf32>
    %broadcast_in_dim3A_108 = vector.shape_cast %reduce_min3A_107 : vector<256xf32> to vector<256x1xf32>
    %eq3A_109 = vector.broadcast %broadcast_in_dim3A_108 : vector<256x1xf32> to vector<256x2048xf32>
    %eq3A_110 = arith.cmpf oeq, %select_n3A_99, %eq3A_109 : vector<256x2048xf32>
    %jit3A_111 = arith.constant 2.048000e+03 : f32
    %broadcast_in_dim3A_112 = vector.broadcast %jit3A_111 : f32 to vector<256x2048xf32>
    %select_n3A_113 = arith.select %eq3A_110, %convert_element_type3A_39, %broadcast_in_dim3A_112 : vector<256x2048xi1>, vector<256x2048xf32>
    %reduce_min3A_114 = arith.constant dense<0x7F800000> : vector<256xf32>
    %reduce_min3A_115 = vector.multi_reduction <minimumf>, %select_n3A_113, %reduce_min3A_114 [1] : vector<256x2048xf32> to vector<256xf32>
    %broadcast_in_dim3A_116 = vector.shape_cast %reduce_min3A_115 : vector<256xf32> to vector<256x1xf32>
    %eq3A_117 = vector.broadcast %broadcast_in_dim3A_116 : vector<256x1xf32> to vector<256x2048xf32>
    %eq3A_118 = arith.cmpf oeq, %select_n3A_113, %eq3A_117 : vector<256x2048xf32>
    %jit3A_119 = arith.constant 0x7F800000 : f32
    %broadcast_in_dim3A_120 = vector.broadcast %jit3A_119 : f32 to vector<256x2048xf32>
    %select_n3A_121 = arith.select %eq3A_118, %broadcast_in_dim3A_120, %select_n3A_99 : vector<256x2048xi1>, vector<256x2048xf32>
    %eq3A_122 = arith.constant 3 : i32
    %eq3A_123 = vector.broadcast %eq3A_122 : i32 to vector<256x16xi32>
    %eq3A_124 = arith.cmpi eq, %iota3A_40, %eq3A_123 : vector<256x16xi32>
    %broadcast_in_dim3A_125 = vector.shape_cast %broadcast_in_dim3A_116 : vector<256x1xf32> to vector<256x1xf32>
    %broadcast_in_dim3A_126 = vector.broadcast %broadcast_in_dim3A_125 : vector<256x1xf32> to vector<256x16xf32>
    %select_n3A_127 = arith.select %eq3A_124, %broadcast_in_dim3A_126, %select_n3A_105 : vector<256x16xi1>, vector<256x16xf32>
    %reduce_min3A_128 = arith.constant dense<0x7F800000> : vector<256xf32>
    %reduce_min3A_129 = vector.multi_reduction <minimumf>, %select_n3A_121, %reduce_min3A_128 [1] : vector<256x2048xf32> to vector<256xf32>
    %broadcast_in_dim3A_130 = vector.shape_cast %reduce_min3A_129 : vector<256xf32> to vector<256x1xf32>
    %eq3A_131 = vector.broadcast %broadcast_in_dim3A_130 : vector<256x1xf32> to vector<256x2048xf32>
    %eq3A_132 = arith.cmpf oeq, %select_n3A_121, %eq3A_131 : vector<256x2048xf32>
    %jit3A_133 = arith.constant 2.048000e+03 : f32
    %broadcast_in_dim3A_134 = vector.broadcast %jit3A_133 : f32 to vector<256x2048xf32>
    %select_n3A_135 = arith.select %eq3A_132, %convert_element_type3A_39, %broadcast_in_dim3A_134 : vector<256x2048xi1>, vector<256x2048xf32>
    %reduce_min3A_136 = arith.constant dense<0x7F800000> : vector<256xf32>
    %reduce_min3A_137 = vector.multi_reduction <minimumf>, %select_n3A_135, %reduce_min3A_136 [1] : vector<256x2048xf32> to vector<256xf32>
    %broadcast_in_dim3A_138 = vector.shape_cast %reduce_min3A_137 : vector<256xf32> to vector<256x1xf32>
    %eq3A_139 = vector.broadcast %broadcast_in_dim3A_138 : vector<256x1xf32> to vector<256x2048xf32>
    %eq3A_140 = arith.cmpf oeq, %select_n3A_135, %eq3A_139 : vector<256x2048xf32>
    %jit3A_141 = arith.constant 0x7F800000 : f32
    %broadcast_in_dim3A_142 = vector.broadcast %jit3A_141 : f32 to vector<256x2048xf32>
    %select_n3A_143 = arith.select %eq3A_140, %broadcast_in_dim3A_142, %select_n3A_121 : vector<256x2048xi1>, vector<256x2048xf32>
    %eq3A_144 = arith.constant 4 : i32
    %eq3A_145 = vector.broadcast %eq3A_144 : i32 to vector<256x16xi32>
    %eq3A_146 = arith.cmpi eq, %iota3A_40, %eq3A_145 : vector<256x16xi32>
    %broadcast_in_dim3A_147 = vector.shape_cast %broadcast_in_dim3A_138 : vector<256x1xf32> to vector<256x1xf32>
    %broadcast_in_dim3A_148 = vector.broadcast %broadcast_in_dim3A_147 : vector<256x1xf32> to vector<256x16xf32>
    %select_n3A_149 = arith.select %eq3A_146, %broadcast_in_dim3A_148, %select_n3A_127 : vector<256x16xi1>, vector<256x16xf32>
    %reduce_min3A_150 = arith.constant dense<0x7F800000> : vector<256xf32>
    %reduce_min3A_151 = vector.multi_reduction <minimumf>, %select_n3A_143, %reduce_min3A_150 [1] : vector<256x2048xf32> to vector<256xf32>
    %broadcast_in_dim3A_152 = vector.shape_cast %reduce_min3A_151 : vector<256xf32> to vector<256x1xf32>
    %eq3A_153 = vector.broadcast %broadcast_in_dim3A_152 : vector<256x1xf32> to vector<256x2048xf32>
    %eq3A_154 = arith.cmpf oeq, %select_n3A_143, %eq3A_153 : vector<256x2048xf32>
    %jit3A_155 = arith.constant 2.048000e+03 : f32
    %broadcast_in_dim3A_156 = vector.broadcast %jit3A_155 : f32 to vector<256x2048xf32>
    %select_n3A_157 = arith.select %eq3A_154, %convert_element_type3A_39, %broadcast_in_dim3A_156 : vector<256x2048xi1>, vector<256x2048xf32>
    %reduce_min3A_158 = arith.constant dense<0x7F800000> : vector<256xf32>
    %reduce_min3A_159 = vector.multi_reduction <minimumf>, %select_n3A_157, %reduce_min3A_158 [1] : vector<256x2048xf32> to vector<256xf32>
    %broadcast_in_dim3A_160 = vector.shape_cast %reduce_min3A_159 : vector<256xf32> to vector<256x1xf32>
    %eq3A_161 = vector.broadcast %broadcast_in_dim3A_160 : vector<256x1xf32> to vector<256x2048xf32>
    %eq3A_162 = arith.cmpf oeq, %select_n3A_157, %eq3A_161 : vector<256x2048xf32>
    %jit3A_163 = arith.constant 0x7F800000 : f32
    %broadcast_in_dim3A_164 = vector.broadcast %jit3A_163 : f32 to vector<256x2048xf32>
    %select_n3A_165 = arith.select %eq3A_162, %broadcast_in_dim3A_164, %select_n3A_143 : vector<256x2048xi1>, vector<256x2048xf32>
    %eq3A_166 = arith.constant 5 : i32
    %eq3A_167 = vector.broadcast %eq3A_166 : i32 to vector<256x16xi32>
    %eq3A_168 = arith.cmpi eq, %iota3A_40, %eq3A_167 : vector<256x16xi32>
    %broadcast_in_dim3A_169 = vector.shape_cast %broadcast_in_dim3A_160 : vector<256x1xf32> to vector<256x1xf32>
    %broadcast_in_dim3A_170 = vector.broadcast %broadcast_in_dim3A_169 : vector<256x1xf32> to vector<256x16xf32>
    %select_n3A_171 = arith.select %eq3A_168, %broadcast_in_dim3A_170, %select_n3A_149 : vector<256x16xi1>, vector<256x16xf32>
    %reduce_min3A_172 = arith.constant dense<0x7F800000> : vector<256xf32>
    %reduce_min3A_173 = vector.multi_reduction <minimumf>, %select_n3A_165, %reduce_min3A_172 [1] : vector<256x2048xf32> to vector<256xf32>
    %broadcast_in_dim3A_174 = vector.shape_cast %reduce_min3A_173 : vector<256xf32> to vector<256x1xf32>
    %eq3A_175 = vector.broadcast %broadcast_in_dim3A_174 : vector<256x1xf32> to vector<256x2048xf32>
    %eq3A_176 = arith.cmpf oeq, %select_n3A_165, %eq3A_175 : vector<256x2048xf32>
    %jit3A_177 = arith.constant 2.048000e+03 : f32
    %broadcast_in_dim3A_178 = vector.broadcast %jit3A_177 : f32 to vector<256x2048xf32>
    %select_n3A_179 = arith.select %eq3A_176, %convert_element_type3A_39, %broadcast_in_dim3A_178 : vector<256x2048xi1>, vector<256x2048xf32>
    %reduce_min3A_180 = arith.constant dense<0x7F800000> : vector<256xf32>
    %reduce_min3A_181 = vector.multi_reduction <minimumf>, %select_n3A_179, %reduce_min3A_180 [1] : vector<256x2048xf32> to vector<256xf32>
    %broadcast_in_dim3A_182 = vector.shape_cast %reduce_min3A_181 : vector<256xf32> to vector<256x1xf32>
    %eq3A_183 = vector.broadcast %broadcast_in_dim3A_182 : vector<256x1xf32> to vector<256x2048xf32>
    %eq3A_184 = arith.cmpf oeq, %select_n3A_179, %eq3A_183 : vector<256x2048xf32>
    %jit3A_185 = arith.constant 0x7F800000 : f32
    %broadcast_in_dim3A_186 = vector.broadcast %jit3A_185 : f32 to vector<256x2048xf32>
    %select_n3A_187 = arith.select %eq3A_184, %broadcast_in_dim3A_186, %select_n3A_165 : vector<256x2048xi1>, vector<256x2048xf32>
    %eq3A_188 = arith.constant 6 : i32
    %eq3A_189 = vector.broadcast %eq3A_188 : i32 to vector<256x16xi32>
    %eq3A_190 = arith.cmpi eq, %iota3A_40, %eq3A_189 : vector<256x16xi32>
    %broadcast_in_dim3A_191 = vector.shape_cast %broadcast_in_dim3A_182 : vector<256x1xf32> to vector<256x1xf32>
    %broadcast_in_dim3A_192 = vector.broadcast %broadcast_in_dim3A_191 : vector<256x1xf32> to vector<256x16xf32>
    %select_n3A_193 = arith.select %eq3A_190, %broadcast_in_dim3A_192, %select_n3A_171 : vector<256x16xi1>, vector<256x16xf32>
    %reduce_min3A_194 = arith.constant dense<0x7F800000> : vector<256xf32>
    %reduce_min3A_195 = vector.multi_reduction <minimumf>, %select_n3A_187, %reduce_min3A_194 [1] : vector<256x2048xf32> to vector<256xf32>
    %broadcast_in_dim3A_196 = vector.shape_cast %reduce_min3A_195 : vector<256xf32> to vector<256x1xf32>
    %eq3A_197 = vector.broadcast %broadcast_in_dim3A_196 : vector<256x1xf32> to vector<256x2048xf32>
    %eq3A_198 = arith.cmpf oeq, %select_n3A_187, %eq3A_197 : vector<256x2048xf32>
    %jit3A_199 = arith.constant 2.048000e+03 : f32
    %broadcast_in_dim3A_200 = vector.broadcast %jit3A_199 : f32 to vector<256x2048xf32>
    %select_n3A_201 = arith.select %eq3A_198, %convert_element_type3A_39, %broadcast_in_dim3A_200 : vector<256x2048xi1>, vector<256x2048xf32>
    %reduce_min3A_202 = arith.constant dense<0x7F800000> : vector<256xf32>
    %reduce_min3A_203 = vector.multi_reduction <minimumf>, %select_n3A_201, %reduce_min3A_202 [1] : vector<256x2048xf32> to vector<256xf32>
    %broadcast_in_dim3A_204 = vector.shape_cast %reduce_min3A_203 : vector<256xf32> to vector<256x1xf32>
    %eq3A_205 = vector.broadcast %broadcast_in_dim3A_204 : vector<256x1xf32> to vector<256x2048xf32>
    %eq3A_206 = arith.cmpf oeq, %select_n3A_201, %eq3A_205 : vector<256x2048xf32>
    %jit3A_207 = arith.constant 0x7F800000 : f32
    %broadcast_in_dim3A_208 = vector.broadcast %jit3A_207 : f32 to vector<256x2048xf32>
    %select_n3A_209 = arith.select %eq3A_206, %broadcast_in_dim3A_208, %select_n3A_187 : vector<256x2048xi1>, vector<256x2048xf32>
    %eq3A_210 = arith.constant 7 : i32
    %eq3A_211 = vector.broadcast %eq3A_210 : i32 to vector<256x16xi32>
    %eq3A_212 = arith.cmpi eq, %iota3A_40, %eq3A_211 : vector<256x16xi32>
    %broadcast_in_dim3A_213 = vector.shape_cast %broadcast_in_dim3A_204 : vector<256x1xf32> to vector<256x1xf32>
    %broadcast_in_dim3A_214 = vector.broadcast %broadcast_in_dim3A_213 : vector<256x1xf32> to vector<256x16xf32>
    %select_n3A_215 = arith.select %eq3A_212, %broadcast_in_dim3A_214, %select_n3A_193 : vector<256x16xi1>, vector<256x16xf32>
    %reduce_min3A_216 = arith.constant dense<0x7F800000> : vector<256xf32>
    %reduce_min3A_217 = vector.multi_reduction <minimumf>, %select_n3A_209, %reduce_min3A_216 [1] : vector<256x2048xf32> to vector<256xf32>
    %broadcast_in_dim3A_218 = vector.shape_cast %reduce_min3A_217 : vector<256xf32> to vector<256x1xf32>
    %eq3A_219 = vector.broadcast %broadcast_in_dim3A_218 : vector<256x1xf32> to vector<256x2048xf32>
    %eq3A_220 = arith.cmpf oeq, %select_n3A_209, %eq3A_219 : vector<256x2048xf32>
    %jit3A_221 = arith.constant 2.048000e+03 : f32
    %broadcast_in_dim3A_222 = vector.broadcast %jit3A_221 : f32 to vector<256x2048xf32>
    %select_n3A_223 = arith.select %eq3A_220, %convert_element_type3A_39, %broadcast_in_dim3A_222 : vector<256x2048xi1>, vector<256x2048xf32>
    %reduce_min3A_224 = arith.constant dense<0x7F800000> : vector<256xf32>
    %reduce_min3A_225 = vector.multi_reduction <minimumf>, %select_n3A_223, %reduce_min3A_224 [1] : vector<256x2048xf32> to vector<256xf32>
    %broadcast_in_dim3A_226 = vector.shape_cast %reduce_min3A_225 : vector<256xf32> to vector<256x1xf32>
    %eq3A_227 = vector.broadcast %broadcast_in_dim3A_226 : vector<256x1xf32> to vector<256x2048xf32>
    %eq3A_228 = arith.cmpf oeq, %select_n3A_223, %eq3A_227 : vector<256x2048xf32>
    %jit3A_229 = arith.constant 0x7F800000 : f32
    %broadcast_in_dim3A_230 = vector.broadcast %jit3A_229 : f32 to vector<256x2048xf32>
    %select_n3A_231 = arith.select %eq3A_228, %broadcast_in_dim3A_230, %select_n3A_209 : vector<256x2048xi1>, vector<256x2048xf32>
    %eq3A_232 = arith.constant 8 : i32
    %eq3A_233 = vector.broadcast %eq3A_232 : i32 to vector<256x16xi32>
    %eq3A_234 = arith.cmpi eq, %iota3A_40, %eq3A_233 : vector<256x16xi32>
    %broadcast_in_dim3A_235 = vector.shape_cast %broadcast_in_dim3A_226 : vector<256x1xf32> to vector<256x1xf32>
    %broadcast_in_dim3A_236 = vector.broadcast %broadcast_in_dim3A_235 : vector<256x1xf32> to vector<256x16xf32>
    %select_n3A_237 = arith.select %eq3A_234, %broadcast_in_dim3A_236, %select_n3A_215 : vector<256x16xi1>, vector<256x16xf32>
    %reduce_min3A_238 = arith.constant dense<0x7F800000> : vector<256xf32>
    %reduce_min3A_239 = vector.multi_reduction <minimumf>, %select_n3A_231, %reduce_min3A_238 [1] : vector<256x2048xf32> to vector<256xf32>
    %broadcast_in_dim3A_240 = vector.shape_cast %reduce_min3A_239 : vector<256xf32> to vector<256x1xf32>
    %eq3A_241 = vector.broadcast %broadcast_in_dim3A_240 : vector<256x1xf32> to vector<256x2048xf32>
    %eq3A_242 = arith.cmpf oeq, %select_n3A_231, %eq3A_241 : vector<256x2048xf32>
    %jit3A_243 = arith.constant 2.048000e+03 : f32
    %broadcast_in_dim3A_244 = vector.broadcast %jit3A_243 : f32 to vector<256x2048xf32>
    %select_n3A_245 = arith.select %eq3A_242, %convert_element_type3A_39, %broadcast_in_dim3A_244 : vector<256x2048xi1>, vector<256x2048xf32>
    %reduce_min3A_246 = arith.constant dense<0x7F800000> : vector<256xf32>
    %reduce_min3A_247 = vector.multi_reduction <minimumf>, %select_n3A_245, %reduce_min3A_246 [1] : vector<256x2048xf32> to vector<256xf32>
    %broadcast_in_dim3A_248 = vector.shape_cast %reduce_min3A_247 : vector<256xf32> to vector<256x1xf32>
    %eq3A_249 = vector.broadcast %broadcast_in_dim3A_248 : vector<256x1xf32> to vector<256x2048xf32>
    %eq3A_250 = arith.cmpf oeq, %select_n3A_245, %eq3A_249 : vector<256x2048xf32>
    %jit3A_251 = arith.constant 0x7F800000 : f32
    %broadcast_in_dim3A_252 = vector.broadcast %jit3A_251 : f32 to vector<256x2048xf32>
    %select_n3A_253 = arith.select %eq3A_250, %broadcast_in_dim3A_252, %select_n3A_231 : vector<256x2048xi1>, vector<256x2048xf32>
    %eq3A_254 = arith.constant 9 : i32
    %eq3A_255 = vector.broadcast %eq3A_254 : i32 to vector<256x16xi32>
    %eq3A_256 = arith.cmpi eq, %iota3A_40, %eq3A_255 : vector<256x16xi32>
    %broadcast_in_dim3A_257 = vector.shape_cast %broadcast_in_dim3A_248 : vector<256x1xf32> to vector<256x1xf32>
    %broadcast_in_dim3A_258 = vector.broadcast %broadcast_in_dim3A_257 : vector<256x1xf32> to vector<256x16xf32>
    %select_n3A_259 = arith.select %eq3A_256, %broadcast_in_dim3A_258, %select_n3A_237 : vector<256x16xi1>, vector<256x16xf32>
    %reduce_min3A_260 = arith.constant dense<0x7F800000> : vector<256xf32>
    %reduce_min3A_261 = vector.multi_reduction <minimumf>, %select_n3A_253, %reduce_min3A_260 [1] : vector<256x2048xf32> to vector<256xf32>
    %broadcast_in_dim3A_262 = vector.shape_cast %reduce_min3A_261 : vector<256xf32> to vector<256x1xf32>
    %eq3A_263 = vector.broadcast %broadcast_in_dim3A_262 : vector<256x1xf32> to vector<256x2048xf32>
    %eq3A_264 = arith.cmpf oeq, %select_n3A_253, %eq3A_263 : vector<256x2048xf32>
    %jit3A_265 = arith.constant 2.048000e+03 : f32
    %broadcast_in_dim3A_266 = vector.broadcast %jit3A_265 : f32 to vector<256x2048xf32>
    %select_n3A_267 = arith.select %eq3A_264, %convert_element_type3A_39, %broadcast_in_dim3A_266 : vector<256x2048xi1>, vector<256x2048xf32>
    %reduce_min3A_268 = arith.constant dense<0x7F800000> : vector<256xf32>
    %reduce_min3A_269 = vector.multi_reduction <minimumf>, %select_n3A_267, %reduce_min3A_268 [1] : vector<256x2048xf32> to vector<256xf32>
    %broadcast_in_dim3A_270 = vector.shape_cast %reduce_min3A_269 : vector<256xf32> to vector<256x1xf32>
    %eq3A_271 = vector.broadcast %broadcast_in_dim3A_270 : vector<256x1xf32> to vector<256x2048xf32>
    %eq3A_272 = arith.cmpf oeq, %select_n3A_267, %eq3A_271 : vector<256x2048xf32>
    %jit3A_273 = arith.constant 0x7F800000 : f32
    %broadcast_in_dim3A_274 = vector.broadcast %jit3A_273 : f32 to vector<256x2048xf32>
    %select_n3A_275 = arith.select %eq3A_272, %broadcast_in_dim3A_274, %select_n3A_253 : vector<256x2048xi1>, vector<256x2048xf32>
    %eq3A_276 = arith.constant 10 : i32
    %eq3A_277 = vector.broadcast %eq3A_276 : i32 to vector<256x16xi32>
    %eq3A_278 = arith.cmpi eq, %iota3A_40, %eq3A_277 : vector<256x16xi32>
    %broadcast_in_dim3A_279 = vector.shape_cast %broadcast_in_dim3A_270 : vector<256x1xf32> to vector<256x1xf32>
    %broadcast_in_dim3A_280 = vector.broadcast %broadcast_in_dim3A_279 : vector<256x1xf32> to vector<256x16xf32>
    %select_n3A_281 = arith.select %eq3A_278, %broadcast_in_dim3A_280, %select_n3A_259 : vector<256x16xi1>, vector<256x16xf32>
    %reduce_min3A_282 = arith.constant dense<0x7F800000> : vector<256xf32>
    %reduce_min3A_283 = vector.multi_reduction <minimumf>, %select_n3A_275, %reduce_min3A_282 [1] : vector<256x2048xf32> to vector<256xf32>
    %broadcast_in_dim3A_284 = vector.shape_cast %reduce_min3A_283 : vector<256xf32> to vector<256x1xf32>
    %eq3A_285 = vector.broadcast %broadcast_in_dim3A_284 : vector<256x1xf32> to vector<256x2048xf32>
    %eq3A_286 = arith.cmpf oeq, %select_n3A_275, %eq3A_285 : vector<256x2048xf32>
    %jit3A_287 = arith.constant 2.048000e+03 : f32
    %broadcast_in_dim3A_288 = vector.broadcast %jit3A_287 : f32 to vector<256x2048xf32>
    %select_n3A_289 = arith.select %eq3A_286, %convert_element_type3A_39, %broadcast_in_dim3A_288 : vector<256x2048xi1>, vector<256x2048xf32>
    %reduce_min3A_290 = arith.constant dense<0x7F800000> : vector<256xf32>
    %reduce_min3A_291 = vector.multi_reduction <minimumf>, %select_n3A_289, %reduce_min3A_290 [1] : vector<256x2048xf32> to vector<256xf32>
    %broadcast_in_dim3A_292 = vector.shape_cast %reduce_min3A_291 : vector<256xf32> to vector<256x1xf32>
    %eq3A_293 = vector.broadcast %broadcast_in_dim3A_292 : vector<256x1xf32> to vector<256x2048xf32>
    %eq3A_294 = arith.cmpf oeq, %select_n3A_289, %eq3A_293 : vector<256x2048xf32>
    %jit3A_295 = arith.constant 0x7F800000 : f32
    %broadcast_in_dim3A_296 = vector.broadcast %jit3A_295 : f32 to vector<256x2048xf32>
    %select_n3A_297 = arith.select %eq3A_294, %broadcast_in_dim3A_296, %select_n3A_275 : vector<256x2048xi1>, vector<256x2048xf32>
    %eq3A_298 = arith.constant 11 : i32
    %eq3A_299 = vector.broadcast %eq3A_298 : i32 to vector<256x16xi32>
    %eq3A_300 = arith.cmpi eq, %iota3A_40, %eq3A_299 : vector<256x16xi32>
    %broadcast_in_dim3A_301 = vector.shape_cast %broadcast_in_dim3A_292 : vector<256x1xf32> to vector<256x1xf32>
    %broadcast_in_dim3A_302 = vector.broadcast %broadcast_in_dim3A_301 : vector<256x1xf32> to vector<256x16xf32>
    %select_n3A_303 = arith.select %eq3A_300, %broadcast_in_dim3A_302, %select_n3A_281 : vector<256x16xi1>, vector<256x16xf32>
    %reduce_min3A_304 = arith.constant dense<0x7F800000> : vector<256xf32>
    %reduce_min3A_305 = vector.multi_reduction <minimumf>, %select_n3A_297, %reduce_min3A_304 [1] : vector<256x2048xf32> to vector<256xf32>
    %broadcast_in_dim3A_306 = vector.shape_cast %reduce_min3A_305 : vector<256xf32> to vector<256x1xf32>
    %eq3A_307 = vector.broadcast %broadcast_in_dim3A_306 : vector<256x1xf32> to vector<256x2048xf32>
    %eq3A_308 = arith.cmpf oeq, %select_n3A_297, %eq3A_307 : vector<256x2048xf32>
    %jit3A_309 = arith.constant 2.048000e+03 : f32
    %broadcast_in_dim3A_310 = vector.broadcast %jit3A_309 : f32 to vector<256x2048xf32>
    %select_n3A_311 = arith.select %eq3A_308, %convert_element_type3A_39, %broadcast_in_dim3A_310 : vector<256x2048xi1>, vector<256x2048xf32>
    %reduce_min3A_312 = arith.constant dense<0x7F800000> : vector<256xf32>
    %reduce_min3A_313 = vector.multi_reduction <minimumf>, %select_n3A_311, %reduce_min3A_312 [1] : vector<256x2048xf32> to vector<256xf32>
    %broadcast_in_dim3A_314 = vector.shape_cast %reduce_min3A_313 : vector<256xf32> to vector<256x1xf32>
    %eq3A_315 = vector.broadcast %broadcast_in_dim3A_314 : vector<256x1xf32> to vector<256x2048xf32>
    %eq3A_316 = arith.cmpf oeq, %select_n3A_311, %eq3A_315 : vector<256x2048xf32>
    %jit3A_317 = arith.constant 0x7F800000 : f32
    %broadcast_in_dim3A_318 = vector.broadcast %jit3A_317 : f32 to vector<256x2048xf32>
    %select_n3A_319 = arith.select %eq3A_316, %broadcast_in_dim3A_318, %select_n3A_297 : vector<256x2048xi1>, vector<256x2048xf32>
    %eq3A_320 = arith.constant 12 : i32
    %eq3A_321 = vector.broadcast %eq3A_320 : i32 to vector<256x16xi32>
    %eq3A_322 = arith.cmpi eq, %iota3A_40, %eq3A_321 : vector<256x16xi32>
    %broadcast_in_dim3A_323 = vector.shape_cast %broadcast_in_dim3A_314 : vector<256x1xf32> to vector<256x1xf32>
    %broadcast_in_dim3A_324 = vector.broadcast %broadcast_in_dim3A_323 : vector<256x1xf32> to vector<256x16xf32>
    %select_n3A_325 = arith.select %eq3A_322, %broadcast_in_dim3A_324, %select_n3A_303 : vector<256x16xi1>, vector<256x16xf32>
    %reduce_min3A_326 = arith.constant dense<0x7F800000> : vector<256xf32>
    %reduce_min3A_327 = vector.multi_reduction <minimumf>, %select_n3A_319, %reduce_min3A_326 [1] : vector<256x2048xf32> to vector<256xf32>
    %broadcast_in_dim3A_328 = vector.shape_cast %reduce_min3A_327 : vector<256xf32> to vector<256x1xf32>
    %eq3A_329 = vector.broadcast %broadcast_in_dim3A_328 : vector<256x1xf32> to vector<256x2048xf32>
    %eq3A_330 = arith.cmpf oeq, %select_n3A_319, %eq3A_329 : vector<256x2048xf32>
    %jit3A_331 = arith.constant 2.048000e+03 : f32
    %broadcast_in_dim3A_332 = vector.broadcast %jit3A_331 : f32 to vector<256x2048xf32>
    %select_n3A_333 = arith.select %eq3A_330, %convert_element_type3A_39, %broadcast_in_dim3A_332 : vector<256x2048xi1>, vector<256x2048xf32>
    %reduce_min3A_334 = arith.constant dense<0x7F800000> : vector<256xf32>
    %reduce_min3A_335 = vector.multi_reduction <minimumf>, %select_n3A_333, %reduce_min3A_334 [1] : vector<256x2048xf32> to vector<256xf32>
    %broadcast_in_dim3A_336 = vector.shape_cast %reduce_min3A_335 : vector<256xf32> to vector<256x1xf32>
    %eq3A_337 = vector.broadcast %broadcast_in_dim3A_336 : vector<256x1xf32> to vector<256x2048xf32>
    %eq3A_338 = arith.cmpf oeq, %select_n3A_333, %eq3A_337 : vector<256x2048xf32>
    %jit3A_339 = arith.constant 0x7F800000 : f32
    %broadcast_in_dim3A_340 = vector.broadcast %jit3A_339 : f32 to vector<256x2048xf32>
    %select_n3A_341 = arith.select %eq3A_338, %broadcast_in_dim3A_340, %select_n3A_319 : vector<256x2048xi1>, vector<256x2048xf32>
    %eq3A_342 = arith.constant 13 : i32
    %eq3A_343 = vector.broadcast %eq3A_342 : i32 to vector<256x16xi32>
    %eq3A_344 = arith.cmpi eq, %iota3A_40, %eq3A_343 : vector<256x16xi32>
    %broadcast_in_dim3A_345 = vector.shape_cast %broadcast_in_dim3A_336 : vector<256x1xf32> to vector<256x1xf32>
    %broadcast_in_dim3A_346 = vector.broadcast %broadcast_in_dim3A_345 : vector<256x1xf32> to vector<256x16xf32>
    %select_n3A_347 = arith.select %eq3A_344, %broadcast_in_dim3A_346, %select_n3A_325 : vector<256x16xi1>, vector<256x16xf32>
    %reduce_min3A_348 = arith.constant dense<0x7F800000> : vector<256xf32>
    %reduce_min3A_349 = vector.multi_reduction <minimumf>, %select_n3A_341, %reduce_min3A_348 [1] : vector<256x2048xf32> to vector<256xf32>
    %broadcast_in_dim3A_350 = vector.shape_cast %reduce_min3A_349 : vector<256xf32> to vector<256x1xf32>
    %eq3A_351 = vector.broadcast %broadcast_in_dim3A_350 : vector<256x1xf32> to vector<256x2048xf32>
    %eq3A_352 = arith.cmpf oeq, %select_n3A_341, %eq3A_351 : vector<256x2048xf32>
    %jit3A_353 = arith.constant 2.048000e+03 : f32
    %broadcast_in_dim3A_354 = vector.broadcast %jit3A_353 : f32 to vector<256x2048xf32>
    %select_n3A_355 = arith.select %eq3A_352, %convert_element_type3A_39, %broadcast_in_dim3A_354 : vector<256x2048xi1>, vector<256x2048xf32>
    %reduce_min3A_356 = arith.constant dense<0x7F800000> : vector<256xf32>
    %reduce_min3A_357 = vector.multi_reduction <minimumf>, %select_n3A_355, %reduce_min3A_356 [1] : vector<256x2048xf32> to vector<256xf32>
    %broadcast_in_dim3A_358 = vector.shape_cast %reduce_min3A_357 : vector<256xf32> to vector<256x1xf32>
    %eq3A_359 = vector.broadcast %broadcast_in_dim3A_358 : vector<256x1xf32> to vector<256x2048xf32>
    %eq3A_360 = arith.cmpf oeq, %select_n3A_355, %eq3A_359 : vector<256x2048xf32>
    %jit3A_361 = arith.constant 0x7F800000 : f32
    %broadcast_in_dim3A_362 = vector.broadcast %jit3A_361 : f32 to vector<256x2048xf32>
    %select_n3A_363 = arith.select %eq3A_360, %broadcast_in_dim3A_362, %select_n3A_341 : vector<256x2048xi1>, vector<256x2048xf32>
    %eq3A_364 = arith.constant 14 : i32
    %eq3A_365 = vector.broadcast %eq3A_364 : i32 to vector<256x16xi32>
    %eq3A_366 = arith.cmpi eq, %iota3A_40, %eq3A_365 : vector<256x16xi32>
    %broadcast_in_dim3A_367 = vector.shape_cast %broadcast_in_dim3A_358 : vector<256x1xf32> to vector<256x1xf32>
    %broadcast_in_dim3A_368 = vector.broadcast %broadcast_in_dim3A_367 : vector<256x1xf32> to vector<256x16xf32>
    %select_n3A_369 = arith.select %eq3A_366, %broadcast_in_dim3A_368, %select_n3A_347 : vector<256x16xi1>, vector<256x16xf32>
    %reduce_min3A_370 = arith.constant dense<0x7F800000> : vector<256xf32>
    %reduce_min3A_371 = vector.multi_reduction <minimumf>, %select_n3A_363, %reduce_min3A_370 [1] : vector<256x2048xf32> to vector<256xf32>
    %broadcast_in_dim3A_372 = vector.shape_cast %reduce_min3A_371 : vector<256xf32> to vector<256x1xf32>
    %eq3A_373 = vector.broadcast %broadcast_in_dim3A_372 : vector<256x1xf32> to vector<256x2048xf32>
    %eq3A_374 = arith.cmpf oeq, %select_n3A_363, %eq3A_373 : vector<256x2048xf32>
    %jit3A_375 = arith.constant 2.048000e+03 : f32
    %broadcast_in_dim3A_376 = vector.broadcast %jit3A_375 : f32 to vector<256x2048xf32>
    %select_n3A_377 = arith.select %eq3A_374, %convert_element_type3A_39, %broadcast_in_dim3A_376 : vector<256x2048xi1>, vector<256x2048xf32>
    %reduce_min3A_378 = arith.constant dense<0x7F800000> : vector<256xf32>
    %reduce_min3A_379 = vector.multi_reduction <minimumf>, %select_n3A_377, %reduce_min3A_378 [1] : vector<256x2048xf32> to vector<256xf32>
    %broadcast_in_dim3A_380 = vector.shape_cast %reduce_min3A_379 : vector<256xf32> to vector<256x1xf32>
    %eq3A_381 = arith.constant 15 : i32
    %eq3A_382 = vector.broadcast %eq3A_381 : i32 to vector<256x16xi32>
    %eq3A_383 = arith.cmpi eq, %iota3A_40, %eq3A_382 : vector<256x16xi32>
    %broadcast_in_dim3A_384 = vector.shape_cast %broadcast_in_dim3A_380 : vector<256x1xf32> to vector<256x1xf32>
    %broadcast_in_dim3A_385 = vector.broadcast %broadcast_in_dim3A_384 : vector<256x1xf32> to vector<256x16xf32>
    %select_n3A_386 = arith.select %eq3A_383, %broadcast_in_dim3A_385, %select_n3A_369 : vector<256x16xi1>, vector<256x16xf32>
    %convert_element_type3A_387 = arith.fptosi %select_n3A_386 : vector<256x16xf32> to vector<256x16xi32>
    %and3A = arith.constant 127 : i32
    %and3A_388 = vector.broadcast %and3A : i32 to vector<256x16xi32>
    %and3A_389 = arith.andi %convert_element_type3A_387, %and3A_388 : vector<256x16xi32>
    %shift_right_arithmetic3A = arith.constant 7 : i32
    %shift_right_arithmetic3A_390 = vector.broadcast %shift_right_arithmetic3A : i32 to vector<256x16xi32>
    %shift_right_arithmetic3A_391 = arith.shrsi %convert_element_type3A_387, %shift_right_arithmetic3A_390 : vector<256x16xi32>
    %slice3A_392 = vector.extract_strided_slice %dot_general3A_37 {offsets = [0, 0], sizes = [256, 128], strides = [1, 1]} : vector<256x2048xf32> to vector<256x128xf32>
    %lt3A_393 = arith.constant 0 : i32
    %lt3A_394 = vector.broadcast %lt3A_393 : i32 to vector<256x16xi32>
    %lt3A_395 = arith.cmpi slt, %and3A_389, %lt3A_394 : vector<256x16xi32>
    %add3A_396 = arith.constant 128 : i32
    %add3A_397 = vector.broadcast %add3A_396 : i32 to vector<256x16xi32>
    %add3A_398 = arith.addi %and3A_389, %add3A_397 : vector<256x16xi32>
    %select_n3A_399 = arith.select %lt3A_395, %add3A_398, %and3A_389 : vector<256x16xi1>, vector<256x16xi32>
    %reshape3A = vector.shape_cast %select_n3A_399 : vector<256x16xi32> to vector<256x16x1xi32>
    %gather3A = vector.shape_cast %reshape3A : vector<256x16x1xi32> to vector<256x16xi32>
    %gather3A_400 = tpu.dynamic_gather %slice3A_392[%gather3A] in [1] : vector<256x128xf32>, vector<256x16xi32> -> vector<256x16xf32>
    %eq3A_401 = arith.constant 0 : i32
    %eq3A_402 = vector.broadcast %eq3A_401 : i32 to vector<256x16xi32>
    %eq3A_403 = arith.cmpi eq, %shift_right_arithmetic3A_391, %eq3A_402 : vector<256x16xi32>
    %select_n3A_404 = arith.select %eq3A_403, %gather3A_400, %broadcast_in_dim3A_43 : vector<256x16xi1>, vector<256x16xf32>
    %slice3A_405 = vector.extract_strided_slice %dot_general3A_37 {offsets = [0, 128], sizes = [256, 128], strides = [1, 1]} : vector<256x2048xf32> to vector<256x128xf32>
    %lt3A_406 = arith.constant 0 : i32
    %lt3A_407 = vector.broadcast %lt3A_406 : i32 to vector<256x16xi32>
    %lt3A_408 = arith.cmpi slt, %and3A_389, %lt3A_407 : vector<256x16xi32>
    %add3A_409 = arith.constant 128 : i32
    %add3A_410 = vector.broadcast %add3A_409 : i32 to vector<256x16xi32>
    %add3A_411 = arith.addi %and3A_389, %add3A_410 : vector<256x16xi32>
    %select_n3A_412 = arith.select %lt3A_408, %add3A_411, %and3A_389 : vector<256x16xi1>, vector<256x16xi32>
    %reshape3A_413 = vector.shape_cast %select_n3A_412 : vector<256x16xi32> to vector<256x16x1xi32>
    %gather3A_414 = vector.shape_cast %reshape3A_413 : vector<256x16x1xi32> to vector<256x16xi32>
    %gather3A_415 = tpu.dynamic_gather %slice3A_405[%gather3A_414] in [1] : vector<256x128xf32>, vector<256x16xi32> -> vector<256x16xf32>
    %eq3A_416 = arith.constant 1 : i32
    %eq3A_417 = vector.broadcast %eq3A_416 : i32 to vector<256x16xi32>
    %eq3A_418 = arith.cmpi eq, %shift_right_arithmetic3A_391, %eq3A_417 : vector<256x16xi32>
    %select_n3A_419 = arith.select %eq3A_418, %gather3A_415, %select_n3A_404 : vector<256x16xi1>, vector<256x16xf32>
    %slice3A_420 = vector.extract_strided_slice %dot_general3A_37 {offsets = [0, 256], sizes = [256, 128], strides = [1, 1]} : vector<256x2048xf32> to vector<256x128xf32>
    %lt3A_421 = arith.constant 0 : i32
    %lt3A_422 = vector.broadcast %lt3A_421 : i32 to vector<256x16xi32>
    %lt3A_423 = arith.cmpi slt, %and3A_389, %lt3A_422 : vector<256x16xi32>
    %add3A_424 = arith.constant 128 : i32
    %add3A_425 = vector.broadcast %add3A_424 : i32 to vector<256x16xi32>
    %add3A_426 = arith.addi %and3A_389, %add3A_425 : vector<256x16xi32>
    %select_n3A_427 = arith.select %lt3A_423, %add3A_426, %and3A_389 : vector<256x16xi1>, vector<256x16xi32>
    %reshape3A_428 = vector.shape_cast %select_n3A_427 : vector<256x16xi32> to vector<256x16x1xi32>
    %gather3A_429 = vector.shape_cast %reshape3A_428 : vector<256x16x1xi32> to vector<256x16xi32>
    %gather3A_430 = tpu.dynamic_gather %slice3A_420[%gather3A_429] in [1] : vector<256x128xf32>, vector<256x16xi32> -> vector<256x16xf32>
    %eq3A_431 = arith.constant 2 : i32
    %eq3A_432 = vector.broadcast %eq3A_431 : i32 to vector<256x16xi32>
    %eq3A_433 = arith.cmpi eq, %shift_right_arithmetic3A_391, %eq3A_432 : vector<256x16xi32>
    %select_n3A_434 = arith.select %eq3A_433, %gather3A_430, %select_n3A_419 : vector<256x16xi1>, vector<256x16xf32>
    %slice3A_435 = vector.extract_strided_slice %dot_general3A_37 {offsets = [0, 384], sizes = [256, 128], strides = [1, 1]} : vector<256x2048xf32> to vector<256x128xf32>
    %lt3A_436 = arith.constant 0 : i32
    %lt3A_437 = vector.broadcast %lt3A_436 : i32 to vector<256x16xi32>
    %lt3A_438 = arith.cmpi slt, %and3A_389, %lt3A_437 : vector<256x16xi32>
    %add3A_439 = arith.constant 128 : i32
    %add3A_440 = vector.broadcast %add3A_439 : i32 to vector<256x16xi32>
    %add3A_441 = arith.addi %and3A_389, %add3A_440 : vector<256x16xi32>
    %select_n3A_442 = arith.select %lt3A_438, %add3A_441, %and3A_389 : vector<256x16xi1>, vector<256x16xi32>
    %reshape3A_443 = vector.shape_cast %select_n3A_442 : vector<256x16xi32> to vector<256x16x1xi32>
    %gather3A_444 = vector.shape_cast %reshape3A_443 : vector<256x16x1xi32> to vector<256x16xi32>
    %gather3A_445 = tpu.dynamic_gather %slice3A_435[%gather3A_444] in [1] : vector<256x128xf32>, vector<256x16xi32> -> vector<256x16xf32>
    %eq3A_446 = arith.constant 3 : i32
    %eq3A_447 = vector.broadcast %eq3A_446 : i32 to vector<256x16xi32>
    %eq3A_448 = arith.cmpi eq, %shift_right_arithmetic3A_391, %eq3A_447 : vector<256x16xi32>
    %select_n3A_449 = arith.select %eq3A_448, %gather3A_445, %select_n3A_434 : vector<256x16xi1>, vector<256x16xf32>
    %slice3A_450 = vector.extract_strided_slice %dot_general3A_37 {offsets = [0, 512], sizes = [256, 128], strides = [1, 1]} : vector<256x2048xf32> to vector<256x128xf32>
    %lt3A_451 = arith.constant 0 : i32
    %lt3A_452 = vector.broadcast %lt3A_451 : i32 to vector<256x16xi32>
    %lt3A_453 = arith.cmpi slt, %and3A_389, %lt3A_452 : vector<256x16xi32>
    %add3A_454 = arith.constant 128 : i32
    %add3A_455 = vector.broadcast %add3A_454 : i32 to vector<256x16xi32>
    %add3A_456 = arith.addi %and3A_389, %add3A_455 : vector<256x16xi32>
    %select_n3A_457 = arith.select %lt3A_453, %add3A_456, %and3A_389 : vector<256x16xi1>, vector<256x16xi32>
    %reshape3A_458 = vector.shape_cast %select_n3A_457 : vector<256x16xi32> to vector<256x16x1xi32>
    %gather3A_459 = vector.shape_cast %reshape3A_458 : vector<256x16x1xi32> to vector<256x16xi32>
    %gather3A_460 = tpu.dynamic_gather %slice3A_450[%gather3A_459] in [1] : vector<256x128xf32>, vector<256x16xi32> -> vector<256x16xf32>
    %eq3A_461 = arith.constant 4 : i32
    %eq3A_462 = vector.broadcast %eq3A_461 : i32 to vector<256x16xi32>
    %eq3A_463 = arith.cmpi eq, %shift_right_arithmetic3A_391, %eq3A_462 : vector<256x16xi32>
    %select_n3A_464 = arith.select %eq3A_463, %gather3A_460, %select_n3A_449 : vector<256x16xi1>, vector<256x16xf32>
    %slice3A_465 = vector.extract_strided_slice %dot_general3A_37 {offsets = [0, 640], sizes = [256, 128], strides = [1, 1]} : vector<256x2048xf32> to vector<256x128xf32>
    %lt3A_466 = arith.constant 0 : i32
    %lt3A_467 = vector.broadcast %lt3A_466 : i32 to vector<256x16xi32>
    %lt3A_468 = arith.cmpi slt, %and3A_389, %lt3A_467 : vector<256x16xi32>
    %add3A_469 = arith.constant 128 : i32
    %add3A_470 = vector.broadcast %add3A_469 : i32 to vector<256x16xi32>
    %add3A_471 = arith.addi %and3A_389, %add3A_470 : vector<256x16xi32>
    %select_n3A_472 = arith.select %lt3A_468, %add3A_471, %and3A_389 : vector<256x16xi1>, vector<256x16xi32>
    %reshape3A_473 = vector.shape_cast %select_n3A_472 : vector<256x16xi32> to vector<256x16x1xi32>
    %gather3A_474 = vector.shape_cast %reshape3A_473 : vector<256x16x1xi32> to vector<256x16xi32>
    %gather3A_475 = tpu.dynamic_gather %slice3A_465[%gather3A_474] in [1] : vector<256x128xf32>, vector<256x16xi32> -> vector<256x16xf32>
    %eq3A_476 = arith.constant 5 : i32
    %eq3A_477 = vector.broadcast %eq3A_476 : i32 to vector<256x16xi32>
    %eq3A_478 = arith.cmpi eq, %shift_right_arithmetic3A_391, %eq3A_477 : vector<256x16xi32>
    %select_n3A_479 = arith.select %eq3A_478, %gather3A_475, %select_n3A_464 : vector<256x16xi1>, vector<256x16xf32>
    %slice3A_480 = vector.extract_strided_slice %dot_general3A_37 {offsets = [0, 768], sizes = [256, 128], strides = [1, 1]} : vector<256x2048xf32> to vector<256x128xf32>
    %lt3A_481 = arith.constant 0 : i32
    %lt3A_482 = vector.broadcast %lt3A_481 : i32 to vector<256x16xi32>
    %lt3A_483 = arith.cmpi slt, %and3A_389, %lt3A_482 : vector<256x16xi32>
    %add3A_484 = arith.constant 128 : i32
    %add3A_485 = vector.broadcast %add3A_484 : i32 to vector<256x16xi32>
    %add3A_486 = arith.addi %and3A_389, %add3A_485 : vector<256x16xi32>
    %select_n3A_487 = arith.select %lt3A_483, %add3A_486, %and3A_389 : vector<256x16xi1>, vector<256x16xi32>
    %reshape3A_488 = vector.shape_cast %select_n3A_487 : vector<256x16xi32> to vector<256x16x1xi32>
    %gather3A_489 = vector.shape_cast %reshape3A_488 : vector<256x16x1xi32> to vector<256x16xi32>
    %gather3A_490 = tpu.dynamic_gather %slice3A_480[%gather3A_489] in [1] : vector<256x128xf32>, vector<256x16xi32> -> vector<256x16xf32>
    %eq3A_491 = arith.constant 6 : i32
    %eq3A_492 = vector.broadcast %eq3A_491 : i32 to vector<256x16xi32>
    %eq3A_493 = arith.cmpi eq, %shift_right_arithmetic3A_391, %eq3A_492 : vector<256x16xi32>
    %select_n3A_494 = arith.select %eq3A_493, %gather3A_490, %select_n3A_479 : vector<256x16xi1>, vector<256x16xf32>
    %slice3A_495 = vector.extract_strided_slice %dot_general3A_37 {offsets = [0, 896], sizes = [256, 128], strides = [1, 1]} : vector<256x2048xf32> to vector<256x128xf32>
    %lt3A_496 = arith.constant 0 : i32
    %lt3A_497 = vector.broadcast %lt3A_496 : i32 to vector<256x16xi32>
    %lt3A_498 = arith.cmpi slt, %and3A_389, %lt3A_497 : vector<256x16xi32>
    %add3A_499 = arith.constant 128 : i32
    %add3A_500 = vector.broadcast %add3A_499 : i32 to vector<256x16xi32>
    %add3A_501 = arith.addi %and3A_389, %add3A_500 : vector<256x16xi32>
    %select_n3A_502 = arith.select %lt3A_498, %add3A_501, %and3A_389 : vector<256x16xi1>, vector<256x16xi32>
    %reshape3A_503 = vector.shape_cast %select_n3A_502 : vector<256x16xi32> to vector<256x16x1xi32>
    %gather3A_504 = vector.shape_cast %reshape3A_503 : vector<256x16x1xi32> to vector<256x16xi32>
    %gather3A_505 = tpu.dynamic_gather %slice3A_495[%gather3A_504] in [1] : vector<256x128xf32>, vector<256x16xi32> -> vector<256x16xf32>
    %eq3A_506 = arith.constant 7 : i32
    %eq3A_507 = vector.broadcast %eq3A_506 : i32 to vector<256x16xi32>
    %eq3A_508 = arith.cmpi eq, %shift_right_arithmetic3A_391, %eq3A_507 : vector<256x16xi32>
    %select_n3A_509 = arith.select %eq3A_508, %gather3A_505, %select_n3A_494 : vector<256x16xi1>, vector<256x16xf32>
    %slice3A_510 = vector.extract_strided_slice %dot_general3A_37 {offsets = [0, 1024], sizes = [256, 128], strides = [1, 1]} : vector<256x2048xf32> to vector<256x128xf32>
    %lt3A_511 = arith.constant 0 : i32
    %lt3A_512 = vector.broadcast %lt3A_511 : i32 to vector<256x16xi32>
    %lt3A_513 = arith.cmpi slt, %and3A_389, %lt3A_512 : vector<256x16xi32>
    %add3A_514 = arith.constant 128 : i32
    %add3A_515 = vector.broadcast %add3A_514 : i32 to vector<256x16xi32>
    %add3A_516 = arith.addi %and3A_389, %add3A_515 : vector<256x16xi32>
    %select_n3A_517 = arith.select %lt3A_513, %add3A_516, %and3A_389 : vector<256x16xi1>, vector<256x16xi32>
    %reshape3A_518 = vector.shape_cast %select_n3A_517 : vector<256x16xi32> to vector<256x16x1xi32>
    %gather3A_519 = vector.shape_cast %reshape3A_518 : vector<256x16x1xi32> to vector<256x16xi32>
    %gather3A_520 = tpu.dynamic_gather %slice3A_510[%gather3A_519] in [1] : vector<256x128xf32>, vector<256x16xi32> -> vector<256x16xf32>
    %eq3A_521 = arith.constant 8 : i32
    %eq3A_522 = vector.broadcast %eq3A_521 : i32 to vector<256x16xi32>
    %eq3A_523 = arith.cmpi eq, %shift_right_arithmetic3A_391, %eq3A_522 : vector<256x16xi32>
    %select_n3A_524 = arith.select %eq3A_523, %gather3A_520, %select_n3A_509 : vector<256x16xi1>, vector<256x16xf32>
    %slice3A_525 = vector.extract_strided_slice %dot_general3A_37 {offsets = [0, 1152], sizes = [256, 128], strides = [1, 1]} : vector<256x2048xf32> to vector<256x128xf32>
    %lt3A_526 = arith.constant 0 : i32
    %lt3A_527 = vector.broadcast %lt3A_526 : i32 to vector<256x16xi32>
    %lt3A_528 = arith.cmpi slt, %and3A_389, %lt3A_527 : vector<256x16xi32>
    %add3A_529 = arith.constant 128 : i32
    %add3A_530 = vector.broadcast %add3A_529 : i32 to vector<256x16xi32>
    %add3A_531 = arith.addi %and3A_389, %add3A_530 : vector<256x16xi32>
    %select_n3A_532 = arith.select %lt3A_528, %add3A_531, %and3A_389 : vector<256x16xi1>, vector<256x16xi32>
    %reshape3A_533 = vector.shape_cast %select_n3A_532 : vector<256x16xi32> to vector<256x16x1xi32>
    %gather3A_534 = vector.shape_cast %reshape3A_533 : vector<256x16x1xi32> to vector<256x16xi32>
    %gather3A_535 = tpu.dynamic_gather %slice3A_525[%gather3A_534] in [1] : vector<256x128xf32>, vector<256x16xi32> -> vector<256x16xf32>
    %eq3A_536 = arith.constant 9 : i32
    %eq3A_537 = vector.broadcast %eq3A_536 : i32 to vector<256x16xi32>
    %eq3A_538 = arith.cmpi eq, %shift_right_arithmetic3A_391, %eq3A_537 : vector<256x16xi32>
    %select_n3A_539 = arith.select %eq3A_538, %gather3A_535, %select_n3A_524 : vector<256x16xi1>, vector<256x16xf32>
    %slice3A_540 = vector.extract_strided_slice %dot_general3A_37 {offsets = [0, 1280], sizes = [256, 128], strides = [1, 1]} : vector<256x2048xf32> to vector<256x128xf32>
    %lt3A_541 = arith.constant 0 : i32
    %lt3A_542 = vector.broadcast %lt3A_541 : i32 to vector<256x16xi32>
    %lt3A_543 = arith.cmpi slt, %and3A_389, %lt3A_542 : vector<256x16xi32>
    %add3A_544 = arith.constant 128 : i32
    %add3A_545 = vector.broadcast %add3A_544 : i32 to vector<256x16xi32>
    %add3A_546 = arith.addi %and3A_389, %add3A_545 : vector<256x16xi32>
    %select_n3A_547 = arith.select %lt3A_543, %add3A_546, %and3A_389 : vector<256x16xi1>, vector<256x16xi32>
    %reshape3A_548 = vector.shape_cast %select_n3A_547 : vector<256x16xi32> to vector<256x16x1xi32>
    %gather3A_549 = vector.shape_cast %reshape3A_548 : vector<256x16x1xi32> to vector<256x16xi32>
    %gather3A_550 = tpu.dynamic_gather %slice3A_540[%gather3A_549] in [1] : vector<256x128xf32>, vector<256x16xi32> -> vector<256x16xf32>
    %eq3A_551 = arith.constant 10 : i32
    %eq3A_552 = vector.broadcast %eq3A_551 : i32 to vector<256x16xi32>
    %eq3A_553 = arith.cmpi eq, %shift_right_arithmetic3A_391, %eq3A_552 : vector<256x16xi32>
    %select_n3A_554 = arith.select %eq3A_553, %gather3A_550, %select_n3A_539 : vector<256x16xi1>, vector<256x16xf32>
    %slice3A_555 = vector.extract_strided_slice %dot_general3A_37 {offsets = [0, 1408], sizes = [256, 128], strides = [1, 1]} : vector<256x2048xf32> to vector<256x128xf32>
    %lt3A_556 = arith.constant 0 : i32
    %lt3A_557 = vector.broadcast %lt3A_556 : i32 to vector<256x16xi32>
    %lt3A_558 = arith.cmpi slt, %and3A_389, %lt3A_557 : vector<256x16xi32>
    %add3A_559 = arith.constant 128 : i32
    %add3A_560 = vector.broadcast %add3A_559 : i32 to vector<256x16xi32>
    %add3A_561 = arith.addi %and3A_389, %add3A_560 : vector<256x16xi32>
    %select_n3A_562 = arith.select %lt3A_558, %add3A_561, %and3A_389 : vector<256x16xi1>, vector<256x16xi32>
    %reshape3A_563 = vector.shape_cast %select_n3A_562 : vector<256x16xi32> to vector<256x16x1xi32>
    %gather3A_564 = vector.shape_cast %reshape3A_563 : vector<256x16x1xi32> to vector<256x16xi32>
    %gather3A_565 = tpu.dynamic_gather %slice3A_555[%gather3A_564] in [1] : vector<256x128xf32>, vector<256x16xi32> -> vector<256x16xf32>
    %eq3A_566 = arith.constant 11 : i32
    %eq3A_567 = vector.broadcast %eq3A_566 : i32 to vector<256x16xi32>
    %eq3A_568 = arith.cmpi eq, %shift_right_arithmetic3A_391, %eq3A_567 : vector<256x16xi32>
    %select_n3A_569 = arith.select %eq3A_568, %gather3A_565, %select_n3A_554 : vector<256x16xi1>, vector<256x16xf32>
    %slice3A_570 = vector.extract_strided_slice %dot_general3A_37 {offsets = [0, 1536], sizes = [256, 128], strides = [1, 1]} : vector<256x2048xf32> to vector<256x128xf32>
    %lt3A_571 = arith.constant 0 : i32
    %lt3A_572 = vector.broadcast %lt3A_571 : i32 to vector<256x16xi32>
    %lt3A_573 = arith.cmpi slt, %and3A_389, %lt3A_572 : vector<256x16xi32>
    %add3A_574 = arith.constant 128 : i32
    %add3A_575 = vector.broadcast %add3A_574 : i32 to vector<256x16xi32>
    %add3A_576 = arith.addi %and3A_389, %add3A_575 : vector<256x16xi32>
    %select_n3A_577 = arith.select %lt3A_573, %add3A_576, %and3A_389 : vector<256x16xi1>, vector<256x16xi32>
    %reshape3A_578 = vector.shape_cast %select_n3A_577 : vector<256x16xi32> to vector<256x16x1xi32>
    %gather3A_579 = vector.shape_cast %reshape3A_578 : vector<256x16x1xi32> to vector<256x16xi32>
    %gather3A_580 = tpu.dynamic_gather %slice3A_570[%gather3A_579] in [1] : vector<256x128xf32>, vector<256x16xi32> -> vector<256x16xf32>
    %eq3A_581 = arith.constant 12 : i32
    %eq3A_582 = vector.broadcast %eq3A_581 : i32 to vector<256x16xi32>
    %eq3A_583 = arith.cmpi eq, %shift_right_arithmetic3A_391, %eq3A_582 : vector<256x16xi32>
    %select_n3A_584 = arith.select %eq3A_583, %gather3A_580, %select_n3A_569 : vector<256x16xi1>, vector<256x16xf32>
    %slice3A_585 = vector.extract_strided_slice %dot_general3A_37 {offsets = [0, 1664], sizes = [256, 128], strides = [1, 1]} : vector<256x2048xf32> to vector<256x128xf32>
    %lt3A_586 = arith.constant 0 : i32
    %lt3A_587 = vector.broadcast %lt3A_586 : i32 to vector<256x16xi32>
    %lt3A_588 = arith.cmpi slt, %and3A_389, %lt3A_587 : vector<256x16xi32>
    %add3A_589 = arith.constant 128 : i32
    %add3A_590 = vector.broadcast %add3A_589 : i32 to vector<256x16xi32>
    %add3A_591 = arith.addi %and3A_389, %add3A_590 : vector<256x16xi32>
    %select_n3A_592 = arith.select %lt3A_588, %add3A_591, %and3A_389 : vector<256x16xi1>, vector<256x16xi32>
    %reshape3A_593 = vector.shape_cast %select_n3A_592 : vector<256x16xi32> to vector<256x16x1xi32>
    %gather3A_594 = vector.shape_cast %reshape3A_593 : vector<256x16x1xi32> to vector<256x16xi32>
    %gather3A_595 = tpu.dynamic_gather %slice3A_585[%gather3A_594] in [1] : vector<256x128xf32>, vector<256x16xi32> -> vector<256x16xf32>
    %eq3A_596 = arith.constant 13 : i32
    %eq3A_597 = vector.broadcast %eq3A_596 : i32 to vector<256x16xi32>
    %eq3A_598 = arith.cmpi eq, %shift_right_arithmetic3A_391, %eq3A_597 : vector<256x16xi32>
    %select_n3A_599 = arith.select %eq3A_598, %gather3A_595, %select_n3A_584 : vector<256x16xi1>, vector<256x16xf32>
    %slice3A_600 = vector.extract_strided_slice %dot_general3A_37 {offsets = [0, 1792], sizes = [256, 128], strides = [1, 1]} : vector<256x2048xf32> to vector<256x128xf32>
    %lt3A_601 = arith.constant 0 : i32
    %lt3A_602 = vector.broadcast %lt3A_601 : i32 to vector<256x16xi32>
    %lt3A_603 = arith.cmpi slt, %and3A_389, %lt3A_602 : vector<256x16xi32>
    %add3A_604 = arith.constant 128 : i32
    %add3A_605 = vector.broadcast %add3A_604 : i32 to vector<256x16xi32>
    %add3A_606 = arith.addi %and3A_389, %add3A_605 : vector<256x16xi32>
    %select_n3A_607 = arith.select %lt3A_603, %add3A_606, %and3A_389 : vector<256x16xi1>, vector<256x16xi32>
    %reshape3A_608 = vector.shape_cast %select_n3A_607 : vector<256x16xi32> to vector<256x16x1xi32>
    %gather3A_609 = vector.shape_cast %reshape3A_608 : vector<256x16x1xi32> to vector<256x16xi32>
    %gather3A_610 = tpu.dynamic_gather %slice3A_600[%gather3A_609] in [1] : vector<256x128xf32>, vector<256x16xi32> -> vector<256x16xf32>
    %eq3A_611 = arith.constant 14 : i32
    %eq3A_612 = vector.broadcast %eq3A_611 : i32 to vector<256x16xi32>
    %eq3A_613 = arith.cmpi eq, %shift_right_arithmetic3A_391, %eq3A_612 : vector<256x16xi32>
    %select_n3A_614 = arith.select %eq3A_613, %gather3A_610, %select_n3A_599 : vector<256x16xi1>, vector<256x16xf32>
    %slice3A_615 = vector.extract_strided_slice %dot_general3A_37 {offsets = [0, 1920], sizes = [256, 128], strides = [1, 1]} : vector<256x2048xf32> to vector<256x128xf32>
    %lt3A_616 = arith.constant 0 : i32
    %lt3A_617 = vector.broadcast %lt3A_616 : i32 to vector<256x16xi32>
    %lt3A_618 = arith.cmpi slt, %and3A_389, %lt3A_617 : vector<256x16xi32>
    %add3A_619 = arith.constant 128 : i32
    %add3A_620 = vector.broadcast %add3A_619 : i32 to vector<256x16xi32>
    %add3A_621 = arith.addi %and3A_389, %add3A_620 : vector<256x16xi32>
    %select_n3A_622 = arith.select %lt3A_618, %add3A_621, %and3A_389 : vector<256x16xi1>, vector<256x16xi32>
    %reshape3A_623 = vector.shape_cast %select_n3A_622 : vector<256x16xi32> to vector<256x16x1xi32>
    %gather3A_624 = vector.shape_cast %reshape3A_623 : vector<256x16x1xi32> to vector<256x16xi32>
    %gather3A_625 = tpu.dynamic_gather %slice3A_615[%gather3A_624] in [1] : vector<256x128xf32>, vector<256x16xi32> -> vector<256x16xf32>
    %eq3A_626 = arith.constant 15 : i32
    %eq3A_627 = vector.broadcast %eq3A_626 : i32 to vector<256x16xi32>
    %eq3A_628 = arith.cmpi eq, %shift_right_arithmetic3A_391, %eq3A_627 : vector<256x16xi32>
    %select_n3A_629 = arith.select %eq3A_628, %gather3A_625, %select_n3A_614 : vector<256x16xi1>, vector<256x16xf32>
    %swap3A = arith.constant 0 : index
    %swap3A_630 = arith.constant 0 : index
    %swap3A_631 = vector.load %arg6[%swap3A, %swap3A_630] : memref<256x16xi32, #tpu.memory_space<vmem>>, vector<256x16xi32>
    tpu.vector_store %arg6[%swap3A, %swap3A_630], %convert_element_type3A_387 {strides = array<i32>} : memref<256x16xi32, #tpu.memory_space<vmem>>, vector<256x16xi32>,
    %swap3A_632 = arith.constant 0 : index
    %swap3A_633 = arith.constant 0 : index
    %swap3A_634 = vector.load %arg7[%swap3A_632, %swap3A_633] : memref<256x16xf32, #tpu.memory_space<vmem>>, vector<256x16xf32>
    tpu.vector_store %arg7[%swap3A_632, %swap3A_633], %select_n3A_629 {strides = array<i32>} : memref<256x16xf32, #tpu.memory_space<vmem>>, vector<256x16xf32>,
    return
  }
  func.func @transform_0(%arg0: i32) -> (i32, i32, i32) {
    %c3_i32 = arith.constant 3 : i32
    %c0_i32 = arith.constant 0 : i32
    %c0_i32_0 = arith.constant 0 : i32
    return %c3_i32, %arg0, %c0_i32 : i32, i32, i32
  }
  func.func @transform_1(%arg0: i32) -> (i32, i32, i32) {
    %c3_i32 = arith.constant 3 : i32
    %c0_i32 = arith.constant 0 : i32
    %c0_i32_0 = arith.constant 0 : i32
    %c0_i32_1 = arith.constant 0 : i32
    return %c3_i32, %c0_i32, %c0_i32_0 : i32, i32, i32
  }
  func.func @transform_2(%arg0: i32) -> (i32, i32, i32) {
    %c3_i32 = arith.constant 3 : i32
    %c0_i32 = arith.constant 0 : i32
    %c0_i32_0 = arith.constant 0 : i32
    %c0_i32_1 = arith.constant 0 : i32
    return %c3_i32, %c0_i32, %c0_i32_0 : i32, i32, i32
  }
  func.func @transform_3(%arg0: i32) -> (i32, i32, i32) {
    %c3_i32 = arith.constant 3 : i32
    %c0_i32 = arith.constant 0 : i32
    %c0_i32_0 = arith.constant 0 : i32
    %c0_i32_1 = arith.constant 0 : i32
    return %c3_i32, %c0_i32, %c0_i32_0 : i32, i32, i32
  }
  func.func @transform_4(%arg0: i32) -> (i32, i32, i32) {
    %c3_i32 = arith.constant 3 : i32
    %c0_i32 = arith.constant 0 : i32
    %c0_i32_0 = arith.constant 0 : i32
    return %c3_i32, %arg0, %c0_i32 : i32, i32, i32
  }
  func.func @transform_5(%arg0: i32) -> (i32, i32) {
    %c0_i32 = arith.constant 0 : i32
    %c0_i32_0 = arith.constant 0 : i32
    return %arg0, %c0_i32 : i32, i32
  }
  func.func @transform_6(%arg0: i32) -> (i32, i32) {
    %c0_i32 = arith.constant 0 : i32
    %c0_i32_0 = arith.constant 0 : i32
    return %arg0, %c0_i32 : i32, i32
  }
}

module attributes {stable_mosaic.version = 14 : i64} {
  func.func @_attn_body(%arg0: i32, %arg1: memref<512x16x128xf32, #tpu.memory_space<vmem>>, %arg2: memref<1x512x64xf32, #tpu.memory_space<vmem>>, %arg3: memref<512x16xf32, #tpu.memory_space<vmem>>, %arg4: memref<1x512x16xf32, #tpu.memory_space<vmem>>, %arg5: memref<1x512x32xf32, #tpu.memory_space<vmem>>, %arg6: memref<16x64xf32, #tpu.memory_space<vmem>>, %arg7: memref<1x64xf32, #tpu.memory_space<vmem>>, %arg8: memref<64x64xf32, #tpu.memory_space<vmem>>, %arg9: memref<1x64xf32, #tpu.memory_space<vmem>>, %arg10: memref<64x32xf32, #tpu.memory_space<vmem>>, %arg11: memref<1x32xf32, #tpu.memory_space<vmem>>, %arg12: memref<1x32xf32, #tpu.memory_space<vmem>>, %arg13: memref<1x32xf32, #tpu.memory_space<vmem>>, %arg14: memref<512x32xf32, #tpu.memory_space<vmem>>, %arg15: memref<512x16xf32, #tpu.memory_space<vmem>>) attributes {dimension_semantics = [#tpu.dimension_semantics<parallel>], iteration_bounds = array<i64: 4>, scalar_prefetch = 0 : i64, scratch_operands = 0 : i64, tpu.core_type = #tpu.core_type<tc>, window_params = [{transform_indices = @transform_0, window_bounds = array<i64: 512, 16, 128>}, {transform_indices = @transform_1, window_bounds = array<i64: 1, 512, 64>}, {transform_indices = @transform_2, window_bounds = array<i64: 512, 16>}, {transform_indices = @transform_3, window_bounds = array<i64: 1, 512, 16>}, {transform_indices = @transform_4, window_bounds = array<i64: 1, 512, 32>}, {pipeline_mode = #tpu.pipeline_mode<synchronous>, transform_indices = @transform_5, window_bounds = array<i64: 16, 64>}, {pipeline_mode = #tpu.pipeline_mode<synchronous>, transform_indices = @transform_6, window_bounds = array<i64: 1, 64>}, {pipeline_mode = #tpu.pipeline_mode<synchronous>, transform_indices = @transform_7, window_bounds = array<i64: 64, 64>}, {pipeline_mode = #tpu.pipeline_mode<synchronous>, transform_indices = @transform_8, window_bounds = array<i64: 1, 64>}, {pipeline_mode = #tpu.pipeline_mode<synchronous>, transform_indices = @transform_9, window_bounds = array<i64: 64, 32>}, {pipeline_mode = #tpu.pipeline_mode<synchronous>, transform_indices = @transform_10, window_bounds = array<i64: 1, 32>}, {pipeline_mode = #tpu.pipeline_mode<synchronous>, transform_indices = @transform_11, window_bounds = array<i64: 1, 32>}, {pipeline_mode = #tpu.pipeline_mode<synchronous>, transform_indices = @transform_12, window_bounds = array<i64: 1, 32>}, {transform_indices = @transform_13, window_bounds = array<i64: 512, 32>}, {transform_indices = @transform_14, window_bounds = array<i64: 512, 16>}]} {
    %get3A = arith.constant 0 : index
    %get3A_0 = arith.constant 0 : index
    %get3A_1 = arith.constant 0 : index
    %get3A_2 = vector.load %arg1[%get3A, %get3A_0, %get3A_1] : memref<512x16x128xf32, #tpu.memory_space<vmem>>, vector<512x16x128xf32>
    %slice3A = vector.extract_strided_slice %get3A_2 {offsets = [0, 0, 0], sizes = [512, 16, 64], strides = [1, 1, 1]} : vector<512x16x128xf32> to vector<512x16x64xf32>
    %slice3A_3 = vector.extract_strided_slice %get3A_2 {offsets = [0, 0, 64], sizes = [512, 16, 16], strides = [1, 1, 1]} : vector<512x16x128xf32> to vector<512x16x16xf32>
    %get3A_4 = arith.constant 0 : index
    %get3A_5 = arith.constant 0 : index
    %get3A_6 = arith.constant 0 : index
    %get3A_7 = vector.load %arg4[%get3A_4, %get3A_5, %get3A_6] : memref<1x512x16xf32, #tpu.memory_space<vmem>>, vector<1x512x16xf32>
    %get3A_8 = vector.shape_cast %get3A_7 : vector<1x512x16xf32> to vector<512x16xf32>
    %broadcast_in_dim3A = vector.shape_cast %get3A_8 : vector<512x16xf32> to vector<512x1x16xf32>
    %sub3A = vector.broadcast %broadcast_in_dim3A : vector<512x1x16xf32> to vector<512x16x16xf32>
    %sub3A_9 = arith.subf %sub3A, %slice3A_3 : vector<512x16x16xf32>
    %reshape3A = vector.shape_cast %sub3A_9 : vector<512x16x16xf32> to vector<8192x16xf32>
    %get3A_10 = arith.constant 0 : index
    %get3A_11 = arith.constant 0 : index
    %get3A_12 = vector.load %arg6[%get3A_10, %get3A_11] : memref<16x64xf32, #tpu.memory_space<vmem>>, vector<16x64xf32>
    %dot_general3A = arith.constant dense<0.000000e+00> : vector<8192x64xf32>
    %dot_general3A_13 = tpu.matmul %reshape3A, %get3A_12, %dot_general3A {dimension_numbers = #tpu.dot_dimension_numbers<[1], [0], [0], [1], [0, 0, 1, 1], [], []>, transpose_lhs_hint = false} : vector<8192x16xf32>, vector<16x64xf32>, vector<8192x64xf32> -> vector<8192x64xf32>
    %get3A_14 = arith.constant 0 : index
    %get3A_15 = arith.constant 0 : index
    %get3A_16 = vector.load %arg7[%get3A_14, %get3A_15] : memref<1x64xf32, #tpu.memory_space<vmem>>, vector<1x64xf32>
    %add3A = vector.broadcast %get3A_16 : vector<1x64xf32> to vector<8192x64xf32>
    %add3A_17 = arith.addf %dot_general3A_13, %add3A : vector<8192x64xf32>
    %max3A = arith.constant 0.000000e+00 : f32
    %max3A_18 = vector.broadcast %max3A : f32 to vector<8192x64xf32>
    %max3A_19 = arith.maximumf %add3A_17, %max3A_18 : vector<8192x64xf32>
    %get3A_20 = arith.constant 0 : index
    %get3A_21 = arith.constant 0 : index
    %get3A_22 = vector.load %arg8[%get3A_20, %get3A_21] : memref<64x64xf32, #tpu.memory_space<vmem>>, vector<64x64xf32>
    %dot_general3A_23 = arith.constant dense<0.000000e+00> : vector<8192x64xf32>
    %dot_general3A_24 = tpu.matmul %max3A_19, %get3A_22, %dot_general3A_23 {dimension_numbers = #tpu.dot_dimension_numbers<[1], [0], [0], [1], [0, 0, 1, 1], [], []>, transpose_lhs_hint = false} : vector<8192x64xf32>, vector<64x64xf32>, vector<8192x64xf32> -> vector<8192x64xf32>
    %get3A_25 = arith.constant 0 : index
    %get3A_26 = arith.constant 0 : index
    %get3A_27 = vector.load %arg9[%get3A_25, %get3A_26] : memref<1x64xf32, #tpu.memory_space<vmem>>, vector<1x64xf32>
    %add3A_28 = vector.broadcast %get3A_27 : vector<1x64xf32> to vector<8192x64xf32>
    %add3A_29 = arith.addf %dot_general3A_24, %add3A_28 : vector<8192x64xf32>
    %reshape3A_30 = vector.shape_cast %add3A_29 : vector<8192x64xf32> to vector<512x16x64xf32>
    %get3A_31 = arith.constant 0 : index
    %get3A_32 = arith.constant 0 : index
    %get3A_33 = arith.constant 0 : index
    %get3A_34 = vector.load %arg2[%get3A_31, %get3A_32, %get3A_33] : memref<1x512x64xf32, #tpu.memory_space<vmem>>, vector<1x512x64xf32>
    %get3A_35 = vector.shape_cast %get3A_34 : vector<1x512x64xf32> to vector<512x64xf32>
    %get3A_36 = arith.constant 0 : index
    %get3A_37 = arith.constant 0 : index
    %get3A_38 = vector.load %arg3[%get3A_36, %get3A_37] : memref<512x16xf32, #tpu.memory_space<vmem>>, vector<512x16xf32>
    %broadcast_in_dim3A_39 = vector.shape_cast %get3A_35 : vector<512x64xf32> to vector<512x1x64xf32>
    %mul3A = vector.broadcast %broadcast_in_dim3A_39 : vector<512x1x64xf32> to vector<512x16x64xf32>
    %mul3A_40 = arith.mulf %mul3A, %reshape3A_30 : vector<512x16x64xf32>
    %reduce_sum3A = arith.constant dense<0.000000e+00> : vector<512x16xf32>
    %reduce_sum3A_41 = vector.multi_reduction <add>, %mul3A_40, %reduce_sum3A [2] : vector<512x16x64xf32> to vector<512x16xf32>
    %add3A_42 = arith.addf %get3A_38, %reduce_sum3A_41 : vector<512x16xf32>
    %mul3A_43 = arith.constant 1.250000e-01 : f32
    %mul3A_44 = vector.broadcast %mul3A_43 : f32 to vector<512x16xf32>
    %mul3A_45 = arith.mulf %add3A_42, %mul3A_44 : vector<512x16xf32>
    %reduce_max3A = arith.constant dense<0xFF800000> : vector<512xf32>
    %reduce_max3A_46 = vector.multi_reduction <maximumf>, %mul3A_45, %reduce_max3A [1] : vector<512x16xf32> to vector<512xf32>
    %broadcast_in_dim3A_47 = vector.shape_cast %reduce_max3A_46 : vector<512xf32> to vector<512x1xf32>
    %sub3A_48 = vector.broadcast %broadcast_in_dim3A_47 : vector<512x1xf32> to vector<512x16xf32>
    %sub3A_49 = arith.subf %mul3A_45, %sub3A_48 : vector<512x16xf32>
    %exp3A = math.exp %sub3A_49 : vector<512x16xf32>
    %reduce_sum3A_50 = arith.constant dense<0.000000e+00> : vector<512xf32>
    %reduce_sum3A_51 = vector.multi_reduction <add>, %exp3A, %reduce_sum3A_50 [1] : vector<512x16xf32> to vector<512xf32>
    %broadcast_in_dim3A_52 = vector.shape_cast %reduce_sum3A_51 : vector<512xf32> to vector<512x1xf32>
    %div3A = vector.broadcast %broadcast_in_dim3A_52 : vector<512x1xf32> to vector<512x16xf32>
    %div3A_53 = arith.divf %exp3A, %div3A : vector<512x16xf32>
    %swap3A = arith.constant 0 : index
    %swap3A_54 = arith.constant 0 : index
    %swap3A_55 = vector.load %arg15[%swap3A, %swap3A_54] : memref<512x16xf32, #tpu.memory_space<vmem>>, vector<512x16xf32>
    tpu.vector_store %arg15[%swap3A, %swap3A_54], %div3A_53 {strides = array<i32>} : memref<512x16xf32, #tpu.memory_space<vmem>>, vector<512x16xf32>,
    %broadcast_in_dim3A_56 = vector.shape_cast %div3A_53 : vector<512x16xf32> to vector<512x16x1xf32>
    %add3A_57 = arith.addf %slice3A, %reshape3A_30 : vector<512x16x64xf32>
    %mul3A_58 = vector.broadcast %broadcast_in_dim3A_56 : vector<512x16x1xf32> to vector<512x16x64xf32>
    %mul3A_59 = arith.mulf %mul3A_58, %add3A_57 : vector<512x16x64xf32>
    %reduce_sum3A_60 = arith.constant dense<0.000000e+00> : vector<512x64xf32>
    %reduce_sum3A_61 = vector.multi_reduction <add>, %mul3A_59, %reduce_sum3A_60 [1] : vector<512x16x64xf32> to vector<512x64xf32>
    %get3A_62 = arith.constant 0 : index
    %get3A_63 = arith.constant 0 : index
    %get3A_64 = vector.load %arg10[%get3A_62, %get3A_63] : memref<64x32xf32, #tpu.memory_space<vmem>>, vector<64x32xf32>
    %dot_general3A_65 = arith.constant dense<0.000000e+00> : vector<512x32xf32>
    %dot_general3A_66 = tpu.matmul %reduce_sum3A_61, %get3A_64, %dot_general3A_65 {dimension_numbers = #tpu.dot_dimension_numbers<[1], [0], [0], [1], [0, 0, 1, 1], [], []>, transpose_lhs_hint = false} : vector<512x64xf32>, vector<64x32xf32>, vector<512x32xf32> -> vector<512x32xf32>
    %get3A_67 = arith.constant 0 : index
    %get3A_68 = arith.constant 0 : index
    %get3A_69 = vector.load %arg11[%get3A_67, %get3A_68] : memref<1x32xf32, #tpu.memory_space<vmem>>, vector<1x32xf32>
    %add3A_70 = vector.broadcast %get3A_69 : vector<1x32xf32> to vector<512x32xf32>
    %add3A_71 = arith.addf %dot_general3A_66, %add3A_70 : vector<512x32xf32>
    %get3A_72 = arith.constant 0 : index
    %get3A_73 = arith.constant 0 : index
    %get3A_74 = vector.load %arg12[%get3A_72, %get3A_73] : memref<1x32xf32, #tpu.memory_space<vmem>>, vector<1x32xf32>
    %get3A_75 = arith.constant 0 : index
    %get3A_76 = arith.constant 0 : index
    %get3A_77 = vector.load %arg13[%get3A_75, %get3A_76] : memref<1x32xf32, #tpu.memory_space<vmem>>, vector<1x32xf32>
    %reduce_sum3A_78 = arith.constant dense<0.000000e+00> : vector<512xf32>
    %reduce_sum3A_79 = vector.multi_reduction <add>, %add3A_71, %reduce_sum3A_78 [1] : vector<512x32xf32> to vector<512xf32>
    %broadcast_in_dim3A_80 = vector.shape_cast %reduce_sum3A_79 : vector<512xf32> to vector<512x1xf32>
    %div3A_81 = arith.constant 3.200000e+01 : f32
    %div3A_82 = vector.broadcast %div3A_81 : f32 to vector<512x1xf32>
    %div3A_83 = arith.divf %broadcast_in_dim3A_80, %div3A_82 : vector<512x1xf32>
    %sub3A_84 = vector.broadcast %div3A_83 : vector<512x1xf32> to vector<512x32xf32>
    %sub3A_85 = arith.subf %add3A_71, %sub3A_84 : vector<512x32xf32>
    %integer_pow3A = arith.mulf %sub3A_85, %sub3A_85 : vector<512x32xf32>
    %reduce_sum3A_86 = arith.constant dense<0.000000e+00> : vector<512xf32>
    %reduce_sum3A_87 = vector.multi_reduction <add>, %integer_pow3A, %reduce_sum3A_86 [1] : vector<512x32xf32> to vector<512xf32>
    %broadcast_in_dim3A_88 = vector.shape_cast %reduce_sum3A_87 : vector<512xf32> to vector<512x1xf32>
    %div3A_89 = arith.constant 3.200000e+01 : f32
    %div3A_90 = vector.broadcast %div3A_89 : f32 to vector<512x1xf32>
    %div3A_91 = arith.divf %broadcast_in_dim3A_88, %div3A_90 : vector<512x1xf32>
    %sub3A_92 = vector.broadcast %div3A_83 : vector<512x1xf32> to vector<512x32xf32>
    %sub3A_93 = arith.subf %add3A_71, %sub3A_92 : vector<512x32xf32>
    %add3A_94 = arith.constant 9.99999974E-6 : f32
    %add3A_95 = vector.broadcast %add3A_94 : f32 to vector<512x1xf32>
    %add3A_96 = arith.addf %div3A_91, %add3A_95 : vector<512x1xf32>
    %rsqrt3A = math.rsqrt %add3A_96 : vector<512x1xf32>
    %mul3A_97 = vector.broadcast %rsqrt3A : vector<512x1xf32> to vector<512x32xf32>
    %mul3A_98 = arith.mulf %sub3A_93, %mul3A_97 : vector<512x32xf32>
    %mul3A_99 = vector.broadcast %get3A_74 : vector<1x32xf32> to vector<512x32xf32>
    %mul3A_100 = arith.mulf %mul3A_98, %mul3A_99 : vector<512x32xf32>
    %add3A_101 = vector.broadcast %get3A_77 : vector<1x32xf32> to vector<512x32xf32>
    %add3A_102 = arith.addf %mul3A_100, %add3A_101 : vector<512x32xf32>
    %get3A_103 = arith.constant 0 : index
    %get3A_104 = arith.constant 0 : index
    %get3A_105 = arith.constant 0 : index
    %get3A_106 = vector.load %arg5[%get3A_103, %get3A_104, %get3A_105] : memref<1x512x32xf32, #tpu.memory_space<vmem>>, vector<1x512x32xf32>
    %get3A_107 = vector.shape_cast %get3A_106 : vector<1x512x32xf32> to vector<512x32xf32>
    %add3A_108 = arith.addf %add3A_102, %get3A_107 : vector<512x32xf32>
    %swap3A_109 = arith.constant 0 : index
    %swap3A_110 = arith.constant 0 : index
    %swap3A_111 = vector.load %arg14[%swap3A_109, %swap3A_110] : memref<512x32xf32, #tpu.memory_space<vmem>>, vector<512x32xf32>
    tpu.vector_store %arg14[%swap3A_109, %swap3A_110], %add3A_108 {strides = array<i32>} : memref<512x32xf32, #tpu.memory_space<vmem>>, vector<512x32xf32>,
    return
  }
  func.func @transform_0(%arg0: i32) -> (i32, i32, i32) {
    %c0_i32 = arith.constant 0 : i32
    %c0_i32_0 = arith.constant 0 : i32
    %c0_i32_1 = arith.constant 0 : i32
    return %arg0, %c0_i32, %c0_i32_0 : i32, i32, i32
  }
  func.func @transform_1(%arg0: i32) -> (i32, i32, i32) {
    %c1_i32 = arith.constant 1 : i32
    %c0_i32 = arith.constant 0 : i32
    %c0_i32_0 = arith.constant 0 : i32
    return %c1_i32, %arg0, %c0_i32 : i32, i32, i32
  }
  func.func @transform_2(%arg0: i32) -> (i32, i32) {
    %c0_i32 = arith.constant 0 : i32
    %c0_i32_0 = arith.constant 0 : i32
    return %arg0, %c0_i32 : i32, i32
  }
  func.func @transform_3(%arg0: i32) -> (i32, i32, i32) {
    %c1_i32 = arith.constant 1 : i32
    %c0_i32 = arith.constant 0 : i32
    %c0_i32_0 = arith.constant 0 : i32
    return %c1_i32, %arg0, %c0_i32 : i32, i32, i32
  }
  func.func @transform_4(%arg0: i32) -> (i32, i32, i32) {
    %c1_i32 = arith.constant 1 : i32
    %c0_i32 = arith.constant 0 : i32
    %c0_i32_0 = arith.constant 0 : i32
    return %c1_i32, %arg0, %c0_i32 : i32, i32, i32
  }
  func.func @transform_5(%arg0: i32) -> (i32, i32) {
    %c0_i32 = arith.constant 0 : i32
    %c0_i32_0 = arith.constant 0 : i32
    %c0_i32_1 = arith.constant 0 : i32
    return %c0_i32, %c0_i32_0 : i32, i32
  }
  func.func @transform_6(%arg0: i32) -> (i32, i32) {
    %c0_i32 = arith.constant 0 : i32
    %c0_i32_0 = arith.constant 0 : i32
    %c0_i32_1 = arith.constant 0 : i32
    return %c0_i32, %c0_i32_0 : i32, i32
  }
  func.func @transform_7(%arg0: i32) -> (i32, i32) {
    %c0_i32 = arith.constant 0 : i32
    %c0_i32_0 = arith.constant 0 : i32
    %c0_i32_1 = arith.constant 0 : i32
    return %c0_i32, %c0_i32_0 : i32, i32
  }
  func.func @transform_8(%arg0: i32) -> (i32, i32) {
    %c0_i32 = arith.constant 0 : i32
    %c0_i32_0 = arith.constant 0 : i32
    %c0_i32_1 = arith.constant 0 : i32
    return %c0_i32, %c0_i32_0 : i32, i32
  }
  func.func @transform_9(%arg0: i32) -> (i32, i32) {
    %c0_i32 = arith.constant 0 : i32
    %c0_i32_0 = arith.constant 0 : i32
    %c0_i32_1 = arith.constant 0 : i32
    return %c0_i32, %c0_i32_0 : i32, i32
  }
  func.func @transform_10(%arg0: i32) -> (i32, i32) {
    %c0_i32 = arith.constant 0 : i32
    %c0_i32_0 = arith.constant 0 : i32
    %c0_i32_1 = arith.constant 0 : i32
    return %c0_i32, %c0_i32_0 : i32, i32
  }
  func.func @transform_11(%arg0: i32) -> (i32, i32) {
    %c0_i32 = arith.constant 0 : i32
    %c0_i32_0 = arith.constant 0 : i32
    %c0_i32_1 = arith.constant 0 : i32
    return %c0_i32, %c0_i32_0 : i32, i32
  }
  func.func @transform_12(%arg0: i32) -> (i32, i32) {
    %c0_i32 = arith.constant 0 : i32
    %c0_i32_0 = arith.constant 0 : i32
    %c0_i32_1 = arith.constant 0 : i32
    return %c0_i32, %c0_i32_0 : i32, i32
  }
  func.func @transform_13(%arg0: i32) -> (i32, i32) {
    %c0_i32 = arith.constant 0 : i32
    %c0_i32_0 = arith.constant 0 : i32
    return %arg0, %c0_i32 : i32, i32
  }
  func.func @transform_14(%arg0: i32) -> (i32, i32) {
    %c0_i32 = arith.constant 0 : i32
    %c0_i32_0 = arith.constant 0 : i32
    return %arg0, %c0_i32 : i32, i32
  }
}

module attributes {stable_mosaic.version = 14 : i64} {
  func.func @_attn_body(%arg0: i32, %arg1: memref<512x16x128xf32, #tpu.memory_space<vmem>>, %arg2: memref<1x512x64xf32, #tpu.memory_space<vmem>>, %arg3: memref<512x16xf32, #tpu.memory_space<vmem>>, %arg4: memref<1x512x16xf32, #tpu.memory_space<vmem>>, %arg5: memref<1x512x32xf32, #tpu.memory_space<vmem>>, %arg6: memref<16x64xf32, #tpu.memory_space<vmem>>, %arg7: memref<1x64xf32, #tpu.memory_space<vmem>>, %arg8: memref<64x64xf32, #tpu.memory_space<vmem>>, %arg9: memref<1x64xf32, #tpu.memory_space<vmem>>, %arg10: memref<64x32xf32, #tpu.memory_space<vmem>>, %arg11: memref<1x32xf32, #tpu.memory_space<vmem>>, %arg12: memref<1x32xf32, #tpu.memory_space<vmem>>, %arg13: memref<1x32xf32, #tpu.memory_space<vmem>>, %arg14: memref<512x32xf32, #tpu.memory_space<vmem>>, %arg15: memref<512x16xf32, #tpu.memory_space<vmem>>) attributes {dimension_semantics = [#tpu.dimension_semantics<parallel>], iteration_bounds = array<i64: 4>, scalar_prefetch = 0 : i64, scratch_operands = 0 : i64, tpu.core_type = #tpu.core_type<tc>, window_params = [{transform_indices = @transform_0, window_bounds = array<i64: 512, 16, 128>}, {transform_indices = @transform_1, window_bounds = array<i64: 1, 512, 64>}, {transform_indices = @transform_2, window_bounds = array<i64: 512, 16>}, {transform_indices = @transform_3, window_bounds = array<i64: 1, 512, 16>}, {transform_indices = @transform_4, window_bounds = array<i64: 1, 512, 32>}, {pipeline_mode = #tpu.pipeline_mode<synchronous>, transform_indices = @transform_5, window_bounds = array<i64: 16, 64>}, {pipeline_mode = #tpu.pipeline_mode<synchronous>, transform_indices = @transform_6, window_bounds = array<i64: 1, 64>}, {pipeline_mode = #tpu.pipeline_mode<synchronous>, transform_indices = @transform_7, window_bounds = array<i64: 64, 64>}, {pipeline_mode = #tpu.pipeline_mode<synchronous>, transform_indices = @transform_8, window_bounds = array<i64: 1, 64>}, {pipeline_mode = #tpu.pipeline_mode<synchronous>, transform_indices = @transform_9, window_bounds = array<i64: 64, 32>}, {pipeline_mode = #tpu.pipeline_mode<synchronous>, transform_indices = @transform_10, window_bounds = array<i64: 1, 32>}, {pipeline_mode = #tpu.pipeline_mode<synchronous>, transform_indices = @transform_11, window_bounds = array<i64: 1, 32>}, {pipeline_mode = #tpu.pipeline_mode<synchronous>, transform_indices = @transform_12, window_bounds = array<i64: 1, 32>}, {transform_indices = @transform_13, window_bounds = array<i64: 512, 32>}, {transform_indices = @transform_14, window_bounds = array<i64: 512, 16>}]} {
    %get3A = arith.constant 0 : index
    %get3A_0 = arith.constant 0 : index
    %get3A_1 = arith.constant 0 : index
    %get3A_2 = vector.load %arg1[%get3A, %get3A_0, %get3A_1] : memref<512x16x128xf32, #tpu.memory_space<vmem>>, vector<512x16x128xf32>
    %slice3A = vector.extract_strided_slice %get3A_2 {offsets = [0, 0, 0], sizes = [512, 16, 64], strides = [1, 1, 1]} : vector<512x16x128xf32> to vector<512x16x64xf32>
    %slice3A_3 = vector.extract_strided_slice %get3A_2 {offsets = [0, 0, 64], sizes = [512, 16, 16], strides = [1, 1, 1]} : vector<512x16x128xf32> to vector<512x16x16xf32>
    %get3A_4 = arith.constant 0 : index
    %get3A_5 = arith.constant 0 : index
    %get3A_6 = arith.constant 0 : index
    %get3A_7 = vector.load %arg4[%get3A_4, %get3A_5, %get3A_6] : memref<1x512x16xf32, #tpu.memory_space<vmem>>, vector<1x512x16xf32>
    %get3A_8 = vector.shape_cast %get3A_7 : vector<1x512x16xf32> to vector<512x16xf32>
    %broadcast_in_dim3A = vector.shape_cast %get3A_8 : vector<512x16xf32> to vector<512x1x16xf32>
    %sub3A = vector.broadcast %broadcast_in_dim3A : vector<512x1x16xf32> to vector<512x16x16xf32>
    %sub3A_9 = arith.subf %sub3A, %slice3A_3 : vector<512x16x16xf32>
    %reshape3A = vector.shape_cast %sub3A_9 : vector<512x16x16xf32> to vector<8192x16xf32>
    %get3A_10 = arith.constant 0 : index
    %get3A_11 = arith.constant 0 : index
    %get3A_12 = vector.load %arg6[%get3A_10, %get3A_11] : memref<16x64xf32, #tpu.memory_space<vmem>>, vector<16x64xf32>
    %dot_general3A = arith.constant dense<0.000000e+00> : vector<8192x64xf32>
    %dot_general3A_13 = tpu.matmul %reshape3A, %get3A_12, %dot_general3A {dimension_numbers = #tpu.dot_dimension_numbers<[1], [0], [0], [1], [0, 0, 1, 1], [], []>, transpose_lhs_hint = false} : vector<8192x16xf32>, vector<16x64xf32>, vector<8192x64xf32> -> vector<8192x64xf32>
    %get3A_14 = arith.constant 0 : index
    %get3A_15 = arith.constant 0 : index
    %get3A_16 = vector.load %arg7[%get3A_14, %get3A_15] : memref<1x64xf32, #tpu.memory_space<vmem>>, vector<1x64xf32>
    %add3A = vector.broadcast %get3A_16 : vector<1x64xf32> to vector<8192x64xf32>
    %add3A_17 = arith.addf %dot_general3A_13, %add3A : vector<8192x64xf32>
    %max3A = arith.constant 0.000000e+00 : f32
    %max3A_18 = vector.broadcast %max3A : f32 to vector<8192x64xf32>
    %max3A_19 = arith.maximumf %add3A_17, %max3A_18 : vector<8192x64xf32>
    %get3A_20 = arith.constant 0 : index
    %get3A_21 = arith.constant 0 : index
    %get3A_22 = vector.load %arg8[%get3A_20, %get3A_21] : memref<64x64xf32, #tpu.memory_space<vmem>>, vector<64x64xf32>
    %dot_general3A_23 = arith.constant dense<0.000000e+00> : vector<8192x64xf32>
    %dot_general3A_24 = tpu.matmul %max3A_19, %get3A_22, %dot_general3A_23 {dimension_numbers = #tpu.dot_dimension_numbers<[1], [0], [0], [1], [0, 0, 1, 1], [], []>, transpose_lhs_hint = false} : vector<8192x64xf32>, vector<64x64xf32>, vector<8192x64xf32> -> vector<8192x64xf32>
    %get3A_25 = arith.constant 0 : index
    %get3A_26 = arith.constant 0 : index
    %get3A_27 = vector.load %arg9[%get3A_25, %get3A_26] : memref<1x64xf32, #tpu.memory_space<vmem>>, vector<1x64xf32>
    %add3A_28 = vector.broadcast %get3A_27 : vector<1x64xf32> to vector<8192x64xf32>
    %add3A_29 = arith.addf %dot_general3A_24, %add3A_28 : vector<8192x64xf32>
    %reshape3A_30 = vector.shape_cast %add3A_29 : vector<8192x64xf32> to vector<512x16x64xf32>
    %get3A_31 = arith.constant 0 : index
    %get3A_32 = arith.constant 0 : index
    %get3A_33 = arith.constant 0 : index
    %get3A_34 = vector.load %arg2[%get3A_31, %get3A_32, %get3A_33] : memref<1x512x64xf32, #tpu.memory_space<vmem>>, vector<1x512x64xf32>
    %get3A_35 = vector.shape_cast %get3A_34 : vector<1x512x64xf32> to vector<512x64xf32>
    %get3A_36 = arith.constant 0 : index
    %get3A_37 = arith.constant 0 : index
    %get3A_38 = vector.load %arg3[%get3A_36, %get3A_37] : memref<512x16xf32, #tpu.memory_space<vmem>>, vector<512x16xf32>
    %broadcast_in_dim3A_39 = vector.shape_cast %get3A_35 : vector<512x64xf32> to vector<512x1x64xf32>
    %mul3A = vector.broadcast %broadcast_in_dim3A_39 : vector<512x1x64xf32> to vector<512x16x64xf32>
    %mul3A_40 = arith.mulf %mul3A, %reshape3A_30 : vector<512x16x64xf32>
    %reduce_sum3A = arith.constant dense<0.000000e+00> : vector<512x16xf32>
    %reduce_sum3A_41 = vector.multi_reduction <add>, %mul3A_40, %reduce_sum3A [2] : vector<512x16x64xf32> to vector<512x16xf32>
    %add3A_42 = arith.addf %get3A_38, %reduce_sum3A_41 : vector<512x16xf32>
    %mul3A_43 = arith.constant 1.250000e-01 : f32
    %mul3A_44 = vector.broadcast %mul3A_43 : f32 to vector<512x16xf32>
    %mul3A_45 = arith.mulf %add3A_42, %mul3A_44 : vector<512x16xf32>
    %reduce_max3A = arith.constant dense<0xFF800000> : vector<512xf32>
    %reduce_max3A_46 = vector.multi_reduction <maximumf>, %mul3A_45, %reduce_max3A [1] : vector<512x16xf32> to vector<512xf32>
    %broadcast_in_dim3A_47 = vector.shape_cast %reduce_max3A_46 : vector<512xf32> to vector<512x1xf32>
    %sub3A_48 = vector.broadcast %broadcast_in_dim3A_47 : vector<512x1xf32> to vector<512x16xf32>
    %sub3A_49 = arith.subf %mul3A_45, %sub3A_48 : vector<512x16xf32>
    %exp3A = math.exp %sub3A_49 : vector<512x16xf32>
    %reduce_sum3A_50 = arith.constant dense<0.000000e+00> : vector<512xf32>
    %reduce_sum3A_51 = vector.multi_reduction <add>, %exp3A, %reduce_sum3A_50 [1] : vector<512x16xf32> to vector<512xf32>
    %broadcast_in_dim3A_52 = vector.shape_cast %reduce_sum3A_51 : vector<512xf32> to vector<512x1xf32>
    %div3A = vector.broadcast %broadcast_in_dim3A_52 : vector<512x1xf32> to vector<512x16xf32>
    %div3A_53 = arith.divf %exp3A, %div3A : vector<512x16xf32>
    %swap3A = arith.constant 0 : index
    %swap3A_54 = arith.constant 0 : index
    %swap3A_55 = vector.load %arg15[%swap3A, %swap3A_54] : memref<512x16xf32, #tpu.memory_space<vmem>>, vector<512x16xf32>
    tpu.vector_store %arg15[%swap3A, %swap3A_54], %div3A_53 {strides = array<i32>} : memref<512x16xf32, #tpu.memory_space<vmem>>, vector<512x16xf32>,
    %broadcast_in_dim3A_56 = vector.shape_cast %div3A_53 : vector<512x16xf32> to vector<512x16x1xf32>
    %add3A_57 = arith.addf %slice3A, %reshape3A_30 : vector<512x16x64xf32>
    %mul3A_58 = vector.broadcast %broadcast_in_dim3A_56 : vector<512x16x1xf32> to vector<512x16x64xf32>
    %mul3A_59 = arith.mulf %mul3A_58, %add3A_57 : vector<512x16x64xf32>
    %reduce_sum3A_60 = arith.constant dense<0.000000e+00> : vector<512x64xf32>
    %reduce_sum3A_61 = vector.multi_reduction <add>, %mul3A_59, %reduce_sum3A_60 [1] : vector<512x16x64xf32> to vector<512x64xf32>
    %get3A_62 = arith.constant 0 : index
    %get3A_63 = arith.constant 0 : index
    %get3A_64 = vector.load %arg10[%get3A_62, %get3A_63] : memref<64x32xf32, #tpu.memory_space<vmem>>, vector<64x32xf32>
    %dot_general3A_65 = arith.constant dense<0.000000e+00> : vector<512x32xf32>
    %dot_general3A_66 = tpu.matmul %reduce_sum3A_61, %get3A_64, %dot_general3A_65 {dimension_numbers = #tpu.dot_dimension_numbers<[1], [0], [0], [1], [0, 0, 1, 1], [], []>, transpose_lhs_hint = false} : vector<512x64xf32>, vector<64x32xf32>, vector<512x32xf32> -> vector<512x32xf32>
    %get3A_67 = arith.constant 0 : index
    %get3A_68 = arith.constant 0 : index
    %get3A_69 = vector.load %arg11[%get3A_67, %get3A_68] : memref<1x32xf32, #tpu.memory_space<vmem>>, vector<1x32xf32>
    %add3A_70 = vector.broadcast %get3A_69 : vector<1x32xf32> to vector<512x32xf32>
    %add3A_71 = arith.addf %dot_general3A_66, %add3A_70 : vector<512x32xf32>
    %get3A_72 = arith.constant 0 : index
    %get3A_73 = arith.constant 0 : index
    %get3A_74 = vector.load %arg12[%get3A_72, %get3A_73] : memref<1x32xf32, #tpu.memory_space<vmem>>, vector<1x32xf32>
    %get3A_75 = arith.constant 0 : index
    %get3A_76 = arith.constant 0 : index
    %get3A_77 = vector.load %arg13[%get3A_75, %get3A_76] : memref<1x32xf32, #tpu.memory_space<vmem>>, vector<1x32xf32>
    %reduce_sum3A_78 = arith.constant dense<0.000000e+00> : vector<512xf32>
    %reduce_sum3A_79 = vector.multi_reduction <add>, %add3A_71, %reduce_sum3A_78 [1] : vector<512x32xf32> to vector<512xf32>
    %broadcast_in_dim3A_80 = vector.shape_cast %reduce_sum3A_79 : vector<512xf32> to vector<512x1xf32>
    %div3A_81 = arith.constant 3.200000e+01 : f32
    %div3A_82 = vector.broadcast %div3A_81 : f32 to vector<512x1xf32>
    %div3A_83 = arith.divf %broadcast_in_dim3A_80, %div3A_82 : vector<512x1xf32>
    %sub3A_84 = vector.broadcast %div3A_83 : vector<512x1xf32> to vector<512x32xf32>
    %sub3A_85 = arith.subf %add3A_71, %sub3A_84 : vector<512x32xf32>
    %integer_pow3A = arith.mulf %sub3A_85, %sub3A_85 : vector<512x32xf32>
    %reduce_sum3A_86 = arith.constant dense<0.000000e+00> : vector<512xf32>
    %reduce_sum3A_87 = vector.multi_reduction <add>, %integer_pow3A, %reduce_sum3A_86 [1] : vector<512x32xf32> to vector<512xf32>
    %broadcast_in_dim3A_88 = vector.shape_cast %reduce_sum3A_87 : vector<512xf32> to vector<512x1xf32>
    %div3A_89 = arith.constant 3.200000e+01 : f32
    %div3A_90 = vector.broadcast %div3A_89 : f32 to vector<512x1xf32>
    %div3A_91 = arith.divf %broadcast_in_dim3A_88, %div3A_90 : vector<512x1xf32>
    %sub3A_92 = vector.broadcast %div3A_83 : vector<512x1xf32> to vector<512x32xf32>
    %sub3A_93 = arith.subf %add3A_71, %sub3A_92 : vector<512x32xf32>
    %add3A_94 = arith.constant 9.99999974E-6 : f32
    %add3A_95 = vector.broadcast %add3A_94 : f32 to vector<512x1xf32>
    %add3A_96 = arith.addf %div3A_91, %add3A_95 : vector<512x1xf32>
    %rsqrt3A = math.rsqrt %add3A_96 : vector<512x1xf32>
    %mul3A_97 = vector.broadcast %rsqrt3A : vector<512x1xf32> to vector<512x32xf32>
    %mul3A_98 = arith.mulf %sub3A_93, %mul3A_97 : vector<512x32xf32>
    %mul3A_99 = vector.broadcast %get3A_74 : vector<1x32xf32> to vector<512x32xf32>
    %mul3A_100 = arith.mulf %mul3A_98, %mul3A_99 : vector<512x32xf32>
    %add3A_101 = vector.broadcast %get3A_77 : vector<1x32xf32> to vector<512x32xf32>
    %add3A_102 = arith.addf %mul3A_100, %add3A_101 : vector<512x32xf32>
    %get3A_103 = arith.constant 0 : index
    %get3A_104 = arith.constant 0 : index
    %get3A_105 = arith.constant 0 : index
    %get3A_106 = vector.load %arg5[%get3A_103, %get3A_104, %get3A_105] : memref<1x512x32xf32, #tpu.memory_space<vmem>>, vector<1x512x32xf32>
    %get3A_107 = vector.shape_cast %get3A_106 : vector<1x512x32xf32> to vector<512x32xf32>
    %add3A_108 = arith.addf %add3A_102, %get3A_107 : vector<512x32xf32>
    %swap3A_109 = arith.constant 0 : index
    %swap3A_110 = arith.constant 0 : index
    %swap3A_111 = vector.load %arg14[%swap3A_109, %swap3A_110] : memref<512x32xf32, #tpu.memory_space<vmem>>, vector<512x32xf32>
    tpu.vector_store %arg14[%swap3A_109, %swap3A_110], %add3A_108 {strides = array<i32>} : memref<512x32xf32, #tpu.memory_space<vmem>>, vector<512x32xf32>,
    return
  }
  func.func @transform_0(%arg0: i32) -> (i32, i32, i32) {
    %c0_i32 = arith.constant 0 : i32
    %c0_i32_0 = arith.constant 0 : i32
    %c0_i32_1 = arith.constant 0 : i32
    return %arg0, %c0_i32, %c0_i32_0 : i32, i32, i32
  }
  func.func @transform_1(%arg0: i32) -> (i32, i32, i32) {
    %c0_i32 = arith.constant 0 : i32
    %c0_i32_0 = arith.constant 0 : i32
    %c0_i32_1 = arith.constant 0 : i32
    return %c0_i32, %arg0, %c0_i32_0 : i32, i32, i32
  }
  func.func @transform_2(%arg0: i32) -> (i32, i32) {
    %c0_i32 = arith.constant 0 : i32
    %c0_i32_0 = arith.constant 0 : i32
    return %arg0, %c0_i32 : i32, i32
  }
  func.func @transform_3(%arg0: i32) -> (i32, i32, i32) {
    %c0_i32 = arith.constant 0 : i32
    %c0_i32_0 = arith.constant 0 : i32
    %c0_i32_1 = arith.constant 0 : i32
    return %c0_i32, %arg0, %c0_i32_0 : i32, i32, i32
  }
  func.func @transform_4(%arg0: i32) -> (i32, i32, i32) {
    %c0_i32 = arith.constant 0 : i32
    %c0_i32_0 = arith.constant 0 : i32
    %c0_i32_1 = arith.constant 0 : i32
    return %c0_i32, %arg0, %c0_i32_0 : i32, i32, i32
  }
  func.func @transform_5(%arg0: i32) -> (i32, i32) {
    %c0_i32 = arith.constant 0 : i32
    %c0_i32_0 = arith.constant 0 : i32
    %c0_i32_1 = arith.constant 0 : i32
    return %c0_i32, %c0_i32_0 : i32, i32
  }
  func.func @transform_6(%arg0: i32) -> (i32, i32) {
    %c0_i32 = arith.constant 0 : i32
    %c0_i32_0 = arith.constant 0 : i32
    %c0_i32_1 = arith.constant 0 : i32
    return %c0_i32, %c0_i32_0 : i32, i32
  }
  func.func @transform_7(%arg0: i32) -> (i32, i32) {
    %c0_i32 = arith.constant 0 : i32
    %c0_i32_0 = arith.constant 0 : i32
    %c0_i32_1 = arith.constant 0 : i32
    return %c0_i32, %c0_i32_0 : i32, i32
  }
  func.func @transform_8(%arg0: i32) -> (i32, i32) {
    %c0_i32 = arith.constant 0 : i32
    %c0_i32_0 = arith.constant 0 : i32
    %c0_i32_1 = arith.constant 0 : i32
    return %c0_i32, %c0_i32_0 : i32, i32
  }
  func.func @transform_9(%arg0: i32) -> (i32, i32) {
    %c0_i32 = arith.constant 0 : i32
    %c0_i32_0 = arith.constant 0 : i32
    %c0_i32_1 = arith.constant 0 : i32
    return %c0_i32, %c0_i32_0 : i32, i32
  }
  func.func @transform_10(%arg0: i32) -> (i32, i32) {
    %c0_i32 = arith.constant 0 : i32
    %c0_i32_0 = arith.constant 0 : i32
    %c0_i32_1 = arith.constant 0 : i32
    return %c0_i32, %c0_i32_0 : i32, i32
  }
  func.func @transform_11(%arg0: i32) -> (i32, i32) {
    %c0_i32 = arith.constant 0 : i32
    %c0_i32_0 = arith.constant 0 : i32
    %c0_i32_1 = arith.constant 0 : i32
    return %c0_i32, %c0_i32_0 : i32, i32
  }
  func.func @transform_12(%arg0: i32) -> (i32, i32) {
    %c0_i32 = arith.constant 0 : i32
    %c0_i32_0 = arith.constant 0 : i32
    %c0_i32_1 = arith.constant 0 : i32
    return %c0_i32, %c0_i32_0 : i32, i32
  }
  func.func @transform_13(%arg0: i32) -> (i32, i32) {
    %c0_i32 = arith.constant 0 : i32
    %c0_i32_0 = arith.constant 0 : i32
    return %arg0, %c0_i32 : i32, i32
  }
  func.func @transform_14(%arg0: i32) -> (i32, i32) {
    %c0_i32 = arith.constant 0 : i32
    %c0_i32_0 = arith.constant 0 : i32
    return %arg0, %c0_i32 : i32, i32
  }
}

module attributes {stable_mosaic.version = 14 : i64} {
  func.func @_attn_body(%arg0: i32, %arg1: memref<512x16x128xf32, #tpu.memory_space<vmem>>, %arg2: memref<1x512x64xf32, #tpu.memory_space<vmem>>, %arg3: memref<512x16xf32, #tpu.memory_space<vmem>>, %arg4: memref<1x512x16xf32, #tpu.memory_space<vmem>>, %arg5: memref<1x512x32xf32, #tpu.memory_space<vmem>>, %arg6: memref<16x64xf32, #tpu.memory_space<vmem>>, %arg7: memref<1x64xf32, #tpu.memory_space<vmem>>, %arg8: memref<64x64xf32, #tpu.memory_space<vmem>>, %arg9: memref<1x64xf32, #tpu.memory_space<vmem>>, %arg10: memref<64x32xf32, #tpu.memory_space<vmem>>, %arg11: memref<1x32xf32, #tpu.memory_space<vmem>>, %arg12: memref<1x32xf32, #tpu.memory_space<vmem>>, %arg13: memref<1x32xf32, #tpu.memory_space<vmem>>, %arg14: memref<512x32xf32, #tpu.memory_space<vmem>>, %arg15: memref<512x16xf32, #tpu.memory_space<vmem>>) attributes {dimension_semantics = [#tpu.dimension_semantics<parallel>], iteration_bounds = array<i64: 4>, scalar_prefetch = 0 : i64, scratch_operands = 0 : i64, tpu.core_type = #tpu.core_type<tc>, window_params = [{transform_indices = @transform_0, window_bounds = array<i64: 512, 16, 128>}, {transform_indices = @transform_1, window_bounds = array<i64: 1, 512, 64>}, {transform_indices = @transform_2, window_bounds = array<i64: 512, 16>}, {transform_indices = @transform_3, window_bounds = array<i64: 1, 512, 16>}, {transform_indices = @transform_4, window_bounds = array<i64: 1, 512, 32>}, {pipeline_mode = #tpu.pipeline_mode<synchronous>, transform_indices = @transform_5, window_bounds = array<i64: 16, 64>}, {pipeline_mode = #tpu.pipeline_mode<synchronous>, transform_indices = @transform_6, window_bounds = array<i64: 1, 64>}, {pipeline_mode = #tpu.pipeline_mode<synchronous>, transform_indices = @transform_7, window_bounds = array<i64: 64, 64>}, {pipeline_mode = #tpu.pipeline_mode<synchronous>, transform_indices = @transform_8, window_bounds = array<i64: 1, 64>}, {pipeline_mode = #tpu.pipeline_mode<synchronous>, transform_indices = @transform_9, window_bounds = array<i64: 64, 32>}, {pipeline_mode = #tpu.pipeline_mode<synchronous>, transform_indices = @transform_10, window_bounds = array<i64: 1, 32>}, {pipeline_mode = #tpu.pipeline_mode<synchronous>, transform_indices = @transform_11, window_bounds = array<i64: 1, 32>}, {pipeline_mode = #tpu.pipeline_mode<synchronous>, transform_indices = @transform_12, window_bounds = array<i64: 1, 32>}, {transform_indices = @transform_13, window_bounds = array<i64: 512, 32>}, {transform_indices = @transform_14, window_bounds = array<i64: 512, 16>}]} {
    %get3A = arith.constant 0 : index
    %get3A_0 = arith.constant 0 : index
    %get3A_1 = arith.constant 0 : index
    %get3A_2 = vector.load %arg1[%get3A, %get3A_0, %get3A_1] : memref<512x16x128xf32, #tpu.memory_space<vmem>>, vector<512x16x128xf32>
    %slice3A = vector.extract_strided_slice %get3A_2 {offsets = [0, 0, 0], sizes = [512, 16, 64], strides = [1, 1, 1]} : vector<512x16x128xf32> to vector<512x16x64xf32>
    %slice3A_3 = vector.extract_strided_slice %get3A_2 {offsets = [0, 0, 64], sizes = [512, 16, 16], strides = [1, 1, 1]} : vector<512x16x128xf32> to vector<512x16x16xf32>
    %get3A_4 = arith.constant 0 : index
    %get3A_5 = arith.constant 0 : index
    %get3A_6 = arith.constant 0 : index
    %get3A_7 = vector.load %arg4[%get3A_4, %get3A_5, %get3A_6] : memref<1x512x16xf32, #tpu.memory_space<vmem>>, vector<1x512x16xf32>
    %get3A_8 = vector.shape_cast %get3A_7 : vector<1x512x16xf32> to vector<512x16xf32>
    %broadcast_in_dim3A = vector.shape_cast %get3A_8 : vector<512x16xf32> to vector<512x1x16xf32>
    %sub3A = vector.broadcast %broadcast_in_dim3A : vector<512x1x16xf32> to vector<512x16x16xf32>
    %sub3A_9 = arith.subf %sub3A, %slice3A_3 : vector<512x16x16xf32>
    %reshape3A = vector.shape_cast %sub3A_9 : vector<512x16x16xf32> to vector<8192x16xf32>
    %get3A_10 = arith.constant 0 : index
    %get3A_11 = arith.constant 0 : index
    %get3A_12 = vector.load %arg6[%get3A_10, %get3A_11] : memref<16x64xf32, #tpu.memory_space<vmem>>, vector<16x64xf32>
    %dot_general3A = arith.constant dense<0.000000e+00> : vector<8192x64xf32>
    %dot_general3A_13 = tpu.matmul %reshape3A, %get3A_12, %dot_general3A {dimension_numbers = #tpu.dot_dimension_numbers<[1], [0], [0], [1], [0, 0, 1, 1], [], []>, transpose_lhs_hint = false} : vector<8192x16xf32>, vector<16x64xf32>, vector<8192x64xf32> -> vector<8192x64xf32>
    %get3A_14 = arith.constant 0 : index
    %get3A_15 = arith.constant 0 : index
    %get3A_16 = vector.load %arg7[%get3A_14, %get3A_15] : memref<1x64xf32, #tpu.memory_space<vmem>>, vector<1x64xf32>
    %add3A = vector.broadcast %get3A_16 : vector<1x64xf32> to vector<8192x64xf32>
    %add3A_17 = arith.addf %dot_general3A_13, %add3A : vector<8192x64xf32>
    %max3A = arith.constant 0.000000e+00 : f32
    %max3A_18 = vector.broadcast %max3A : f32 to vector<8192x64xf32>
    %max3A_19 = arith.maximumf %add3A_17, %max3A_18 : vector<8192x64xf32>
    %get3A_20 = arith.constant 0 : index
    %get3A_21 = arith.constant 0 : index
    %get3A_22 = vector.load %arg8[%get3A_20, %get3A_21] : memref<64x64xf32, #tpu.memory_space<vmem>>, vector<64x64xf32>
    %dot_general3A_23 = arith.constant dense<0.000000e+00> : vector<8192x64xf32>
    %dot_general3A_24 = tpu.matmul %max3A_19, %get3A_22, %dot_general3A_23 {dimension_numbers = #tpu.dot_dimension_numbers<[1], [0], [0], [1], [0, 0, 1, 1], [], []>, transpose_lhs_hint = false} : vector<8192x64xf32>, vector<64x64xf32>, vector<8192x64xf32> -> vector<8192x64xf32>
    %get3A_25 = arith.constant 0 : index
    %get3A_26 = arith.constant 0 : index
    %get3A_27 = vector.load %arg9[%get3A_25, %get3A_26] : memref<1x64xf32, #tpu.memory_space<vmem>>, vector<1x64xf32>
    %add3A_28 = vector.broadcast %get3A_27 : vector<1x64xf32> to vector<8192x64xf32>
    %add3A_29 = arith.addf %dot_general3A_24, %add3A_28 : vector<8192x64xf32>
    %reshape3A_30 = vector.shape_cast %add3A_29 : vector<8192x64xf32> to vector<512x16x64xf32>
    %get3A_31 = arith.constant 0 : index
    %get3A_32 = arith.constant 0 : index
    %get3A_33 = arith.constant 0 : index
    %get3A_34 = vector.load %arg2[%get3A_31, %get3A_32, %get3A_33] : memref<1x512x64xf32, #tpu.memory_space<vmem>>, vector<1x512x64xf32>
    %get3A_35 = vector.shape_cast %get3A_34 : vector<1x512x64xf32> to vector<512x64xf32>
    %get3A_36 = arith.constant 0 : index
    %get3A_37 = arith.constant 0 : index
    %get3A_38 = vector.load %arg3[%get3A_36, %get3A_37] : memref<512x16xf32, #tpu.memory_space<vmem>>, vector<512x16xf32>
    %broadcast_in_dim3A_39 = vector.shape_cast %get3A_35 : vector<512x64xf32> to vector<512x1x64xf32>
    %mul3A = vector.broadcast %broadcast_in_dim3A_39 : vector<512x1x64xf32> to vector<512x16x64xf32>
    %mul3A_40 = arith.mulf %mul3A, %reshape3A_30 : vector<512x16x64xf32>
    %reduce_sum3A = arith.constant dense<0.000000e+00> : vector<512x16xf32>
    %reduce_sum3A_41 = vector.multi_reduction <add>, %mul3A_40, %reduce_sum3A [2] : vector<512x16x64xf32> to vector<512x16xf32>
    %add3A_42 = arith.addf %get3A_38, %reduce_sum3A_41 : vector<512x16xf32>
    %mul3A_43 = arith.constant 1.250000e-01 : f32
    %mul3A_44 = vector.broadcast %mul3A_43 : f32 to vector<512x16xf32>
    %mul3A_45 = arith.mulf %add3A_42, %mul3A_44 : vector<512x16xf32>
    %reduce_max3A = arith.constant dense<0xFF800000> : vector<512xf32>
    %reduce_max3A_46 = vector.multi_reduction <maximumf>, %mul3A_45, %reduce_max3A [1] : vector<512x16xf32> to vector<512xf32>
    %broadcast_in_dim3A_47 = vector.shape_cast %reduce_max3A_46 : vector<512xf32> to vector<512x1xf32>
    %sub3A_48 = vector.broadcast %broadcast_in_dim3A_47 : vector<512x1xf32> to vector<512x16xf32>
    %sub3A_49 = arith.subf %mul3A_45, %sub3A_48 : vector<512x16xf32>
    %exp3A = math.exp %sub3A_49 : vector<512x16xf32>
    %reduce_sum3A_50 = arith.constant dense<0.000000e+00> : vector<512xf32>
    %reduce_sum3A_51 = vector.multi_reduction <add>, %exp3A, %reduce_sum3A_50 [1] : vector<512x16xf32> to vector<512xf32>
    %broadcast_in_dim3A_52 = vector.shape_cast %reduce_sum3A_51 : vector<512xf32> to vector<512x1xf32>
    %div3A = vector.broadcast %broadcast_in_dim3A_52 : vector<512x1xf32> to vector<512x16xf32>
    %div3A_53 = arith.divf %exp3A, %div3A : vector<512x16xf32>
    %swap3A = arith.constant 0 : index
    %swap3A_54 = arith.constant 0 : index
    %swap3A_55 = vector.load %arg15[%swap3A, %swap3A_54] : memref<512x16xf32, #tpu.memory_space<vmem>>, vector<512x16xf32>
    tpu.vector_store %arg15[%swap3A, %swap3A_54], %div3A_53 {strides = array<i32>} : memref<512x16xf32, #tpu.memory_space<vmem>>, vector<512x16xf32>,
    %broadcast_in_dim3A_56 = vector.shape_cast %div3A_53 : vector<512x16xf32> to vector<512x16x1xf32>
    %add3A_57 = arith.addf %slice3A, %reshape3A_30 : vector<512x16x64xf32>
    %mul3A_58 = vector.broadcast %broadcast_in_dim3A_56 : vector<512x16x1xf32> to vector<512x16x64xf32>
    %mul3A_59 = arith.mulf %mul3A_58, %add3A_57 : vector<512x16x64xf32>
    %reduce_sum3A_60 = arith.constant dense<0.000000e+00> : vector<512x64xf32>
    %reduce_sum3A_61 = vector.multi_reduction <add>, %mul3A_59, %reduce_sum3A_60 [1] : vector<512x16x64xf32> to vector<512x64xf32>
    %get3A_62 = arith.constant 0 : index
    %get3A_63 = arith.constant 0 : index
    %get3A_64 = vector.load %arg10[%get3A_62, %get3A_63] : memref<64x32xf32, #tpu.memory_space<vmem>>, vector<64x32xf32>
    %dot_general3A_65 = arith.constant dense<0.000000e+00> : vector<512x32xf32>
    %dot_general3A_66 = tpu.matmul %reduce_sum3A_61, %get3A_64, %dot_general3A_65 {dimension_numbers = #tpu.dot_dimension_numbers<[1], [0], [0], [1], [0, 0, 1, 1], [], []>, transpose_lhs_hint = false} : vector<512x64xf32>, vector<64x32xf32>, vector<512x32xf32> -> vector<512x32xf32>
    %get3A_67 = arith.constant 0 : index
    %get3A_68 = arith.constant 0 : index
    %get3A_69 = vector.load %arg11[%get3A_67, %get3A_68] : memref<1x32xf32, #tpu.memory_space<vmem>>, vector<1x32xf32>
    %add3A_70 = vector.broadcast %get3A_69 : vector<1x32xf32> to vector<512x32xf32>
    %add3A_71 = arith.addf %dot_general3A_66, %add3A_70 : vector<512x32xf32>
    %get3A_72 = arith.constant 0 : index
    %get3A_73 = arith.constant 0 : index
    %get3A_74 = vector.load %arg12[%get3A_72, %get3A_73] : memref<1x32xf32, #tpu.memory_space<vmem>>, vector<1x32xf32>
    %get3A_75 = arith.constant 0 : index
    %get3A_76 = arith.constant 0 : index
    %get3A_77 = vector.load %arg13[%get3A_75, %get3A_76] : memref<1x32xf32, #tpu.memory_space<vmem>>, vector<1x32xf32>
    %reduce_sum3A_78 = arith.constant dense<0.000000e+00> : vector<512xf32>
    %reduce_sum3A_79 = vector.multi_reduction <add>, %add3A_71, %reduce_sum3A_78 [1] : vector<512x32xf32> to vector<512xf32>
    %broadcast_in_dim3A_80 = vector.shape_cast %reduce_sum3A_79 : vector<512xf32> to vector<512x1xf32>
    %div3A_81 = arith.constant 3.200000e+01 : f32
    %div3A_82 = vector.broadcast %div3A_81 : f32 to vector<512x1xf32>
    %div3A_83 = arith.divf %broadcast_in_dim3A_80, %div3A_82 : vector<512x1xf32>
    %sub3A_84 = vector.broadcast %div3A_83 : vector<512x1xf32> to vector<512x32xf32>
    %sub3A_85 = arith.subf %add3A_71, %sub3A_84 : vector<512x32xf32>
    %integer_pow3A = arith.mulf %sub3A_85, %sub3A_85 : vector<512x32xf32>
    %reduce_sum3A_86 = arith.constant dense<0.000000e+00> : vector<512xf32>
    %reduce_sum3A_87 = vector.multi_reduction <add>, %integer_pow3A, %reduce_sum3A_86 [1] : vector<512x32xf32> to vector<512xf32>
    %broadcast_in_dim3A_88 = vector.shape_cast %reduce_sum3A_87 : vector<512xf32> to vector<512x1xf32>
    %div3A_89 = arith.constant 3.200000e+01 : f32
    %div3A_90 = vector.broadcast %div3A_89 : f32 to vector<512x1xf32>
    %div3A_91 = arith.divf %broadcast_in_dim3A_88, %div3A_90 : vector<512x1xf32>
    %sub3A_92 = vector.broadcast %div3A_83 : vector<512x1xf32> to vector<512x32xf32>
    %sub3A_93 = arith.subf %add3A_71, %sub3A_92 : vector<512x32xf32>
    %add3A_94 = arith.constant 9.99999974E-6 : f32
    %add3A_95 = vector.broadcast %add3A_94 : f32 to vector<512x1xf32>
    %add3A_96 = arith.addf %div3A_91, %add3A_95 : vector<512x1xf32>
    %rsqrt3A = math.rsqrt %add3A_96 : vector<512x1xf32>
    %mul3A_97 = vector.broadcast %rsqrt3A : vector<512x1xf32> to vector<512x32xf32>
    %mul3A_98 = arith.mulf %sub3A_93, %mul3A_97 : vector<512x32xf32>
    %mul3A_99 = vector.broadcast %get3A_74 : vector<1x32xf32> to vector<512x32xf32>
    %mul3A_100 = arith.mulf %mul3A_98, %mul3A_99 : vector<512x32xf32>
    %add3A_101 = vector.broadcast %get3A_77 : vector<1x32xf32> to vector<512x32xf32>
    %add3A_102 = arith.addf %mul3A_100, %add3A_101 : vector<512x32xf32>
    %get3A_103 = arith.constant 0 : index
    %get3A_104 = arith.constant 0 : index
    %get3A_105 = arith.constant 0 : index
    %get3A_106 = vector.load %arg5[%get3A_103, %get3A_104, %get3A_105] : memref<1x512x32xf32, #tpu.memory_space<vmem>>, vector<1x512x32xf32>
    %get3A_107 = vector.shape_cast %get3A_106 : vector<1x512x32xf32> to vector<512x32xf32>
    %add3A_108 = arith.addf %add3A_102, %get3A_107 : vector<512x32xf32>
    %swap3A_109 = arith.constant 0 : index
    %swap3A_110 = arith.constant 0 : index
    %swap3A_111 = vector.load %arg14[%swap3A_109, %swap3A_110] : memref<512x32xf32, #tpu.memory_space<vmem>>, vector<512x32xf32>
    tpu.vector_store %arg14[%swap3A_109, %swap3A_110], %add3A_108 {strides = array<i32>} : memref<512x32xf32, #tpu.memory_space<vmem>>, vector<512x32xf32>,
    return
  }
  func.func @transform_0(%arg0: i32) -> (i32, i32, i32) {
    %c0_i32 = arith.constant 0 : i32
    %c0_i32_0 = arith.constant 0 : i32
    %c0_i32_1 = arith.constant 0 : i32
    return %arg0, %c0_i32, %c0_i32_0 : i32, i32, i32
  }
  func.func @transform_1(%arg0: i32) -> (i32, i32, i32) {
    %c2_i32 = arith.constant 2 : i32
    %c0_i32 = arith.constant 0 : i32
    %c0_i32_0 = arith.constant 0 : i32
    return %c2_i32, %arg0, %c0_i32 : i32, i32, i32
  }
  func.func @transform_2(%arg0: i32) -> (i32, i32) {
    %c0_i32 = arith.constant 0 : i32
    %c0_i32_0 = arith.constant 0 : i32
    return %arg0, %c0_i32 : i32, i32
  }
  func.func @transform_3(%arg0: i32) -> (i32, i32, i32) {
    %c2_i32 = arith.constant 2 : i32
    %c0_i32 = arith.constant 0 : i32
    %c0_i32_0 = arith.constant 0 : i32
    return %c2_i32, %arg0, %c0_i32 : i32, i32, i32
  }
  func.func @transform_4(%arg0: i32) -> (i32, i32, i32) {
    %c2_i32 = arith.constant 2 : i32
    %c0_i32 = arith.constant 0 : i32
    %c0_i32_0 = arith.constant 0 : i32
    return %c2_i32, %arg0, %c0_i32 : i32, i32, i32
  }
  func.func @transform_5(%arg0: i32) -> (i32, i32) {
    %c0_i32 = arith.constant 0 : i32
    %c0_i32_0 = arith.constant 0 : i32
    %c0_i32_1 = arith.constant 0 : i32
    return %c0_i32, %c0_i32_0 : i32, i32
  }
  func.func @transform_6(%arg0: i32) -> (i32, i32) {
    %c0_i32 = arith.constant 0 : i32
    %c0_i32_0 = arith.constant 0 : i32
    %c0_i32_1 = arith.constant 0 : i32
    return %c0_i32, %c0_i32_0 : i32, i32
  }
  func.func @transform_7(%arg0: i32) -> (i32, i32) {
    %c0_i32 = arith.constant 0 : i32
    %c0_i32_0 = arith.constant 0 : i32
    %c0_i32_1 = arith.constant 0 : i32
    return %c0_i32, %c0_i32_0 : i32, i32
  }
  func.func @transform_8(%arg0: i32) -> (i32, i32) {
    %c0_i32 = arith.constant 0 : i32
    %c0_i32_0 = arith.constant 0 : i32
    %c0_i32_1 = arith.constant 0 : i32
    return %c0_i32, %c0_i32_0 : i32, i32
  }
  func.func @transform_9(%arg0: i32) -> (i32, i32) {
    %c0_i32 = arith.constant 0 : i32
    %c0_i32_0 = arith.constant 0 : i32
    %c0_i32_1 = arith.constant 0 : i32
    return %c0_i32, %c0_i32_0 : i32, i32
  }
  func.func @transform_10(%arg0: i32) -> (i32, i32) {
    %c0_i32 = arith.constant 0 : i32
    %c0_i32_0 = arith.constant 0 : i32
    %c0_i32_1 = arith.constant 0 : i32
    return %c0_i32, %c0_i32_0 : i32, i32
  }
  func.func @transform_11(%arg0: i32) -> (i32, i32) {
    %c0_i32 = arith.constant 0 : i32
    %c0_i32_0 = arith.constant 0 : i32
    %c0_i32_1 = arith.constant 0 : i32
    return %c0_i32, %c0_i32_0 : i32, i32
  }
  func.func @transform_12(%arg0: i32) -> (i32, i32) {
    %c0_i32 = arith.constant 0 : i32
    %c0_i32_0 = arith.constant 0 : i32
    %c0_i32_1 = arith.constant 0 : i32
    return %c0_i32, %c0_i32_0 : i32, i32
  }
  func.func @transform_13(%arg0: i32) -> (i32, i32) {
    %c0_i32 = arith.constant 0 : i32
    %c0_i32_0 = arith.constant 0 : i32
    return %arg0, %c0_i32 : i32, i32
  }
  func.func @transform_14(%arg0: i32) -> (i32, i32) {
    %c0_i32 = arith.constant 0 : i32
    %c0_i32_0 = arith.constant 0 : i32
    return %arg0, %c0_i32 : i32, i32
  }
}

module attributes {stable_mosaic.version = 14 : i64} {
  func.func @_attn_body(%arg0: i32, %arg1: memref<512x16x128xf32, #tpu.memory_space<vmem>>, %arg2: memref<1x512x64xf32, #tpu.memory_space<vmem>>, %arg3: memref<512x16xf32, #tpu.memory_space<vmem>>, %arg4: memref<1x512x16xf32, #tpu.memory_space<vmem>>, %arg5: memref<1x512x32xf32, #tpu.memory_space<vmem>>, %arg6: memref<16x64xf32, #tpu.memory_space<vmem>>, %arg7: memref<1x64xf32, #tpu.memory_space<vmem>>, %arg8: memref<64x64xf32, #tpu.memory_space<vmem>>, %arg9: memref<1x64xf32, #tpu.memory_space<vmem>>, %arg10: memref<64x32xf32, #tpu.memory_space<vmem>>, %arg11: memref<1x32xf32, #tpu.memory_space<vmem>>, %arg12: memref<1x32xf32, #tpu.memory_space<vmem>>, %arg13: memref<1x32xf32, #tpu.memory_space<vmem>>, %arg14: memref<512x32xf32, #tpu.memory_space<vmem>>, %arg15: memref<512x16xf32, #tpu.memory_space<vmem>>) attributes {dimension_semantics = [#tpu.dimension_semantics<parallel>], iteration_bounds = array<i64: 4>, scalar_prefetch = 0 : i64, scratch_operands = 0 : i64, tpu.core_type = #tpu.core_type<tc>, window_params = [{transform_indices = @transform_0, window_bounds = array<i64: 512, 16, 128>}, {transform_indices = @transform_1, window_bounds = array<i64: 1, 512, 64>}, {transform_indices = @transform_2, window_bounds = array<i64: 512, 16>}, {transform_indices = @transform_3, window_bounds = array<i64: 1, 512, 16>}, {transform_indices = @transform_4, window_bounds = array<i64: 1, 512, 32>}, {pipeline_mode = #tpu.pipeline_mode<synchronous>, transform_indices = @transform_5, window_bounds = array<i64: 16, 64>}, {pipeline_mode = #tpu.pipeline_mode<synchronous>, transform_indices = @transform_6, window_bounds = array<i64: 1, 64>}, {pipeline_mode = #tpu.pipeline_mode<synchronous>, transform_indices = @transform_7, window_bounds = array<i64: 64, 64>}, {pipeline_mode = #tpu.pipeline_mode<synchronous>, transform_indices = @transform_8, window_bounds = array<i64: 1, 64>}, {pipeline_mode = #tpu.pipeline_mode<synchronous>, transform_indices = @transform_9, window_bounds = array<i64: 64, 32>}, {pipeline_mode = #tpu.pipeline_mode<synchronous>, transform_indices = @transform_10, window_bounds = array<i64: 1, 32>}, {pipeline_mode = #tpu.pipeline_mode<synchronous>, transform_indices = @transform_11, window_bounds = array<i64: 1, 32>}, {pipeline_mode = #tpu.pipeline_mode<synchronous>, transform_indices = @transform_12, window_bounds = array<i64: 1, 32>}, {transform_indices = @transform_13, window_bounds = array<i64: 512, 32>}, {transform_indices = @transform_14, window_bounds = array<i64: 512, 16>}]} {
    %get3A = arith.constant 0 : index
    %get3A_0 = arith.constant 0 : index
    %get3A_1 = arith.constant 0 : index
    %get3A_2 = vector.load %arg1[%get3A, %get3A_0, %get3A_1] : memref<512x16x128xf32, #tpu.memory_space<vmem>>, vector<512x16x128xf32>
    %slice3A = vector.extract_strided_slice %get3A_2 {offsets = [0, 0, 0], sizes = [512, 16, 64], strides = [1, 1, 1]} : vector<512x16x128xf32> to vector<512x16x64xf32>
    %slice3A_3 = vector.extract_strided_slice %get3A_2 {offsets = [0, 0, 64], sizes = [512, 16, 16], strides = [1, 1, 1]} : vector<512x16x128xf32> to vector<512x16x16xf32>
    %get3A_4 = arith.constant 0 : index
    %get3A_5 = arith.constant 0 : index
    %get3A_6 = arith.constant 0 : index
    %get3A_7 = vector.load %arg4[%get3A_4, %get3A_5, %get3A_6] : memref<1x512x16xf32, #tpu.memory_space<vmem>>, vector<1x512x16xf32>
    %get3A_8 = vector.shape_cast %get3A_7 : vector<1x512x16xf32> to vector<512x16xf32>
    %broadcast_in_dim3A = vector.shape_cast %get3A_8 : vector<512x16xf32> to vector<512x1x16xf32>
    %sub3A = vector.broadcast %broadcast_in_dim3A : vector<512x1x16xf32> to vector<512x16x16xf32>
    %sub3A_9 = arith.subf %sub3A, %slice3A_3 : vector<512x16x16xf32>
    %reshape3A = vector.shape_cast %sub3A_9 : vector<512x16x16xf32> to vector<8192x16xf32>
    %get3A_10 = arith.constant 0 : index
    %get3A_11 = arith.constant 0 : index
    %get3A_12 = vector.load %arg6[%get3A_10, %get3A_11] : memref<16x64xf32, #tpu.memory_space<vmem>>, vector<16x64xf32>
    %dot_general3A = arith.constant dense<0.000000e+00> : vector<8192x64xf32>
    %dot_general3A_13 = tpu.matmul %reshape3A, %get3A_12, %dot_general3A {dimension_numbers = #tpu.dot_dimension_numbers<[1], [0], [0], [1], [0, 0, 1, 1], [], []>, transpose_lhs_hint = false} : vector<8192x16xf32>, vector<16x64xf32>, vector<8192x64xf32> -> vector<8192x64xf32>
    %get3A_14 = arith.constant 0 : index
    %get3A_15 = arith.constant 0 : index
    %get3A_16 = vector.load %arg7[%get3A_14, %get3A_15] : memref<1x64xf32, #tpu.memory_space<vmem>>, vector<1x64xf32>
    %add3A = vector.broadcast %get3A_16 : vector<1x64xf32> to vector<8192x64xf32>
    %add3A_17 = arith.addf %dot_general3A_13, %add3A : vector<8192x64xf32>
    %max3A = arith.constant 0.000000e+00 : f32
    %max3A_18 = vector.broadcast %max3A : f32 to vector<8192x64xf32>
    %max3A_19 = arith.maximumf %add3A_17, %max3A_18 : vector<8192x64xf32>
    %get3A_20 = arith.constant 0 : index
    %get3A_21 = arith.constant 0 : index
    %get3A_22 = vector.load %arg8[%get3A_20, %get3A_21] : memref<64x64xf32, #tpu.memory_space<vmem>>, vector<64x64xf32>
    %dot_general3A_23 = arith.constant dense<0.000000e+00> : vector<8192x64xf32>
    %dot_general3A_24 = tpu.matmul %max3A_19, %get3A_22, %dot_general3A_23 {dimension_numbers = #tpu.dot_dimension_numbers<[1], [0], [0], [1], [0, 0, 1, 1], [], []>, transpose_lhs_hint = false} : vector<8192x64xf32>, vector<64x64xf32>, vector<8192x64xf32> -> vector<8192x64xf32>
    %get3A_25 = arith.constant 0 : index
    %get3A_26 = arith.constant 0 : index
    %get3A_27 = vector.load %arg9[%get3A_25, %get3A_26] : memref<1x64xf32, #tpu.memory_space<vmem>>, vector<1x64xf32>
    %add3A_28 = vector.broadcast %get3A_27 : vector<1x64xf32> to vector<8192x64xf32>
    %add3A_29 = arith.addf %dot_general3A_24, %add3A_28 : vector<8192x64xf32>
    %reshape3A_30 = vector.shape_cast %add3A_29 : vector<8192x64xf32> to vector<512x16x64xf32>
    %get3A_31 = arith.constant 0 : index
    %get3A_32 = arith.constant 0 : index
    %get3A_33 = arith.constant 0 : index
    %get3A_34 = vector.load %arg2[%get3A_31, %get3A_32, %get3A_33] : memref<1x512x64xf32, #tpu.memory_space<vmem>>, vector<1x512x64xf32>
    %get3A_35 = vector.shape_cast %get3A_34 : vector<1x512x64xf32> to vector<512x64xf32>
    %get3A_36 = arith.constant 0 : index
    %get3A_37 = arith.constant 0 : index
    %get3A_38 = vector.load %arg3[%get3A_36, %get3A_37] : memref<512x16xf32, #tpu.memory_space<vmem>>, vector<512x16xf32>
    %broadcast_in_dim3A_39 = vector.shape_cast %get3A_35 : vector<512x64xf32> to vector<512x1x64xf32>
    %mul3A = vector.broadcast %broadcast_in_dim3A_39 : vector<512x1x64xf32> to vector<512x16x64xf32>
    %mul3A_40 = arith.mulf %mul3A, %reshape3A_30 : vector<512x16x64xf32>
    %reduce_sum3A = arith.constant dense<0.000000e+00> : vector<512x16xf32>
    %reduce_sum3A_41 = vector.multi_reduction <add>, %mul3A_40, %reduce_sum3A [2] : vector<512x16x64xf32> to vector<512x16xf32>
    %add3A_42 = arith.addf %get3A_38, %reduce_sum3A_41 : vector<512x16xf32>
    %mul3A_43 = arith.constant 1.250000e-01 : f32
    %mul3A_44 = vector.broadcast %mul3A_43 : f32 to vector<512x16xf32>
    %mul3A_45 = arith.mulf %add3A_42, %mul3A_44 : vector<512x16xf32>
    %reduce_max3A = arith.constant dense<0xFF800000> : vector<512xf32>
    %reduce_max3A_46 = vector.multi_reduction <maximumf>, %mul3A_45, %reduce_max3A [1] : vector<512x16xf32> to vector<512xf32>
    %broadcast_in_dim3A_47 = vector.shape_cast %reduce_max3A_46 : vector<512xf32> to vector<512x1xf32>
    %sub3A_48 = vector.broadcast %broadcast_in_dim3A_47 : vector<512x1xf32> to vector<512x16xf32>
    %sub3A_49 = arith.subf %mul3A_45, %sub3A_48 : vector<512x16xf32>
    %exp3A = math.exp %sub3A_49 : vector<512x16xf32>
    %reduce_sum3A_50 = arith.constant dense<0.000000e+00> : vector<512xf32>
    %reduce_sum3A_51 = vector.multi_reduction <add>, %exp3A, %reduce_sum3A_50 [1] : vector<512x16xf32> to vector<512xf32>
    %broadcast_in_dim3A_52 = vector.shape_cast %reduce_sum3A_51 : vector<512xf32> to vector<512x1xf32>
    %div3A = vector.broadcast %broadcast_in_dim3A_52 : vector<512x1xf32> to vector<512x16xf32>
    %div3A_53 = arith.divf %exp3A, %div3A : vector<512x16xf32>
    %swap3A = arith.constant 0 : index
    %swap3A_54 = arith.constant 0 : index
    %swap3A_55 = vector.load %arg15[%swap3A, %swap3A_54] : memref<512x16xf32, #tpu.memory_space<vmem>>, vector<512x16xf32>
    tpu.vector_store %arg15[%swap3A, %swap3A_54], %div3A_53 {strides = array<i32>} : memref<512x16xf32, #tpu.memory_space<vmem>>, vector<512x16xf32>,
    %broadcast_in_dim3A_56 = vector.shape_cast %div3A_53 : vector<512x16xf32> to vector<512x16x1xf32>
    %add3A_57 = arith.addf %slice3A, %reshape3A_30 : vector<512x16x64xf32>
    %mul3A_58 = vector.broadcast %broadcast_in_dim3A_56 : vector<512x16x1xf32> to vector<512x16x64xf32>
    %mul3A_59 = arith.mulf %mul3A_58, %add3A_57 : vector<512x16x64xf32>
    %reduce_sum3A_60 = arith.constant dense<0.000000e+00> : vector<512x64xf32>
    %reduce_sum3A_61 = vector.multi_reduction <add>, %mul3A_59, %reduce_sum3A_60 [1] : vector<512x16x64xf32> to vector<512x64xf32>
    %get3A_62 = arith.constant 0 : index
    %get3A_63 = arith.constant 0 : index
    %get3A_64 = vector.load %arg10[%get3A_62, %get3A_63] : memref<64x32xf32, #tpu.memory_space<vmem>>, vector<64x32xf32>
    %dot_general3A_65 = arith.constant dense<0.000000e+00> : vector<512x32xf32>
    %dot_general3A_66 = tpu.matmul %reduce_sum3A_61, %get3A_64, %dot_general3A_65 {dimension_numbers = #tpu.dot_dimension_numbers<[1], [0], [0], [1], [0, 0, 1, 1], [], []>, transpose_lhs_hint = false} : vector<512x64xf32>, vector<64x32xf32>, vector<512x32xf32> -> vector<512x32xf32>
    %get3A_67 = arith.constant 0 : index
    %get3A_68 = arith.constant 0 : index
    %get3A_69 = vector.load %arg11[%get3A_67, %get3A_68] : memref<1x32xf32, #tpu.memory_space<vmem>>, vector<1x32xf32>
    %add3A_70 = vector.broadcast %get3A_69 : vector<1x32xf32> to vector<512x32xf32>
    %add3A_71 = arith.addf %dot_general3A_66, %add3A_70 : vector<512x32xf32>
    %get3A_72 = arith.constant 0 : index
    %get3A_73 = arith.constant 0 : index
    %get3A_74 = vector.load %arg12[%get3A_72, %get3A_73] : memref<1x32xf32, #tpu.memory_space<vmem>>, vector<1x32xf32>
    %get3A_75 = arith.constant 0 : index
    %get3A_76 = arith.constant 0 : index
    %get3A_77 = vector.load %arg13[%get3A_75, %get3A_76] : memref<1x32xf32, #tpu.memory_space<vmem>>, vector<1x32xf32>
    %reduce_sum3A_78 = arith.constant dense<0.000000e+00> : vector<512xf32>
    %reduce_sum3A_79 = vector.multi_reduction <add>, %add3A_71, %reduce_sum3A_78 [1] : vector<512x32xf32> to vector<512xf32>
    %broadcast_in_dim3A_80 = vector.shape_cast %reduce_sum3A_79 : vector<512xf32> to vector<512x1xf32>
    %div3A_81 = arith.constant 3.200000e+01 : f32
    %div3A_82 = vector.broadcast %div3A_81 : f32 to vector<512x1xf32>
    %div3A_83 = arith.divf %broadcast_in_dim3A_80, %div3A_82 : vector<512x1xf32>
    %sub3A_84 = vector.broadcast %div3A_83 : vector<512x1xf32> to vector<512x32xf32>
    %sub3A_85 = arith.subf %add3A_71, %sub3A_84 : vector<512x32xf32>
    %integer_pow3A = arith.mulf %sub3A_85, %sub3A_85 : vector<512x32xf32>
    %reduce_sum3A_86 = arith.constant dense<0.000000e+00> : vector<512xf32>
    %reduce_sum3A_87 = vector.multi_reduction <add>, %integer_pow3A, %reduce_sum3A_86 [1] : vector<512x32xf32> to vector<512xf32>
    %broadcast_in_dim3A_88 = vector.shape_cast %reduce_sum3A_87 : vector<512xf32> to vector<512x1xf32>
    %div3A_89 = arith.constant 3.200000e+01 : f32
    %div3A_90 = vector.broadcast %div3A_89 : f32 to vector<512x1xf32>
    %div3A_91 = arith.divf %broadcast_in_dim3A_88, %div3A_90 : vector<512x1xf32>
    %sub3A_92 = vector.broadcast %div3A_83 : vector<512x1xf32> to vector<512x32xf32>
    %sub3A_93 = arith.subf %add3A_71, %sub3A_92 : vector<512x32xf32>
    %add3A_94 = arith.constant 9.99999974E-6 : f32
    %add3A_95 = vector.broadcast %add3A_94 : f32 to vector<512x1xf32>
    %add3A_96 = arith.addf %div3A_91, %add3A_95 : vector<512x1xf32>
    %rsqrt3A = math.rsqrt %add3A_96 : vector<512x1xf32>
    %mul3A_97 = vector.broadcast %rsqrt3A : vector<512x1xf32> to vector<512x32xf32>
    %mul3A_98 = arith.mulf %sub3A_93, %mul3A_97 : vector<512x32xf32>
    %mul3A_99 = vector.broadcast %get3A_74 : vector<1x32xf32> to vector<512x32xf32>
    %mul3A_100 = arith.mulf %mul3A_98, %mul3A_99 : vector<512x32xf32>
    %add3A_101 = vector.broadcast %get3A_77 : vector<1x32xf32> to vector<512x32xf32>
    %add3A_102 = arith.addf %mul3A_100, %add3A_101 : vector<512x32xf32>
    %get3A_103 = arith.constant 0 : index
    %get3A_104 = arith.constant 0 : index
    %get3A_105 = arith.constant 0 : index
    %get3A_106 = vector.load %arg5[%get3A_103, %get3A_104, %get3A_105] : memref<1x512x32xf32, #tpu.memory_space<vmem>>, vector<1x512x32xf32>
    %get3A_107 = vector.shape_cast %get3A_106 : vector<1x512x32xf32> to vector<512x32xf32>
    %add3A_108 = arith.addf %add3A_102, %get3A_107 : vector<512x32xf32>
    %swap3A_109 = arith.constant 0 : index
    %swap3A_110 = arith.constant 0 : index
    %swap3A_111 = vector.load %arg14[%swap3A_109, %swap3A_110] : memref<512x32xf32, #tpu.memory_space<vmem>>, vector<512x32xf32>
    tpu.vector_store %arg14[%swap3A_109, %swap3A_110], %add3A_108 {strides = array<i32>} : memref<512x32xf32, #tpu.memory_space<vmem>>, vector<512x32xf32>,
    return
  }
  func.func @transform_0(%arg0: i32) -> (i32, i32, i32) {
    %c0_i32 = arith.constant 0 : i32
    %c0_i32_0 = arith.constant 0 : i32
    %c0_i32_1 = arith.constant 0 : i32
    return %arg0, %c0_i32, %c0_i32_0 : i32, i32, i32
  }
  func.func @transform_1(%arg0: i32) -> (i32, i32, i32) {
    %c3_i32 = arith.constant 3 : i32
    %c0_i32 = arith.constant 0 : i32
    %c0_i32_0 = arith.constant 0 : i32
    return %c3_i32, %arg0, %c0_i32 : i32, i32, i32
  }
  func.func @transform_2(%arg0: i32) -> (i32, i32) {
    %c0_i32 = arith.constant 0 : i32
    %c0_i32_0 = arith.constant 0 : i32
    return %arg0, %c0_i32 : i32, i32
  }
  func.func @transform_3(%arg0: i32) -> (i32, i32, i32) {
    %c3_i32 = arith.constant 3 : i32
    %c0_i32 = arith.constant 0 : i32
    %c0_i32_0 = arith.constant 0 : i32
    return %c3_i32, %arg0, %c0_i32 : i32, i32, i32
  }
  func.func @transform_4(%arg0: i32) -> (i32, i32, i32) {
    %c3_i32 = arith.constant 3 : i32
    %c0_i32 = arith.constant 0 : i32
    %c0_i32_0 = arith.constant 0 : i32
    return %c3_i32, %arg0, %c0_i32 : i32, i32, i32
  }
  func.func @transform_5(%arg0: i32) -> (i32, i32) {
    %c0_i32 = arith.constant 0 : i32
    %c0_i32_0 = arith.constant 0 : i32
    %c0_i32_1 = arith.constant 0 : i32
    return %c0_i32, %c0_i32_0 : i32, i32
  }
  func.func @transform_6(%arg0: i32) -> (i32, i32) {
    %c0_i32 = arith.constant 0 : i32
    %c0_i32_0 = arith.constant 0 : i32
    %c0_i32_1 = arith.constant 0 : i32
    return %c0_i32, %c0_i32_0 : i32, i32
  }
  func.func @transform_7(%arg0: i32) -> (i32, i32) {
    %c0_i32 = arith.constant 0 : i32
    %c0_i32_0 = arith.constant 0 : i32
    %c0_i32_1 = arith.constant 0 : i32
    return %c0_i32, %c0_i32_0 : i32, i32
  }
  func.func @transform_8(%arg0: i32) -> (i32, i32) {
    %c0_i32 = arith.constant 0 : i32
    %c0_i32_0 = arith.constant 0 : i32
    %c0_i32_1 = arith.constant 0 : i32
    return %c0_i32, %c0_i32_0 : i32, i32
  }
  func.func @transform_9(%arg0: i32) -> (i32, i32) {
    %c0_i32 = arith.constant 0 : i32
    %c0_i32_0 = arith.constant 0 : i32
    %c0_i32_1 = arith.constant 0 : i32
    return %c0_i32, %c0_i32_0 : i32, i32
  }
  func.func @transform_10(%arg0: i32) -> (i32, i32) {
    %c0_i32 = arith.constant 0 : i32
    %c0_i32_0 = arith.constant 0 : i32
    %c0_i32_1 = arith.constant 0 : i32
    return %c0_i32, %c0_i32_0 : i32, i32
  }
  func.func @transform_11(%arg0: i32) -> (i32, i32) {
    %c0_i32 = arith.constant 0 : i32
    %c0_i32_0 = arith.constant 0 : i32
    %c0_i32_1 = arith.constant 0 : i32
    return %c0_i32, %c0_i32_0 : i32, i32
  }
  func.func @transform_12(%arg0: i32) -> (i32, i32) {
    %c0_i32 = arith.constant 0 : i32
    %c0_i32_0 = arith.constant 0 : i32
    %c0_i32_1 = arith.constant 0 : i32
    return %c0_i32, %c0_i32_0 : i32, i32
  }
  func.func @transform_13(%arg0: i32) -> (i32, i32) {
    %c0_i32 = arith.constant 0 : i32
    %c0_i32_0 = arith.constant 0 : i32
    return %arg0, %c0_i32 : i32, i32
  }
  func.func @transform_14(%arg0: i32) -> (i32, i32) {
    %c0_i32 = arith.constant 0 : i32
    %c0_i32_0 = arith.constant 0 : i32
    return %arg0, %c0_i32 : i32, i32
  }
}

</mosaic_0001>

<sc_bundles>
// kernel: kernel.15.cloned.1.call-start
scs
__scs_entry_jumppad:
0x0: {  	(pc) =	sbr.rel $0x88, $3  }
0x1: {  	(tag) =	ssettag $0x0;
	lr =	simm.s32 $0x1  }
0x2: {  	[smem:$0x3F90] =	sst lr;
	_ =	strace $0xD0000000  }
0x3: {  	_ = 	snop  }
0x4: {  	_ = 	snop  }
0x5: {  	_ = 	snop  }
0x6: {  	_ = 	snop  }
0x7: {  	_ = 	snop  }
__scs_overlays_trampoline_lowered:
0x8: {  	[smem:$0x3F9F] =	sst s0  }
0x9: {  	[smem:$0x3FA0] =	sst s1  }
0xa: {  	[smem:$0x3FA1] =	sst s2  }
0xb: {  	[smem:$0x3FA2] =	sst s3  }
0xc: {  	[smem:$0x3FA3] =	sst s4  }
0xd: {  	[smem:$0x3FA4] =	sst s5  }
0xe: {  	[smem:$0x3FA5] =	sst s6  }
0xf: {  	[smem:$0x3FA6] =	sst s7  }
0x10: {  	[smem:$0x3FA7] =	sst s8  }
0x11: {  	[smem:$0x3FA8] =	sst s9;
	s0 =	simm.s32 @!p0 $0x0  }
0x12: {  	s1 =	sld [smem:$0x3F8E];
	s0 =	simm.s32 @p0 $0x1  }
0x13: {  	[smem:$0x3FA9] =	sst s0;
	s0 =	simm.s32 @!p1 $0x0  }
0x14: {  	s2 =	sld [smem:$0x3F8D];
	s0 =	simm.s32 @p1 $0x1  }
0x15: {  	[smem:$0x3FAA] =	sst s0;
	s0 =	simm.s32 @!p2 $0x0  }
0x16: {  	s3 =	sld [smem:$0x3FDB];
	s0 =	simm.s32 @p2 $0x1  }
0x17: {  	s4 =	simm.s32 $0x1BF5;
	[smem:$0x3FAC] =	sst s0  }
0x18: {  	s0 =	sld [smem:$0x3F8F];
	_ =	swait.ge [sflag:s4], $0x0  }
0x19: {  	s7 =	sld [smem:$0x3F90]  }
0x1a: {  	s8 =	sadd.s32 $0xFFFFE003, lr  }
0x1b: {  	s9 =	sadd.s32 $0xFFFFFEF7, lr;
	s5 =	simm.s32 $0xFFFFFFFF;
	p2 =	slt.u32 s8, $0xFFFFF086  }
0x1c: {  	p1 =	slt.u32 s9, $0xF7A;
	s5 =	simm.s32 @!p2 $0x0  }
0x1d: {  	s5 =	simm.s32 @p1 $0x1;
	p0 =	seq.s32 s7, s2  }
0x1e: {  	s7 =	smul.u32 @!p0 $0xF7A, s2;
	p2 =	seq.s32 @!p0 s5, $0x0  }
0x1f: {  	s9 =	smul.u32 $0xF7A, s1;
	s8 =	simm.s32 @!p0 $0x1BF5;
	p2 =	por !p2, p0  }
0x20: {  	[sflag:s8] =	ssyncset.s32 @!p0 $0xFFFFF086;
	s6 =	sadd.s32 @!p0 s3, s7;
	s7 =	simm.s32 @!p0 $0x108  }
0x21: {  	s3 =	sadd.s32 s3, s9;
	s6 =	sadd.s32 @!p0 $0x88, s6;
	s7 =	simm.s32 @p2 $0x1082  }
0x22: {  	[simem:s7], [sflag:s8] =	dma.local @!p0 [hbm:s6], $0xF7A  }
0x23: {  	s9 =	sor.u32 $0xD0000000, s2;
	s6 =	simm.s32 $0x108;
	_ =	swait.ge @!p0 [sflag:s8], $0x0  }
0x24: {  	s3 =	sadd.s32 $0x88, s3;
	s6 =	simm.s32 @!p1 $0x1082;
	[sflag:s4] =	ssyncset.s32 $0xFFFFF086  }
0x25: {  	[simem:s6], [sflag:s4] =	dma.local [hbm:s3], $0xF7A  }
0x26: {  	[smem:$0x3F90] =	sst s1;
	(tag) =	ssettag s2;
	_ =	strace s9  }
0x27: {  	s1 =	sld [smem:$0x3FA0]  }
0x28: {  	s2 =	sld [smem:$0x3FA1]  }
0x29: {  	s4 =	sld [smem:$0x3FA3]  }
0x2a: {  	p0 =	seq.s32 s5, $0x0;
	s5 =	sld [smem:$0x3FA4]  }
0x2b: {  	s6 =	sld [smem:$0x3FA5]  }
0x2c: {  	s7 =	sld [smem:$0x3FA6]  }
0x2d: {  	s3 =	simm.s32 $0x108;
	s8 =	sld [smem:$0x3FA7]  }
0x2e: {  	s3 =	simm.s32 @!p0 $0x1082;
	s9 =	sld [smem:$0x3FA8]  }
0x2f: {  	lr =	sadd.s32 s0, s3;
	s0 =	sld [smem:$0x3F9F]  }
0x30: {  	s3 =	sld [smem:$0x3FA2]  }
0x31: {  	[smem:$0x3FAB] =	sst s10  }
0x32: {  	s10 =	sld [smem:$0x3FA9];
	_ =	sdelay $0x3  }
0x33: {  	p0 =	seq.s32 s10, $0x1;
	s10 =	sld [smem:$0x3FAB];
	_ =	sdelay $0x3  }
0x34: {  	[smem:$0x3FAB] =	sst s10  }
0x35: {  	s10 =	sld [smem:$0x3FAA];
	_ =	sdelay $0x3  }
0x36: {  	p1 =	seq.s32 s10, $0x1;
	s10 =	sld [smem:$0x3FAB];
	_ =	sdelay $0x3  }
0x37: {  	[smem:$0x3FAB] =	sst s10  }
0x38: {  	s10 =	sld [smem:$0x3FAC]  }
0x39: {  	_ = 	snop;
	(pc) =	sbr.ind lr, $3  }
0x3a: {  	_ = 	snop  }
0x3b: {  	_ = 	snop  }
0x3c: {  	p2 =	seq.s32 s10, $0x1;
	s10 =	sld [smem:$0x3FAB]  }
0x3d: {  	_ =	shalt  }
0x3e: {  	_ =	shalt  }
0x3f: {  	_ =	shalt  }
0x40: {  	_ =	shalt  }
0x41: {  	_ =	shalt  }
0x42: {  	_ =	shalt  }
0x43: {  	_ =	shalt  }
0x44: {  	_ =	shalt  }
0x45: {  	_ =	shalt  }
0x46: {  	_ =	shalt  }
0x47: {  	_ =	shalt  }
0x48: {  	_ =	shalt  }
0x49: {  	_ =	shalt  }
0x4a: {  	_ =	shalt  }
0x4b: {  	_ =	shalt  }
0x4c: {  	_ =	shalt  }
0x4d: {  	_ =	shalt  }
0x4e: {  	_ =	shalt  }
0x4f: {  	_ =	shalt  }
0x50: {  	_ =	shalt  }
0x51: {  	_ =	shalt  }
0x52: {  	_ =	shalt  }
0x53: {  	_ =	shalt  }
0x54: {  	_ =	shalt  }
0x55: {  	_ =	shalt  }
0x56: {  	_ =	shalt  }
0x57: {  	_ =	shalt  }
0x58: {  	_ =	shalt  }
0x59: {  	_ =	shalt  }
0x5a: {  	_ =	shalt  }
0x5b: {  	_ =	shalt  }
0x5c: {  	_ =	shalt  }
0x5d: {  	_ =	shalt  }
0x5e: {  	_ =	shalt  }
0x5f: {  	_ =	shalt  }
0x60: {  	_ =	shalt  }
0x61: {  	_ =	shalt  }
0x62: {  	_ =	shalt  }
0x63: {  	_ =	shalt  }
0x64: {  	_ =	shalt  }
0x65: {  	_ =	shalt  }
0x66: {  	_ =	shalt  }
0x67: {  	_ =	shalt  }
0x68: {  	_ =	shalt  }
0x69: {  	_ =	shalt  }
0x6a: {  	_ =	shalt  }
0x6b: {  	_ =	shalt  }
0x6c: {  	_ =	shalt  }
0x6d: {  	_ =	shalt  }
0x6e: {  	_ =	shalt  }
0x6f: {  	_ =	shalt  }
0x70: {  	_ =	shalt  }
0x71: {  	_ =	shalt  }
0x72: {  	_ =	shalt  }
0x73: {  	_ =	shalt  }
0x74: {  	_ =	shalt  }
0x75: {  	_ =	shalt  }
0x76: {  	_ =	shalt  }
0x77: {  	_ =	shalt  }
0x78: {  	_ =	shalt  }
0x79: {  	_ =	shalt  }
0x7a: {  	_ =	shalt  }
0x7b: {  	_ =	shalt  }
0x7c: {  	_ =	shalt  }
0x7d: {  	_ =	shalt  }
0x7e: {  	_ =	shalt  }
0x7f: {  	_ =	shalt  }
0x80: {  	_ =	shalt  }
0x81: {  	_ =	shalt  }
0x82: {  	_ =	shalt  }
0x83: {  	_ =	shalt  }
0x84: {  	_ =	shalt  }
0x85: {  	_ =	shalt  }
0x86: {  	_ =	shalt  }
0x87: {  	_ =	shalt  }
.Lfunc_end0:
.L_simem_size_0:
called_computation_lowered:
.L_overlay_start_0:
0x88: {  	s2 =	sld [smem:$0x3FD9]  }
0x89: {  	s3 =	sld [smem:$0x3FFE];
	_ =	sdelay $0x1  }
0x8a: {  	s1 =	srdreg.scid  }
0x8b: {  	s0 =	sand.u32 $0x1, s1  }
0x8c: {  	s15 =	sshll.u32 s0, $0xA;
	s2 =	sadd.s32 s3, s2  }
0x8d: {  	s2 =	sadd.s32 s2, s15  }
0x8e: {  	[smem:$0x3FB7] =	sst s2  }
0x8f: {  	_ = 	snop  }
0x90: {  	s2 =	sld [smem:$0x3FD0];
	_ =	sdelay $0x2  }
0x91: {  	s16 =	simm.s32 $0xD;
	s4 =	simm.s32 $0x10  }
0x92: {  	[smem:s4], [sflag:s16] =	dma.local [hbm:s2], $0x1  }
0x93: {  	_ =	swait.eq [sflag:s16], $0x1  }
0x94: {  	[sflag:s16] =	ssyncset.done $0x0  }
0x95: {  	[sflag:s16] =	ssyncadd.s32 $0xFFFFFFFF  }
0x96: {  	s17 =	sld [smem:$0x10];
	(tm) =	ssettm $0x1  }
0x97: {  	s18 =	sld [smem:$0x3FFB];
	_ =	sdelay $0x3  }
0x98: {  	_ =	strace s18  }
0x99: {  	s2 =	sld [smem:$0x3FFC];
	_ =	sdelay $0x3  }
0x9a: {  	_ =	strace s2  }
0x9b: {  	s2 =	sld [smem:$0x3FFD];
	_ =	sdelay $0x3  }
0x9c: {  	_ =	strace s2  }
0x9d: {  	_ =	strace $0x8FFFFFFF  }
0x9e: {  	s19 =	sld [smem:$0x3FDB];
	_ =	sdelay $0x1  }
0x9f: {  	s20 =	simm.s32 $_scs_section_size  }
0xa0: {  	s5 =	simm.s32 $_size__tile_overlayer_lowered;
	s6 =	simm.s32 $_tile_overlayer_lowered  }
0xa1: {  	s7 =	simm.s32 $0x1BFF;
	s21 =	sshll.u32 s6, $0x1;
	s4 =	sadd.s32 s20, s19  }
0xa2: {  	s22 =	simm.s32 $0x0;
	s5 =	sshll.u32 s5, $0x1;
	s6 =	sadd.s32 s21, s4  }
0xa3: {  	[timem:s22], [sflag:s7] =	dma.local [hbm:s6], s5  }
0xa4: {  	_ =	swait.ge [sflag:s7], s5  }
0xa5: {  	s5 =	ssub.s32 $0x0, s5;
	[sflag:s7] =	ssyncset.done $0x0  }
0xa6: {  	[sflag:s7] =	ssyncadd.s32 s5;
	_ =	sdelay $0x1  }
0xa7: {  	s23 =	simm.s32 $0x1B8B  }
0xa8: {  	_ =	swait.ge [sflag:s23], $0x1  }
0xa9: {  	[sflag:s23] =	ssyncset.done $0x0  }
0xaa: {  	[sflag:s23] =	ssyncadd.s32 $0xFFFFFFFF  }
0xab: {  	s5 =	sld [smem:$0x0]  }
0xac: {  	s6 =	sand.u32 $0xFFFFFFFE, s1  }
0xad: {  	p0 =	sne.s32 s1, s6  }
0xae: {  	s6 =	sshll.u32 @p0 s6, $0xE  }
0xaf: {  	s6 =	sadd.s32 @p0 $0x11B8D, s6;
	s7 =	sshll.u32 @p0 s5, $0x11  }
0xb0: {  	s6 =	sor.u32 @p0 s7, s6  }
0xb1: {  	[sflag:s6] =	ssyncadd.remote.s32 @p0 $0x1;
	_ =	sdelay $0x1  }
0xb2: {  	s6 =	simm.s32 @p0 $0x1B8D  }
0xb3: {  	_ =	swait.eq @p0 [sflag:s6], $0x1  }
0xb4: {  	[sflag:s6] =	ssyncadd.s32 @p0 $0xFFFFFFFF  }
0xb5: {  	s7 =	sshll.u32 @!p0 s1, $0xE  }
0xb6: {  	s7 =	sor.u32 @!p0 $0x4000, s7;
	s6 =	simm.s32 @!p0 $0x1B8D  }
0xb7: {  	s5 =	sshll.u32 @!p0 s5, $0x11;
	s7 =	sadd.s32 @!p0 $0x11B8D, s7;
	_ =	swait.eq @!p0 [sflag:s6], $0x1  }
0xb8: {  	s5 =	sor.u32 @!p0 s5, s7;
	[sflag:s6] =	ssyncadd.s32 @!p0 $0xFFFFFFFF  }
0xb9: {  	s25 =	simm.s32 $0x1B8E;
	s24 =	sld [smem:$0x3FFE];
	[sflag:s5] =	ssyncadd.remote.s32 @!p0 $0x1  }
0xba: {  	s26 =	simm.s32 $execute0_lowered;
	[smem:$0x3FD2] =	sst s25  }
0xbb: {  	s6 =	sshll.u32 s26, $0x1;
	_ =	strace $0x80000049;
	[dreg:$0x1] =	wrdreg $0xFFFFFFFF  }
0xbc: {  	s28 =	simm.s32 $_size_execute0_lowered;
	s4 =	sadd.s32 s4, s6;
	[dreg:$0x0] =	wrdreg $0x0  }
0xbd: {  	s6 =	sshll.u32 s28, $0x1;
	[dreg:$0x2] =	wrdreg s4  }
0xbe: {  	[dreg:$0x3] =	wrdreg s6  }
0xbf: {  	[dreg:$0x4] =	wrdreg $0xC0  }
0xc0: {  	_ =	task [dreg:s22], $0x5FFFF  }
0xc1: {  	[dreg:$0x1] =	wrdreg $0xFFFFFFFF  }
0xc2: {  	[dreg:$0x0] =	wrdreg $0x60  }
0xc3: {  	[dreg:$0x2] =	wrdreg s17  }
0xc4: {  	[dreg:$0x3] =	wrdreg s24  }
0xc5: {  	[dreg:$0x4] =	wrdreg $0x9  }
0xc6: {  	_ =	task.clear_ibuf [dreg:s22], $0x5FFFF;
	_ =	strace $0x90000049  }
0xc7: {  	s29 =	simm.s32 $0x9;
	_ =	strace $0x8000004B  }
0xc8: {  	_ =	swait.ge [sflag:s29], $0x1  }
0xc9: {  	[sflag:s29] =	ssyncadd.s32 $0xFFFFFFFF  }
0xca: {  	_ =	strace $0x9000004B  }
0xcb: {  	_ =	sfence  }
0xcc: {  	s30 =	sld [smem:$0x0];
	_ =	sdelay $0x2  }
0xcd: {  	s31 =	sshll.u32 s1, $0xD;
	s1 =	sshrl.u32 s1, $0x2  }
0xce: {  	s4 =	sand.u32 $0x4000, s31;
	s1 =	sadd.s32 s1, s30  }
0xcf: {  	s0 =	sor.u32 s4, s0;
	s1 =	sshll.u32 s1, $0x11  }
0xd0: {  	s0 =	sor.u32 s1, s0  }
0xd1: {  	s0 =	sadd.s32 $0x8F2B, s0  }
0xd2: {  	[sflag:s0] =	ssyncadd.remote.s32 $0x1  }
0xd3: {  	_ =	sfence.sel $0xFFFF  }
0xd4: {  	[dreg:$0x0] =	wrdreg $0xFFFFFFFF;
	(pc) =	sbr.abs _section_cstart, $3  }
0xd5: {  	[dreg:$0x1] =	wrdreg $0xFFFFFFFF  }
0xd6: {  	_ =	task.clear_ibuf [dreg:s22], $0x2FFFF;
	_ =	strace $0x9FFFFFFF  }
0xd7: {  	(tm) =	ssettm $0x7FFFFFFF  }
tec
execute0_lowered:
.L_overlay_start_1:
0x0: {  	(tag) =	ssettag $0x1  }
0x1: {  	s1 =	srdreg.scid  }
0x2: {  	s2 =	rddreg [dreg:$0x0];
	s0 =	stileid.u32;
	s25 =	sand.u32 $0x1, s1  }
0x3: {  	s11 =	rddreg [dreg:$0x1];
	s4 =	sshll.u32 s0, $0xB;
	s5 =	sshll.u32 s25, $0xA  }
0x4: {  	s3 =	simm.s32 $0x0;
	s1 =	rddreg [dreg:$0x2];
	s24 =	sor.u32 s5, s4  }
0x5: {  	[smem:$0x7FF] =	sst s3;
	s23 =	sadd.s32 $0xBD600, s11;
	s4 =	sshrl.u32 s24, $0x3  }
0x6: {  	_ =	strace $0x8000004A;
	s5 =	sadd.s32 s23, s4;
	s4 =	simm.s32 $0x3  }
0x7: {  	[tilespmem:s3], [sflag:$0x3] =	stream.linear.gather [hbm4b:s5+s3], $0x80, $0x38;
	[tilespmem:$0x8100] =	vst v63  }
0x8: {  	_ =	swait.ge [sflag:s4], $0x80  }
0x9: {  	s6 =	simm.s32 $0x80;
	s14 =	sor.u32 $0x80, s24;
	[sflag:s4] =	ssyncset.done $0x0  }
0xa: {  	s7 =	simm.s32 $0x100;
	s8 =	sshrl.u32 s14, $0x3;
	[sflag:s4] =	ssyncadd.s32 $0xFFFFFF80  }
0xb: {  	[tilespmem:s7], [sflag:$0x1] =	stream.indirect.gather [hbm4b:s2+s6], $0x80, s3, s6, $0xb8;
	[tilespmem:$0x8100] =	vst v63  }
0xc: {  	s8 =	sadd.s32 s23, s8  }
0xd: {  	[tilespmem:s6], [sflag:$0x3] =	stream.linear.gather [hbm4b:s8+s3], $0x80, $0x38;
	[tilespmem:$0x8100] =	vst v63  }
0xe: {  	_ =	swait.ge [sflag:s4], $0x80  }
0xf: {  	[sflag:s4] =	ssyncset.done $0x0  }
0x10: {  	s9 =	simm.s32 $0x4100;
	s10 =	simm.s32 $0x1;
	[sflag:s4] =	ssyncadd.s32 $0xFFFFFF80  }
0x11: {  	[tilespmem:s9], [sflag:$0x2] =	stream.indirect.gather [hbm4b:s2+s6], $0x80, s6, s6, $0xb8;
	[tilespmem:$0x8100] =	vst v63  }
0x12: {  	_ =	swait.ge [sflag:s10], $0x4000  }
0x13: {  	s26 =	sadd.s32 $0xBE600, s11;
	s29 =	sshll.u32 s24, $0x4;
	[sflag:s10] =	ssyncset.done $0x0  }
0x14: {  	s11 =	sadd.s32 s26, s29;
	[sflag:s10] =	ssyncadd.s32 $0xFFFFC000  }
0x15: {  	[hbm4b:s11+s3] =	stream.linear.scatter [tilespmem:s7], [sflag:$0x3], $0x4000, $0x38;
	[tilespmem:$0x8100] =	vst v63  }
0x16: {  	_ =	swait.ge [sflag:s4], $0x4000  }
0x17: {  	[sflag:s4] =	ssyncset.done $0x0  }
0x18: {  	s12 =	sadd.s32 $0x20, s5;
	[sflag:s4] =	ssyncadd.s32 $0xFFFFC000  }
0x19: {  	[tilespmem:s3], [sflag:$0x3] =	stream.linear.gather [hbm4b:s12+s3], $0x80, $0x38;
	[tilespmem:$0x8100] =	vst v63  }
0x1a: {  	_ =	swait.ge [sflag:s4], $0x80  }
0x1b: {  	[sflag:s4] =	ssyncset.done $0x0  }
0x1c: {  	s13 =	simm.s32 $0x2;
	[sflag:s4] =	ssyncadd.s32 $0xFFFFFF80  }
0x1d: {  	[tilespmem:s7], [sflag:$0x1] =	stream.indirect.gather [hbm4b:s2+s6], $0x80, s3, s6, $0xb8;
	[tilespmem:$0x8100] =	vst v63  }
0x1e: {  	_ =	swait.ge [sflag:s13], $0x4000  }
0x1f: {  	s14 =	sshll.u32 s14, $0x4;
	[sflag:s13] =	ssyncset.done $0x0  }
0x20: {  	s14 =	sadd.s32 s26, s14;
	[sflag:s13] =	ssyncadd.s32 $0xFFFFC000  }
0x21: {  	[hbm4b:s14+s3] =	stream.linear.scatter [tilespmem:s9], [sflag:$0x3], $0x4000, $0x38;
	[tilespmem:$0x8100] =	vst v63  }
0x22: {  	s18 =	sor.u32 $0x180, s24;
	_ =	swait.ge [sflag:s4], $0x4000  }
0x23: {  	s15 =	sshrl.u32 s18, $0x3;
	[sflag:s4] =	ssyncset.done $0x0  }
0x24: {  	s15 =	sadd.s32 s23, s15;
	[sflag:s4] =	ssyncadd.s32 $0xFFFFC000  }
0x25: {  	[tilespmem:s6], [sflag:$0x3] =	stream.linear.gather [hbm4b:s15+s3], $0x80, $0x38;
	[tilespmem:$0x8100] =	vst v63  }
0x26: {  	_ =	swait.ge [sflag:s4], $0x80  }
0x27: {  	[sflag:s4] =	ssyncset.done $0x0  }
0x28: {  	[sflag:s4] =	ssyncadd.s32 $0xFFFFFF80  }
0x29: {  	[tilespmem:s9], [sflag:$0x2] =	stream.indirect.gather [hbm4b:s2+s6], $0x80, s6, s6, $0xb8;
	[tilespmem:$0x8100] =	vst v63  }
0x2a: {  	_ =	swait.ge [sflag:s10], $0x4000  }
0x2b: {  	[sflag:s10] =	ssyncset.done $0x0  }
0x2c: {  	s16 =	sadd.s32 $0x1000, s11;
	[sflag:s10] =	ssyncadd.s32 $0xFFFFC000  }
0x2d: {  	[hbm4b:s16+s3] =	stream.linear.scatter [tilespmem:s7], [sflag:$0x3], $0x4000, $0x38;
	[tilespmem:$0x8100] =	vst v63  }
0x2e: {  	_ =	swait.ge [sflag:s4], $0x4000  }
0x2f: {  	[sflag:s4] =	ssyncset.done $0x0  }
0x30: {  	s17 =	sadd.s32 $0x40, s5;
	[sflag:s4] =	ssyncadd.s32 $0xFFFFC000  }
0x31: {  	[tilespmem:s3], [sflag:$0x3] =	stream.linear.gather [hbm4b:s17+s3], $0x80, $0x38;
	[tilespmem:$0x8100] =	vst v63  }
0x32: {  	_ =	swait.ge [sflag:s4], $0x80  }
0x33: {  	[sflag:s4] =	ssyncset.done $0x0  }
0x34: {  	[sflag:s4] =	ssyncadd.s32 $0xFFFFFF80  }
0x35: {  	[tilespmem:s7], [sflag:$0x1] =	stream.indirect.gather [hbm4b:s2+s6], $0x80, s3, s6, $0xb8;
	[tilespmem:$0x8100] =	vst v63  }
0x36: {  	_ =	swait.ge [sflag:s13], $0x4000  }
0x37: {  	s18 =	sshll.u32 s18, $0x4;
	[sflag:s13] =	ssyncset.done $0x0  }
0x38: {  	s18 =	sadd.s32 s26, s18;
	[sflag:s13] =	ssyncadd.s32 $0xFFFFC000  }
0x39: {  	[hbm4b:s18+s3] =	stream.linear.scatter [tilespmem:s9], [sflag:$0x3], $0x4000, $0x38;
	[tilespmem:$0x8100] =	vst v63  }
0x3a: {  	s22 =	sor.u32 $0x280, s24;
	_ =	swait.ge [sflag:s4], $0x4000  }
0x3b: {  	s19 =	sshrl.u32 s22, $0x3;
	[sflag:s4] =	ssyncset.done $0x0  }
0x3c: {  	s19 =	sadd.s32 s23, s19;
	[sflag:s4] =	ssyncadd.s32 $0xFFFFC000  }
0x3d: {  	[tilespmem:s6], [sflag:$0x3] =	stream.linear.gather [hbm4b:s19+s3], $0x80, $0x38;
	[tilespmem:$0x8100] =	vst v63  }
0x3e: {  	_ =	swait.ge [sflag:s4], $0x80  }
0x3f: {  	[sflag:s4] =	ssyncset.done $0x0  }
0x40: {  	[sflag:s4] =	ssyncadd.s32 $0xFFFFFF80  }
0x41: {  	[tilespmem:s9], [sflag:$0x2] =	stream.indirect.gather [hbm4b:s2+s6], $0x80, s6, s6, $0xb8;
	[tilespmem:$0x8100] =	vst v63  }
0x42: {  	_ =	swait.ge [sflag:s10], $0x4000  }
0x43: {  	[sflag:s10] =	ssyncset.done $0x0  }
0x44: {  	s20 =	sadd.s32 $0x2000, s11;
	[sflag:s10] =	ssyncadd.s32 $0xFFFFC000  }
0x45: {  	[hbm4b:s20+s3] =	stream.linear.scatter [tilespmem:s7], [sflag:$0x3], $0x4000, $0x38;
	[tilespmem:$0x8100] =	vst v63  }
0x46: {  	_ =	swait.ge [sflag:s4], $0x4000  }
0x47: {  	[sflag:s4] =	ssyncset.done $0x0  }
0x48: {  	s21 =	sadd.s32 $0x60, s5;
	[sflag:s4] =	ssyncadd.s32 $0xFFFFC000  }
0x49: {  	[tilespmem:s3], [sflag:$0x3] =	stream.linear.gather [hbm4b:s21+s3], $0x80, $0x38;
	[tilespmem:$0x8100] =	vst v63  }
0x4a: {  	_ =	swait.ge [sflag:s4], $0x80  }
0x4b: {  	[sflag:s4] =	ssyncset.done $0x0  }
0x4c: {  	[sflag:s4] =	ssyncadd.s32 $0xFFFFFF80  }
0x4d: {  	[tilespmem:s7], [sflag:$0x1] =	stream.indirect.gather [hbm4b:s2+s6], $0x80, s3, s6, $0xb8;
	[tilespmem:$0x8100] =	vst v63  }
0x4e: {  	_ =	swait.ge [sflag:s13], $0x4000  }
0x4f: {  	s22 =	sshll.u32 s22, $0x4;
	[sflag:s13] =	ssyncset.done $0x0  }
0x50: {  	s22 =	sadd.s32 s26, s22;
	[sflag:s13] =	ssyncadd.s32 $0xFFFFC000  }
0x51: {  	[hbm4b:s22+s3] =	stream.linear.scatter [tilespmem:s9], [sflag:$0x3], $0x4000, $0x38;
	[tilespmem:$0x8100] =	vst v63  }
0x52: {  	s28 =	sor.u32 $0x380, s24;
	_ =	swait.ge [sflag:s4], $0x4000  }
0x53: {  	s24 =	sshrl.u32 s28, $0x3;
	[sflag:s4] =	ssyncset.done $0x0  }
0x54: {  	s23 =	sadd.s32 s23, s24;
	[sflag:s4] =	ssyncadd.s32 $0xFFFFC000  }
0x55: {  	[tilespmem:s6], [sflag:$0x3] =	stream.linear.gather [hbm4b:s23+s3], $0x80, $0x38;
	[tilespmem:$0x8100] =	vst v63  }
0x56: {  	_ =	swait.ge [sflag:s4], $0x80  }
0x57: {  	[sflag:s4] =	ssyncset.done $0x0  }
0x58: {  	[sflag:s4] =	ssyncadd.s32 $0xFFFFFF80  }
0x59: {  	[tilespmem:s9], [sflag:$0x2] =	stream.indirect.gather [hbm4b:s2+s6], $0x80, s6, s6, $0xb8;
	[tilespmem:$0x8100] =	vst v63  }
0x5a: {  	_ =	swait.ge [sflag:s10], $0x4000  }
0x5b: {  	[sflag:s10] =	ssyncset.done $0x0  }
0x5c: {  	s25 =	ssub.s32 $0x2, s25;
	s24 =	sadd.s32 $0x3000, s11;
	[sflag:s10] =	ssyncadd.s32 $0xFFFFC000  }
0x5d: {  	[hbm4b:s24+s3] =	stream.linear.scatter [tilespmem:s7], [sflag:$0x3], $0x4000, $0x38;
	[tilespmem:$0x8100] =	vst v63  }
0x5e: {  	s29 =	sshrl.u32 s25, $0x1;
	_ =	swait.ge [sflag:s4], $0x4000  }
0x5f: {  	s29 =	ssub.s32 s25, s29;
	[sflag:s4] =	ssyncset.done $0x0  }
0x60: {  	s31 =	smax.u32 s29, $0x1;
	[sflag:s4] =	ssyncadd.s32 $0xFFFFC000  }
0x61: {  	p0 =	sne.s32 s31, $0x1;
	_ =	swait.ge [sflag:s13], $0x4000  }
.Ltmp0:
0x62: {  	s30 =	sshll.u32 s28, $0x4;
	[sflag:s13] =	ssyncset.done $0x0;
	(pc) =	sbr.rel @!p0 .LBB2_2-.Ltmp0, $4  }
0x63: {  	s25 =	sadd.s32 s26, s30;
	[sflag:s13] =	ssyncadd.s32 $0xFFFFC000  }
0x64: {  	[hbm4b:s25+s3] =	stream.linear.scatter [tilespmem:s9], [sflag:$0x3], $0x4000, $0x38;
	[tilespmem:$0x8100] =	vst v63  }
0x65: {  	_ =	swait.ge [sflag:s4], $0x4000  }
0x66: {  	s26 =	sadd.s32 $0xFFFFFFFF, s31;
	[sflag:s4] =	ssyncset.done $0x0  }
.LBB2_1:
0x67: {  	p0 =	sne.s32 s26, $0x1;
	s26 =	sadd.s32 $0xFFFFFFFF, s26;
	[sflag:s4] =	ssyncadd.s32 $0xFFFFC000  }
0x68: {  	[tilespmem:s3], [sflag:$0x3] =	stream.linear.gather [hbm4b:s5+s3], $0x80, $0x38;
	[tilespmem:$0x8100] =	vst v63  }
0x69: {  	_ =	swait.ge [sflag:s4], $0x80  }
0x6a: {  	[sflag:s4] =	ssyncset.done $0x0  }
0x6b: {  	[sflag:s4] =	ssyncadd.s32 $0xFFFFFF80  }
0x6c: {  	[tilespmem:s7], [sflag:$0x1] =	stream.indirect.gather [hbm4b:s2+s6], $0x80, s3, s6, $0xb8;
	[tilespmem:$0x8100] =	vst v63  }
0x6d: {  	_ = 	snop  }
0x6e: {  	[tilespmem:s6], [sflag:$0x3] =	stream.linear.gather [hbm4b:s8+s3], $0x80, $0x38;
	[tilespmem:$0x8100] =	vst v63  }
0x6f: {  	_ =	swait.ge [sflag:s4], $0x80  }
0x70: {  	[sflag:s4] =	ssyncset.done $0x0  }
0x71: {  	[sflag:s4] =	ssyncadd.s32 $0xFFFFFF80  }
0x72: {  	[tilespmem:s9], [sflag:$0x2] =	stream.indirect.gather [hbm4b:s2+s6], $0x80, s6, s6, $0xb8;
	[tilespmem:$0x8100] =	vst v63  }
0x73: {  	_ =	swait.ge [sflag:s10], $0x4000  }
0x74: {  	[sflag:s10] =	ssyncset.done $0x0  }
0x75: {  	[sflag:s10] =	ssyncadd.s32 $0xFFFFC000  }
0x76: {  	[hbm4b:s11+s3] =	stream.linear.scatter [tilespmem:s7], [sflag:$0x3], $0x4000, $0x38;
	[tilespmem:$0x8100] =	vst v63  }
0x77: {  	_ =	swait.ge [sflag:s4], $0x4000  }
0x78: {  	[sflag:s4] =	ssyncset.done $0x0  }
0x79: {  	[sflag:s4] =	ssyncadd.s32 $0xFFFFC000  }
0x7a: {  	[tilespmem:s3], [sflag:$0x3] =	stream.linear.gather [hbm4b:s12+s3], $0x80, $0x38;
	[tilespmem:$0x8100] =	vst v63  }
0x7b: {  	_ =	swait.ge [sflag:s4], $0x80  }
0x7c: {  	[sflag:s4] =	ssyncset.done $0x0  }
0x7d: {  	[sflag:s4] =	ssyncadd.s32 $0xFFFFFF80  }
0x7e: {  	[tilespmem:s7], [sflag:$0x1] =	stream.indirect.gather [hbm4b:s2+s6], $0x80, s3, s6, $0xb8;
	[tilespmem:$0x8100] =	vst v63  }
0x7f: {  	_ =	swait.ge [sflag:s13], $0x4000  }
0x80: {  	[sflag:s13] =	ssyncset.done $0x0  }
0x81: {  	[sflag:s13] =	ssyncadd.s32 $0xFFFFC000  }
0x82: {  	[hbm4b:s14+s3] =	stream.linear.scatter [tilespmem:s9], [sflag:$0x3], $0x4000, $0x38;
	[tilespmem:$0x8100] =	vst v63  }
0x83: {  	_ =	swait.ge [sflag:s4], $0x4000  }
0x84: {  	[sflag:s4] =	ssyncset.done $0x0  }
0x85: {  	[sflag:s4] =	ssyncadd.s32 $0xFFFFC000  }
0x86: {  	[tilespmem:s6], [sflag:$0x3] =	stream.linear.gather [hbm4b:s15+s3], $0x80, $0x38;
	[tilespmem:$0x8100] =	vst v63  }
0x87: {  	_ =	swait.ge [sflag:s4], $0x80  }
0x88: {  	[sflag:s4] =	ssyncset.done $0x0  }
0x89: {  	[sflag:s4] =	ssyncadd.s32 $0xFFFFFF80  }
0x8a: {  	[tilespmem:s9], [sflag:$0x2] =	stream.indirect.gather [hbm4b:s2+s6], $0x80, s6, s6, $0xb8;
	[tilespmem:$0x8100] =	vst v63  }
0x8b: {  	_ =	swait.ge [sflag:s10], $0x4000  }
0x8c: {  	[sflag:s10] =	ssyncset.done $0x0  }
0x8d: {  	[sflag:s10] =	ssyncadd.s32 $0xFFFFC000  }
0x8e: {  	[hbm4b:s16+s3] =	stream.linear.scatter [tilespmem:s7], [sflag:$0x3], $0x4000, $0x38;
	[tilespmem:$0x8100] =	vst v63  }
0x8f: {  	_ =	swait.ge [sflag:s4], $0x4000  }
0x90: {  	[sflag:s4] =	ssyncset.done $0x0  }
0x91: {  	[sflag:s4] =	ssyncadd.s32 $0xFFFFC000  }
0x92: {  	[tilespmem:s3], [sflag:$0x3] =	stream.linear.gather [hbm4b:s17+s3], $0x80, $0x38;
	[tilespmem:$0x8100] =	vst v63  }
0x93: {  	_ =	swait.ge [sflag:s4], $0x80  }
0x94: {  	[sflag:s4] =	ssyncset.done $0x0  }
0x95: {  	[sflag:s4] =	ssyncadd.s32 $0xFFFFFF80  }
0x96: {  	[tilespmem:s7], [sflag:$0x1] =	stream.indirect.gather [hbm4b:s2+s6], $0x80, s3, s6, $0xb8;
	[tilespmem:$0x8100] =	vst v63  }
0x97: {  	_ =	swait.ge [sflag:s13], $0x4000  }
0x98: {  	[sflag:s13] =	ssyncset.done $0x0  }
0x99: {  	[sflag:s13] =	ssyncadd.s32 $0xFFFFC000  }
0x9a: {  	[hbm4b:s18+s3] =	stream.linear.scatter [tilespmem:s9], [sflag:$0x3], $0x4000, $0x38;
	[tilespmem:$0x8100] =	vst v63  }
0x9b: {  	_ =	swait.ge [sflag:s4], $0x4000  }
0x9c: {  	[sflag:s4] =	ssyncset.done $0x0  }
0x9d: {  	[sflag:s4] =	ssyncadd.s32 $0xFFFFC000  }
0x9e: {  	[tilespmem:s6], [sflag:$0x3] =	stream.linear.gather [hbm4b:s19+s3], $0x80, $0x38;
	[tilespmem:$0x8100] =	vst v63  }
0x9f: {  	_ =	swait.ge [sflag:s4], $0x80  }
0xa0: {  	[sflag:s4] =	ssyncset.done $0x0  }
0xa1: {  	[sflag:s4] =	ssyncadd.s32 $0xFFFFFF80  }
0xa2: {  	[tilespmem:s9], [sflag:$0x2] =	stream.indirect.gather [hbm4b:s2+s6], $0x80, s6, s6, $0xb8;
	[tilespmem:$0x8100] =	vst v63  }
0xa3: {  	_ =	swait.ge [sflag:s10], $0x4000  }
0xa4: {  	[sflag:s10] =	ssyncset.done $0x0  }
0xa5: {  	[sflag:s10] =	ssyncadd.s32 $0xFFFFC000  }
0xa6: {  	[hbm4b:s20+s3] =	stream.linear.scatter [tilespmem:s7], [sflag:$0x3], $0x4000, $0x38;
	[tilespmem:$0x8100] =	vst v63  }
0xa7: {  	_ =	swait.ge [sflag:s4], $0x4000  }
0xa8: {  	[sflag:s4] =	ssyncset.done $0x0  }
0xa9: {  	[sflag:s4] =	ssyncadd.s32 $0xFFFFC000  }
0xaa: {  	[tilespmem:s3], [sflag:$0x3] =	stream.linear.gather [hbm4b:s21+s3], $0x80, $0x38;
	[tilespmem:$0x8100] =	vst v63  }
0xab: {  	_ =	swait.ge [sflag:s4], $0x80  }
0xac: {  	[sflag:s4] =	ssyncset.done $0x0  }
0xad: {  	[sflag:s4] =	ssyncadd.s32 $0xFFFFFF80  }
0xae: {  	[tilespmem:s7], [sflag:$0x1] =	stream.indirect.gather [hbm4b:s2+s6], $0x80, s3, s6, $0xb8;
	[tilespmem:$0x8100] =	vst v63  }
0xaf: {  	_ =	swait.ge [sflag:s13], $0x4000  }
0xb0: {  	[sflag:s13] =	ssyncset.done $0x0  }
0xb1: {  	[sflag:s13] =	ssyncadd.s32 $0xFFFFC000  }
0xb2: {  	[hbm4b:s22+s3] =	stream.linear.scatter [tilespmem:s9], [sflag:$0x3], $0x4000, $0x38;
	[tilespmem:$0x8100] =	vst v63  }
0xb3: {  	_ =	swait.ge [sflag:s4], $0x4000  }
0xb4: {  	[sflag:s4] =	ssyncset.done $0x0  }
0xb5: {  	[sflag:s4] =	ssyncadd.s32 $0xFFFFC000  }
0xb6: {  	[tilespmem:s6], [sflag:$0x3] =	stream.linear.gather [hbm4b:s23+s3], $0x80, $0x38;
	[tilespmem:$0x8100] =	vst v63  }
0xb7: {  	_ =	swait.ge [sflag:s4], $0x80  }
0xb8: {  	[sflag:s4] =	ssyncset.done $0x0  }
0xb9: {  	[sflag:s4] =	ssyncadd.s32 $0xFFFFFF80  }
0xba: {  	[tilespmem:s9], [sflag:$0x2] =	stream.indirect.gather [hbm4b:s2+s6], $0x80, s6, s6, $0xb8;
	[tilespmem:$0x8100] =	vst v63  }
0xbb: {  	_ =	swait.ge [sflag:s10], $0x4000  }
0xbc: {  	[sflag:s10] =	ssyncset.done $0x0  }
0xbd: {  	[sflag:s10] =	ssyncadd.s32 $0xFFFFC000  }
0xbe: {  	[hbm4b:s24+s3] =	stream.linear.scatter [tilespmem:s7], [sflag:$0x3], $0x4000, $0x38;
	[tilespmem:$0x8100] =	vst v63  }
0xbf: {  	_ =	swait.ge [sflag:s4], $0x4000  }
0xc0: {  	[sflag:s4] =	ssyncset.done $0x0  }
0xc1: {  	[sflag:s4] =	ssyncadd.s32 $0xFFFFC000  }
0xc2: {  	_ =	swait.ge [sflag:s13], $0x4000  }
.Ltmp1:
0xc3: {  	[sflag:s13] =	ssyncset.done $0x0;
	(pc) =	sbr.rel @p0 .LBB2_1-.Ltmp1, $4  }
0xc4: {  	[sflag:s13] =	ssyncadd.s32 $0xFFFFC000  }
0xc5: {  	[hbm4b:s25+s3] =	stream.linear.scatter [tilespmem:s9], [sflag:$0x3], $0x4000, $0x38;
	[tilespmem:$0x8100] =	vst v63  }
0xc6: {  	_ =	swait.ge [sflag:s4], $0x4000  }
0xc7: {  	[sflag:s4] =	ssyncset.done $0x0  }
.LBB2_2:
0xc8: {  	[sflag:s4] =	ssyncadd.s32 $0xFFFFC000  }
0xc9: {  	_ =	sfence.sel $0x180000  }
0xca: {  	[bflag:$0x0] =	sbarrier.arrive $0xFFFF  }
0xcb: {  	p0 =	sne.s32 s0, $0x0;
	_ =	strace $0x9000004A  }
0xcc: {  	s0 =	sadd.s32 @!p0 $0x100000, s1;
	[bflag:$0x2] =	sbarrier.arrive $0xFFFF  }
0xcd: {  	[sflag:s0] =	ssyncadd.tile.s32 @!p0 $0x1;
	_ =	shalt  }
.Lfunc_end2:
_tile_overlayer_lowered:
.L_overlay_start_2:
0xce: {  	(tag) =	ssettag $0x2  }
0xcf: {  	s0 =	rddreg [dreg:$0x0];
	s2 =	stileid.u32  }
0xd0: {  	s1 =	rddreg [dreg:$0x1];
	p0 =	sne.s32 s2, $0x0  }
0xd1: {  	s3 =	rddreg [dreg:$0x2];
	[bflag:$0x3] =	sbarrier.arrive $0xFFFF;
	s2 =	simm.s32 @!p0 $0x1C03  }
0xd2: {  	[timem:s3], [sflag:s2] =	dma.local @!p0 [hbm:s0], s1  }
0xd3: {  	s0 =	simm.s32 @!p0 $0x3  }
0xd4: {  	_ =	swait.ge @!p0 [sflag:s0], s1  }
0xd5: {  	s1 =	ssub.s32 @!p0 $0x0, s1;
	[sflag:s0] =	ssyncset.done @!p0 $0x0  }
0xd6: {  	[sflag:s0] =	ssyncadd.s32 @!p0 s1  }
0xd7: {  	[bflag:$0x3] =	sbarrier.arrive $0xFFFF  }
0xd8: {  	_ =	shalt  }

// kernel: kernel.18.cloned.1.call-start
scs
__scs_entry_jumppad:
0x0: {  	(pc) =	sbr.rel $0x88, $3  }
0x1: {  	(tag) =	ssettag $0x0;
	lr =	simm.s32 $0x1  }
0x2: {  	[smem:$0x3F90] =	sst lr;
	_ =	strace $0xD0000000  }
0x3: {  	_ = 	snop  }
0x4: {  	_ = 	snop  }
0x5: {  	_ = 	snop  }
0x6: {  	_ = 	snop  }
0x7: {  	_ = 	snop  }
__scs_overlays_trampoline_lowered:
0x8: {  	[smem:$0x3F9F] =	sst s0  }
0x9: {  	[smem:$0x3FA0] =	sst s1  }
0xa: {  	[smem:$0x3FA1] =	sst s2  }
0xb: {  	[smem:$0x3FA2] =	sst s3  }
0xc: {  	[smem:$0x3FA3] =	sst s4  }
0xd: {  	[smem:$0x3FA4] =	sst s5  }
0xe: {  	[smem:$0x3FA5] =	sst s6  }
0xf: {  	[smem:$0x3FA6] =	sst s7  }
0x10: {  	[smem:$0x3FA7] =	sst s8  }
0x11: {  	[smem:$0x3FA8] =	sst s9;
	s0 =	simm.s32 @!p0 $0x0  }
0x12: {  	s1 =	sld [smem:$0x3F8E];
	s0 =	simm.s32 @p0 $0x1  }
0x13: {  	[smem:$0x3FA9] =	sst s0;
	s0 =	simm.s32 @!p1 $0x0  }
0x14: {  	s2 =	sld [smem:$0x3F8D];
	s0 =	simm.s32 @p1 $0x1  }
0x15: {  	[smem:$0x3FAA] =	sst s0;
	s0 =	simm.s32 @!p2 $0x0  }
0x16: {  	s3 =	sld [smem:$0x3FDB];
	s0 =	simm.s32 @p2 $0x1  }
0x17: {  	s4 =	simm.s32 $0x1BF5;
	[smem:$0x3FAC] =	sst s0  }
0x18: {  	s0 =	sld [smem:$0x3F8F];
	_ =	swait.ge [sflag:s4], $0x0  }
0x19: {  	s7 =	sld [smem:$0x3F90]  }
0x1a: {  	s8 =	sadd.s32 $0xFFFFE003, lr  }
0x1b: {  	s9 =	sadd.s32 $0xFFFFFEF7, lr;
	s5 =	simm.s32 $0xFFFFFFFF;
	p2 =	slt.u32 s8, $0xFFFFF086  }
0x1c: {  	p1 =	slt.u32 s9, $0xF7A;
	s5 =	simm.s32 @!p2 $0x0  }
0x1d: {  	s5 =	simm.s32 @p1 $0x1;
	p0 =	seq.s32 s7, s2  }
0x1e: {  	s7 =	smul.u32 @!p0 $0xF7A, s2;
	p2 =	seq.s32 @!p0 s5, $0x0  }
0x1f: {  	s9 =	smul.u32 $0xF7A, s1;
	s8 =	simm.s32 @!p0 $0x1BF5;
	p2 =	por !p2, p0  }
0x20: {  	[sflag:s8] =	ssyncset.s32 @!p0 $0xFFFFF086;
	s6 =	sadd.s32 @!p0 s3, s7;
	s7 =	simm.s32 @!p0 $0x108  }
0x21: {  	s3 =	sadd.s32 s3, s9;
	s6 =	sadd.s32 @!p0 $0x88, s6;
	s7 =	simm.s32 @p2 $0x1082  }
0x22: {  	[simem:s7], [sflag:s8] =	dma.local @!p0 [hbm:s6], $0xF7A  }
0x23: {  	s9 =	sor.u32 $0xD0000000, s2;
	s6 =	simm.s32 $0x108;
	_ =	swait.ge @!p0 [sflag:s8], $0x0  }
0x24: {  	s3 =	sadd.s32 $0x88, s3;
	s6 =	simm.s32 @!p1 $0x1082;
	[sflag:s4] =	ssyncset.s32 $0xFFFFF086  }
0x25: {  	[simem:s6], [sflag:s4] =	dma.local [hbm:s3], $0xF7A  }
0x26: {  	[smem:$0x3F90] =	sst s1;
	(tag) =	ssettag s2;
	_ =	strace s9  }
0x27: {  	s1 =	sld [smem:$0x3FA0]  }
0x28: {  	s2 =	sld [smem:$0x3FA1]  }
0x29: {  	s4 =	sld [smem:$0x3FA3]  }
0x2a: {  	p0 =	seq.s32 s5, $0x0;
	s5 =	sld [smem:$0x3FA4]  }
0x2b: {  	s6 =	sld [smem:$0x3FA5]  }
0x2c: {  	s7 =	sld [smem:$0x3FA6]  }
0x2d: {  	s3 =	simm.s32 $0x108;
	s8 =	sld [smem:$0x3FA7]  }
0x2e: {  	s3 =	simm.s32 @!p0 $0x1082;
	s9 =	sld [smem:$0x3FA8]  }
0x2f: {  	lr =	sadd.s32 s0, s3;
	s0 =	sld [smem:$0x3F9F]  }
0x30: {  	s3 =	sld [smem:$0x3FA2]  }
0x31: {  	[smem:$0x3FAB] =	sst s10  }
0x32: {  	s10 =	sld [smem:$0x3FA9];
	_ =	sdelay $0x3  }
0x33: {  	p0 =	seq.s32 s10, $0x1;
	s10 =	sld [smem:$0x3FAB];
	_ =	sdelay $0x3  }
0x34: {  	[smem:$0x3FAB] =	sst s10  }
0x35: {  	s10 =	sld [smem:$0x3FAA];
	_ =	sdelay $0x3  }
0x36: {  	p1 =	seq.s32 s10, $0x1;
	s10 =	sld [smem:$0x3FAB];
	_ =	sdelay $0x3  }
0x37: {  	[smem:$0x3FAB] =	sst s10  }
0x38: {  	s10 =	sld [smem:$0x3FAC]  }
0x39: {  	_ = 	snop;
	(pc) =	sbr.ind lr, $3  }
0x3a: {  	_ = 	snop  }
0x3b: {  	_ = 	snop  }
0x3c: {  	p2 =	seq.s32 s10, $0x1;
	s10 =	sld [smem:$0x3FAB]  }
0x3d: {  	_ =	shalt  }
0x3e: {  	_ =	shalt  }
0x3f: {  	_ =	shalt  }
0x40: {  	_ =	shalt  }
0x41: {  	_ =	shalt  }
0x42: {  	_ =	shalt  }
0x43: {  	_ =	shalt  }
0x44: {  	_ =	shalt  }
0x45: {  	_ =	shalt  }
0x46: {  	_ =	shalt  }
0x47: {  	_ =	shalt  }
0x48: {  	_ =	shalt  }
0x49: {  	_ =	shalt  }
0x4a: {  	_ =	shalt  }
0x4b: {  	_ =	shalt  }
0x4c: {  	_ =	shalt  }
0x4d: {  	_ =	shalt  }
0x4e: {  	_ =	shalt  }
0x4f: {  	_ =	shalt  }
0x50: {  	_ =	shalt  }
0x51: {  	_ =	shalt  }
0x52: {  	_ =	shalt  }
0x53: {  	_ =	shalt  }
0x54: {  	_ =	shalt  }
0x55: {  	_ =	shalt  }
0x56: {  	_ =	shalt  }
0x57: {  	_ =	shalt  }
0x58: {  	_ =	shalt  }
0x59: {  	_ =	shalt  }
0x5a: {  	_ =	shalt  }
0x5b: {  	_ =	shalt  }
0x5c: {  	_ =	shalt  }
0x5d: {  	_ =	shalt  }
0x5e: {  	_ =	shalt  }
0x5f: {  	_ =	shalt  }
0x60: {  	_ =	shalt  }
0x61: {  	_ =	shalt  }
0x62: {  	_ =	shalt  }
0x63: {  	_ =	shalt  }
0x64: {  	_ =	shalt  }
0x65: {  	_ =	shalt  }
0x66: {  	_ =	shalt  }
0x67: {  	_ =	shalt  }
0x68: {  	_ =	shalt  }
0x69: {  	_ =	shalt  }
0x6a: {  	_ =	shalt  }
0x6b: {  	_ =	shalt  }
0x6c: {  	_ =	shalt  }
0x6d: {  	_ =	shalt  }
0x6e: {  	_ =	shalt  }
0x6f: {  	_ =	shalt  }
0x70: {  	_ =	shalt  }
0x71: {  	_ =	shalt  }
0x72: {  	_ =	shalt  }
0x73: {  	_ =	shalt  }
0x74: {  	_ =	shalt  }
0x75: {  	_ =	shalt  }
0x76: {  	_ =	shalt  }
0x77: {  	_ =	shalt  }
0x78: {  	_ =	shalt  }
0x79: {  	_ =	shalt  }
0x7a: {  	_ =	shalt  }
0x7b: {  	_ =	shalt  }
0x7c: {  	_ =	shalt  }
0x7d: {  	_ =	shalt  }
0x7e: {  	_ =	shalt  }
0x7f: {  	_ =	shalt  }
0x80: {  	_ =	shalt  }
0x81: {  	_ =	shalt  }
0x82: {  	_ =	shalt  }
0x83: {  	_ =	shalt  }
0x84: {  	_ =	shalt  }
0x85: {  	_ =	shalt  }
0x86: {  	_ =	shalt  }
0x87: {  	_ =	shalt  }
.Lfunc_end0:
.L_simem_size_0:
called_computation.1_lowered:
.L_overlay_start_0:
0x88: {  	s2 =	sld [smem:$0x3FD9]  }
0x89: {  	s3 =	sld [smem:$0x3FFE];
	_ =	sdelay $0x1  }
0x8a: {  	s1 =	srdreg.scid  }
0x8b: {  	s0 =	sand.u32 $0x1, s1  }
0x8c: {  	s16 =	sshll.u32 s0, $0xA;
	s2 =	sadd.s32 s3, s2  }
0x8d: {  	s2 =	sadd.s32 s2, s16  }
0x8e: {  	[smem:$0x3FB7] =	sst s2  }
0x8f: {  	_ = 	snop  }
0x90: {  	(tm) =	ssettm $0x1  }
0x91: {  	s17 =	sld [smem:$0x3FFB];
	_ =	sdelay $0x3  }
0x92: {  	_ =	strace s17  }
0x93: {  	s2 =	sld [smem:$0x3FFC];
	_ =	sdelay $0x3  }
0x94: {  	_ =	strace s2  }
0x95: {  	s2 =	sld [smem:$0x3FFD];
	_ =	sdelay $0x3  }
0x96: {  	_ =	strace s2  }
0x97: {  	_ =	strace $0x8FFFFFFF  }
0x98: {  	s18 =	sld [smem:$0x3FDB];
	_ =	sdelay $0x1  }
0x99: {  	s19 =	simm.s32 $_scs_section_size  }
0x9a: {  	s4 =	simm.s32 $_size__tile_overlayer_lowered;
	s5 =	simm.s32 $_tile_overlayer_lowered  }
0x9b: {  	s22 =	simm.s32 $0x1BFF;
	s21 =	sshll.u32 s5, $0x1;
	s2 =	sadd.s32 s19, s18  }
0x9c: {  	s6 =	simm.s32 $0x0;
	s20 =	sshll.u32 s4, $0x1;
	s4 =	sadd.s32 s21, s2  }
0x9d: {  	[timem:s6], [sflag:s22] =	dma.local [hbm:s4], s20  }
0x9e: {  	_ =	swait.ge [sflag:s22], s20  }
0x9f: {  	s3 =	ssub.s32 $0x0, s20;
	[sflag:s22] =	ssyncset.done $0x0  }
0xa0: {  	[sflag:s22] =	ssyncadd.s32 s3;
	_ =	sdelay $0x1  }
0xa1: {  	s23 =	simm.s32 $0x1B8B  }
0xa2: {  	_ =	swait.ge [sflag:s23], $0x1  }
0xa3: {  	[sflag:s23] =	ssyncset.done $0x0  }
0xa4: {  	s25 =	simm.s32 $0x1B8E;
	s24 =	sld [smem:$0x3FFE];
	[sflag:s23] =	ssyncadd.s32 $0xFFFFFFFF  }
0xa5: {  	s26 =	simm.s32 $execute0_lowered;
	[smem:$0x3FD2] =	sst s25  }
0xa6: {  	s4 =	sshll.u32 s26, $0x1;
	_ =	strace $0x80000046;
	[dreg:$0x1] =	wrdreg $0xFFFFFFFF  }
0xa7: {  	s28 =	simm.s32 $_size_execute0_lowered;
	s2 =	sadd.s32 s2, s4;
	[dreg:$0x0] =	wrdreg $0x0  }
0xa8: {  	s4 =	sshll.u32 s28, $0x1;
	[dreg:$0x2] =	wrdreg s2  }
0xa9: {  	[dreg:$0x3] =	wrdreg s4  }
0xaa: {  	[dreg:$0x4] =	wrdreg $0xC0  }
0xab: {  	_ =	task [dreg:s6], $0x5FFFF  }
0xac: {  	[dreg:$0x1] =	wrdreg $0xFFFFFFFF  }
0xad: {  	[dreg:$0x0] =	wrdreg $0x60  }
0xae: {  	[dreg:$0x2] =	wrdreg s24  }
0xaf: {  	[dreg:$0x3] =	wrdreg $0xA  }
0xb0: {  	_ =	task.clear_ibuf [dreg:s6], $0x4FFFF;
	_ =	strace $0x90000046  }
0xb1: {  	s29 =	simm.s32 $0xA;
	_ =	strace $0x80000048  }
0xb2: {  	_ =	swait.ge [sflag:s29], $0x1  }
0xb3: {  	[sflag:s29] =	ssyncadd.s32 $0xFFFFFFFF  }
0xb4: {  	_ =	strace $0x90000048  }
0xb5: {  	_ =	sfence  }
0xb6: {  	s30 =	sld [smem:$0x0];
	_ =	sdelay $0x2  }
0xb7: {  	s31 =	sshll.u32 s1, $0xD;
	s1 =	sshrl.u32 s1, $0x2  }
0xb8: {  	s3 =	sand.u32 $0x4000, s31;
	s1 =	sadd.s32 s1, s30  }
0xb9: {  	s0 =	sor.u32 s3, s0;
	s1 =	sshll.u32 s1, $0x11  }
0xba: {  	s0 =	sor.u32 s1, s0  }
0xbb: {  	s0 =	sadd.s32 $0x8F2B, s0  }
0xbc: {  	[sflag:s0] =	ssyncadd.remote.s32 $0x1  }
0xbd: {  	_ =	sfence.sel $0xFFFF  }
0xbe: {  	[dreg:$0x0] =	wrdreg $0xFFFFFFFF;
	(pc) =	sbr.abs _section_cstart, $3  }
0xbf: {  	[dreg:$0x1] =	wrdreg $0xFFFFFFFF  }
0xc0: {  	_ =	task.clear_ibuf [dreg:s6], $0x2FFFF;
	_ =	strace $0x9FFFFFFF  }
0xc1: {  	(tm) =	ssettm $0x7FFFFFFF  }
tec
execute0_lowered:
.L_overlay_start_1:
0x0: {  	(tag) =	ssettag $0x1  }
0x1: {  	s1 =	srdreg.scid  }
0x2: {  	s0 =	stileid.u32;
	s25 =	sand.u32 $0x1, s1  }
0x3: {  	s11 =	rddreg [dreg:$0x0];
	s3 =	sshll.u32 s0, $0xB;
	s4 =	sshll.u32 s25, $0xA  }
0x4: {  	s2 =	simm.s32 $0x0;
	s1 =	rddreg [dreg:$0x1];
	s24 =	sor.u32 s4, s3  }
0x5: {  	[smem:$0x7FF] =	sst s2;
	s23 =	sadd.s32 $0x3C600, s11;
	s3 =	sshrl.u32 s24, $0x3  }
0x6: {  	_ =	strace $0x80000047;
	s4 =	sadd.s32 s23, s3;
	s3 =	simm.s32 $0x3  }
0x7: {  	[tilespmem:s2], [sflag:$0x3] =	stream.linear.gather [hbm4b:s4+s2], $0x80, $0x38;
	[tilespmem:$0x8100] =	vst v63  }
0x8: {  	s6 =	simm.s32 $0x80;
	_ =	swait.ge [sflag:s3], $0x80  }
0x9: {  	s7 =	simm.s32 $0x100;
	s14 =	sor.u32 $0x80, s24;
	[sflag:s3] =	ssyncset.done $0x0  }
0xa: {  	s5 =	sadd.s32 $0x24600, s11;
	s8 =	sshrl.u32 s14, $0x3;
	[sflag:s3] =	ssyncadd.s32 $0xFFFFFF80  }
0xb: {  	[tilespmem:s7], [sflag:$0x1] =	stream.indirect.gather [hbm4b:s5+s6], $0x80, s2, s6, $0xb8;
	[tilespmem:$0x8100] =	vst v63  }
0xc: {  	s8 =	sadd.s32 s23, s8  }
0xd: {  	[tilespmem:s6], [sflag:$0x3] =	stream.linear.gather [hbm4b:s8+s2], $0x80, $0x38;
	[tilespmem:$0x8100] =	vst v63  }
0xe: {  	_ =	swait.ge [sflag:s3], $0x80  }
0xf: {  	[sflag:s3] =	ssyncset.done $0x0  }
0x10: {  	s9 =	simm.s32 $0x4100;
	s10 =	simm.s32 $0x1;
	[sflag:s3] =	ssyncadd.s32 $0xFFFFFF80  }
0x11: {  	[tilespmem:s9], [sflag:$0x2] =	stream.indirect.gather [hbm4b:s5+s6], $0x80, s6, s6, $0xb8;
	[tilespmem:$0x8100] =	vst v63  }
0x12: {  	_ =	swait.ge [sflag:s10], $0x4000  }
0x13: {  	s26 =	sadd.s32 $0x3D600, s11;
	s29 =	sshll.u32 s24, $0x4;
	[sflag:s10] =	ssyncset.done $0x0  }
0x14: {  	s11 =	sadd.s32 s26, s29;
	[sflag:s10] =	ssyncadd.s32 $0xFFFFC000  }
0x15: {  	[hbm4b:s11+s2] =	stream.linear.scatter [tilespmem:s7], [sflag:$0x3], $0x4000, $0x38;
	[tilespmem:$0x8100] =	vst v63  }
0x16: {  	_ =	swait.ge [sflag:s3], $0x4000  }
0x17: {  	[sflag:s3] =	ssyncset.done $0x0  }
0x18: {  	s12 =	sadd.s32 $0x20, s4;
	[sflag:s3] =	ssyncadd.s32 $0xFFFFC000  }
0x19: {  	[tilespmem:s2], [sflag:$0x3] =	stream.linear.gather [hbm4b:s12+s2], $0x80, $0x38;
	[tilespmem:$0x8100] =	vst v63  }
0x1a: {  	_ =	swait.ge [sflag:s3], $0x80  }
0x1b: {  	[sflag:s3] =	ssyncset.done $0x0  }
0x1c: {  	s13 =	simm.s32 $0x2;
	[sflag:s3] =	ssyncadd.s32 $0xFFFFFF80  }
0x1d: {  	[tilespmem:s7], [sflag:$0x1] =	stream.indirect.gather [hbm4b:s5+s6], $0x80, s2, s6, $0xb8;
	[tilespmem:$0x8100] =	vst v63  }
0x1e: {  	_ =	swait.ge [sflag:s13], $0x4000  }
0x1f: {  	s14 =	sshll.u32 s14, $0x4;
	[sflag:s13] =	ssyncset.done $0x0  }
0x20: {  	s14 =	sadd.s32 s26, s14;
	[sflag:s13] =	ssyncadd.s32 $0xFFFFC000  }
0x21: {  	[hbm4b:s14+s2] =	stream.linear.scatter [tilespmem:s9], [sflag:$0x3], $0x4000, $0x38;
	[tilespmem:$0x8100] =	vst v63  }
0x22: {  	s18 =	sor.u32 $0x180, s24;
	_ =	swait.ge [sflag:s3], $0x4000  }
0x23: {  	s15 =	sshrl.u32 s18, $0x3;
	[sflag:s3] =	ssyncset.done $0x0  }
0x24: {  	s15 =	sadd.s32 s23, s15;
	[sflag:s3] =	ssyncadd.s32 $0xFFFFC000  }
0x25: {  	[tilespmem:s6], [sflag:$0x3] =	stream.linear.gather [hbm4b:s15+s2], $0x80, $0x38;
	[tilespmem:$0x8100] =	vst v63  }
0x26: {  	_ =	swait.ge [sflag:s3], $0x80  }
0x27: {  	[sflag:s3] =	ssyncset.done $0x0  }
0x28: {  	[sflag:s3] =	ssyncadd.s32 $0xFFFFFF80  }
0x29: {  	[tilespmem:s9], [sflag:$0x2] =	stream.indirect.gather [hbm4b:s5+s6], $0x80, s6, s6, $0xb8;
	[tilespmem:$0x8100] =	vst v63  }
0x2a: {  	_ =	swait.ge [sflag:s10], $0x4000  }
0x2b: {  	[sflag:s10] =	ssyncset.done $0x0  }
0x2c: {  	s16 =	sadd.s32 $0x1000, s11;
	[sflag:s10] =	ssyncadd.s32 $0xFFFFC000  }
0x2d: {  	[hbm4b:s16+s2] =	stream.linear.scatter [tilespmem:s7], [sflag:$0x3], $0x4000, $0x38;
	[tilespmem:$0x8100] =	vst v63  }
0x2e: {  	_ =	swait.ge [sflag:s3], $0x4000  }
0x2f: {  	[sflag:s3] =	ssyncset.done $0x0  }
0x30: {  	s17 =	sadd.s32 $0x40, s4;
	[sflag:s3] =	ssyncadd.s32 $0xFFFFC000  }
0x31: {  	[tilespmem:s2], [sflag:$0x3] =	stream.linear.gather [hbm4b:s17+s2], $0x80, $0x38;
	[tilespmem:$0x8100] =	vst v63  }
0x32: {  	_ =	swait.ge [sflag:s3], $0x80  }
0x33: {  	[sflag:s3] =	ssyncset.done $0x0  }
0x34: {  	[sflag:s3] =	ssyncadd.s32 $0xFFFFFF80  }
0x35: {  	[tilespmem:s7], [sflag:$0x1] =	stream.indirect.gather [hbm4b:s5+s6], $0x80, s2, s6, $0xb8;
	[tilespmem:$0x8100] =	vst v63  }
0x36: {  	_ =	swait.ge [sflag:s13], $0x4000  }
0x37: {  	s18 =	sshll.u32 s18, $0x4;
	[sflag:s13] =	ssyncset.done $0x0  }
0x38: {  	s18 =	sadd.s32 s26, s18;
	[sflag:s13] =	ssyncadd.s32 $0xFFFFC000  }
0x39: {  	[hbm4b:s18+s2] =	stream.linear.scatter [tilespmem:s9], [sflag:$0x3], $0x4000, $0x38;
	[tilespmem:$0x8100] =	vst v63  }
0x3a: {  	s22 =	sor.u32 $0x280, s24;
	_ =	swait.ge [sflag:s3], $0x4000  }
0x3b: {  	s19 =	sshrl.u32 s22, $0x3;
	[sflag:s3] =	ssyncset.done $0x0  }
0x3c: {  	s19 =	sadd.s32 s23, s19;
	[sflag:s3] =	ssyncadd.s32 $0xFFFFC000  }
0x3d: {  	[tilespmem:s6], [sflag:$0x3] =	stream.linear.gather [hbm4b:s19+s2], $0x80, $0x38;
	[tilespmem:$0x8100] =	vst v63  }
0x3e: {  	_ =	swait.ge [sflag:s3], $0x80  }
0x3f: {  	[sflag:s3] =	ssyncset.done $0x0  }
0x40: {  	[sflag:s3] =	ssyncadd.s32 $0xFFFFFF80  }
0x41: {  	[tilespmem:s9], [sflag:$0x2] =	stream.indirect.gather [hbm4b:s5+s6], $0x80, s6, s6, $0xb8;
	[tilespmem:$0x8100] =	vst v63  }
0x42: {  	_ =	swait.ge [sflag:s10], $0x4000  }
0x43: {  	[sflag:s10] =	ssyncset.done $0x0  }
0x44: {  	s20 =	sadd.s32 $0x2000, s11;
	[sflag:s10] =	ssyncadd.s32 $0xFFFFC000  }
0x45: {  	[hbm4b:s20+s2] =	stream.linear.scatter [tilespmem:s7], [sflag:$0x3], $0x4000, $0x38;
	[tilespmem:$0x8100] =	vst v63  }
0x46: {  	_ =	swait.ge [sflag:s3], $0x4000  }
0x47: {  	[sflag:s3] =	ssyncset.done $0x0  }
0x48: {  	s21 =	sadd.s32 $0x60, s4;
	[sflag:s3] =	ssyncadd.s32 $0xFFFFC000  }
0x49: {  	[tilespmem:s2], [sflag:$0x3] =	stream.linear.gather [hbm4b:s21+s2], $0x80, $0x38;
	[tilespmem:$0x8100] =	vst v63  }
0x4a: {  	_ =	swait.ge [sflag:s3], $0x80  }
0x4b: {  	[sflag:s3] =	ssyncset.done $0x0  }
0x4c: {  	[sflag:s3] =	ssyncadd.s32 $0xFFFFFF80  }
0x4d: {  	[tilespmem:s7], [sflag:$0x1] =	stream.indirect.gather [hbm4b:s5+s6], $0x80, s2, s6, $0xb8;
	[tilespmem:$0x8100] =	vst v63  }
0x4e: {  	_ =	swait.ge [sflag:s13], $0x4000  }
0x4f: {  	s22 =	sshll.u32 s22, $0x4;
	[sflag:s13] =	ssyncset.done $0x0  }
0x50: {  	s22 =	sadd.s32 s26, s22;
	[sflag:s13] =	ssyncadd.s32 $0xFFFFC000  }
0x51: {  	[hbm4b:s22+s2] =	stream.linear.scatter [tilespmem:s9], [sflag:$0x3], $0x4000, $0x38;
	[tilespmem:$0x8100] =	vst v63  }
0x52: {  	s28 =	sor.u32 $0x380, s24;
	_ =	swait.ge [sflag:s3], $0x4000  }
0x53: {  	s24 =	sshrl.u32 s28, $0x3;
	[sflag:s3] =	ssyncset.done $0x0  }
0x54: {  	s23 =	sadd.s32 s23, s24;
	[sflag:s3] =	ssyncadd.s32 $0xFFFFC000  }
0x55: {  	[tilespmem:s6], [sflag:$0x3] =	stream.linear.gather [hbm4b:s23+s2], $0x80, $0x38;
	[tilespmem:$0x8100] =	vst v63  }
0x56: {  	_ =	swait.ge [sflag:s3], $0x80  }
0x57: {  	[sflag:s3] =	ssyncset.done $0x0  }
0x58: {  	[sflag:s3] =	ssyncadd.s32 $0xFFFFFF80  }
0x59: {  	[tilespmem:s9], [sflag:$0x2] =	stream.indirect.gather [hbm4b:s5+s6], $0x80, s6, s6, $0xb8;
	[tilespmem:$0x8100] =	vst v63  }
0x5a: {  	_ =	swait.ge [sflag:s10], $0x4000  }
0x5b: {  	[sflag:s10] =	ssyncset.done $0x0  }
0x5c: {  	s25 =	ssub.s32 $0x2, s25;
	s24 =	sadd.s32 $0x3000, s11;
	[sflag:s10] =	ssyncadd.s32 $0xFFFFC000  }
0x5d: {  	[hbm4b:s24+s2] =	stream.linear.scatter [tilespmem:s7], [sflag:$0x3], $0x4000, $0x38;
	[tilespmem:$0x8100] =	vst v63  }
0x5e: {  	s29 =	sshrl.u32 s25, $0x1;
	_ =	swait.ge [sflag:s3], $0x4000  }
0x5f: {  	s29 =	ssub.s32 s25, s29;
	[sflag:s3] =	ssyncset.done $0x0  }
0x60: {  	s31 =	smax.u32 s29, $0x1;
	[sflag:s3] =	ssyncadd.s32 $0xFFFFC000  }
0x61: {  	p0 =	sne.s32 s31, $0x1;
	_ =	swait.ge [sflag:s13], $0x4000  }
.Ltmp0:
0x62: {  	s30 =	sshll.u32 s28, $0x4;
	[sflag:s13] =	ssyncset.done $0x0;
	(pc) =	sbr.rel @!p0 .LBB2_2-.Ltmp0, $4  }
0x63: {  	s25 =	sadd.s32 s26, s30;
	[sflag:s13] =	ssyncadd.s32 $0xFFFFC000  }
0x64: {  	[hbm4b:s25+s2] =	stream.linear.scatter [tilespmem:s9], [sflag:$0x3], $0x4000, $0x38;
	[tilespmem:$0x8100] =	vst v63  }
0x65: {  	_ =	swait.ge [sflag:s3], $0x4000  }
0x66: {  	s26 =	sadd.s32 $0xFFFFFFFF, s31;
	[sflag:s3] =	ssyncset.done $0x0  }
.LBB2_1:
0x67: {  	p0 =	sne.s32 s26, $0x1;
	s26 =	sadd.s32 $0xFFFFFFFF, s26;
	[sflag:s3] =	ssyncadd.s32 $0xFFFFC000  }
0x68: {  	[tilespmem:s2], [sflag:$0x3] =	stream.linear.gather [hbm4b:s4+s2], $0x80, $0x38;
	[tilespmem:$0x8100] =	vst v63  }
0x69: {  	_ =	swait.ge [sflag:s3], $0x80  }
0x6a: {  	[sflag:s3] =	ssyncset.done $0x0  }
0x6b: {  	[sflag:s3] =	ssyncadd.s32 $0xFFFFFF80  }
0x6c: {  	[tilespmem:s7], [sflag:$0x1] =	stream.indirect.gather [hbm4b:s5+s6], $0x80, s2, s6, $0xb8;
	[tilespmem:$0x8100] =	vst v63  }
0x6d: {  	_ = 	snop  }
0x6e: {  	[tilespmem:s6], [sflag:$0x3] =	stream.linear.gather [hbm4b:s8+s2], $0x80, $0x38;
	[tilespmem:$0x8100] =	vst v63  }
0x6f: {  	_ =	swait.ge [sflag:s3], $0x80  }
0x70: {  	[sflag:s3] =	ssyncset.done $0x0  }
0x71: {  	[sflag:s3] =	ssyncadd.s32 $0xFFFFFF80  }
0x72: {  	[tilespmem:s9], [sflag:$0x2] =	stream.indirect.gather [hbm4b:s5+s6], $0x80, s6, s6, $0xb8;
	[tilespmem:$0x8100] =	vst v63  }
0x73: {  	_ =	swait.ge [sflag:s10], $0x4000  }
0x74: {  	[sflag:s10] =	ssyncset.done $0x0  }
0x75: {  	[sflag:s10] =	ssyncadd.s32 $0xFFFFC000  }
0x76: {  	[hbm4b:s11+s2] =	stream.linear.scatter [tilespmem:s7], [sflag:$0x3], $0x4000, $0x38;
	[tilespmem:$0x8100] =	vst v63  }
0x77: {  	_ =	swait.ge [sflag:s3], $0x4000  }
0x78: {  	[sflag:s3] =	ssyncset.done $0x0  }
0x79: {  	[sflag:s3] =	ssyncadd.s32 $0xFFFFC000  }
0x7a: {  	[tilespmem:s2], [sflag:$0x3] =	stream.linear.gather [hbm4b:s12+s2], $0x80, $0x38;
	[tilespmem:$0x8100] =	vst v63  }
0x7b: {  	_ =	swait.ge [sflag:s3], $0x80  }
0x7c: {  	[sflag:s3] =	ssyncset.done $0x0  }
0x7d: {  	[sflag:s3] =	ssyncadd.s32 $0xFFFFFF80  }
0x7e: {  	[tilespmem:s7], [sflag:$0x1] =	stream.indirect.gather [hbm4b:s5+s6], $0x80, s2, s6, $0xb8;
	[tilespmem:$0x8100] =	vst v63  }
0x7f: {  	_ =	swait.ge [sflag:s13], $0x4000  }
0x80: {  	[sflag:s13] =	ssyncset.done $0x0  }
0x81: {  	[sflag:s13] =	ssyncadd.s32 $0xFFFFC000  }
0x82: {  	[hbm4b:s14+s2] =	stream.linear.scatter [tilespmem:s9], [sflag:$0x3], $0x4000, $0x38;
	[tilespmem:$0x8100] =	vst v63  }
0x83: {  	_ =	swait.ge [sflag:s3], $0x4000  }
0x84: {  	[sflag:s3] =	ssyncset.done $0x0  }
0x85: {  	[sflag:s3] =	ssyncadd.s32 $0xFFFFC000  }
0x86: {  	[tilespmem:s6], [sflag:$0x3] =	stream.linear.gather [hbm4b:s15+s2], $0x80, $0x38;
	[tilespmem:$0x8100] =	vst v63  }
0x87: {  	_ =	swait.ge [sflag:s3], $0x80  }
0x88: {  	[sflag:s3] =	ssyncset.done $0x0  }
0x89: {  	[sflag:s3] =	ssyncadd.s32 $0xFFFFFF80  }
0x8a: {  	[tilespmem:s9], [sflag:$0x2] =	stream.indirect.gather [hbm4b:s5+s6], $0x80, s6, s6, $0xb8;
	[tilespmem:$0x8100] =	vst v63  }
0x8b: {  	_ =	swait.ge [sflag:s10], $0x4000  }
0x8c: {  	[sflag:s10] =	ssyncset.done $0x0  }
0x8d: {  	[sflag:s10] =	ssyncadd.s32 $0xFFFFC000  }
0x8e: {  	[hbm4b:s16+s2] =	stream.linear.scatter [tilespmem:s7], [sflag:$0x3], $0x4000, $0x38;
	[tilespmem:$0x8100] =	vst v63  }
0x8f: {  	_ =	swait.ge [sflag:s3], $0x4000  }
0x90: {  	[sflag:s3] =	ssyncset.done $0x0  }
0x91: {  	[sflag:s3] =	ssyncadd.s32 $0xFFFFC000  }
0x92: {  	[tilespmem:s2], [sflag:$0x3] =	stream.linear.gather [hbm4b:s17+s2], $0x80, $0x38;
	[tilespmem:$0x8100] =	vst v63  }
0x93: {  	_ =	swait.ge [sflag:s3], $0x80  }
0x94: {  	[sflag:s3] =	ssyncset.done $0x0  }
0x95: {  	[sflag:s3] =	ssyncadd.s32 $0xFFFFFF80  }
0x96: {  	[tilespmem:s7], [sflag:$0x1] =	stream.indirect.gather [hbm4b:s5+s6], $0x80, s2, s6, $0xb8;
	[tilespmem:$0x8100] =	vst v63  }
0x97: {  	_ =	swait.ge [sflag:s13], $0x4000  }
0x98: {  	[sflag:s13] =	ssyncset.done $0x0  }
0x99: {  	[sflag:s13] =	ssyncadd.s32 $0xFFFFC000  }
0x9a: {  	[hbm4b:s18+s2] =	stream.linear.scatter [tilespmem:s9], [sflag:$0x3], $0x4000, $0x38;
	[tilespmem:$0x8100] =	vst v63  }
0x9b: {  	_ =	swait.ge [sflag:s3], $0x4000  }
0x9c: {  	[sflag:s3] =	ssyncset.done $0x0  }
0x9d: {  	[sflag:s3] =	ssyncadd.s32 $0xFFFFC000  }
0x9e: {  	[tilespmem:s6], [sflag:$0x3] =	stream.linear.gather [hbm4b:s19+s2], $0x80, $0x38;
	[tilespmem:$0x8100] =	vst v63  }
0x9f: {  	_ =	swait.ge [sflag:s3], $0x80  }
0xa0: {  	[sflag:s3] =	ssyncset.done $0x0  }
0xa1: {  	[sflag:s3] =	ssyncadd.s32 $0xFFFFFF80  }
0xa2: {  	[tilespmem:s9], [sflag:$0x2] =	stream.indirect.gather [hbm4b:s5+s6], $0x80, s6, s6, $0xb8;
	[tilespmem:$0x8100] =	vst v63  }
0xa3: {  	_ =	swait.ge [sflag:s10], $0x4000  }
0xa4: {  	[sflag:s10] =	ssyncset.done $0x0  }
0xa5: {  	[sflag:s10] =	ssyncadd.s32 $0xFFFFC000  }
0xa6: {  	[hbm4b:s20+s2] =	stream.linear.scatter [tilespmem:s7], [sflag:$0x3], $0x4000, $0x38;
	[tilespmem:$0x8100] =	vst v63  }
0xa7: {  	_ =	swait.ge [sflag:s3], $0x4000  }
0xa8: {  	[sflag:s3] =	ssyncset.done $0x0  }
0xa9: {  	[sflag:s3] =	ssyncadd.s32 $0xFFFFC000  }
0xaa: {  	[tilespmem:s2], [sflag:$0x3] =	stream.linear.gather [hbm4b:s21+s2], $0x80, $0x38;
	[tilespmem:$0x8100] =	vst v63  }
0xab: {  	_ =	swait.ge [sflag:s3], $0x80  }
0xac: {  	[sflag:s3] =	ssyncset.done $0x0  }
0xad: {  	[sflag:s3] =	ssyncadd.s32 $0xFFFFFF80  }
0xae: {  	[tilespmem:s7], [sflag:$0x1] =	stream.indirect.gather [hbm4b:s5+s6], $0x80, s2, s6, $0xb8;
	[tilespmem:$0x8100] =	vst v63  }
0xaf: {  	_ =	swait.ge [sflag:s13], $0x4000  }
0xb0: {  	[sflag:s13] =	ssyncset.done $0x0  }
0xb1: {  	[sflag:s13] =	ssyncadd.s32 $0xFFFFC000  }
0xb2: {  	[hbm4b:s22+s2] =	stream.linear.scatter [tilespmem:s9], [sflag:$0x3], $0x4000, $0x38;
	[tilespmem:$0x8100] =	vst v63  }
0xb3: {  	_ =	swait.ge [sflag:s3], $0x4000  }
0xb4: {  	[sflag:s3] =	ssyncset.done $0x0  }
0xb5: {  	[sflag:s3] =	ssyncadd.s32 $0xFFFFC000  }
0xb6: {  	[tilespmem:s6], [sflag:$0x3] =	stream.linear.gather [hbm4b:s23+s2], $0x80, $0x38;
	[tilespmem:$0x8100] =	vst v63  }
0xb7: {  	_ =	swait.ge [sflag:s3], $0x80  }
0xb8: {  	[sflag:s3] =	ssyncset.done $0x0  }
0xb9: {  	[sflag:s3] =	ssyncadd.s32 $0xFFFFFF80  }
0xba: {  	[tilespmem:s9], [sflag:$0x2] =	stream.indirect.gather [hbm4b:s5+s6], $0x80, s6, s6, $0xb8;
	[tilespmem:$0x8100] =	vst v63  }
0xbb: {  	_ =	swait.ge [sflag:s10], $0x4000  }
0xbc: {  	[sflag:s10] =	ssyncset.done $0x0  }
0xbd: {  	[sflag:s10] =	ssyncadd.s32 $0xFFFFC000  }
0xbe: {  	[hbm4b:s24+s2] =	stream.linear.scatter [tilespmem:s7], [sflag:$0x3], $0x4000, $0x38;
	[tilespmem:$0x8100] =	vst v63  }
0xbf: {  	_ =	swait.ge [sflag:s3], $0x4000  }
0xc0: {  	[sflag:s3] =	ssyncset.done $0x0  }
0xc1: {  	[sflag:s3] =	ssyncadd.s32 $0xFFFFC000  }
0xc2: {  	_ =	swait.ge [sflag:s13], $0x4000  }
.Ltmp1:
0xc3: {  	[sflag:s13] =	ssyncset.done $0x0;
	(pc) =	sbr.rel @p0 .LBB2_1-.Ltmp1, $4  }
0xc4: {  	[sflag:s13] =	ssyncadd.s32 $0xFFFFC000  }
0xc5: {  	[hbm4b:s25+s2] =	stream.linear.scatter [tilespmem:s9], [sflag:$0x3], $0x4000, $0x38;
	[tilespmem:$0x8100] =	vst v63  }
0xc6: {  	_ =	swait.ge [sflag:s3], $0x4000  }
0xc7: {  	[sflag:s3] =	ssyncset.done $0x0  }
.LBB2_2:
0xc8: {  	[sflag:s3] =	ssyncadd.s32 $0xFFFFC000  }
0xc9: {  	_ =	sfence.sel $0x180000  }
0xca: {  	[bflag:$0x0] =	sbarrier.arrive $0xFFFF  }
0xcb: {  	p0 =	sne.s32 s0, $0x0;
	_ =	strace $0x90000047  }
0xcc: {  	s0 =	sadd.s32 @!p0 $0x100000, s1;
	[bflag:$0x2] =	sbarrier.arrive $0xFFFF  }
0xcd: {  	[sflag:s0] =	ssyncadd.tile.s32 @!p0 $0x1;
	_ =	shalt  }
.Lfunc_end2:
_tile_overlayer_lowered:
.L_overlay_start_2:
0xce: {  	(tag) =	ssettag $0x2  }
0xcf: {  	s0 =	rddreg [dreg:$0x0];
	s2 =	stileid.u32  }
0xd0: {  	s1 =	rddreg [dreg:$0x1];
	p0 =	sne.s32 s2, $0x0  }
0xd1: {  	s3 =	rddreg [dreg:$0x2];
	[bflag:$0x3] =	sbarrier.arrive $0xFFFF;
	s2 =	simm.s32 @!p0 $0x1C03  }
0xd2: {  	[timem:s3], [sflag:s2] =	dma.local @!p0 [hbm:s0], s1  }
0xd3: {  	s0 =	simm.s32 @!p0 $0x3  }
0xd4: {  	_ =	swait.ge @!p0 [sflag:s0], s1  }
0xd5: {  	s1 =	ssub.s32 @!p0 $0x0, s1;
	[sflag:s0] =	ssyncset.done @!p0 $0x0  }
0xd6: {  	[sflag:s0] =	ssyncadd.s32 @!p0 s1  }
0xd7: {  	[bflag:$0x3] =	sbarrier.arrive $0xFFFF  }
0xd8: {  	_ =	shalt  }

// kernel: kernel.21.cloned.1.call-start
scs
__scs_entry_jumppad:
0x0: {  	(pc) =	sbr.rel $0x88, $3  }
0x1: {  	(tag) =	ssettag $0x0;
	lr =	simm.s32 $0x1  }
0x2: {  	[smem:$0x3F90] =	sst lr;
	_ =	strace $0xD0000000  }
0x3: {  	_ = 	snop  }
0x4: {  	_ = 	snop  }
0x5: {  	_ = 	snop  }
0x6: {  	_ = 	snop  }
0x7: {  	_ = 	snop  }
__scs_overlays_trampoline_lowered:
0x8: {  	[smem:$0x3F9F] =	sst s0  }
0x9: {  	[smem:$0x3FA0] =	sst s1  }
0xa: {  	[smem:$0x3FA1] =	sst s2  }
0xb: {  	[smem:$0x3FA2] =	sst s3  }
0xc: {  	[smem:$0x3FA3] =	sst s4  }
0xd: {  	[smem:$0x3FA4] =	sst s5  }
0xe: {  	[smem:$0x3FA5] =	sst s6  }
0xf: {  	[smem:$0x3FA6] =	sst s7  }
0x10: {  	[smem:$0x3FA7] =	sst s8  }
0x11: {  	[smem:$0x3FA8] =	sst s9;
	s0 =	simm.s32 @!p0 $0x0  }
0x12: {  	s1 =	sld [smem:$0x3F8E];
	s0 =	simm.s32 @p0 $0x1  }
0x13: {  	[smem:$0x3FA9] =	sst s0;
	s0 =	simm.s32 @!p1 $0x0  }
0x14: {  	s2 =	sld [smem:$0x3F8D];
	s0 =	simm.s32 @p1 $0x1  }
0x15: {  	[smem:$0x3FAA] =	sst s0;
	s0 =	simm.s32 @!p2 $0x0  }
0x16: {  	s3 =	sld [smem:$0x3FDB];
	s0 =	simm.s32 @p2 $0x1  }
0x17: {  	s4 =	simm.s32 $0x1BF5;
	[smem:$0x3FAC] =	sst s0  }
0x18: {  	s0 =	sld [smem:$0x3F8F];
	_ =	swait.ge [sflag:s4], $0x0  }
0x19: {  	s7 =	sld [smem:$0x3F90]  }
0x1a: {  	s8 =	sadd.s32 $0xFFFFE003, lr  }
0x1b: {  	s9 =	sadd.s32 $0xFFFFFEF7, lr;
	s5 =	simm.s32 $0xFFFFFFFF;
	p2 =	slt.u32 s8, $0xFFFFF086  }
0x1c: {  	p1 =	slt.u32 s9, $0xF7A;
	s5 =	simm.s32 @!p2 $0x0  }
0x1d: {  	s5 =	simm.s32 @p1 $0x1;
	p0 =	seq.s32 s7, s2  }
0x1e: {  	s7 =	smul.u32 @!p0 $0xF7A, s2;
	p2 =	seq.s32 @!p0 s5, $0x0  }
0x1f: {  	s9 =	smul.u32 $0xF7A, s1;
	s8 =	simm.s32 @!p0 $0x1BF5;
	p2 =	por !p2, p0  }
0x20: {  	[sflag:s8] =	ssyncset.s32 @!p0 $0xFFFFF086;
	s6 =	sadd.s32 @!p0 s3, s7;
	s7 =	simm.s32 @!p0 $0x108  }
0x21: {  	s3 =	sadd.s32 s3, s9;
	s6 =	sadd.s32 @!p0 $0x88, s6;
	s7 =	simm.s32 @p2 $0x1082  }
0x22: {  	[simem:s7], [sflag:s8] =	dma.local @!p0 [hbm:s6], $0xF7A  }
0x23: {  	s9 =	sor.u32 $0xD0000000, s2;
	s6 =	simm.s32 $0x108;
	_ =	swait.ge @!p0 [sflag:s8], $0x0  }
0x24: {  	s3 =	sadd.s32 $0x88, s3;
	s6 =	simm.s32 @!p1 $0x1082;
	[sflag:s4] =	ssyncset.s32 $0xFFFFF086  }
0x25: {  	[simem:s6], [sflag:s4] =	dma.local [hbm:s3], $0xF7A  }
0x26: {  	[smem:$0x3F90] =	sst s1;
	(tag) =	ssettag s2;
	_ =	strace s9  }
0x27: {  	s1 =	sld [smem:$0x3FA0]  }
0x28: {  	s2 =	sld [smem:$0x3FA1]  }
0x29: {  	s4 =	sld [smem:$0x3FA3]  }
0x2a: {  	p0 =	seq.s32 s5, $0x0;
	s5 =	sld [smem:$0x3FA4]  }
0x2b: {  	s6 =	sld [smem:$0x3FA5]  }
0x2c: {  	s7 =	sld [smem:$0x3FA6]  }
0x2d: {  	s3 =	simm.s32 $0x108;
	s8 =	sld [smem:$0x3FA7]  }
0x2e: {  	s3 =	simm.s32 @!p0 $0x1082;
	s9 =	sld [smem:$0x3FA8]  }
0x2f: {  	lr =	sadd.s32 s0, s3;
	s0 =	sld [smem:$0x3F9F]  }
0x30: {  	s3 =	sld [smem:$0x3FA2]  }
0x31: {  	[smem:$0x3FAB] =	sst s10  }
0x32: {  	s10 =	sld [smem:$0x3FA9];
	_ =	sdelay $0x3  }
0x33: {  	p0 =	seq.s32 s10, $0x1;
	s10 =	sld [smem:$0x3FAB];
	_ =	sdelay $0x3  }
0x34: {  	[smem:$0x3FAB] =	sst s10  }
0x35: {  	s10 =	sld [smem:$0x3FAA];
	_ =	sdelay $0x3  }
0x36: {  	p1 =	seq.s32 s10, $0x1;
	s10 =	sld [smem:$0x3FAB];
	_ =	sdelay $0x3  }
0x37: {  	[smem:$0x3FAB] =	sst s10  }
0x38: {  	s10 =	sld [smem:$0x3FAC]  }
0x39: {  	_ = 	snop;
	(pc) =	sbr.ind lr, $3  }
0x3a: {  	_ = 	snop  }
0x3b: {  	_ = 	snop  }
0x3c: {  	p2 =	seq.s32 s10, $0x1;
	s10 =	sld [smem:$0x3FAB]  }
0x3d: {  	_ =	shalt  }
0x3e: {  	_ =	shalt  }
0x3f: {  	_ =	shalt  }
0x40: {  	_ =	shalt  }
0x41: {  	_ =	shalt  }
0x42: {  	_ =	shalt  }
0x43: {  	_ =	shalt  }
0x44: {  	_ =	shalt  }
0x45: {  	_ =	shalt  }
0x46: {  	_ =	shalt  }
0x47: {  	_ =	shalt  }
0x48: {  	_ =	shalt  }
0x49: {  	_ =	shalt  }
0x4a: {  	_ =	shalt  }
0x4b: {  	_ =	shalt  }
0x4c: {  	_ =	shalt  }
0x4d: {  	_ =	shalt  }
0x4e: {  	_ =	shalt  }
0x4f: {  	_ =	shalt  }
0x50: {  	_ =	shalt  }
0x51: {  	_ =	shalt  }
0x52: {  	_ =	shalt  }
0x53: {  	_ =	shalt  }
0x54: {  	_ =	shalt  }
0x55: {  	_ =	shalt  }
0x56: {  	_ =	shalt  }
0x57: {  	_ =	shalt  }
0x58: {  	_ =	shalt  }
0x59: {  	_ =	shalt  }
0x5a: {  	_ =	shalt  }
0x5b: {  	_ =	shalt  }
0x5c: {  	_ =	shalt  }
0x5d: {  	_ =	shalt  }
0x5e: {  	_ =	shalt  }
0x5f: {  	_ =	shalt  }
0x60: {  	_ =	shalt  }
0x61: {  	_ =	shalt  }
0x62: {  	_ =	shalt  }
0x63: {  	_ =	shalt  }
0x64: {  	_ =	shalt  }
0x65: {  	_ =	shalt  }
0x66: {  	_ =	shalt  }
0x67: {  	_ =	shalt  }
0x68: {  	_ =	shalt  }
0x69: {  	_ =	shalt  }
0x6a: {  	_ =	shalt  }
0x6b: {  	_ =	shalt  }
0x6c: {  	_ =	shalt  }
0x6d: {  	_ =	shalt  }
0x6e: {  	_ =	shalt  }
0x6f: {  	_ =	shalt  }
0x70: {  	_ =	shalt  }
0x71: {  	_ =	shalt  }
0x72: {  	_ =	shalt  }
0x73: {  	_ =	shalt  }
0x74: {  	_ =	shalt  }
0x75: {  	_ =	shalt  }
0x76: {  	_ =	shalt  }
0x77: {  	_ =	shalt  }
0x78: {  	_ =	shalt  }
0x79: {  	_ =	shalt  }
0x7a: {  	_ =	shalt  }
0x7b: {  	_ =	shalt  }
0x7c: {  	_ =	shalt  }
0x7d: {  	_ =	shalt  }
0x7e: {  	_ =	shalt  }
0x7f: {  	_ =	shalt  }
0x80: {  	_ =	shalt  }
0x81: {  	_ =	shalt  }
0x82: {  	_ =	shalt  }
0x83: {  	_ =	shalt  }
0x84: {  	_ =	shalt  }
0x85: {  	_ =	shalt  }
0x86: {  	_ =	shalt  }
0x87: {  	_ =	shalt  }
.Lfunc_end0:
.L_simem_size_0:
called_computation.2_lowered:
.L_overlay_start_0:
0x88: {  	s2 =	sld [smem:$0x3FD9]  }
0x89: {  	s3 =	sld [smem:$0x3FFE];
	_ =	sdelay $0x1  }
0x8a: {  	s1 =	srdreg.scid  }
0x8b: {  	s0 =	sand.u32 $0x1, s1  }
0x8c: {  	s17 =	sshll.u32 s0, $0xA;
	s2 =	sadd.s32 s3, s2  }
0x8d: {  	s2 =	sadd.s32 s2, s17  }
0x8e: {  	[smem:$0x3FB7] =	sst s2  }
0x8f: {  	_ = 	snop  }
0x90: {  	(tm) =	ssettm $0x1  }
0x91: {  	s18 =	sld [smem:$0x3FFB];
	_ =	sdelay $0x3  }
0x92: {  	_ =	strace s18  }
0x93: {  	s2 =	sld [smem:$0x3FFC];
	_ =	sdelay $0x3  }
0x94: {  	_ =	strace s2  }
0x95: {  	s2 =	sld [smem:$0x3FFD];
	_ =	sdelay $0x3  }
0x96: {  	_ =	strace s2  }
0x97: {  	_ =	strace $0x8FFFFFFF  }
0x98: {  	s19 =	sld [smem:$0x3FDB];
	_ =	sdelay $0x1  }
0x99: {  	s20 =	simm.s32 $_scs_section_size  }
0x9a: {  	s4 =	simm.s32 $_size__tile_overlayer_lowered;
	s5 =	simm.s32 $_tile_overlayer_lowered  }
0x9b: {  	s6 =	simm.s32 $0x1BFF;
	s21 =	sshll.u32 s5, $0x1;
	s3 =	sadd.s32 s20, s19  }
0x9c: {  	s22 =	simm.s32 $0x0;
	s4 =	sshll.u32 s4, $0x1;
	s5 =	sadd.s32 s21, s3  }
0x9d: {  	[timem:s22], [sflag:s6] =	dma.local [hbm:s5], s4  }
0x9e: {  	_ =	swait.ge [sflag:s6], s4  }
0x9f: {  	s4 =	ssub.s32 $0x0, s4;
	[sflag:s6] =	ssyncset.done $0x0  }
0xa0: {  	[sflag:s6] =	ssyncadd.s32 s4;
	_ =	sdelay $0x1  }
0xa1: {  	s23 =	simm.s32 $0x1B8B  }
0xa2: {  	_ =	swait.ge [sflag:s23], $0x1  }
0xa3: {  	[sflag:s23] =	ssyncset.done $0x0  }
0xa4: {  	[sflag:s23] =	ssyncadd.s32 $0xFFFFFFFF  }
0xa5: {  	s4 =	sld [smem:$0x0]  }
0xa6: {  	s5 =	sand.u32 $0xFFFFFFFE, s1  }
0xa7: {  	p0 =	sne.s32 s1, s5  }
0xa8: {  	s5 =	sshll.u32 @p0 s5, $0xE  }
0xa9: {  	s5 =	sadd.s32 @p0 $0x11B8D, s5;
	s6 =	sshll.u32 @p0 s4, $0x11  }
0xaa: {  	s5 =	sor.u32 @p0 s6, s5  }
0xab: {  	[sflag:s5] =	ssyncadd.remote.s32 @p0 $0x1;
	_ =	sdelay $0x1  }
0xac: {  	s5 =	simm.s32 @p0 $0x1B8D  }
0xad: {  	_ =	swait.eq @p0 [sflag:s5], $0x1  }
0xae: {  	[sflag:s5] =	ssyncadd.s32 @p0 $0xFFFFFFFF  }
0xaf: {  	s6 =	sshll.u32 @!p0 s1, $0xE  }
0xb0: {  	s6 =	sor.u32 @!p0 $0x4000, s6;
	s5 =	simm.s32 @!p0 $0x1B8D  }
0xb1: {  	s4 =	sshll.u32 @!p0 s4, $0x11;
	s6 =	sadd.s32 @!p0 $0x11B8D, s6;
	_ =	swait.eq @!p0 [sflag:s5], $0x1  }
0xb2: {  	s4 =	sor.u32 @!p0 s4, s6;
	[sflag:s5] =	ssyncadd.s32 @!p0 $0xFFFFFFFF  }
0xb3: {  	s25 =	simm.s32 $0x1B8E;
	s24 =	sld [smem:$0x3FFE];
	[sflag:s4] =	ssyncadd.remote.s32 @!p0 $0x1  }
0xb4: {  	s26 =	simm.s32 $execute0_lowered;
	[smem:$0x3FD2] =	sst s25  }
0xb5: {  	s5 =	sshll.u32 s26, $0x1;
	_ =	strace $0x8000004C;
	[dreg:$0x1] =	wrdreg $0xFFFFFFFF  }
0xb6: {  	s28 =	simm.s32 $_size_execute0_lowered;
	s3 =	sadd.s32 s3, s5;
	[dreg:$0x0] =	wrdreg $0x0  }
0xb7: {  	s5 =	sshll.u32 s28, $0x1;
	[dreg:$0x2] =	wrdreg s3  }
0xb8: {  	[dreg:$0x3] =	wrdreg s5  }
0xb9: {  	[dreg:$0x4] =	wrdreg $0xC0  }
0xba: {  	_ =	task [dreg:s22], $0x5FFFF  }
0xbb: {  	[dreg:$0x1] =	wrdreg $0xFFFFFFFF  }
0xbc: {  	[dreg:$0x0] =	wrdreg $0x60  }
0xbd: {  	[dreg:$0x2] =	wrdreg s24  }
0xbe: {  	[dreg:$0x3] =	wrdreg $0xB  }
0xbf: {  	_ =	task.clear_ibuf [dreg:s22], $0x4FFFF;
	_ =	strace $0x9000004C  }
0xc0: {  	s29 =	simm.s32 $0xB;
	_ =	strace $0x8000004E  }
0xc1: {  	_ =	swait.ge [sflag:s29], $0x1  }
0xc2: {  	[sflag:s29] =	ssyncadd.s32 $0xFFFFFFFF  }
0xc3: {  	_ =	strace $0x9000004E  }
0xc4: {  	_ =	sfence  }
0xc5: {  	s30 =	sld [smem:$0x0];
	_ =	sdelay $0x2  }
0xc6: {  	s31 =	sshll.u32 s1, $0xD;
	s1 =	sshrl.u32 s1, $0x2  }
0xc7: {  	s4 =	sand.u32 $0x4000, s31;
	s1 =	sadd.s32 s1, s30  }
0xc8: {  	s0 =	sor.u32 s4, s0;
	s1 =	sshll.u32 s1, $0x11  }
0xc9: {  	s0 =	sor.u32 s1, s0  }
0xca: {  	s0 =	sadd.s32 $0x8F2B, s0  }
0xcb: {  	[sflag:s0] =	ssyncadd.remote.s32 $0x1  }
0xcc: {  	_ =	sfence.sel $0xFFFF  }
0xcd: {  	[dreg:$0x0] =	wrdreg $0xFFFFFFFF;
	(pc) =	sbr.abs _section_cstart, $3  }
0xce: {  	[dreg:$0x1] =	wrdreg $0xFFFFFFFF  }
0xcf: {  	_ =	task.clear_ibuf [dreg:s22], $0x2FFFF;
	_ =	strace $0x9FFFFFFF  }
0xd0: {  	(tm) =	ssettm $0x7FFFFFFF  }
0xd1: {  	_ =	shalt  }
tec
execute0_lowered:
.L_overlay_start_1:
0x0: {  	(tag) =	ssettag $0x1  }
0x1: {  	s1 =	srdreg.scid  }
0x2: {  	s0 =	stileid.u32;
	s25 =	sand.u32 $0x1, s1  }
0x3: {  	s11 =	rddreg [dreg:$0x0];
	s3 =	sshll.u32 s0, $0xB;
	s4 =	sshll.u32 s25, $0xA  }
0x4: {  	s2 =	simm.s32 $0x0;
	s1 =	rddreg [dreg:$0x1];
	s24 =	sor.u32 s4, s3  }
0x5: {  	[smem:$0x7FF] =	sst s2;
	s23 =	sadd.s32 $0x13E600, s11;
	s3 =	sshrl.u32 s24, $0x3  }
0x6: {  	_ =	strace $0x8000004D;
	s4 =	sadd.s32 s23, s3;
	s3 =	simm.s32 $0x3  }
0x7: {  	[tilespmem:s2], [sflag:$0x3] =	stream.linear.gather [hbm4b:s4+s2], $0x80, $0x38;
	[tilespmem:$0x8100] =	vst v63  }
0x8: {  	s6 =	simm.s32 $0x80;
	_ =	swait.ge [sflag:s3], $0x80  }
0x9: {  	s7 =	simm.s32 $0x100;
	s14 =	sor.u32 $0x80, s24;
	[sflag:s3] =	ssyncset.done $0x0  }
0xa: {  	s5 =	sadd.s32 $0x2C600, s11;
	s8 =	sshrl.u32 s14, $0x3;
	[sflag:s3] =	ssyncadd.s32 $0xFFFFFF80  }
0xb: {  	[tilespmem:s7], [sflag:$0x1] =	stream.indirect.gather [hbm4b:s5+s6], $0x80, s2, s6, $0xb8;
	[tilespmem:$0x8100] =	vst v63  }
0xc: {  	s8 =	sadd.s32 s23, s8  }
0xd: {  	[tilespmem:s6], [sflag:$0x3] =	stream.linear.gather [hbm4b:s8+s2], $0x80, $0x38;
	[tilespmem:$0x8100] =	vst v63  }
0xe: {  	_ =	swait.ge [sflag:s3], $0x80  }
0xf: {  	[sflag:s3] =	ssyncset.done $0x0  }
0x10: {  	s9 =	simm.s32 $0x4100;
	s10 =	simm.s32 $0x1;
	[sflag:s3] =	ssyncadd.s32 $0xFFFFFF80  }
0x11: {  	[tilespmem:s9], [sflag:$0x2] =	stream.indirect.gather [hbm4b:s5+s6], $0x80, s6, s6, $0xb8;
	[tilespmem:$0x8100] =	vst v63  }
0x12: {  	_ =	swait.ge [sflag:s10], $0x4000  }
0x13: {  	s26 =	sadd.s32 $0x13F600, s11;
	s29 =	sshll.u32 s24, $0x4;
	[sflag:s10] =	ssyncset.done $0x0  }
0x14: {  	s11 =	sadd.s32 s26, s29;
	[sflag:s10] =	ssyncadd.s32 $0xFFFFC000  }
0x15: {  	[hbm4b:s11+s2] =	stream.linear.scatter [tilespmem:s7], [sflag:$0x3], $0x4000, $0x38;
	[tilespmem:$0x8100] =	vst v63  }
0x16: {  	_ =	swait.ge [sflag:s3], $0x4000  }
0x17: {  	[sflag:s3] =	ssyncset.done $0x0  }
0x18: {  	s12 =	sadd.s32 $0x20, s4;
	[sflag:s3] =	ssyncadd.s32 $0xFFFFC000  }
0x19: {  	[tilespmem:s2], [sflag:$0x3] =	stream.linear.gather [hbm4b:s12+s2], $0x80, $0x38;
	[tilespmem:$0x8100] =	vst v63  }
0x1a: {  	_ =	swait.ge [sflag:s3], $0x80  }
0x1b: {  	[sflag:s3] =	ssyncset.done $0x0  }
0x1c: {  	s13 =	simm.s32 $0x2;
	[sflag:s3] =	ssyncadd.s32 $0xFFFFFF80  }
0x1d: {  	[tilespmem:s7], [sflag:$0x1] =	stream.indirect.gather [hbm4b:s5+s6], $0x80, s2, s6, $0xb8;
	[tilespmem:$0x8100] =	vst v63  }
0x1e: {  	_ =	swait.ge [sflag:s13], $0x4000  }
0x1f: {  	s14 =	sshll.u32 s14, $0x4;
	[sflag:s13] =	ssyncset.done $0x0  }
0x20: {  	s14 =	sadd.s32 s26, s14;
	[sflag:s13] =	ssyncadd.s32 $0xFFFFC000  }
0x21: {  	[hbm4b:s14+s2] =	stream.linear.scatter [tilespmem:s9], [sflag:$0x3], $0x4000, $0x38;
	[tilespmem:$0x8100] =	vst v63  }
0x22: {  	s18 =	sor.u32 $0x180, s24;
	_ =	swait.ge [sflag:s3], $0x4000  }
0x23: {  	s15 =	sshrl.u32 s18, $0x3;
	[sflag:s3] =	ssyncset.done $0x0  }
0x24: {  	s15 =	sadd.s32 s23, s15;
	[sflag:s3] =	ssyncadd.s32 $0xFFFFC000  }
0x25: {  	[tilespmem:s6], [sflag:$0x3] =	stream.linear.gather [hbm4b:s15+s2], $0x80, $0x38;
	[tilespmem:$0x8100] =	vst v63  }
0x26: {  	_ =	swait.ge [sflag:s3], $0x80  }
0x27: {  	[sflag:s3] =	ssyncset.done $0x0  }
0x28: {  	[sflag:s3] =	ssyncadd.s32 $0xFFFFFF80  }
0x29: {  	[tilespmem:s9], [sflag:$0x2] =	stream.indirect.gather [hbm4b:s5+s6], $0x80, s6, s6, $0xb8;
	[tilespmem:$0x8100] =	vst v63  }
0x2a: {  	_ =	swait.ge [sflag:s10], $0x4000  }
0x2b: {  	[sflag:s10] =	ssyncset.done $0x0  }
0x2c: {  	s16 =	sadd.s32 $0x1000, s11;
	[sflag:s10] =	ssyncadd.s32 $0xFFFFC000  }
0x2d: {  	[hbm4b:s16+s2] =	stream.linear.scatter [tilespmem:s7], [sflag:$0x3], $0x4000, $0x38;
	[tilespmem:$0x8100] =	vst v63  }
0x2e: {  	_ =	swait.ge [sflag:s3], $0x4000  }
0x2f: {  	[sflag:s3] =	ssyncset.done $0x0  }
0x30: {  	s17 =	sadd.s32 $0x40, s4;
	[sflag:s3] =	ssyncadd.s32 $0xFFFFC000  }
0x31: {  	[tilespmem:s2], [sflag:$0x3] =	stream.linear.gather [hbm4b:s17+s2], $0x80, $0x38;
	[tilespmem:$0x8100] =	vst v63  }
0x32: {  	_ =	swait.ge [sflag:s3], $0x80  }
0x33: {  	[sflag:s3] =	ssyncset.done $0x0  }
0x34: {  	[sflag:s3] =	ssyncadd.s32 $0xFFFFFF80  }
0x35: {  	[tilespmem:s7], [sflag:$0x1] =	stream.indirect.gather [hbm4b:s5+s6], $0x80, s2, s6, $0xb8;
	[tilespmem:$0x8100] =	vst v63  }
0x36: {  	_ =	swait.ge [sflag:s13], $0x4000  }
0x37: {  	s18 =	sshll.u32 s18, $0x4;
	[sflag:s13] =	ssyncset.done $0x0  }
0x38: {  	s18 =	sadd.s32 s26, s18;
	[sflag:s13] =	ssyncadd.s32 $0xFFFFC000  }
0x39: {  	[hbm4b:s18+s2] =	stream.linear.scatter [tilespmem:s9], [sflag:$0x3], $0x4000, $0x38;
	[tilespmem:$0x8100] =	vst v63  }
0x3a: {  	s22 =	sor.u32 $0x280, s24;
	_ =	swait.ge [sflag:s3], $0x4000  }
0x3b: {  	s19 =	sshrl.u32 s22, $0x3;
	[sflag:s3] =	ssyncset.done $0x0  }
0x3c: {  	s19 =	sadd.s32 s23, s19;
	[sflag:s3] =	ssyncadd.s32 $0xFFFFC000  }
0x3d: {  	[tilespmem:s6], [sflag:$0x3] =	stream.linear.gather [hbm4b:s19+s2], $0x80, $0x38;
	[tilespmem:$0x8100] =	vst v63  }
0x3e: {  	_ =	swait.ge [sflag:s3], $0x80  }
0x3f: {  	[sflag:s3] =	ssyncset.done $0x0  }
0x40: {  	[sflag:s3] =	ssyncadd.s32 $0xFFFFFF80  }
0x41: {  	[tilespmem:s9], [sflag:$0x2] =	stream.indirect.gather [hbm4b:s5+s6], $0x80, s6, s6, $0xb8;
	[tilespmem:$0x8100] =	vst v63  }
0x42: {  	_ =	swait.ge [sflag:s10], $0x4000  }
0x43: {  	[sflag:s10] =	ssyncset.done $0x0  }
0x44: {  	s20 =	sadd.s32 $0x2000, s11;
	[sflag:s10] =	ssyncadd.s32 $0xFFFFC000  }
0x45: {  	[hbm4b:s20+s2] =	stream.linear.scatter [tilespmem:s7], [sflag:$0x3], $0x4000, $0x38;
	[tilespmem:$0x8100] =	vst v63  }
0x46: {  	_ =	swait.ge [sflag:s3], $0x4000  }
0x47: {  	[sflag:s3] =	ssyncset.done $0x0  }
0x48: {  	s21 =	sadd.s32 $0x60, s4;
	[sflag:s3] =	ssyncadd.s32 $0xFFFFC000  }
0x49: {  	[tilespmem:s2], [sflag:$0x3] =	stream.linear.gather [hbm4b:s21+s2], $0x80, $0x38;
	[tilespmem:$0x8100] =	vst v63  }
0x4a: {  	_ =	swait.ge [sflag:s3], $0x80  }
0x4b: {  	[sflag:s3] =	ssyncset.done $0x0  }
0x4c: {  	[sflag:s3] =	ssyncadd.s32 $0xFFFFFF80  }
0x4d: {  	[tilespmem:s7], [sflag:$0x1] =	stream.indirect.gather [hbm4b:s5+s6], $0x80, s2, s6, $0xb8;
	[tilespmem:$0x8100] =	vst v63  }
0x4e: {  	_ =	swait.ge [sflag:s13], $0x4000  }
0x4f: {  	s22 =	sshll.u32 s22, $0x4;
	[sflag:s13] =	ssyncset.done $0x0  }
0x50: {  	s22 =	sadd.s32 s26, s22;
	[sflag:s13] =	ssyncadd.s32 $0xFFFFC000  }
0x51: {  	[hbm4b:s22+s2] =	stream.linear.scatter [tilespmem:s9], [sflag:$0x3], $0x4000, $0x38;
	[tilespmem:$0x8100] =	vst v63  }
0x52: {  	s28 =	sor.u32 $0x380, s24;
	_ =	swait.ge [sflag:s3], $0x4000  }
0x53: {  	s24 =	sshrl.u32 s28, $0x3;
	[sflag:s3] =	ssyncset.done $0x0  }
0x54: {  	s23 =	sadd.s32 s23, s24;
	[sflag:s3] =	ssyncadd.s32 $0xFFFFC000  }
0x55: {  	[tilespmem:s6], [sflag:$0x3] =	stream.linear.gather [hbm4b:s23+s2], $0x80, $0x38;
	[tilespmem:$0x8100] =	vst v63  }
0x56: {  	_ =	swait.ge [sflag:s3], $0x80  }
0x57: {  	[sflag:s3] =	ssyncset.done $0x0  }
0x58: {  	[sflag:s3] =	ssyncadd.s32 $0xFFFFFF80  }
0x59: {  	[tilespmem:s9], [sflag:$0x2] =	stream.indirect.gather [hbm4b:s5+s6], $0x80, s6, s6, $0xb8;
	[tilespmem:$0x8100] =	vst v63  }
0x5a: {  	_ =	swait.ge [sflag:s10], $0x4000  }
0x5b: {  	[sflag:s10] =	ssyncset.done $0x0  }
0x5c: {  	s25 =	ssub.s32 $0x2, s25;
	s24 =	sadd.s32 $0x3000, s11;
	[sflag:s10] =	ssyncadd.s32 $0xFFFFC000  }
0x5d: {  	[hbm4b:s24+s2] =	stream.linear.scatter [tilespmem:s7], [sflag:$0x3], $0x4000, $0x38;
	[tilespmem:$0x8100] =	vst v63  }
0x5e: {  	s29 =	sshrl.u32 s25, $0x1;
	_ =	swait.ge [sflag:s3], $0x4000  }
0x5f: {  	s29 =	ssub.s32 s25, s29;
	[sflag:s3] =	ssyncset.done $0x0  }
0x60: {  	s31 =	smax.u32 s29, $0x1;
	[sflag:s3] =	ssyncadd.s32 $0xFFFFC000  }
0x61: {  	p0 =	sne.s32 s31, $0x1;
	_ =	swait.ge [sflag:s13], $0x4000  }
.Ltmp0:
0x62: {  	s30 =	sshll.u32 s28, $0x4;
	[sflag:s13] =	ssyncset.done $0x0;
	(pc) =	sbr.rel @!p0 .LBB2_2-.Ltmp0, $4  }
0x63: {  	s25 =	sadd.s32 s26, s30;
	[sflag:s13] =	ssyncadd.s32 $0xFFFFC000  }
0x64: {  	[hbm4b:s25+s2] =	stream.linear.scatter [tilespmem:s9], [sflag:$0x3], $0x4000, $0x38;
	[tilespmem:$0x8100] =	vst v63  }
0x65: {  	_ =	swait.ge [sflag:s3], $0x4000  }
0x66: {  	s26 =	sadd.s32 $0xFFFFFFFF, s31;
	[sflag:s3] =	ssyncset.done $0x0  }
.LBB2_1:
0x67: {  	p0 =	sne.s32 s26, $0x1;
	s26 =	sadd.s32 $0xFFFFFFFF, s26;
	[sflag:s3] =	ssyncadd.s32 $0xFFFFC000  }
0x68: {  	[tilespmem:s2], [sflag:$0x3] =	stream.linear.gather [hbm4b:s4+s2], $0x80, $0x38;
	[tilespmem:$0x8100] =	vst v63  }
0x69: {  	_ =	swait.ge [sflag:s3], $0x80  }
0x6a: {  	[sflag:s3] =	ssyncset.done $0x0  }
0x6b: {  	[sflag:s3] =	ssyncadd.s32 $0xFFFFFF80  }
0x6c: {  	[tilespmem:s7], [sflag:$0x1] =	stream.indirect.gather [hbm4b:s5+s6], $0x80, s2, s6, $0xb8;
	[tilespmem:$0x8100] =	vst v63  }
0x6d: {  	_ = 	snop  }
0x6e: {  	[tilespmem:s6], [sflag:$0x3] =	stream.linear.gather [hbm4b:s8+s2], $0x80, $0x38;
	[tilespmem:$0x8100] =	vst v63  }
0x6f: {  	_ =	swait.ge [sflag:s3], $0x80  }
0x70: {  	[sflag:s3] =	ssyncset.done $0x0  }
0x71: {  	[sflag:s3] =	ssyncadd.s32 $0xFFFFFF80  }
0x72: {  	[tilespmem:s9], [sflag:$0x2] =	stream.indirect.gather [hbm4b:s5+s6], $0x80, s6, s6, $0xb8;
	[tilespmem:$0x8100] =	vst v63  }
0x73: {  	_ =	swait.ge [sflag:s10], $0x4000  }
0x74: {  	[sflag:s10] =	ssyncset.done $0x0  }
0x75: {  	[sflag:s10] =	ssyncadd.s32 $0xFFFFC000  }
0x76: {  	[hbm4b:s11+s2] =	stream.linear.scatter [tilespmem:s7], [sflag:$0x3], $0x4000, $0x38;
	[tilespmem:$0x8100] =	vst v63  }
0x77: {  	_ =	swait.ge [sflag:s3], $0x4000  }
0x78: {  	[sflag:s3] =	ssyncset.done $0x0  }
0x79: {  	[sflag:s3] =	ssyncadd.s32 $0xFFFFC000  }
0x7a: {  	[tilespmem:s2], [sflag:$0x3] =	stream.linear.gather [hbm4b:s12+s2], $0x80, $0x38;
	[tilespmem:$0x8100] =	vst v63  }
0x7b: {  	_ =	swait.ge [sflag:s3], $0x80  }
0x7c: {  	[sflag:s3] =	ssyncset.done $0x0  }
0x7d: {  	[sflag:s3] =	ssyncadd.s32 $0xFFFFFF80  }
0x7e: {  	[tilespmem:s7], [sflag:$0x1] =	stream.indirect.gather [hbm4b:s5+s6], $0x80, s2, s6, $0xb8;
	[tilespmem:$0x8100] =	vst v63  }
0x7f: {  	_ =	swait.ge [sflag:s13], $0x4000  }
0x80: {  	[sflag:s13] =	ssyncset.done $0x0  }
0x81: {  	[sflag:s13] =	ssyncadd.s32 $0xFFFFC000  }
0x82: {  	[hbm4b:s14+s2] =	stream.linear.scatter [tilespmem:s9], [sflag:$0x3], $0x4000, $0x38;
	[tilespmem:$0x8100] =	vst v63  }
0x83: {  	_ =	swait.ge [sflag:s3], $0x4000  }
0x84: {  	[sflag:s3] =	ssyncset.done $0x0  }
0x85: {  	[sflag:s3] =	ssyncadd.s32 $0xFFFFC000  }
0x86: {  	[tilespmem:s6], [sflag:$0x3] =	stream.linear.gather [hbm4b:s15+s2], $0x80, $0x38;
	[tilespmem:$0x8100] =	vst v63  }
0x87: {  	_ =	swait.ge [sflag:s3], $0x80  }
0x88: {  	[sflag:s3] =	ssyncset.done $0x0  }
0x89: {  	[sflag:s3] =	ssyncadd.s32 $0xFFFFFF80  }
0x8a: {  	[tilespmem:s9], [sflag:$0x2] =	stream.indirect.gather [hbm4b:s5+s6], $0x80, s6, s6, $0xb8;
	[tilespmem:$0x8100] =	vst v63  }
0x8b: {  	_ =	swait.ge [sflag:s10], $0x4000  }
0x8c: {  	[sflag:s10] =	ssyncset.done $0x0  }
0x8d: {  	[sflag:s10] =	ssyncadd.s32 $0xFFFFC000  }
0x8e: {  	[hbm4b:s16+s2] =	stream.linear.scatter [tilespmem:s7], [sflag:$0x3], $0x4000, $0x38;
	[tilespmem:$0x8100] =	vst v63  }
0x8f: {  	_ =	swait.ge [sflag:s3], $0x4000  }
0x90: {  	[sflag:s3] =	ssyncset.done $0x0  }
0x91: {  	[sflag:s3] =	ssyncadd.s32 $0xFFFFC000  }
0x92: {  	[tilespmem:s2], [sflag:$0x3] =	stream.linear.gather [hbm4b:s17+s2], $0x80, $0x38;
	[tilespmem:$0x8100] =	vst v63  }
0x93: {  	_ =	swait.ge [sflag:s3], $0x80  }
0x94: {  	[sflag:s3] =	ssyncset.done $0x0  }
0x95: {  	[sflag:s3] =	ssyncadd.s32 $0xFFFFFF80  }
0x96: {  	[tilespmem:s7], [sflag:$0x1] =	stream.indirect.gather [hbm4b:s5+s6], $0x80, s2, s6, $0xb8;
	[tilespmem:$0x8100] =	vst v63  }
0x97: {  	_ =	swait.ge [sflag:s13], $0x4000  }
0x98: {  	[sflag:s13] =	ssyncset.done $0x0  }
0x99: {  	[sflag:s13] =	ssyncadd.s32 $0xFFFFC000  }
0x9a: {  	[hbm4b:s18+s2] =	stream.linear.scatter [tilespmem:s9], [sflag:$0x3], $0x4000, $0x38;
	[tilespmem:$0x8100] =	vst v63  }
0x9b: {  	_ =	swait.ge [sflag:s3], $0x4000  }
0x9c: {  	[sflag:s3] =	ssyncset.done $0x0  }
0x9d: {  	[sflag:s3] =	ssyncadd.s32 $0xFFFFC000  }
0x9e: {  	[tilespmem:s6], [sflag:$0x3] =	stream.linear.gather [hbm4b:s19+s2], $0x80, $0x38;
	[tilespmem:$0x8100] =	vst v63  }
0x9f: {  	_ =	swait.ge [sflag:s3], $0x80  }
0xa0: {  	[sflag:s3] =	ssyncset.done $0x0  }
0xa1: {  	[sflag:s3] =	ssyncadd.s32 $0xFFFFFF80  }
0xa2: {  	[tilespmem:s9], [sflag:$0x2] =	stream.indirect.gather [hbm4b:s5+s6], $0x80, s6, s6, $0xb8;
	[tilespmem:$0x8100] =	vst v63  }
0xa3: {  	_ =	swait.ge [sflag:s10], $0x4000  }
0xa4: {  	[sflag:s10] =	ssyncset.done $0x0  }
0xa5: {  	[sflag:s10] =	ssyncadd.s32 $0xFFFFC000  }
0xa6: {  	[hbm4b:s20+s2] =	stream.linear.scatter [tilespmem:s7], [sflag:$0x3], $0x4000, $0x38;
	[tilespmem:$0x8100] =	vst v63  }
0xa7: {  	_ =	swait.ge [sflag:s3], $0x4000  }
0xa8: {  	[sflag:s3] =	ssyncset.done $0x0  }
0xa9: {  	[sflag:s3] =	ssyncadd.s32 $0xFFFFC000  }
0xaa: {  	[tilespmem:s2], [sflag:$0x3] =	stream.linear.gather [hbm4b:s21+s2], $0x80, $0x38;
	[tilespmem:$0x8100] =	vst v63  }
0xab: {  	_ =	swait.ge [sflag:s3], $0x80  }
0xac: {  	[sflag:s3] =	ssyncset.done $0x0  }
0xad: {  	[sflag:s3] =	ssyncadd.s32 $0xFFFFFF80  }
0xae: {  	[tilespmem:s7], [sflag:$0x1] =	stream.indirect.gather [hbm4b:s5+s6], $0x80, s2, s6, $0xb8;
	[tilespmem:$0x8100] =	vst v63  }
0xaf: {  	_ =	swait.ge [sflag:s13], $0x4000  }
0xb0: {  	[sflag:s13] =	ssyncset.done $0x0  }
0xb1: {  	[sflag:s13] =	ssyncadd.s32 $0xFFFFC000  }
0xb2: {  	[hbm4b:s22+s2] =	stream.linear.scatter [tilespmem:s9], [sflag:$0x3], $0x4000, $0x38;
	[tilespmem:$0x8100] =	vst v63  }
0xb3: {  	_ =	swait.ge [sflag:s3], $0x4000  }
0xb4: {  	[sflag:s3] =	ssyncset.done $0x0  }
0xb5: {  	[sflag:s3] =	ssyncadd.s32 $0xFFFFC000  }
0xb6: {  	[tilespmem:s6], [sflag:$0x3] =	stream.linear.gather [hbm4b:s23+s2], $0x80, $0x38;
	[tilespmem:$0x8100] =	vst v63  }
0xb7: {  	_ =	swait.ge [sflag:s3], $0x80  }
0xb8: {  	[sflag:s3] =	ssyncset.done $0x0  }
0xb9: {  	[sflag:s3] =	ssyncadd.s32 $0xFFFFFF80  }
0xba: {  	[tilespmem:s9], [sflag:$0x2] =	stream.indirect.gather [hbm4b:s5+s6], $0x80, s6, s6, $0xb8;
	[tilespmem:$0x8100] =	vst v63  }
0xbb: {  	_ =	swait.ge [sflag:s10], $0x4000  }
0xbc: {  	[sflag:s10] =	ssyncset.done $0x0  }
0xbd: {  	[sflag:s10] =	ssyncadd.s32 $0xFFFFC000  }
0xbe: {  	[hbm4b:s24+s2] =	stream.linear.scatter [tilespmem:s7], [sflag:$0x3], $0x4000, $0x38;
	[tilespmem:$0x8100] =	vst v63  }
0xbf: {  	_ =	swait.ge [sflag:s3], $0x4000  }
0xc0: {  	[sflag:s3] =	ssyncset.done $0x0  }
0xc1: {  	[sflag:s3] =	ssyncadd.s32 $0xFFFFC000  }
0xc2: {  	_ =	swait.ge [sflag:s13], $0x4000  }
.Ltmp1:
0xc3: {  	[sflag:s13] =	ssyncset.done $0x0;
	(pc) =	sbr.rel @p0 .LBB2_1-.Ltmp1, $4  }
0xc4: {  	[sflag:s13] =	ssyncadd.s32 $0xFFFFC000  }
0xc5: {  	[hbm4b:s25+s2] =	stream.linear.scatter [tilespmem:s9], [sflag:$0x3], $0x4000, $0x38;
	[tilespmem:$0x8100] =	vst v63  }
0xc6: {  	_ =	swait.ge [sflag:s3], $0x4000  }
0xc7: {  	[sflag:s3] =	ssyncset.done $0x0  }
.LBB2_2:
0xc8: {  	[sflag:s3] =	ssyncadd.s32 $0xFFFFC000  }
0xc9: {  	_ =	sfence.sel $0x180000  }
0xca: {  	[bflag:$0x0] =	sbarrier.arrive $0xFFFF  }
0xcb: {  	p0 =	sne.s32 s0, $0x0;
	_ =	strace $0x9000004D  }
0xcc: {  	s0 =	sadd.s32 @!p0 $0x100000, s1;
	[bflag:$0x2] =	sbarrier.arrive $0xFFFF  }
0xcd: {  	[sflag:s0] =	ssyncadd.tile.s32 @!p0 $0x1;
	_ =	shalt  }
.Lfunc_end2:
_tile_overlayer_lowered:
.L_overlay_start_2:
0xce: {  	(tag) =	ssettag $0x2  }
0xcf: {  	s0 =	rddreg [dreg:$0x0];
	s2 =	stileid.u32  }
0xd0: {  	s1 =	rddreg [dreg:$0x1];
	p0 =	sne.s32 s2, $0x0  }
0xd1: {  	s3 =	rddreg [dreg:$0x2];
	[bflag:$0x3] =	sbarrier.arrive $0xFFFF;
	s2 =	simm.s32 @!p0 $0x1C03  }
0xd2: {  	[timem:s3], [sflag:s2] =	dma.local @!p0 [hbm:s0], s1  }
0xd3: {  	s0 =	simm.s32 @!p0 $0x3  }
0xd4: {  	_ =	swait.ge @!p0 [sflag:s0], s1  }
0xd5: {  	s1 =	ssub.s32 @!p0 $0x0, s1;
	[sflag:s0] =	ssyncset.done @!p0 $0x0  }
0xd6: {  	[sflag:s0] =	ssyncadd.s32 @!p0 s1  }
0xd7: {  	[bflag:$0x3] =	sbarrier.arrive $0xFFFF  }
0xd8: {  	_ =	shalt  }

// kernel: kernel.24.cloned.1.call-start
scs
__scs_entry_jumppad:
0x0: {  	(pc) =	sbr.rel $0x88, $3  }
0x1: {  	(tag) =	ssettag $0x0;
	lr =	simm.s32 $0x1  }
0x2: {  	[smem:$0x3F90] =	sst lr;
	_ =	strace $0xD0000000  }
0x3: {  	_ = 	snop  }
0x4: {  	_ = 	snop  }
0x5: {  	_ = 	snop  }
0x6: {  	_ = 	snop  }
0x7: {  	_ = 	snop  }
__scs_overlays_trampoline_lowered:
0x8: {  	[smem:$0x3F9F] =	sst s0  }
0x9: {  	[smem:$0x3FA0] =	sst s1  }
0xa: {  	[smem:$0x3FA1] =	sst s2  }
0xb: {  	[smem:$0x3FA2] =	sst s3  }
0xc: {  	[smem:$0x3FA3] =	sst s4  }
0xd: {  	[smem:$0x3FA4] =	sst s5  }
0xe: {  	[smem:$0x3FA5] =	sst s6  }
0xf: {  	[smem:$0x3FA6] =	sst s7  }
0x10: {  	[smem:$0x3FA7] =	sst s8  }
0x11: {  	[smem:$0x3FA8] =	sst s9;
	s0 =	simm.s32 @!p0 $0x0  }
0x12: {  	s1 =	sld [smem:$0x3F8E];
	s0 =	simm.s32 @p0 $0x1  }
0x13: {  	[smem:$0x3FA9] =	sst s0;
	s0 =	simm.s32 @!p1 $0x0  }
0x14: {  	s2 =	sld [smem:$0x3F8D];
	s0 =	simm.s32 @p1 $0x1  }
0x15: {  	[smem:$0x3FAA] =	sst s0;
	s0 =	simm.s32 @!p2 $0x0  }
0x16: {  	s3 =	sld [smem:$0x3FDB];
	s0 =	simm.s32 @p2 $0x1  }
0x17: {  	s4 =	simm.s32 $0x1BF5;
	[smem:$0x3FAC] =	sst s0  }
0x18: {  	s0 =	sld [smem:$0x3F8F];
	_ =	swait.ge [sflag:s4], $0x0  }
0x19: {  	s7 =	sld [smem:$0x3F90]  }
0x1a: {  	s8 =	sadd.s32 $0xFFFFE003, lr  }
0x1b: {  	s9 =	sadd.s32 $0xFFFFFEF7, lr;
	s5 =	simm.s32 $0xFFFFFFFF;
	p2 =	slt.u32 s8, $0xFFFFF086  }
0x1c: {  	p1 =	slt.u32 s9, $0xF7A;
	s5 =	simm.s32 @!p2 $0x0  }
0x1d: {  	s5 =	simm.s32 @p1 $0x1;
	p0 =	seq.s32 s7, s2  }
0x1e: {  	s7 =	smul.u32 @!p0 $0xF7A, s2;
	p2 =	seq.s32 @!p0 s5, $0x0  }
0x1f: {  	s9 =	smul.u32 $0xF7A, s1;
	s8 =	simm.s32 @!p0 $0x1BF5;
	p2 =	por !p2, p0  }
0x20: {  	[sflag:s8] =	ssyncset.s32 @!p0 $0xFFFFF086;
	s6 =	sadd.s32 @!p0 s3, s7;
	s7 =	simm.s32 @!p0 $0x108  }
0x21: {  	s3 =	sadd.s32 s3, s9;
	s6 =	sadd.s32 @!p0 $0x88, s6;
	s7 =	simm.s32 @p2 $0x1082  }
0x22: {  	[simem:s7], [sflag:s8] =	dma.local @!p0 [hbm:s6], $0xF7A  }
0x23: {  	s9 =	sor.u32 $0xD0000000, s2;
	s6 =	simm.s32 $0x108;
	_ =	swait.ge @!p0 [sflag:s8], $0x0  }
0x24: {  	s3 =	sadd.s32 $0x88, s3;
	s6 =	simm.s32 @!p1 $0x1082;
	[sflag:s4] =	ssyncset.s32 $0xFFFFF086  }
0x25: {  	[simem:s6], [sflag:s4] =	dma.local [hbm:s3], $0xF7A  }
0x26: {  	[smem:$0x3F90] =	sst s1;
	(tag) =	ssettag s2;
	_ =	strace s9  }
0x27: {  	s1 =	sld [smem:$0x3FA0]  }
0x28: {  	s2 =	sld [smem:$0x3FA1]  }
0x29: {  	s4 =	sld [smem:$0x3FA3]  }
0x2a: {  	p0 =	seq.s32 s5, $0x0;
	s5 =	sld [smem:$0x3FA4]  }
0x2b: {  	s6 =	sld [smem:$0x3FA5]  }
0x2c: {  	s7 =	sld [smem:$0x3FA6]  }
0x2d: {  	s3 =	simm.s32 $0x108;
	s8 =	sld [smem:$0x3FA7]  }
0x2e: {  	s3 =	simm.s32 @!p0 $0x1082;
	s9 =	sld [smem:$0x3FA8]  }
0x2f: {  	lr =	sadd.s32 s0, s3;
	s0 =	sld [smem:$0x3F9F]  }
0x30: {  	s3 =	sld [smem:$0x3FA2]  }
0x31: {  	[smem:$0x3FAB] =	sst s10  }
0x32: {  	s10 =	sld [smem:$0x3FA9];
	_ =	sdelay $0x3  }
0x33: {  	p0 =	seq.s32 s10, $0x1;
	s10 =	sld [smem:$0x3FAB];
	_ =	sdelay $0x3  }
0x34: {  	[smem:$0x3FAB] =	sst s10  }
0x35: {  	s10 =	sld [smem:$0x3FAA];
	_ =	sdelay $0x3  }
0x36: {  	p1 =	seq.s32 s10, $0x1;
	s10 =	sld [smem:$0x3FAB];
	_ =	sdelay $0x3  }
0x37: {  	[smem:$0x3FAB] =	sst s10  }
0x38: {  	s10 =	sld [smem:$0x3FAC]  }
0x39: {  	_ = 	snop;
	(pc) =	sbr.ind lr, $3  }
0x3a: {  	_ = 	snop  }
0x3b: {  	_ = 	snop  }
0x3c: {  	p2 =	seq.s32 s10, $0x1;
	s10 =	sld [smem:$0x3FAB]  }
0x3d: {  	_ =	shalt  }
0x3e: {  	_ =	shalt  }
0x3f: {  	_ =	shalt  }
0x40: {  	_ =	shalt  }
0x41: {  	_ =	shalt  }
0x42: {  	_ =	shalt  }
0x43: {  	_ =	shalt  }
0x44: {  	_ =	shalt  }
0x45: {  	_ =	shalt  }
0x46: {  	_ =	shalt  }
0x47: {  	_ =	shalt  }
0x48: {  	_ =	shalt  }
0x49: {  	_ =	shalt  }
0x4a: {  	_ =	shalt  }
0x4b: {  	_ =	shalt  }
0x4c: {  	_ =	shalt  }
0x4d: {  	_ =	shalt  }
0x4e: {  	_ =	shalt  }
0x4f: {  	_ =	shalt  }
0x50: {  	_ =	shalt  }
0x51: {  	_ =	shalt  }
0x52: {  	_ =	shalt  }
0x53: {  	_ =	shalt  }
0x54: {  	_ =	shalt  }
0x55: {  	_ =	shalt  }
0x56: {  	_ =	shalt  }
0x57: {  	_ =	shalt  }
0x58: {  	_ =	shalt  }
0x59: {  	_ =	shalt  }
0x5a: {  	_ =	shalt  }
0x5b: {  	_ =	shalt  }
0x5c: {  	_ =	shalt  }
0x5d: {  	_ =	shalt  }
0x5e: {  	_ =	shalt  }
0x5f: {  	_ =	shalt  }
0x60: {  	_ =	shalt  }
0x61: {  	_ =	shalt  }
0x62: {  	_ =	shalt  }
0x63: {  	_ =	shalt  }
0x64: {  	_ =	shalt  }
0x65: {  	_ =	shalt  }
0x66: {  	_ =	shalt  }
0x67: {  	_ =	shalt  }
0x68: {  	_ =	shalt  }
0x69: {  	_ =	shalt  }
0x6a: {  	_ =	shalt  }
0x6b: {  	_ =	shalt  }
0x6c: {  	_ =	shalt  }
0x6d: {  	_ =	shalt  }
0x6e: {  	_ =	shalt  }
0x6f: {  	_ =	shalt  }
0x70: {  	_ =	shalt  }
0x71: {  	_ =	shalt  }
0x72: {  	_ =	shalt  }
0x73: {  	_ =	shalt  }
0x74: {  	_ =	shalt  }
0x75: {  	_ =	shalt  }
0x76: {  	_ =	shalt  }
0x77: {  	_ =	shalt  }
0x78: {  	_ =	shalt  }
0x79: {  	_ =	shalt  }
0x7a: {  	_ =	shalt  }
0x7b: {  	_ =	shalt  }
0x7c: {  	_ =	shalt  }
0x7d: {  	_ =	shalt  }
0x7e: {  	_ =	shalt  }
0x7f: {  	_ =	shalt  }
0x80: {  	_ =	shalt  }
0x81: {  	_ =	shalt  }
0x82: {  	_ =	shalt  }
0x83: {  	_ =	shalt  }
0x84: {  	_ =	shalt  }
0x85: {  	_ =	shalt  }
0x86: {  	_ =	shalt  }
0x87: {  	_ =	shalt  }
.Lfunc_end0:
.L_simem_size_0:
called_computation.3_lowered:
.L_overlay_start_0:
0x88: {  	s2 =	sld [smem:$0x3FD9]  }
0x89: {  	s3 =	sld [smem:$0x3FFE];
	_ =	sdelay $0x1  }
0x8a: {  	s1 =	srdreg.scid  }
0x8b: {  	s0 =	sand.u32 $0x1, s1  }
0x8c: {  	s15 =	sshll.u32 s0, $0xA;
	s2 =	sadd.s32 s3, s2  }
0x8d: {  	s2 =	sadd.s32 s2, s15  }
0x8e: {  	[smem:$0x3FB7] =	sst s2  }
0x8f: {  	_ = 	snop  }
0x90: {  	s2 =	sld [smem:$0x3FD0];
	_ =	sdelay $0x2  }
0x91: {  	s16 =	simm.s32 $0xD;
	s4 =	simm.s32 $0x10  }
0x92: {  	[smem:s4], [sflag:s16] =	dma.local [hbm:s2], $0x1  }
0x93: {  	_ =	swait.eq [sflag:s16], $0x1  }
0x94: {  	[sflag:s16] =	ssyncset.done $0x0  }
0x95: {  	[sflag:s16] =	ssyncadd.s32 $0xFFFFFFFF  }
0x96: {  	s17 =	sld [smem:$0x11];
	(tm) =	ssettm $0x1  }
0x97: {  	s18 =	sld [smem:$0x3FFB];
	_ =	sdelay $0x3  }
0x98: {  	_ =	strace s18  }
0x99: {  	s2 =	sld [smem:$0x3FFC];
	_ =	sdelay $0x3  }
0x9a: {  	_ =	strace s2  }
0x9b: {  	s2 =	sld [smem:$0x3FFD];
	_ =	sdelay $0x3  }
0x9c: {  	_ =	strace s2  }
0x9d: {  	_ =	strace $0x8FFFFFFF  }
0x9e: {  	s19 =	sld [smem:$0x3FDB];
	_ =	sdelay $0x1  }
0x9f: {  	s20 =	simm.s32 $_scs_section_size  }
0xa0: {  	s5 =	simm.s32 $_size__tile_overlayer_lowered;
	s6 =	simm.s32 $_tile_overlayer_lowered  }
0xa1: {  	s7 =	simm.s32 $0x1BFF;
	s21 =	sshll.u32 s6, $0x1;
	s4 =	sadd.s32 s20, s19  }
0xa2: {  	s22 =	simm.s32 $0x0;
	s5 =	sshll.u32 s5, $0x1;
	s6 =	sadd.s32 s21, s4  }
0xa3: {  	[timem:s22], [sflag:s7] =	dma.local [hbm:s6], s5  }
0xa4: {  	_ =	swait.ge [sflag:s7], s5  }
0xa5: {  	s5 =	ssub.s32 $0x0, s5;
	[sflag:s7] =	ssyncset.done $0x0  }
0xa6: {  	[sflag:s7] =	ssyncadd.s32 s5;
	_ =	sdelay $0x1  }
0xa7: {  	s23 =	simm.s32 $0x1B8B  }
0xa8: {  	_ =	swait.ge [sflag:s23], $0x1  }
0xa9: {  	[sflag:s23] =	ssyncset.done $0x0  }
0xaa: {  	[sflag:s23] =	ssyncadd.s32 $0xFFFFFFFF  }
0xab: {  	s5 =	sld [smem:$0x0]  }
0xac: {  	s6 =	sand.u32 $0xFFFFFFFE, s1  }
0xad: {  	p0 =	sne.s32 s1, s6  }
0xae: {  	s6 =	sshll.u32 @p0 s6, $0xE  }
0xaf: {  	s6 =	sadd.s32 @p0 $0x11B8D, s6;
	s7 =	sshll.u32 @p0 s5, $0x11  }
0xb0: {  	s6 =	sor.u32 @p0 s7, s6  }
0xb1: {  	[sflag:s6] =	ssyncadd.remote.s32 @p0 $0x1;
	_ =	sdelay $0x1  }
0xb2: {  	s6 =	simm.s32 @p0 $0x1B8D  }
0xb3: {  	_ =	swait.eq @p0 [sflag:s6], $0x1  }
0xb4: {  	[sflag:s6] =	ssyncadd.s32 @p0 $0xFFFFFFFF  }
0xb5: {  	s7 =	sshll.u32 @!p0 s1, $0xE  }
0xb6: {  	s7 =	sor.u32 @!p0 $0x4000, s7;
	s6 =	simm.s32 @!p0 $0x1B8D  }
0xb7: {  	s5 =	sshll.u32 @!p0 s5, $0x11;
	s7 =	sadd.s32 @!p0 $0x11B8D, s7;
	_ =	swait.eq @!p0 [sflag:s6], $0x1  }
0xb8: {  	s5 =	sor.u32 @!p0 s5, s7;
	[sflag:s6] =	ssyncadd.s32 @!p0 $0xFFFFFFFF  }
0xb9: {  	s25 =	simm.s32 $0x1B8E;
	s24 =	sld [smem:$0x3FFE];
	[sflag:s5] =	ssyncadd.remote.s32 @!p0 $0x1  }
0xba: {  	s26 =	simm.s32 $execute0_lowered;
	[smem:$0x3FD2] =	sst s25  }
0xbb: {  	s6 =	sshll.u32 s26, $0x1;
	_ =	strace $0x8000004F;
	[dreg:$0x1] =	wrdreg $0xFFFFFFFF  }
0xbc: {  	s28 =	simm.s32 $_size_execute0_lowered;
	s4 =	sadd.s32 s4, s6;
	[dreg:$0x0] =	wrdreg $0x0  }
0xbd: {  	s6 =	sshll.u32 s28, $0x1;
	[dreg:$0x2] =	wrdreg s4  }
0xbe: {  	[dreg:$0x3] =	wrdreg s6  }
0xbf: {  	[dreg:$0x4] =	wrdreg $0xC0  }
0xc0: {  	_ =	task [dreg:s22], $0x5FFFF  }
0xc1: {  	[dreg:$0x1] =	wrdreg $0xFFFFFFFF  }
0xc2: {  	[dreg:$0x0] =	wrdreg $0x60  }
0xc3: {  	[dreg:$0x2] =	wrdreg s24  }
0xc4: {  	[dreg:$0x3] =	wrdreg s17  }
0xc5: {  	[dreg:$0x4] =	wrdreg $0xC  }
0xc6: {  	_ =	task.clear_ibuf [dreg:s22], $0x5FFFF;
	_ =	strace $0x9000004F  }
0xc7: {  	s29 =	simm.s32 $0xC;
	_ =	strace $0x80000051  }
0xc8: {  	_ =	swait.ge [sflag:s29], $0x1  }
0xc9: {  	[sflag:s29] =	ssyncadd.s32 $0xFFFFFFFF  }
0xca: {  	_ =	strace $0x90000051  }
0xcb: {  	_ =	sfence  }
0xcc: {  	s30 =	sld [smem:$0x0];
	_ =	sdelay $0x2  }
0xcd: {  	s31 =	sshll.u32 s1, $0xD;
	s1 =	sshrl.u32 s1, $0x2  }
0xce: {  	s4 =	sand.u32 $0x4000, s31;
	s1 =	sadd.s32 s1, s30  }
0xcf: {  	s0 =	sor.u32 s4, s0;
	s1 =	sshll.u32 s1, $0x11  }
0xd0: {  	s0 =	sor.u32 s1, s0  }
0xd1: {  	s0 =	sadd.s32 $0x8F2B, s0  }
0xd2: {  	[sflag:s0] =	ssyncadd.remote.s32 $0x1  }
0xd3: {  	_ =	sfence.sel $0xFFFF  }
0xd4: {  	[dreg:$0x0] =	wrdreg $0xFFFFFFFF;
	(pc) =	sbr.abs _section_cstart, $3  }
0xd5: {  	[dreg:$0x1] =	wrdreg $0xFFFFFFFF  }
0xd6: {  	_ =	task.clear_ibuf [dreg:s22], $0x2FFFF;
	_ =	strace $0x9FFFFFFF  }
0xd7: {  	(tm) =	ssettm $0x7FFFFFFF  }
tec
execute0_lowered:
.L_overlay_start_1:
0x0: {  	(tag) =	ssettag $0x1  }
0x1: {  	s1 =	srdreg.scid  }
0x2: {  	s11 =	rddreg [dreg:$0x0];
	s0 =	stileid.u32;
	s25 =	sand.u32 $0x1, s1  }
0x3: {  	s23 =	rddreg [dreg:$0x1];
	s3 =	sshll.u32 s0, $0xB;
	s4 =	sshll.u32 s25, $0xA  }
0x4: {  	s2 =	simm.s32 $0x0;
	s1 =	rddreg [dreg:$0x2];
	s24 =	sor.u32 s4, s3  }
0x5: {  	[smem:$0x7FF] =	sst s2;
	s3 =	sshrl.u32 s24, $0x3  }
0x6: {  	_ =	strace $0x80000050;
	s4 =	sadd.s32 s23, s3;
	s3 =	simm.s32 $0x3  }
0x7: {  	[tilespmem:s2], [sflag:$0x3] =	stream.linear.gather [hbm4b:s4+s2], $0x80, $0x38;
	[tilespmem:$0x8100] =	vst v63  }
0x8: {  	s6 =	simm.s32 $0x80;
	_ =	swait.ge [sflag:s3], $0x80  }
0x9: {  	s7 =	simm.s32 $0x100;
	s14 =	sor.u32 $0x80, s24;
	[sflag:s3] =	ssyncset.done $0x0  }
0xa: {  	s5 =	sadd.s32 $0x34600, s11;
	s8 =	sshrl.u32 s14, $0x3;
	[sflag:s3] =	ssyncadd.s32 $0xFFFFFF80  }
0xb: {  	[tilespmem:s7], [sflag:$0x1] =	stream.indirect.gather [hbm4b:s5+s6], $0x80, s2, s6, $0xb8;
	[tilespmem:$0x8100] =	vst v63  }
0xc: {  	s8 =	sadd.s32 s23, s8  }
0xd: {  	[tilespmem:s6], [sflag:$0x3] =	stream.linear.gather [hbm4b:s8+s2], $0x80, $0x38;
	[tilespmem:$0x8100] =	vst v63  }
0xe: {  	_ =	swait.ge [sflag:s3], $0x80  }
0xf: {  	[sflag:s3] =	ssyncset.done $0x0  }
0x10: {  	s9 =	simm.s32 $0x4100;
	s10 =	simm.s32 $0x1;
	[sflag:s3] =	ssyncadd.s32 $0xFFFFFF80  }
0x11: {  	[tilespmem:s9], [sflag:$0x2] =	stream.indirect.gather [hbm4b:s5+s6], $0x80, s6, s6, $0xb8;
	[tilespmem:$0x8100] =	vst v63  }
0x12: {  	_ =	swait.ge [sflag:s10], $0x4000  }
0x13: {  	s26 =	sadd.s32 $0x1BF600, s11;
	s29 =	sshll.u32 s24, $0x4;
	[sflag:s10] =	ssyncset.done $0x0  }
0x14: {  	s11 =	sadd.s32 s26, s29;
	[sflag:s10] =	ssyncadd.s32 $0xFFFFC000  }
0x15: {  	[hbm4b:s11+s2] =	stream.linear.scatter [tilespmem:s7], [sflag:$0x3], $0x4000, $0x38;
	[tilespmem:$0x8100] =	vst v63  }
0x16: {  	_ =	swait.ge [sflag:s3], $0x4000  }
0x17: {  	[sflag:s3] =	ssyncset.done $0x0  }
0x18: {  	s12 =	sadd.s32 $0x20, s4;
	[sflag:s3] =	ssyncadd.s32 $0xFFFFC000  }
0x19: {  	[tilespmem:s2], [sflag:$0x3] =	stream.linear.gather [hbm4b:s12+s2], $0x80, $0x38;
	[tilespmem:$0x8100] =	vst v63  }
0x1a: {  	_ =	swait.ge [sflag:s3], $0x80  }
0x1b: {  	[sflag:s3] =	ssyncset.done $0x0  }
0x1c: {  	s13 =	simm.s32 $0x2;
	[sflag:s3] =	ssyncadd.s32 $0xFFFFFF80  }
0x1d: {  	[tilespmem:s7], [sflag:$0x1] =	stream.indirect.gather [hbm4b:s5+s6], $0x80, s2, s6, $0xb8;
	[tilespmem:$0x8100] =	vst v63  }
0x1e: {  	_ =	swait.ge [sflag:s13], $0x4000  }
0x1f: {  	s14 =	sshll.u32 s14, $0x4;
	[sflag:s13] =	ssyncset.done $0x0  }
0x20: {  	s14 =	sadd.s32 s26, s14;
	[sflag:s13] =	ssyncadd.s32 $0xFFFFC000  }
0x21: {  	[hbm4b:s14+s2] =	stream.linear.scatter [tilespmem:s9], [sflag:$0x3], $0x4000, $0x38;
	[tilespmem:$0x8100] =	vst v63  }
0x22: {  	s18 =	sor.u32 $0x180, s24;
	_ =	swait.ge [sflag:s3], $0x4000  }
0x23: {  	s15 =	sshrl.u32 s18, $0x3;
	[sflag:s3] =	ssyncset.done $0x0  }
0x24: {  	s15 =	sadd.s32 s23, s15;
	[sflag:s3] =	ssyncadd.s32 $0xFFFFC000  }
0x25: {  	[tilespmem:s6], [sflag:$0x3] =	stream.linear.gather [hbm4b:s15+s2], $0x80, $0x38;
	[tilespmem:$0x8100] =	vst v63  }
0x26: {  	_ =	swait.ge [sflag:s3], $0x80  }
0x27: {  	[sflag:s3] =	ssyncset.done $0x0  }
0x28: {  	[sflag:s3] =	ssyncadd.s32 $0xFFFFFF80  }
0x29: {  	[tilespmem:s9], [sflag:$0x2] =	stream.indirect.gather [hbm4b:s5+s6], $0x80, s6, s6, $0xb8;
	[tilespmem:$0x8100] =	vst v63  }
0x2a: {  	_ =	swait.ge [sflag:s10], $0x4000  }
0x2b: {  	[sflag:s10] =	ssyncset.done $0x0  }
0x2c: {  	s16 =	sadd.s32 $0x1000, s11;
	[sflag:s10] =	ssyncadd.s32 $0xFFFFC000  }
0x2d: {  	[hbm4b:s16+s2] =	stream.linear.scatter [tilespmem:s7], [sflag:$0x3], $0x4000, $0x38;
	[tilespmem:$0x8100] =	vst v63  }
0x2e: {  	_ =	swait.ge [sflag:s3], $0x4000  }
0x2f: {  	[sflag:s3] =	ssyncset.done $0x0  }
0x30: {  	s17 =	sadd.s32 $0x40, s4;
	[sflag:s3] =	ssyncadd.s32 $0xFFFFC000  }
0x31: {  	[tilespmem:s2], [sflag:$0x3] =	stream.linear.gather [hbm4b:s17+s2], $0x80, $0x38;
	[tilespmem:$0x8100] =	vst v63  }
0x32: {  	_ =	swait.ge [sflag:s3], $0x80  }
0x33: {  	[sflag:s3] =	ssyncset.done $0x0  }
0x34: {  	[sflag:s3] =	ssyncadd.s32 $0xFFFFFF80  }
0x35: {  	[tilespmem:s7], [sflag:$0x1] =	stream.indirect.gather [hbm4b:s5+s6], $0x80, s2, s6, $0xb8;
	[tilespmem:$0x8100] =	vst v63  }
0x36: {  	_ =	swait.ge [sflag:s13], $0x4000  }
0x37: {  	s18 =	sshll.u32 s18, $0x4;
	[sflag:s13] =	ssyncset.done $0x0  }
0x38: {  	s18 =	sadd.s32 s26, s18;
	[sflag:s13] =	ssyncadd.s32 $0xFFFFC000  }
0x39: {  	[hbm4b:s18+s2] =	stream.linear.scatter [tilespmem:s9], [sflag:$0x3], $0x4000, $0x38;
	[tilespmem:$0x8100] =	vst v63  }
0x3a: {  	s22 =	sor.u32 $0x280, s24;
	_ =	swait.ge [sflag:s3], $0x4000  }
0x3b: {  	s19 =	sshrl.u32 s22, $0x3;
	[sflag:s3] =	ssyncset.done $0x0  }
0x3c: {  	s19 =	sadd.s32 s23, s19;
	[sflag:s3] =	ssyncadd.s32 $0xFFFFC000  }
0x3d: {  	[tilespmem:s6], [sflag:$0x3] =	stream.linear.gather [hbm4b:s19+s2], $0x80, $0x38;
	[tilespmem:$0x8100] =	vst v63  }
0x3e: {  	_ =	swait.ge [sflag:s3], $0x80  }
0x3f: {  	[sflag:s3] =	ssyncset.done $0x0  }
0x40: {  	[sflag:s3] =	ssyncadd.s32 $0xFFFFFF80  }
0x41: {  	[tilespmem:s9], [sflag:$0x2] =	stream.indirect.gather [hbm4b:s5+s6], $0x80, s6, s6, $0xb8;
	[tilespmem:$0x8100] =	vst v63  }
0x42: {  	_ =	swait.ge [sflag:s10], $0x4000  }
0x43: {  	[sflag:s10] =	ssyncset.done $0x0  }
0x44: {  	s20 =	sadd.s32 $0x2000, s11;
	[sflag:s10] =	ssyncadd.s32 $0xFFFFC000  }
0x45: {  	[hbm4b:s20+s2] =	stream.linear.scatter [tilespmem:s7], [sflag:$0x3], $0x4000, $0x38;
	[tilespmem:$0x8100] =	vst v63  }
0x46: {  	_ =	swait.ge [sflag:s3], $0x4000  }
0x47: {  	[sflag:s3] =	ssyncset.done $0x0  }
0x48: {  	s21 =	sadd.s32 $0x60, s4;
	[sflag:s3] =	ssyncadd.s32 $0xFFFFC000  }
0x49: {  	[tilespmem:s2], [sflag:$0x3] =	stream.linear.gather [hbm4b:s21+s2], $0x80, $0x38;
	[tilespmem:$0x8100] =	vst v63  }
0x4a: {  	_ =	swait.ge [sflag:s3], $0x80  }
0x4b: {  	[sflag:s3] =	ssyncset.done $0x0  }
0x4c: {  	[sflag:s3] =	ssyncadd.s32 $0xFFFFFF80  }
0x4d: {  	[tilespmem:s7], [sflag:$0x1] =	stream.indirect.gather [hbm4b:s5+s6], $0x80, s2, s6, $0xb8;
	[tilespmem:$0x8100] =	vst v63  }
0x4e: {  	_ =	swait.ge [sflag:s13], $0x4000  }
0x4f: {  	s22 =	sshll.u32 s22, $0x4;
	[sflag:s13] =	ssyncset.done $0x0  }
0x50: {  	s22 =	sadd.s32 s26, s22;
	[sflag:s13] =	ssyncadd.s32 $0xFFFFC000  }
0x51: {  	[hbm4b:s22+s2] =	stream.linear.scatter [tilespmem:s9], [sflag:$0x3], $0x4000, $0x38;
	[tilespmem:$0x8100] =	vst v63  }
0x52: {  	s28 =	sor.u32 $0x380, s24;
	_ =	swait.ge [sflag:s3], $0x4000  }
0x53: {  	s24 =	sshrl.u32 s28, $0x3;
	[sflag:s3] =	ssyncset.done $0x0  }
0x54: {  	s23 =	sadd.s32 s23, s24;
	[sflag:s3] =	ssyncadd.s32 $0xFFFFC000  }
0x55: {  	[tilespmem:s6], [sflag:$0x3] =	stream.linear.gather [hbm4b:s23+s2], $0x80, $0x38;
	[tilespmem:$0x8100] =	vst v63  }
0x56: {  	_ =	swait.ge [sflag:s3], $0x80  }
0x57: {  	[sflag:s3] =	ssyncset.done $0x0  }
0x58: {  	[sflag:s3] =	ssyncadd.s32 $0xFFFFFF80  }
0x59: {  	[tilespmem:s9], [sflag:$0x2] =	stream.indirect.gather [hbm4b:s5+s6], $0x80, s6, s6, $0xb8;
	[tilespmem:$0x8100] =	vst v63  }
0x5a: {  	_ =	swait.ge [sflag:s10], $0x4000  }
0x5b: {  	[sflag:s10] =	ssyncset.done $0x0  }
0x5c: {  	s25 =	ssub.s32 $0x2, s25;
	s24 =	sadd.s32 $0x3000, s11;
	[sflag:s10] =	ssyncadd.s32 $0xFFFFC000  }
0x5d: {  	[hbm4b:s24+s2] =	stream.linear.scatter [tilespmem:s7], [sflag:$0x3], $0x4000, $0x38;
	[tilespmem:$0x8100] =	vst v63  }
0x5e: {  	s29 =	sshrl.u32 s25, $0x1;
	_ =	swait.ge [sflag:s3], $0x4000  }
0x5f: {  	s29 =	ssub.s32 s25, s29;
	[sflag:s3] =	ssyncset.done $0x0  }
0x60: {  	s31 =	smax.u32 s29, $0x1;
	[sflag:s3] =	ssyncadd.s32 $0xFFFFC000  }
0x61: {  	p0 =	sne.s32 s31, $0x1;
	_ =	swait.ge [sflag:s13], $0x4000  }
.Ltmp0:
0x62: {  	s30 =	sshll.u32 s28, $0x4;
	[sflag:s13] =	ssyncset.done $0x0;
	(pc) =	sbr.rel @!p0 .LBB2_2-.Ltmp0, $4  }
0x63: {  	s25 =	sadd.s32 s26, s30;
	[sflag:s13] =	ssyncadd.s32 $0xFFFFC000  }
0x64: {  	[hbm4b:s25+s2] =	stream.linear.scatter [tilespmem:s9], [sflag:$0x3], $0x4000, $0x38;
	[tilespmem:$0x8100] =	vst v63  }
0x65: {  	_ =	swait.ge [sflag:s3], $0x4000  }
0x66: {  	s26 =	sadd.s32 $0xFFFFFFFF, s31;
	[sflag:s3] =	ssyncset.done $0x0  }
.LBB2_1:
0x67: {  	p0 =	sne.s32 s26, $0x1;
	s26 =	sadd.s32 $0xFFFFFFFF, s26;
	[sflag:s3] =	ssyncadd.s32 $0xFFFFC000  }
0x68: {  	[tilespmem:s2], [sflag:$0x3] =	stream.linear.gather [hbm4b:s4+s2], $0x80, $0x38;
	[tilespmem:$0x8100] =	vst v63  }
0x69: {  	_ =	swait.ge [sflag:s3], $0x80  }
0x6a: {  	[sflag:s3] =	ssyncset.done $0x0  }
0x6b: {  	[sflag:s3] =	ssyncadd.s32 $0xFFFFFF80  }
0x6c: {  	[tilespmem:s7], [sflag:$0x1] =	stream.indirect.gather [hbm4b:s5+s6], $0x80, s2, s6, $0xb8;
	[tilespmem:$0x8100] =	vst v63  }
0x6d: {  	_ = 	snop  }
0x6e: {  	[tilespmem:s6], [sflag:$0x3] =	stream.linear.gather [hbm4b:s8+s2], $0x80, $0x38;
	[tilespmem:$0x8100] =	vst v63  }
0x6f: {  	_ =	swait.ge [sflag:s3], $0x80  }
0x70: {  	[sflag:s3] =	ssyncset.done $0x0  }
0x71: {  	[sflag:s3] =	ssyncadd.s32 $0xFFFFFF80  }
0x72: {  	[tilespmem:s9], [sflag:$0x2] =	stream.indirect.gather [hbm4b:s5+s6], $0x80, s6, s6, $0xb8;
	[tilespmem:$0x8100] =	vst v63  }
0x73: {  	_ =	swait.ge [sflag:s10], $0x4000  }
0x74: {  	[sflag:s10] =	ssyncset.done $0x0  }
0x75: {  	[sflag:s10] =	ssyncadd.s32 $0xFFFFC000  }
0x76: {  	[hbm4b:s11+s2] =	stream.linear.scatter [tilespmem:s7], [sflag:$0x3], $0x4000, $0x38;
	[tilespmem:$0x8100] =	vst v63  }
0x77: {  	_ =	swait.ge [sflag:s3], $0x4000  }
0x78: {  	[sflag:s3] =	ssyncset.done $0x0  }
0x79: {  	[sflag:s3] =	ssyncadd.s32 $0xFFFFC000  }
0x7a: {  	[tilespmem:s2], [sflag:$0x3] =	stream.linear.gather [hbm4b:s12+s2], $0x80, $0x38;
	[tilespmem:$0x8100] =	vst v63  }
0x7b: {  	_ =	swait.ge [sflag:s3], $0x80  }
0x7c: {  	[sflag:s3] =	ssyncset.done $0x0  }
0x7d: {  	[sflag:s3] =	ssyncadd.s32 $0xFFFFFF80  }
0x7e: {  	[tilespmem:s7], [sflag:$0x1] =	stream.indirect.gather [hbm4b:s5+s6], $0x80, s2, s6, $0xb8;
	[tilespmem:$0x8100] =	vst v63  }
0x7f: {  	_ =	swait.ge [sflag:s13], $0x4000  }
0x80: {  	[sflag:s13] =	ssyncset.done $0x0  }
0x81: {  	[sflag:s13] =	ssyncadd.s32 $0xFFFFC000  }
0x82: {  	[hbm4b:s14+s2] =	stream.linear.scatter [tilespmem:s9], [sflag:$0x3], $0x4000, $0x38;
	[tilespmem:$0x8100] =	vst v63  }
0x83: {  	_ =	swait.ge [sflag:s3], $0x4000  }
0x84: {  	[sflag:s3] =	ssyncset.done $0x0  }
0x85: {  	[sflag:s3] =	ssyncadd.s32 $0xFFFFC000  }
0x86: {  	[tilespmem:s6], [sflag:$0x3] =	stream.linear.gather [hbm4b:s15+s2], $0x80, $0x38;
	[tilespmem:$0x8100] =	vst v63  }
0x87: {  	_ =	swait.ge [sflag:s3], $0x80  }
0x88: {  	[sflag:s3] =	ssyncset.done $0x0  }
0x89: {  	[sflag:s3] =	ssyncadd.s32 $0xFFFFFF80  }
0x8a: {  	[tilespmem:s9], [sflag:$0x2] =	stream.indirect.gather [hbm4b:s5+s6], $0x80, s6, s6, $0xb8;
	[tilespmem:$0x8100] =	vst v63  }
0x8b: {  	_ =	swait.ge [sflag:s10], $0x4000  }
0x8c: {  	[sflag:s10] =	ssyncset.done $0x0  }
0x8d: {  	[sflag:s10] =	ssyncadd.s32 $0xFFFFC000  }
0x8e: {  	[hbm4b:s16+s2] =	stream.linear.scatter [tilespmem:s7], [sflag:$0x3], $0x4000, $0x38;
	[tilespmem:$0x8100] =	vst v63  }
0x8f: {  	_ =	swait.ge [sflag:s3], $0x4000  }
0x90: {  	[sflag:s3] =	ssyncset.done $0x0  }
0x91: {  	[sflag:s3] =	ssyncadd.s32 $0xFFFFC000  }
0x92: {  	[tilespmem:s2], [sflag:$0x3] =	stream.linear.gather [hbm4b:s17+s2], $0x80, $0x38;
	[tilespmem:$0x8100] =	vst v63  }
0x93: {  	_ =	swait.ge [sflag:s3], $0x80  }
0x94: {  	[sflag:s3] =	ssyncset.done $0x0  }
0x95: {  	[sflag:s3] =	ssyncadd.s32 $0xFFFFFF80  }
0x96: {  	[tilespmem:s7], [sflag:$0x1] =	stream.indirect.gather [hbm4b:s5+s6], $0x80, s2, s6, $0xb8;
	[tilespmem:$0x8100] =	vst v63  }
0x97: {  	_ =	swait.ge [sflag:s13], $0x4000  }
0x98: {  	[sflag:s13] =	ssyncset.done $0x0  }
0x99: {  	[sflag:s13] =	ssyncadd.s32 $0xFFFFC000  }
0x9a: {  	[hbm4b:s18+s2] =	stream.linear.scatter [tilespmem:s9], [sflag:$0x3], $0x4000, $0x38;
	[tilespmem:$0x8100] =	vst v63  }
0x9b: {  	_ =	swait.ge [sflag:s3], $0x4000  }
0x9c: {  	[sflag:s3] =	ssyncset.done $0x0  }
0x9d: {  	[sflag:s3] =	ssyncadd.s32 $0xFFFFC000  }
0x9e: {  	[tilespmem:s6], [sflag:$0x3] =	stream.linear.gather [hbm4b:s19+s2], $0x80, $0x38;
	[tilespmem:$0x8100] =	vst v63  }
0x9f: {  	_ =	swait.ge [sflag:s3], $0x80  }
0xa0: {  	[sflag:s3] =	ssyncset.done $0x0  }
0xa1: {  	[sflag:s3] =	ssyncadd.s32 $0xFFFFFF80  }
0xa2: {  	[tilespmem:s9], [sflag:$0x2] =	stream.indirect.gather [hbm4b:s5+s6], $0x80, s6, s6, $0xb8;
	[tilespmem:$0x8100] =	vst v63  }
0xa3: {  	_ =	swait.ge [sflag:s10], $0x4000  }
0xa4: {  	[sflag:s10] =	ssyncset.done $0x0  }
0xa5: {  	[sflag:s10] =	ssyncadd.s32 $0xFFFFC000  }
0xa6: {  	[hbm4b:s20+s2] =	stream.linear.scatter [tilespmem:s7], [sflag:$0x3], $0x4000, $0x38;
	[tilespmem:$0x8100] =	vst v63  }
0xa7: {  	_ =	swait.ge [sflag:s3], $0x4000  }
0xa8: {  	[sflag:s3] =	ssyncset.done $0x0  }
0xa9: {  	[sflag:s3] =	ssyncadd.s32 $0xFFFFC000  }
0xaa: {  	[tilespmem:s2], [sflag:$0x3] =	stream.linear.gather [hbm4b:s21+s2], $0x80, $0x38;
	[tilespmem:$0x8100] =	vst v63  }
0xab: {  	_ =	swait.ge [sflag:s3], $0x80  }
0xac: {  	[sflag:s3] =	ssyncset.done $0x0  }
0xad: {  	[sflag:s3] =	ssyncadd.s32 $0xFFFFFF80  }
0xae: {  	[tilespmem:s7], [sflag:$0x1] =	stream.indirect.gather [hbm4b:s5+s6], $0x80, s2, s6, $0xb8;
	[tilespmem:$0x8100] =	vst v63  }
0xaf: {  	_ =	swait.ge [sflag:s13], $0x4000  }
0xb0: {  	[sflag:s13] =	ssyncset.done $0x0  }
0xb1: {  	[sflag:s13] =	ssyncadd.s32 $0xFFFFC000  }
0xb2: {  	[hbm4b:s22+s2] =	stream.linear.scatter [tilespmem:s9], [sflag:$0x3], $0x4000, $0x38;
	[tilespmem:$0x8100] =	vst v63  }
0xb3: {  	_ =	swait.ge [sflag:s3], $0x4000  }
0xb4: {  	[sflag:s3] =	ssyncset.done $0x0  }
0xb5: {  	[sflag:s3] =	ssyncadd.s32 $0xFFFFC000  }
0xb6: {  	[tilespmem:s6], [sflag:$0x3] =	stream.linear.gather [hbm4b:s23+s2], $0x80, $0x38;
	[tilespmem:$0x8100] =	vst v63  }
0xb7: {  	_ =	swait.ge [sflag:s3], $0x80  }
0xb8: {  	[sflag:s3] =	ssyncset.done $0x0  }
0xb9: {  	[sflag:s3] =	ssyncadd.s32 $0xFFFFFF80  }
0xba: {  	[tilespmem:s9], [sflag:$0x2] =	stream.indirect.gather [hbm4b:s5+s6], $0x80, s6, s6, $0xb8;
	[tilespmem:$0x8100] =	vst v63  }
0xbb: {  	_ =	swait.ge [sflag:s10], $0x4000  }
0xbc: {  	[sflag:s10] =	ssyncset.done $0x0  }
0xbd: {  	[sflag:s10] =	ssyncadd.s32 $0xFFFFC000  }
0xbe: {  	[hbm4b:s24+s2] =	stream.linear.scatter [tilespmem:s7], [sflag:$0x3], $0x4000, $0x38;
	[tilespmem:$0x8100] =	vst v63  }
0xbf: {  	_ =	swait.ge [sflag:s3], $0x4000  }
0xc0: {  	[sflag:s3] =	ssyncset.done $0x0  }
0xc1: {  	[sflag:s3] =	ssyncadd.s32 $0xFFFFC000  }
0xc2: {  	_ =	swait.ge [sflag:s13], $0x4000  }
.Ltmp1:
0xc3: {  	[sflag:s13] =	ssyncset.done $0x0;
	(pc) =	sbr.rel @p0 .LBB2_1-.Ltmp1, $4  }
0xc4: {  	[sflag:s13] =	ssyncadd.s32 $0xFFFFC000  }
0xc5: {  	[hbm4b:s25+s2] =	stream.linear.scatter [tilespmem:s9], [sflag:$0x3], $0x4000, $0x38;
	[tilespmem:$0x8100] =	vst v63  }
0xc6: {  	_ =	swait.ge [sflag:s3], $0x4000  }
0xc7: {  	[sflag:s3] =	ssyncset.done $0x0  }
.LBB2_2:
0xc8: {  	[sflag:s3] =	ssyncadd.s32 $0xFFFFC000  }
0xc9: {  	_ =	sfence.sel $0x180000  }
0xca: {  	[bflag:$0x0] =	sbarrier.arrive $0xFFFF  }
0xcb: {  	p0 =	sne.s32 s0, $0x0;
	_ =	strace $0x90000050  }
0xcc: {  	s0 =	sadd.s32 @!p0 $0x100000, s1;
	[bflag:$0x2] =	sbarrier.arrive $0xFFFF  }
0xcd: {  	[sflag:s0] =	ssyncadd.tile.s32 @!p0 $0x1;
	_ =	shalt  }
.Lfunc_end2:
_tile_overlayer_lowered:
.L_overlay_start_2:
0xce: {  	(tag) =	ssettag $0x2  }
0xcf: {  	s0 =	rddreg [dreg:$0x0];
	s2 =	stileid.u32  }
0xd0: {  	s1 =	rddreg [dreg:$0x1];
	p0 =	sne.s32 s2, $0x0  }
0xd1: {  	s3 =	rddreg [dreg:$0x2];
	[bflag:$0x3] =	sbarrier.arrive $0xFFFF;
	s2 =	simm.s32 @!p0 $0x1C03  }
0xd2: {  	[timem:s3], [sflag:s2] =	dma.local @!p0 [hbm:s0], s1  }
0xd3: {  	s0 =	simm.s32 @!p0 $0x3  }
0xd4: {  	_ =	swait.ge @!p0 [sflag:s0], s1  }
0xd5: {  	s1 =	ssub.s32 @!p0 $0x0, s1;
	[sflag:s0] =	ssyncset.done @!p0 $0x0  }
0xd6: {  	[sflag:s0] =	ssyncadd.s32 @!p0 s1  }
0xd7: {  	[bflag:$0x3] =	sbarrier.arrive $0xFFFF  }
0xd8: {  	_ =	shalt  }

</sc_bundles>
